<compile_context>
chip_gen: v7x
topology: tpu7x:2x2x1
jax: 0.10.2.dev20260603
libtpu: 0.0.44.dev20260713+nightly
codegen_flags: <defaults>
</compile_context>

<pallas_src>
import functools

import jax
import jax.numpy as jnp
from jax import lax
from jax.experimental import pallas as pl
from jax.experimental.pallas import tpu as pltpu
from jax.experimental.pallas import tpu_sc as plsc

N = 10000
E = 320000
D = 128
G = 64
C = 16

NC = 2
NS = 16
NW = NC * NS
CHUNK = 96
NQ = 21
NP = 5
NCHUNK = NP * NQ
EPT = NCHUNK * CHUNK
NACC = 10112
RPT = NACC // NS
TAIL = N - (NS - 1) * RPT

RB = 2000
NB = N // RB

_mesh = plsc.VectorSubcoreMesh(
    core_axis_name="c", subcore_axis_name="s", num_cores=NC, num_subcores=NS)


@functools.partial(
    pl.kernel,
    out_type=jax.ShapeDtypeStruct((NC, NACC, D), jnp.float32),
    mesh=_mesh,
    scratch_types=[
        pltpu.VMEM((2, NQ, CHUNK), jnp.int32),
        pltpu.VMEM((2, NQ, CHUNK), jnp.int32),
        pltpu.VMEM((3, CHUNK, D), jnp.float32),
        pltpu.VMEM_SHARED((NACC, D), jnp.float32),
        pltpu.SemaphoreType.DMA((3,)),
        pltpu.SemaphoreType.DMA((3,)),
        pltpu.SemaphoreType.DMA((2,)),
        pltpu.SemaphoreType.DMA,
    ],
)
def _spmm(y_hbm, src_hbm, dst_hbm, zeros_hbm, out_hbm,
          srcidx, dstidx, rows, acc, gsem, ssem, isem, vsem):
    cid = lax.axis_index("c")
    sid = lax.axis_index("s")
    wid = cid * NS + sid

    def start_g(j, b):
        q = (j // NQ) % 2
        r = j % NQ
        pltpu.async_copy(y_hbm.at[srcidx.at[q, r]], rows.at[b], gsem.at[b])

    def wait_g(j, b):
        q = (j // NQ) % 2
        r = j % NQ
        pltpu.make_async_copy(y_hbm.at[srcidx.at[q, r]], rows.at[b],
                              gsem.at[b]).wait()

    def start_s(j, b):
        q = (j // NQ) % 2
        r = j % NQ
        pltpu.async_copy(rows.at[b], acc.at[dstidx.at[q, r]], ssem.at[b],
                         add=True)

    def wait_s(j, b):
        q = (j // NQ) % 2
        r = j % NQ
        pltpu.make_async_copy(rows.at[b], acc.at[dstidx.at[q, r]],
                              ssem.at[b]).wait()

    def start_idx(h, slot):
        pltpu.async_copy(src_hbm.at[wid * NP + h], srcidx.at[slot],
                         isem.at[slot])
        pltpu.async_copy(dst_hbm.at[wid * NP + h], dstidx.at[slot],
                         isem.at[slot])

    def wait_idx(slot):
        pltpu.make_async_copy(src_hbm.at[wid * NP], srcidx.at[slot],
                              isem.at[slot]).wait()
        pltpu.make_async_copy(dst_hbm.at[wid * NP], dstidx.at[slot],
                              isem.at[slot]).wait()

    @pl.when(cid == 0)
    def _():
        @pl.when(sid < NS - 1)
        def _():
            pltpu.async_copy(y_hbm.at[pl.ds(sid * RPT, RPT)],
                             acc.at[pl.ds(sid * RPT, RPT)], vsem)

        @pl.when(sid == NS - 1)
        def _():
            pltpu.async_copy(y_hbm.at[pl.ds((NS - 1) * RPT, TAIL)],
                             acc.at[pl.ds((NS - 1) * RPT, TAIL)], vsem)
            pltpu.async_copy(zeros_hbm.at[pl.ds(0, NACC - N)],
                             acc.at[pl.ds(N, NACC - N)], vsem)

    @pl.when(cid == 1)
    def _():
        pltpu.async_copy(zeros_hbm, acc.at[pl.ds(sid * RPT, RPT)], vsem)

    pltpu.sync_copy(src_hbm.at[wid * NP], srcidx.at[0])
    pltpu.sync_copy(dst_hbm.at[wid * NP], dstidx.at[0])
    start_idx(1, 1)
    start_g(0, 0)
    start_g(1, 1)

    @pl.when(cid == 0)
    def _():
        @pl.when(sid < NS - 1)
        def _():
            pltpu.make_async_copy(y_hbm.at[pl.ds(sid * RPT, RPT)],
                                  acc.at[pl.ds(sid * RPT, RPT)], vsem).wait()

        @pl.when(sid == NS - 1)
        def _():
            pltpu.make_async_copy(y_hbm.at[pl.ds((NS - 1) * RPT, TAIL)],
                                  acc.at[pl.ds((NS - 1) * RPT, TAIL)],
                                  vsem).wait()
            pltpu.make_async_copy(zeros_hbm.at[pl.ds(0, NACC - N)],
                                  acc.at[pl.ds(N, NACC - N)], vsem).wait()

    @pl.when(cid == 1)
    def _():
        pltpu.make_async_copy(zeros_hbm, acc.at[pl.ds(sid * RPT, RPT)],
                              vsem).wait()

    plsc.subcore_barrier()
    wait_g(0, 0)
    start_s(0, 0)
    start_g(2, 2)

    def tri(t, carry):
        for k in range(3):
            j = 1 + 3 * t + k
            b = (1 + k) % 3
            wait_g(j, b)
            start_s(j, b)
            wait_s(j - 1, (b + 2) % 3)
            q = (j // NQ) % 2
            r = j % NQ

            @pl.when(jnp.logical_and(r == 0, j < (NP - 2) * NQ + 1))
            def _():
                start_idx(j // NQ + 1, (q + 1) % 2)

            @pl.when(r == NQ - 2)
            def _():
                wait_idx((q + 1) % 2)

            start_g(j + 2, (b + 2) % 3)
        return carry

    lax.fori_loop(0, (NCHUNK - 3) // 3, tri, 0)
    j = NCHUNK - 2
    wait_g(j, 1)
    start_s(j, 1)
    wait_s(j - 1, 0)
    wait_g(j + 1, 2)
    start_s(j + 1, 2)
    wait_s(j, 1)
    wait_s(j + 1, 2)

    plsc.subcore_barrier()
    pltpu.sync_copy(acc.at[pl.ds(sid * RPT, RPT)],
                    out_hbm.at[cid, pl.ds(sid * RPT, RPT)])


def _mid_body(a0_ref, a1_ref, b1_ref, w1_ref, w2_ref, o_ref):
    s = a0_ref[0] + a1_ref[0]
    z = jnp.maximum(
        jnp.dot(s, w1_ref[...], preferred_element_type=jnp.float32)
        + b1_ref[...], 0.0)
    o_ref[...] = jnp.dot(z, w2_ref[...], preferred_element_type=jnp.float32)


def _post_body(a0_ref, a1_ref, idx_ref, b2_ref, w3_ref, b3_ref,
               w4_ref, b4_ref, o_ref, pooled_ref):
    i = pl.program_id(0)
    x2 = a0_ref[0] + a1_ref[0] + b2_ref[...]
    ids = idx_ref[0]
    gid = lax.broadcasted_iota(jnp.int32, (G, RB), 0)
    onehot = (gid == ids).astype(jnp.float32)
    part = jnp.dot(onehot, x2, preferred_element_type=jnp.float32)

    @pl.when(i == 0)
    def _():
        pooled_ref[...] = jnp.zeros_like(pooled_ref)

    pooled_ref[...] += part

    @pl.when(i == NB - 1)
    def _():
        zg = jnp.maximum(
            jnp.dot(pooled_ref[...], w3_ref[...],
                    preferred_element_type=jnp.float32) + b3_ref[...], 0.0)
        o = jnp.dot(zg, w4_ref[...],
                    preferred_element_type=jnp.float32) + b4_ref[...]
        m = jnp.max(o, axis=1, keepdims=True)
        e = jnp.exp(o - m)
        lse = jnp.log(jnp.sum(e, axis=1, keepdims=True)) + m
        o_ref[...] = o - lse


_full = lambda shape: pl.BlockSpec(shape, lambda i: tuple(0 for _ in shape))

_acc0_spec = pl.BlockSpec((1, RB, D), lambda i: (0, i, 0))
_acc1_spec = pl.BlockSpec((1, RB, D), lambda i: (1, i, 0))

_mid = pl.pallas_call(
    _mid_body,
    grid=(NB,),
    in_specs=[
        _acc0_spec,
        _acc1_spec,
        _full((1, D)),
        _full((D, D)),
        _full((D, D)),
    ],
    out_specs=pl.BlockSpec((RB, D), lambda i: (i, 0)),
    out_shape=jax.ShapeDtypeStruct((N, D), jnp.float32),
)

_post = pl.pallas_call(
    _post_body,
    grid=(NB,),
    in_specs=[
        _acc0_spec,
        _acc1_spec,
        pl.BlockSpec((1, 1, RB), lambda i: (i, 0, 0)),
        _full((1, D)), _full((D, D)), _full((1, D)),
        _full((D, C)), _full((1, C)),
    ],
    out_specs=_full((G, C)),
    out_shape=jax.ShapeDtypeStruct((G, C), jnp.float32),
    scratch_shapes=[pltpu.VMEM((G, D), jnp.float32)],
)


def kernel(x_in, edge_index, idx, W1, b1, W2, b2, W3, b3, W4, b4):
    src = edge_index[0]
    dst = edge_index[1]
    padt = EPT - E // NW
    pad_src = jnp.broadcast_to(
        jnp.arange(padt, dtype=jnp.int32)[None], (NW, padt))
    pad_dst = jnp.broadcast_to(
        (N + jnp.arange(padt, dtype=jnp.int32) % (NACC - N))[None], (NW, padt))
    srcp = jnp.concatenate(
        [src.reshape(NW, E // NW), pad_src], axis=1).reshape(NW * NP, NQ, CHUNK)
    dstp = jnp.concatenate(
        [dst.reshape(NW, E // NW), pad_dst], axis=1).reshape(NW * NP, NQ, CHUNK)
    zeros = jnp.zeros((RPT, D), jnp.float32)
    idx3 = idx.reshape(NB, 1, RB)
    b1r = b1.reshape(1, D)
    b2r = b2.reshape(1, D)
    b3r = b3.reshape(1, D)
    b4r = b4.reshape(1, C)

    acc1 = _spmm(x_in, srcp, dstp, zeros)
    y2 = _mid(acc1, acc1, b1r, W1, W2)
    acc2 = _spmm(y2, srcp, dstp, zeros)
    return _post(acc2, acc2, idx3, b2r, W3, b3r, W4, b4r)

# --- scband reference (transcript-rebuilt; emitter-appended) ---
"""Pipeline reference for scband-gnn-38087769981372 (READ-ONLY COPY).

The authoritative reference and input builder live on the scoring server;
editing this copy changes nothing except your own understanding.
"""

import jax, jax.numpy as jnp
import numpy as np

N = 10000
E = 320000
D = 128
H1 = 128
H2 = 128
H3 = 128
C = 16
G = 64


def setup_inputs(seed: int = 0) -> dict:
    key = jax.random.key(seed)
    ks = jax.random.split(key, 12)
    x_in = jax.random.normal(ks[0], (N, D), dtype=jnp.float32)
    edge_index = jax.random.randint(ks[1], (2, E), 0, N, dtype=jnp.int32)
    idx = jnp.sort(jax.random.randint(ks[2], (N,), 0, G, dtype=jnp.int32))
    W1 = jax.random.normal(ks[3], (D, H1), dtype=jnp.float32) * (1.0 / np.sqrt(D))
    b1 = jnp.zeros((H1,), dtype=jnp.float32)
    W2 = jax.random.normal(ks[4], (H1, H2), dtype=jnp.float32) * (1.0 / np.sqrt(H1))
    b2 = jnp.zeros((H2,), dtype=jnp.float32)
    W3 = jax.random.normal(ks[5], (H2, H3), dtype=jnp.float32) * (1.0 / np.sqrt(H2))
    b3 = jnp.zeros((H3,), dtype=jnp.float32)
    W4 = jax.random.normal(ks[6], (H3, C), dtype=jnp.float32) * (1.0 / np.sqrt(H3))
    b4 = jnp.zeros((C,), dtype=jnp.float32)
    return {"x_in": x_in, "edge_index": edge_index, "idx": idx,
            "W1": W1, "b1": b1, "W2": W2, "b2": b2,
            "W3": W3, "b3": b3, "W4": W4, "b4": b4}


def reference(x_in, edge_index, idx, W1, b1, W2, b2, W3, b3, W4, b4):
    # adj is a binary sparse COO matrix given by edge_index (unit edge weights).
    # adj_tilde = adj + I ; torch.sparse.mm(adj_tilde, x) == segment_sum of gathered
    # neighbor features into dst rows, plus the self-loop contribution x.
    src = edge_index[0]
    dst = edge_index[1]

    def spmm_adj_tilde(x):
        msgs = x[src]
        agg = jax.ops.segment_sum(msgs, dst, num_segments=N)
        return agg + x

    z1 = jax.nn.relu(jnp.dot(spmm_adj_tilde(x_in), W1) + b1)
    x2 = jnp.dot(spmm_adj_tilde(z1), W2) + b2
    # graph-level pooling: scatter_add of node features by graph id
    pooled = jax.ops.segment_sum(x2, idx, num_segments=G)
    zg = jax.nn.relu(jnp.dot(pooled, W3) + b3)
    out = jnp.dot(zg, W4) + b4
    return jax.nn.log_softmax(out, axis=1)

if __name__ == "__main__":
    import jax
    _d = setup_inputs()
    print(jax.jit(kernel)(*tuple(_d.values())))

</pallas_src>

<mosaic_0001>
#map = affine_map<(d0, d1) -> (0, 0)>
#map1 = affine_map<(d0, d1) -> (0, 0, 0)>
module attributes {stable_mosaic.version = 14 : i64} {
  func.func @_spmm(%arg0: i32, %arg1: i32, %arg2: memref<10000x128xf32, #tpu.memory_space<hbm>>, %arg3: memref<160x21x96xi32, #tpu.memory_space<hbm>>, %arg4: memref<160x21x96xi32, #tpu.memory_space<hbm>>, %arg5: memref<632x128xf32, #tpu.memory_space<hbm>>, %arg6: memref<2x10112x128xf32, #tpu.memory_space<hbm>>, %arg7: memref<2x21x96xi32, #tpu.memory_space<vmem>>, %arg8: memref<2x21x96xi32, #tpu.memory_space<vmem>>, %arg9: memref<3x96x128xf32, #tpu.memory_space<vmem>>, %arg10: memref<10112x128xf32, #tpu.memory_space<vmem_shared>>, %arg11: memref<3x!tpu.dma_semaphore, #tpu.memory_space<semaphore_mem>>, %arg12: memref<3x!tpu.dma_semaphore, #tpu.memory_space<semaphore_mem>>, %arg13: memref<2x!tpu.dma_semaphore, #tpu.memory_space<semaphore_mem>>, %arg14: memref<!tpu.dma_semaphore, #tpu.memory_space<semaphore_mem>>) attributes {dimension_semantics = [#tpu.dimension_semantics<core_parallel>, #tpu.dimension_semantics<subcore_parallel>], iteration_bounds = array<i64: 2, 16>, scalar_prefetch = 0 : i64, scratch_operands = 8 : i64, tpu.core_type = #tpu.core_type<sc_vector_subcore>, window_params = [{transform_indices = #map}, {transform_indices = #map1}, {transform_indices = #map1}, {transform_indices = #map}, {transform_indices = #map1}]} {
    %mul3A = arith.constant 16 : i32
    %mul3A_0 = arith.muli %arg0, %mul3A : i32
    %add3A = arith.addi %mul3A_0, %arg1 : i32
    %eq3A = arith.constant 0 : i32
    %eq3A_1 = arith.cmpi eq, %arg0, %eq3A : i32
    %convert_element_type3A = arith.extui %eq3A_1 : i1 to i32
    %cond3A = arith.constant 0 : i32
    %cond3A_2 = arith.cmpi ne, %convert_element_type3A, %cond3A : i32
    scf.if %cond3A_2 {
      %lt3A = arith.constant 15 : i32
      %lt3A_271 = arith.cmpi slt, %arg1, %lt3A : i32
      %convert_element_type3A_272 = arith.extui %lt3A_271 : i1 to i32
      %cond3A_273 = arith.constant 0 : i32
      %cond3A_274 = arith.cmpi ne, %convert_element_type3A_272, %cond3A_273 : i32
      scf.if %cond3A_274 {
        %mul3A_280 = arith.constant 632 : i32
        %mul3A_281 = arith.muli %arg1, %mul3A_280 : i32
        %mul3A_282 = arith.constant 632 : i32
        %mul3A_283 = arith.muli %arg1, %mul3A_282 : i32
        %dma_start3A_284 = arith.constant 0 : i32
        %dma_start3A_285 = tpu.memref_slice %arg10[%mul3A_283, %dma_start3A_284] : memref<10112x128xf32, #tpu.memory_space<vmem_shared>> -> memref<632x128xf32, #tpu.memory_space<vmem_shared>>
        %dma_start3A_286 = arith.constant 0 : i32
        %dma_start3A_287 = tpu.memref_slice %arg2[%mul3A_281, %dma_start3A_286] : memref<10000x128xf32, #tpu.memory_space<hbm>> -> memref<632x128xf32, #tpu.memory_space<hbm>>
        tpu.enqueue_dma source(%dma_start3A_287 : memref<632x128xf32, #tpu.memory_space<hbm>>) target(%dma_start3A_285 : memref<632x128xf32, #tpu.memory_space<vmem_shared>>) target_semaphore(%arg14 : memref<!tpu.dma_semaphore, #tpu.memory_space<semaphore_mem>>)
      } else {
      }
      %eq3A_275 = arith.constant 15 : i32
      %eq3A_276 = arith.cmpi eq, %arg1, %eq3A_275 : i32
      %convert_element_type3A_277 = arith.extui %eq3A_276 : i1 to i32
      %cond3A_278 = arith.constant 0 : i32
      %cond3A_279 = arith.cmpi ne, %convert_element_type3A_277, %cond3A_278 : i32
      scf.if %cond3A_279 {
        %dma_start3A_280 = arith.constant 9480 : i32
        %dma_start3A_281 = arith.constant 0 : i32
        %dma_start3A_282 = tpu.memref_slice %arg10[%dma_start3A_280, %dma_start3A_281] : memref<10112x128xf32, #tpu.memory_space<vmem_shared>> -> memref<520x128xf32, #tpu.memory_space<vmem_shared>>
        %dma_start3A_283 = arith.constant 9480 : i32
        %dma_start3A_284 = arith.constant 0 : i32
        %dma_start3A_285 = tpu.memref_slice %arg2[%dma_start3A_283, %dma_start3A_284] : memref<10000x128xf32, #tpu.memory_space<hbm>> -> memref<520x128xf32, #tpu.memory_space<hbm>>
        tpu.enqueue_dma source(%dma_start3A_285 : memref<520x128xf32, #tpu.memory_space<hbm>>) target(%dma_start3A_282 : memref<520x128xf32, #tpu.memory_space<vmem_shared>>) target_semaphore(%arg14 : memref<!tpu.dma_semaphore, #tpu.memory_space<semaphore_mem>>)
        %dma_start3A_286 = arith.constant 10000 : i32
        %dma_start3A_287 = arith.constant 0 : i32
        %dma_start3A_288 = tpu.memref_slice %arg10[%dma_start3A_286, %dma_start3A_287] : memref<10112x128xf32, #tpu.memory_space<vmem_shared>> -> memref<112x128xf32, #tpu.memory_space<vmem_shared>>
        %dma_start3A_289 = arith.constant 0 : i32
        %dma_start3A_290 = arith.constant 0 : i32
        %dma_start3A_291 = tpu.memref_slice %arg5[%dma_start3A_289, %dma_start3A_290] : memref<632x128xf32, #tpu.memory_space<hbm>> -> memref<112x128xf32, #tpu.memory_space<hbm>>
        tpu.enqueue_dma source(%dma_start3A_291 : memref<112x128xf32, #tpu.memory_space<hbm>>) target(%dma_start3A_288 : memref<112x128xf32, #tpu.memory_space<vmem_shared>>) target_semaphore(%arg14 : memref<!tpu.dma_semaphore, #tpu.memory_space<semaphore_mem>>)
      } else {
      }
    } else {
    }
    %eq3A_3 = arith.constant 1 : i32
    %eq3A_4 = arith.cmpi eq, %arg0, %eq3A_3 : i32
    %convert_element_type3A_5 = arith.extui %eq3A_4 : i1 to i32
    %cond3A_6 = arith.constant 0 : i32
    %cond3A_7 = arith.cmpi ne, %convert_element_type3A_5, %cond3A_6 : i32
    scf.if %cond3A_7 {
      %mul3A_271 = arith.constant 632 : i32
      %mul3A_272 = arith.muli %arg1, %mul3A_271 : i32
      %dma_start3A_273 = arith.constant 0 : i32
      %dma_start3A_274 = tpu.memref_slice %arg10[%mul3A_272, %dma_start3A_273] : memref<10112x128xf32, #tpu.memory_space<vmem_shared>> -> memref<632x128xf32, #tpu.memory_space<vmem_shared>>
      tpu.enqueue_dma source(%arg5 : memref<632x128xf32, #tpu.memory_space<hbm>>) target(%dma_start3A_274 : memref<632x128xf32, #tpu.memory_space<vmem_shared>>) target_semaphore(%arg14 : memref<!tpu.dma_semaphore, #tpu.memory_space<semaphore_mem>>)
    } else {
    }
    %mul3A_8 = arith.constant 5 : i32
    %mul3A_9 = arith.muli %add3A, %mul3A_8 : i32
    %run_scoped3A = arith.constant 0 : i32
    "tpu.region"() ({
      %run_scoped3A_271 = tpu.sem_alloc : memref<!tpu.dma_semaphore, #tpu.memory_space<semaphore_mem>>
      %dma_start3A_272 = arith.constant 0 : i32
      %dma_start3A_273 = arith.constant 0 : i32
      %dma_start3A_274 = tpu.memref_slice %arg7[%run_scoped3A, %dma_start3A_272, %dma_start3A_273] : memref<2x21x96xi32, #tpu.memory_space<vmem>> -> memref<1x21x96xi32, #tpu.memory_space<vmem>>
      %dma_start3A_275 = tpu.memref_squeeze %dma_start3A_274 : memref<1x21x96xi32, #tpu.memory_space<vmem>> -> memref<21x96xi32, #tpu.memory_space<vmem>>
      %dma_start3A_276 = arith.constant 0 : i32
      %dma_start3A_277 = arith.constant 0 : i32
      %dma_start3A_278 = tpu.memref_slice %arg3[%mul3A_9, %dma_start3A_276, %dma_start3A_277] : memref<160x21x96xi32, #tpu.memory_space<hbm>> -> memref<1x21x96xi32, #tpu.memory_space<hbm>>
      %dma_start3A_279 = tpu.memref_squeeze %dma_start3A_278 : memref<1x21x96xi32, #tpu.memory_space<hbm>> -> memref<21x96xi32, #tpu.memory_space<hbm>>
      %dma_start3A_280 = arith.constant 0 : i32
      %dma_start3A_281 = arith.constant 0 : i32
      %dma_start3A_282 = tpu.memref_slice %arg7[%run_scoped3A, %dma_start3A_280, %dma_start3A_281] : memref<2x21x96xi32, #tpu.memory_space<vmem>> -> memref<1x21x96xi32, #tpu.memory_space<vmem>>
      %dma_start3A_283 = tpu.memref_squeeze %dma_start3A_282 : memref<1x21x96xi32, #tpu.memory_space<vmem>> -> memref<21x96xi32, #tpu.memory_space<vmem>>
      %dma_start3A_284 = arith.constant 0 : i32
      %dma_start3A_285 = arith.constant 0 : i32
      %dma_start3A_286 = tpu.memref_slice %arg3[%mul3A_9, %dma_start3A_284, %dma_start3A_285] : memref<160x21x96xi32, #tpu.memory_space<hbm>> -> memref<1x21x96xi32, #tpu.memory_space<hbm>>
      %dma_start3A_287 = tpu.memref_squeeze %dma_start3A_286 : memref<1x21x96xi32, #tpu.memory_space<hbm>> -> memref<21x96xi32, #tpu.memory_space<hbm>>
      tpu.enqueue_dma source(%dma_start3A_287 : memref<21x96xi32, #tpu.memory_space<hbm>>) target(%dma_start3A_283 : memref<21x96xi32, #tpu.memory_space<vmem>>) target_semaphore(%run_scoped3A_271 : memref<!tpu.dma_semaphore, #tpu.memory_space<semaphore_mem>>)
      %dma_wait3A_288 = arith.constant 0 : i32
      %dma_wait3A_289 = arith.constant 0 : i32
      %dma_wait3A_290 = tpu.memref_slice %arg7[%run_scoped3A, %dma_wait3A_288, %dma_wait3A_289] : memref<2x21x96xi32, #tpu.memory_space<vmem>> -> memref<1x21x96xi32, #tpu.memory_space<vmem>>
      %dma_wait3A_291 = tpu.memref_squeeze %dma_wait3A_290 : memref<1x21x96xi32, #tpu.memory_space<vmem>> -> memref<21x96xi32, #tpu.memory_space<vmem>>
      %dma_wait3A_292 = arith.constant 0 : i32
      %dma_wait3A_293 = arith.constant 0 : i32
      %dma_wait3A_294 = tpu.memref_slice %arg3[%mul3A_9, %dma_wait3A_292, %dma_wait3A_293] : memref<160x21x96xi32, #tpu.memory_space<hbm>> -> memref<1x21x96xi32, #tpu.memory_space<hbm>>
      %dma_wait3A_295 = tpu.memref_squeeze %dma_wait3A_294 : memref<1x21x96xi32, #tpu.memory_space<hbm>> -> memref<21x96xi32, #tpu.memory_space<hbm>>
      %dma_wait3A_296 = arith.constant 0 : i32
      %dma_wait3A_297 = arith.constant 0 : i32
      %dma_wait3A_298 = tpu.memref_slice %arg7[%run_scoped3A, %dma_wait3A_296, %dma_wait3A_297] : memref<2x21x96xi32, #tpu.memory_space<vmem>> -> memref<1x21x96xi32, #tpu.memory_space<vmem>>
      %dma_wait3A_299 = tpu.memref_squeeze %dma_wait3A_298 : memref<1x21x96xi32, #tpu.memory_space<vmem>> -> memref<21x96xi32, #tpu.memory_space<vmem>>
      %dma_wait3A_300 = arith.constant 0 : i32
      %dma_wait3A_301 = arith.constant 0 : i32
      %dma_wait3A_302 = tpu.memref_slice %arg3[%mul3A_9, %dma_wait3A_300, %dma_wait3A_301] : memref<160x21x96xi32, #tpu.memory_space<hbm>> -> memref<1x21x96xi32, #tpu.memory_space<hbm>>
      %dma_wait3A_303 = tpu.memref_squeeze %dma_wait3A_302 : memref<1x21x96xi32, #tpu.memory_space<hbm>> -> memref<21x96xi32, #tpu.memory_space<hbm>>
      tpu.wait_dma2 semaphore(%run_scoped3A_271 : memref<!tpu.dma_semaphore, #tpu.memory_space<semaphore_mem>>) src(%dma_wait3A_303 : memref<21x96xi32, #tpu.memory_space<hbm>>) dst(%dma_wait3A_299 : memref<21x96xi32, #tpu.memory_space<vmem>>)
      tpu.yield
    }) : () -> ()
    %mul3A_10 = arith.constant 5 : i32
    %mul3A_11 = arith.muli %add3A, %mul3A_10 : i32
    %run_scoped3A_12 = arith.constant 0 : i32
    "tpu.region"() ({
      %run_scoped3A_271 = tpu.sem_alloc : memref<!tpu.dma_semaphore, #tpu.memory_space<semaphore_mem>>
      %dma_start3A_272 = arith.constant 0 : i32
      %dma_start3A_273 = arith.constant 0 : i32
      %dma_start3A_274 = tpu.memref_slice %arg8[%run_scoped3A_12, %dma_start3A_272, %dma_start3A_273] : memref<2x21x96xi32, #tpu.memory_space<vmem>> -> memref<1x21x96xi32, #tpu.memory_space<vmem>>
      %dma_start3A_275 = tpu.memref_squeeze %dma_start3A_274 : memref<1x21x96xi32, #tpu.memory_space<vmem>> -> memref<21x96xi32, #tpu.memory_space<vmem>>
      %dma_start3A_276 = arith.constant 0 : i32
      %dma_start3A_277 = arith.constant 0 : i32
      %dma_start3A_278 = tpu.memref_slice %arg4[%mul3A_11, %dma_start3A_276, %dma_start3A_277] : memref<160x21x96xi32, #tpu.memory_space<hbm>> -> memref<1x21x96xi32, #tpu.memory_space<hbm>>
      %dma_start3A_279 = tpu.memref_squeeze %dma_start3A_278 : memref<1x21x96xi32, #tpu.memory_space<hbm>> -> memref<21x96xi32, #tpu.memory_space<hbm>>
      %dma_start3A_280 = arith.constant 0 : i32
      %dma_start3A_281 = arith.constant 0 : i32
      %dma_start3A_282 = tpu.memref_slice %arg8[%run_scoped3A_12, %dma_start3A_280, %dma_start3A_281] : memref<2x21x96xi32, #tpu.memory_space<vmem>> -> memref<1x21x96xi32, #tpu.memory_space<vmem>>
      %dma_start3A_283 = tpu.memref_squeeze %dma_start3A_282 : memref<1x21x96xi32, #tpu.memory_space<vmem>> -> memref<21x96xi32, #tpu.memory_space<vmem>>
      %dma_start3A_284 = arith.constant 0 : i32
      %dma_start3A_285 = arith.constant 0 : i32
      %dma_start3A_286 = tpu.memref_slice %arg4[%mul3A_11, %dma_start3A_284, %dma_start3A_285] : memref<160x21x96xi32, #tpu.memory_space<hbm>> -> memref<1x21x96xi32, #tpu.memory_space<hbm>>
      %dma_start3A_287 = tpu.memref_squeeze %dma_start3A_286 : memref<1x21x96xi32, #tpu.memory_space<hbm>> -> memref<21x96xi32, #tpu.memory_space<hbm>>
      tpu.enqueue_dma source(%dma_start3A_287 : memref<21x96xi32, #tpu.memory_space<hbm>>) target(%dma_start3A_283 : memref<21x96xi32, #tpu.memory_space<vmem>>) target_semaphore(%run_scoped3A_271 : memref<!tpu.dma_semaphore, #tpu.memory_space<semaphore_mem>>)
      %dma_wait3A_288 = arith.constant 0 : i32
      %dma_wait3A_289 = arith.constant 0 : i32
      %dma_wait3A_290 = tpu.memref_slice %arg8[%run_scoped3A_12, %dma_wait3A_288, %dma_wait3A_289] : memref<2x21x96xi32, #tpu.memory_space<vmem>> -> memref<1x21x96xi32, #tpu.memory_space<vmem>>
      %dma_wait3A_291 = tpu.memref_squeeze %dma_wait3A_290 : memref<1x21x96xi32, #tpu.memory_space<vmem>> -> memref<21x96xi32, #tpu.memory_space<vmem>>
      %dma_wait3A_292 = arith.constant 0 : i32
      %dma_wait3A_293 = arith.constant 0 : i32
      %dma_wait3A_294 = tpu.memref_slice %arg4[%mul3A_11, %dma_wait3A_292, %dma_wait3A_293] : memref<160x21x96xi32, #tpu.memory_space<hbm>> -> memref<1x21x96xi32, #tpu.memory_space<hbm>>
      %dma_wait3A_295 = tpu.memref_squeeze %dma_wait3A_294 : memref<1x21x96xi32, #tpu.memory_space<hbm>> -> memref<21x96xi32, #tpu.memory_space<hbm>>
      %dma_wait3A_296 = arith.constant 0 : i32
      %dma_wait3A_297 = arith.constant 0 : i32
      %dma_wait3A_298 = tpu.memref_slice %arg8[%run_scoped3A_12, %dma_wait3A_296, %dma_wait3A_297] : memref<2x21x96xi32, #tpu.memory_space<vmem>> -> memref<1x21x96xi32, #tpu.memory_space<vmem>>
      %dma_wait3A_299 = tpu.memref_squeeze %dma_wait3A_298 : memref<1x21x96xi32, #tpu.memory_space<vmem>> -> memref<21x96xi32, #tpu.memory_space<vmem>>
      %dma_wait3A_300 = arith.constant 0 : i32
      %dma_wait3A_301 = arith.constant 0 : i32
      %dma_wait3A_302 = tpu.memref_slice %arg4[%mul3A_11, %dma_wait3A_300, %dma_wait3A_301] : memref<160x21x96xi32, #tpu.memory_space<hbm>> -> memref<1x21x96xi32, #tpu.memory_space<hbm>>
      %dma_wait3A_303 = tpu.memref_squeeze %dma_wait3A_302 : memref<1x21x96xi32, #tpu.memory_space<hbm>> -> memref<21x96xi32, #tpu.memory_space<hbm>>
      tpu.wait_dma2 semaphore(%run_scoped3A_271 : memref<!tpu.dma_semaphore, #tpu.memory_space<semaphore_mem>>) src(%dma_wait3A_303 : memref<21x96xi32, #tpu.memory_space<hbm>>) dst(%dma_wait3A_299 : memref<21x96xi32, #tpu.memory_space<vmem>>)
      tpu.yield
    }) : () -> ()
    %mul3A_13 = arith.constant 5 : i32
    %mul3A_14 = arith.muli %add3A, %mul3A_13 : i32
    %add3A_15 = arith.constant 1 : i32
    %add3A_16 = arith.addi %mul3A_14, %add3A_15 : i32
    %dma_start3A = arith.constant 1 : i32
    %dma_start3A_17 = arith.constant 1 : i32
    %dma_start3A_18 = arith.constant 0 : i32
    %dma_start3A_19 = arith.constant 0 : i32
    %dma_start3A_20 = tpu.memref_slice %arg7[%dma_start3A, %dma_start3A_18, %dma_start3A_19] : memref<2x21x96xi32, #tpu.memory_space<vmem>> -> memref<1x21x96xi32, #tpu.memory_space<vmem>>
    %dma_start3A_21 = tpu.memref_squeeze %dma_start3A_20 : memref<1x21x96xi32, #tpu.memory_space<vmem>> -> memref<21x96xi32, #tpu.memory_space<vmem>>
    %dma_start3A_22 = arith.constant 0 : i32
    %dma_start3A_23 = arith.constant 0 : i32
    %dma_start3A_24 = tpu.memref_slice %arg3[%add3A_16, %dma_start3A_22, %dma_start3A_23] : memref<160x21x96xi32, #tpu.memory_space<hbm>> -> memref<1x21x96xi32, #tpu.memory_space<hbm>>
    %dma_start3A_25 = tpu.memref_squeeze %dma_start3A_24 : memref<1x21x96xi32, #tpu.memory_space<hbm>> -> memref<21x96xi32, #tpu.memory_space<hbm>>
    %dma_start3A_26 = tpu.memref_slice %arg13[%dma_start3A_17] : memref<2x!tpu.dma_semaphore, #tpu.memory_space<semaphore_mem>> -> memref<1x!tpu.dma_semaphore, #tpu.memory_space<semaphore_mem>>
    %dma_start3A_27 = tpu.memref_squeeze %dma_start3A_26 : memref<1x!tpu.dma_semaphore, #tpu.memory_space<semaphore_mem>> -> memref<!tpu.dma_semaphore, #tpu.memory_space<semaphore_mem>>
    %dma_start3A_28 = arith.constant 0 : i32
    %dma_start3A_29 = arith.constant 0 : i32
    %dma_start3A_30 = tpu.memref_slice %arg7[%dma_start3A, %dma_start3A_28, %dma_start3A_29] : memref<2x21x96xi32, #tpu.memory_space<vmem>> -> memref<1x21x96xi32, #tpu.memory_space<vmem>>
    %dma_start3A_31 = tpu.memref_squeeze %dma_start3A_30 : memref<1x21x96xi32, #tpu.memory_space<vmem>> -> memref<21x96xi32, #tpu.memory_space<vmem>>
    %dma_start3A_32 = arith.constant 0 : i32
    %dma_start3A_33 = arith.constant 0 : i32
    %dma_start3A_34 = tpu.memref_slice %arg3[%add3A_16, %dma_start3A_32, %dma_start3A_33] : memref<160x21x96xi32, #tpu.memory_space<hbm>> -> memref<1x21x96xi32, #tpu.memory_space<hbm>>
    %dma_start3A_35 = tpu.memref_squeeze %dma_start3A_34 : memref<1x21x96xi32, #tpu.memory_space<hbm>> -> memref<21x96xi32, #tpu.memory_space<hbm>>
    tpu.enqueue_dma source(%dma_start3A_35 : memref<21x96xi32, #tpu.memory_space<hbm>>) target(%dma_start3A_31 : memref<21x96xi32, #tpu.memory_space<vmem>>) target_semaphore(%dma_start3A_27 : memref<!tpu.dma_semaphore, #tpu.memory_space<semaphore_mem>>)
    %mul3A_36 = arith.constant 5 : i32
    %mul3A_37 = arith.muli %add3A, %mul3A_36 : i32
    %add3A_38 = arith.constant 1 : i32
    %add3A_39 = arith.addi %mul3A_37, %add3A_38 : i32
    %dma_start3A_40 = arith.constant 1 : i32
    %dma_start3A_41 = arith.constant 1 : i32
    %dma_start3A_42 = arith.constant 0 : i32
    %dma_start3A_43 = arith.constant 0 : i32
    %dma_start3A_44 = tpu.memref_slice %arg8[%dma_start3A_40, %dma_start3A_42, %dma_start3A_43] : memref<2x21x96xi32, #tpu.memory_space<vmem>> -> memref<1x21x96xi32, #tpu.memory_space<vmem>>
    %dma_start3A_45 = tpu.memref_squeeze %dma_start3A_44 : memref<1x21x96xi32, #tpu.memory_space<vmem>> -> memref<21x96xi32, #tpu.memory_space<vmem>>
    %dma_start3A_46 = arith.constant 0 : i32
    %dma_start3A_47 = arith.constant 0 : i32
    %dma_start3A_48 = tpu.memref_slice %arg4[%add3A_39, %dma_start3A_46, %dma_start3A_47] : memref<160x21x96xi32, #tpu.memory_space<hbm>> -> memref<1x21x96xi32, #tpu.memory_space<hbm>>
    %dma_start3A_49 = tpu.memref_squeeze %dma_start3A_48 : memref<1x21x96xi32, #tpu.memory_space<hbm>> -> memref<21x96xi32, #tpu.memory_space<hbm>>
    %dma_start3A_50 = tpu.memref_slice %arg13[%dma_start3A_41] : memref<2x!tpu.dma_semaphore, #tpu.memory_space<semaphore_mem>> -> memref<1x!tpu.dma_semaphore, #tpu.memory_space<semaphore_mem>>
    %dma_start3A_51 = tpu.memref_squeeze %dma_start3A_50 : memref<1x!tpu.dma_semaphore, #tpu.memory_space<semaphore_mem>> -> memref<!tpu.dma_semaphore, #tpu.memory_space<semaphore_mem>>
    %dma_start3A_52 = arith.constant 0 : i32
    %dma_start3A_53 = arith.constant 0 : i32
    %dma_start3A_54 = tpu.memref_slice %arg8[%dma_start3A_40, %dma_start3A_52, %dma_start3A_53] : memref<2x21x96xi32, #tpu.memory_space<vmem>> -> memref<1x21x96xi32, #tpu.memory_space<vmem>>
    %dma_start3A_55 = tpu.memref_squeeze %dma_start3A_54 : memref<1x21x96xi32, #tpu.memory_space<vmem>> -> memref<21x96xi32, #tpu.memory_space<vmem>>
    %dma_start3A_56 = arith.constant 0 : i32
    %dma_start3A_57 = arith.constant 0 : i32
    %dma_start3A_58 = tpu.memref_slice %arg4[%add3A_39, %dma_start3A_56, %dma_start3A_57] : memref<160x21x96xi32, #tpu.memory_space<hbm>> -> memref<1x21x96xi32, #tpu.memory_space<hbm>>
    %dma_start3A_59 = tpu.memref_squeeze %dma_start3A_58 : memref<1x21x96xi32, #tpu.memory_space<hbm>> -> memref<21x96xi32, #tpu.memory_space<hbm>>
    tpu.enqueue_dma source(%dma_start3A_59 : memref<21x96xi32, #tpu.memory_space<hbm>>) target(%dma_start3A_55 : memref<21x96xi32, #tpu.memory_space<vmem>>) target_semaphore(%dma_start3A_51 : memref<!tpu.dma_semaphore, #tpu.memory_space<semaphore_mem>>)
    %dma_start3A_60 = arith.constant 0 : i32
    %dma_start3A_61 = arith.constant 0 : i32
    %dma_start3A_62 = arith.constant 0 : i32
    %dma_start3A_63 = arith.constant 0 : i32
    %dma_start3A_64 = arith.constant 0 : i32
    %dma_start3A_65 = arith.constant 0 : i32
    %dma_start3A_66 = tpu.memref_slice %arg9[%dma_start3A_62, %dma_start3A_64, %dma_start3A_65] : memref<3x96x128xf32, #tpu.memory_space<vmem>> -> memref<1x96x128xf32, #tpu.memory_space<vmem>>
    %dma_start3A_67 = tpu.memref_squeeze %dma_start3A_66 : memref<1x96x128xf32, #tpu.memory_space<vmem>> -> memref<96x128xf32, #tpu.memory_space<vmem>>
    %dma_start3A_68 = arith.constant 0 : i32
    %dma_start3A_69 = tpu.memref_slice %arg7[%dma_start3A_60, %dma_start3A_61, %dma_start3A_68] : memref<2x21x96xi32, #tpu.memory_space<vmem>> -> memref<1x1x96xi32, #tpu.memory_space<vmem>>
    %dma_start3A_70 = tpu.memref_squeeze %dma_start3A_69 : memref<1x1x96xi32, #tpu.memory_space<vmem>> -> memref<96xi32, #tpu.memory_space<vmem>>
    %dma_start3A_71 = arith.constant 0 : i32
    %dma_start3A_72 = arith.constant 0 : i32
    %dma_start3A_73 = tpu.memref_slice %arg2[%dma_start3A_71, %dma_start3A_72] : memref<10000x128xf32, #tpu.memory_space<hbm>> -> memref<10000x128xf32, #tpu.memory_space<hbm>>
    %dma_start3A_74 = tpu.memref_slice %arg11[%dma_start3A_63] : memref<3x!tpu.dma_semaphore, #tpu.memory_space<semaphore_mem>> -> memref<1x!tpu.dma_semaphore, #tpu.memory_space<semaphore_mem>>
    %dma_start3A_75 = tpu.memref_squeeze %dma_start3A_74 : memref<1x!tpu.dma_semaphore, #tpu.memory_space<semaphore_mem>> -> memref<!tpu.dma_semaphore, #tpu.memory_space<semaphore_mem>>
    tpu.enqueue_indirect_dma source(%dma_start3A_73 : memref<10000x128xf32, #tpu.memory_space<hbm>>) target(%dma_start3A_67 : memref<96x128xf32, #tpu.memory_space<vmem>>) offsets(%dma_start3A_70 : memref<96xi32, #tpu.memory_space<vmem>>) semaphore(%dma_start3A_75 : memref<!tpu.dma_semaphore, #tpu.memory_space<semaphore_mem>>)
    %dma_start3A_76 = arith.constant 0 : i32
    %dma_start3A_77 = arith.constant 1 : i32
    %dma_start3A_78 = arith.constant 1 : i32
    %dma_start3A_79 = arith.constant 1 : i32
    %dma_start3A_80 = arith.constant 0 : i32
    %dma_start3A_81 = arith.constant 0 : i32
    %dma_start3A_82 = tpu.memref_slice %arg9[%dma_start3A_78, %dma_start3A_80, %dma_start3A_81] : memref<3x96x128xf32, #tpu.memory_space<vmem>> -> memref<1x96x128xf32, #tpu.memory_space<vmem>>
    %dma_start3A_83 = tpu.memref_squeeze %dma_start3A_82 : memref<1x96x128xf32, #tpu.memory_space<vmem>> -> memref<96x128xf32, #tpu.memory_space<vmem>>
    %dma_start3A_84 = arith.constant 0 : i32
    %dma_start3A_85 = tpu.memref_slice %arg7[%dma_start3A_76, %dma_start3A_77, %dma_start3A_84] : memref<2x21x96xi32, #tpu.memory_space<vmem>> -> memref<1x1x96xi32, #tpu.memory_space<vmem>>
    %dma_start3A_86 = tpu.memref_squeeze %dma_start3A_85 : memref<1x1x96xi32, #tpu.memory_space<vmem>> -> memref<96xi32, #tpu.memory_space<vmem>>
    %dma_start3A_87 = arith.constant 0 : i32
    %dma_start3A_88 = arith.constant 0 : i32
    %dma_start3A_89 = tpu.memref_slice %arg2[%dma_start3A_87, %dma_start3A_88] : memref<10000x128xf32, #tpu.memory_space<hbm>> -> memref<10000x128xf32, #tpu.memory_space<hbm>>
    %dma_start3A_90 = tpu.memref_slice %arg11[%dma_start3A_79] : memref<3x!tpu.dma_semaphore, #tpu.memory_space<semaphore_mem>> -> memref<1x!tpu.dma_semaphore, #tpu.memory_space<semaphore_mem>>
    %dma_start3A_91 = tpu.memref_squeeze %dma_start3A_90 : memref<1x!tpu.dma_semaphore, #tpu.memory_space<semaphore_mem>> -> memref<!tpu.dma_semaphore, #tpu.memory_space<semaphore_mem>>
    tpu.enqueue_indirect_dma source(%dma_start3A_89 : memref<10000x128xf32, #tpu.memory_space<hbm>>) target(%dma_start3A_83 : memref<96x128xf32, #tpu.memory_space<vmem>>) offsets(%dma_start3A_86 : memref<96xi32, #tpu.memory_space<vmem>>) semaphore(%dma_start3A_91 : memref<!tpu.dma_semaphore, #tpu.memory_space<semaphore_mem>>)
    %eq3A_92 = arith.constant 0 : i32
    %eq3A_93 = arith.cmpi eq, %arg0, %eq3A_92 : i32
    %convert_element_type3A_94 = arith.extui %eq3A_93 : i1 to i32
    %cond3A_95 = arith.constant 0 : i32
    %cond3A_96 = arith.cmpi ne, %convert_element_type3A_94, %cond3A_95 : i32
    scf.if %cond3A_96 {
      %lt3A = arith.constant 15 : i32
      %lt3A_271 = arith.cmpi slt, %arg1, %lt3A : i32
      %convert_element_type3A_272 = arith.extui %lt3A_271 : i1 to i32
      %cond3A_273 = arith.constant 0 : i32
      %cond3A_274 = arith.cmpi ne, %convert_element_type3A_272, %cond3A_273 : i32
      scf.if %cond3A_274 {
        %mul3A_280 = arith.constant 632 : i32
        %mul3A_281 = arith.muli %arg1, %mul3A_280 : i32
        %mul3A_282 = arith.constant 632 : i32
        %mul3A_283 = arith.muli %arg1, %mul3A_282 : i32
        %dma_wait3A_284 = arith.constant 0 : i32
        %dma_wait3A_285 = tpu.memref_slice %arg10[%mul3A_283, %dma_wait3A_284] : memref<10112x128xf32, #tpu.memory_space<vmem_shared>> -> memref<632x128xf32, #tpu.memory_space<vmem_shared>>
        %dma_wait3A_286 = arith.constant 0 : i32
        %dma_wait3A_287 = tpu.memref_slice %arg2[%mul3A_281, %dma_wait3A_286] : memref<10000x128xf32, #tpu.memory_space<hbm>> -> memref<632x128xf32, #tpu.memory_space<hbm>>
        tpu.wait_dma2 semaphore(%arg14 : memref<!tpu.dma_semaphore, #tpu.memory_space<semaphore_mem>>) src(%dma_wait3A_287 : memref<632x128xf32, #tpu.memory_space<hbm>>) dst(%dma_wait3A_285 : memref<632x128xf32, #tpu.memory_space<vmem_shared>>)
      } else {
      }
      %eq3A_275 = arith.constant 15 : i32
      %eq3A_276 = arith.cmpi eq, %arg1, %eq3A_275 : i32
      %convert_element_type3A_277 = arith.extui %eq3A_276 : i1 to i32
      %cond3A_278 = arith.constant 0 : i32
      %cond3A_279 = arith.cmpi ne, %convert_element_type3A_277, %cond3A_278 : i32
      scf.if %cond3A_279 {
        %dma_wait3A_280 = arith.constant 9480 : i32
        %dma_wait3A_281 = arith.constant 0 : i32
        %dma_wait3A_282 = tpu.memref_slice %arg10[%dma_wait3A_280, %dma_wait3A_281] : memref<10112x128xf32, #tpu.memory_space<vmem_shared>> -> memref<520x128xf32, #tpu.memory_space<vmem_shared>>
        %dma_wait3A_283 = arith.constant 9480 : i32
        %dma_wait3A_284 = arith.constant 0 : i32
        %dma_wait3A_285 = tpu.memref_slice %arg2[%dma_wait3A_283, %dma_wait3A_284] : memref<10000x128xf32, #tpu.memory_space<hbm>> -> memref<520x128xf32, #tpu.memory_space<hbm>>
        tpu.wait_dma2 semaphore(%arg14 : memref<!tpu.dma_semaphore, #tpu.memory_space<semaphore_mem>>) src(%dma_wait3A_285 : memref<520x128xf32, #tpu.memory_space<hbm>>) dst(%dma_wait3A_282 : memref<520x128xf32, #tpu.memory_space<vmem_shared>>)
        %dma_wait3A_286 = arith.constant 10000 : i32
        %dma_wait3A_287 = arith.constant 0 : i32
        %dma_wait3A_288 = tpu.memref_slice %arg10[%dma_wait3A_286, %dma_wait3A_287] : memref<10112x128xf32, #tpu.memory_space<vmem_shared>> -> memref<112x128xf32, #tpu.memory_space<vmem_shared>>
        %dma_wait3A_289 = arith.constant 0 : i32
        %dma_wait3A_290 = arith.constant 0 : i32
        %dma_wait3A_291 = tpu.memref_slice %arg5[%dma_wait3A_289, %dma_wait3A_290] : memref<632x128xf32, #tpu.memory_space<hbm>> -> memref<112x128xf32, #tpu.memory_space<hbm>>
        tpu.wait_dma2 semaphore(%arg14 : memref<!tpu.dma_semaphore, #tpu.memory_space<semaphore_mem>>) src(%dma_wait3A_291 : memref<112x128xf32, #tpu.memory_space<hbm>>) dst(%dma_wait3A_288 : memref<112x128xf32, #tpu.memory_space<vmem_shared>>)
      } else {
      }
    } else {
    }
    %eq3A_97 = arith.constant 1 : i32
    %eq3A_98 = arith.cmpi eq, %arg0, %eq3A_97 : i32
    %convert_element_type3A_99 = arith.extui %eq3A_98 : i1 to i32
    %cond3A_100 = arith.constant 0 : i32
    %cond3A_101 = arith.cmpi ne, %convert_element_type3A_99, %cond3A_100 : i32
    scf.if %cond3A_101 {
      %mul3A_271 = arith.constant 632 : i32
      %mul3A_272 = arith.muli %arg1, %mul3A_271 : i32
      %dma_wait3A_273 = arith.constant 0 : i32
      %dma_wait3A_274 = tpu.memref_slice %arg10[%mul3A_272, %dma_wait3A_273] : memref<10112x128xf32, #tpu.memory_space<vmem_shared>> -> memref<632x128xf32, #tpu.memory_space<vmem_shared>>
      tpu.wait_dma2 semaphore(%arg14 : memref<!tpu.dma_semaphore, #tpu.memory_space<semaphore_mem>>) src(%arg5 : memref<632x128xf32, #tpu.memory_space<hbm>>) dst(%dma_wait3A_274 : memref<632x128xf32, #tpu.memory_space<vmem_shared>>)
    } else {
    }
    %barrier3A = arith.constant 0 : index
    tpu.barrier barrier_id(%barrier3A)
    %dma_wait3A = arith.constant 0 : i32
    %dma_wait3A_102 = arith.constant 0 : i32
    %dma_wait3A_103 = arith.constant 0 : i32
    %dma_wait3A_104 = arith.constant 0 : i32
    %dma_wait3A_105 = arith.constant 0 : i32
    %dma_wait3A_106 = arith.constant 0 : i32
    %dma_wait3A_107 = tpu.memref_slice %arg9[%dma_wait3A_103, %dma_wait3A_105, %dma_wait3A_106] : memref<3x96x128xf32, #tpu.memory_space<vmem>> -> memref<1x96x128xf32, #tpu.memory_space<vmem>>
    %dma_wait3A_108 = tpu.memref_squeeze %dma_wait3A_107 : memref<1x96x128xf32, #tpu.memory_space<vmem>> -> memref<96x128xf32, #tpu.memory_space<vmem>>
    %dma_wait3A_109 = arith.constant 0 : i32
    %dma_wait3A_110 = tpu.memref_slice %arg7[%dma_wait3A, %dma_wait3A_102, %dma_wait3A_109] : memref<2x21x96xi32, #tpu.memory_space<vmem>> -> memref<1x1x96xi32, #tpu.memory_space<vmem>>
    %dma_wait3A_111 = tpu.memref_squeeze %dma_wait3A_110 : memref<1x1x96xi32, #tpu.memory_space<vmem>> -> memref<96xi32, #tpu.memory_space<vmem>>
    %dma_wait3A_112 = arith.constant 0 : i32
    %dma_wait3A_113 = arith.constant 0 : i32
    %dma_wait3A_114 = tpu.memref_slice %arg2[%dma_wait3A_112, %dma_wait3A_113] : memref<10000x128xf32, #tpu.memory_space<hbm>> -> memref<10000x128xf32, #tpu.memory_space<hbm>>
    %dma_wait3A_115 = tpu.memref_slice %arg11[%dma_wait3A_104] : memref<3x!tpu.dma_semaphore, #tpu.memory_space<semaphore_mem>> -> memref<1x!tpu.dma_semaphore, #tpu.memory_space<semaphore_mem>>
    %dma_wait3A_116 = tpu.memref_squeeze %dma_wait3A_115 : memref<1x!tpu.dma_semaphore, #tpu.memory_space<semaphore_mem>> -> memref<!tpu.dma_semaphore, #tpu.memory_space<semaphore_mem>>
    tpu.wait_indirect_dma semaphore(%dma_wait3A_116 : memref<!tpu.dma_semaphore, #tpu.memory_space<semaphore_mem>>) src(%dma_wait3A_114 : memref<10000x128xf32, #tpu.memory_space<hbm>>) dst(%dma_wait3A_108 : memref<96x128xf32, #tpu.memory_space<vmem>>)
    %dma_start3A_117 = arith.constant 0 : i32
    %dma_start3A_118 = arith.constant 0 : i32
    %dma_start3A_119 = arith.constant 0 : i32
    %dma_start3A_120 = arith.constant 0 : i32
    %dma_start3A_121 = arith.constant 0 : i32
    %dma_start3A_122 = arith.constant 0 : i32
    %dma_start3A_123 = tpu.memref_slice %arg9[%dma_start3A_117, %dma_start3A_121, %dma_start3A_122] : memref<3x96x128xf32, #tpu.memory_space<vmem>> -> memref<1x96x128xf32, #tpu.memory_space<vmem>>
    %dma_start3A_124 = tpu.memref_squeeze %dma_start3A_123 : memref<1x96x128xf32, #tpu.memory_space<vmem>> -> memref<96x128xf32, #tpu.memory_space<vmem>>
    %dma_start3A_125 = arith.constant 0 : i32
    %dma_start3A_126 = tpu.memref_slice %arg8[%dma_start3A_118, %dma_start3A_119, %dma_start3A_125] : memref<2x21x96xi32, #tpu.memory_space<vmem>> -> memref<1x1x96xi32, #tpu.memory_space<vmem>>
    %dma_start3A_127 = tpu.memref_squeeze %dma_start3A_126 : memref<1x1x96xi32, #tpu.memory_space<vmem>> -> memref<96xi32, #tpu.memory_space<vmem>>
    %dma_start3A_128 = arith.constant 0 : i32
    %dma_start3A_129 = arith.constant 0 : i32
    %dma_start3A_130 = tpu.memref_slice %arg10[%dma_start3A_128, %dma_start3A_129] : memref<10112x128xf32, #tpu.memory_space<vmem_shared>> -> memref<10112x128xf32, #tpu.memory_space<vmem_shared>>
    %dma_start3A_131 = tpu.memref_slice %arg12[%dma_start3A_120] : memref<3x!tpu.dma_semaphore, #tpu.memory_space<semaphore_mem>> -> memref<1x!tpu.dma_semaphore, #tpu.memory_space<semaphore_mem>>
    %dma_start3A_132 = tpu.memref_squeeze %dma_start3A_131 : memref<1x!tpu.dma_semaphore, #tpu.memory_space<semaphore_mem>> -> memref<!tpu.dma_semaphore, #tpu.memory_space<semaphore_mem>>
    tpu.enqueue_indirect_dma source(%dma_start3A_124 : memref<96x128xf32, #tpu.memory_space<vmem>>) target(%dma_start3A_130 : memref<10112x128xf32, #tpu.memory_space<vmem_shared>>) offsets(%dma_start3A_127 : memref<96xi32, #tpu.memory_space<vmem>>) semaphore(%dma_start3A_132 : memref<!tpu.dma_semaphore, #tpu.memory_space<semaphore_mem>>) {add = true}
    %dma_start3A_133 = arith.constant 0 : i32
    %dma_start3A_134 = arith.constant 2 : i32
    %dma_start3A_135 = arith.constant 2 : i32
    %dma_start3A_136 = arith.constant 2 : i32
    %dma_start3A_137 = arith.constant 0 : i32
    %dma_start3A_138 = arith.constant 0 : i32
    %dma_start3A_139 = tpu.memref_slice %arg9[%dma_start3A_135, %dma_start3A_137, %dma_start3A_138] : memref<3x96x128xf32, #tpu.memory_space<vmem>> -> memref<1x96x128xf32, #tpu.memory_space<vmem>>
    %dma_start3A_140 = tpu.memref_squeeze %dma_start3A_139 : memref<1x96x128xf32, #tpu.memory_space<vmem>> -> memref<96x128xf32, #tpu.memory_space<vmem>>
    %dma_start3A_141 = arith.constant 0 : i32
    %dma_start3A_142 = tpu.memref_slice %arg7[%dma_start3A_133, %dma_start3A_134, %dma_start3A_141] : memref<2x21x96xi32, #tpu.memory_space<vmem>> -> memref<1x1x96xi32, #tpu.memory_space<vmem>>
    %dma_start3A_143 = tpu.memref_squeeze %dma_start3A_142 : memref<1x1x96xi32, #tpu.memory_space<vmem>> -> memref<96xi32, #tpu.memory_space<vmem>>
    %dma_start3A_144 = arith.constant 0 : i32
    %dma_start3A_145 = arith.constant 0 : i32
    %dma_start3A_146 = tpu.memref_slice %arg2[%dma_start3A_144, %dma_start3A_145] : memref<10000x128xf32, #tpu.memory_space<hbm>> -> memref<10000x128xf32, #tpu.memory_space<hbm>>
    %dma_start3A_147 = tpu.memref_slice %arg11[%dma_start3A_136] : memref<3x!tpu.dma_semaphore, #tpu.memory_space<semaphore_mem>> -> memref<1x!tpu.dma_semaphore, #tpu.memory_space<semaphore_mem>>
    %dma_start3A_148 = tpu.memref_squeeze %dma_start3A_147 : memref<1x!tpu.dma_semaphore, #tpu.memory_space<semaphore_mem>> -> memref<!tpu.dma_semaphore, #tpu.memory_space<semaphore_mem>>
    tpu.enqueue_indirect_dma source(%dma_start3A_146 : memref<10000x128xf32, #tpu.memory_space<hbm>>) target(%dma_start3A_140 : memref<96x128xf32, #tpu.memory_space<vmem>>) offsets(%dma_start3A_143 : memref<96xi32, #tpu.memory_space<vmem>>) semaphore(%dma_start3A_148 : memref<!tpu.dma_semaphore, #tpu.memory_space<semaphore_mem>>)
    %scan3A = arith.constant 0 : i32
    %scan3A_149 = arith.constant 0 : i32
    %scan3A_150 = arith.constant 34 : i32
    %scan3A_151 = arith.addi %scan3A_149, %scan3A_150 : i32
    %scan3A_152 = arith.constant 1 : i32
    scf.for %scan3A_271 = %scan3A_149 to %scan3A_151 step %scan3A_152  : i32 {
      %mul3A_272 = arith.constant 3 : i32
      %mul3A_273 = arith.muli %mul3A_272, %scan3A_271 : i32
      %add3A_274 = arith.constant 1 : i32
      %add3A_275 = arith.addi %add3A_274, %mul3A_273 : i32
      %add3A_276 = arith.constant 0 : i32
      %add3A_277 = arith.addi %add3A_275, %add3A_276 : i32
      %jit3A = arith.constant 21 : i32
      %div3A = arith.divsi %add3A_277, %jit3A : i32
      %sign3A = arith.constant 0 : i32
      %sign3A_278 = arith.cmpi sgt, %add3A_277, %sign3A : i32
      %sign3A_279 = arith.extui %sign3A_278 : i1 to i32
      %sign3A_280 = arith.constant 0 : i32
      %sign3A_281 = arith.cmpi slt, %add3A_277, %sign3A_280 : i32
      %sign3A_282 = arith.extui %sign3A_281 : i1 to i32
      %sign3A_283 = arith.subi %sign3A_279, %sign3A_282 : i32
      %sign3A_284 = arith.constant 0 : i32
      %sign3A_285 = arith.cmpi sgt, %jit3A, %sign3A_284 : i32
      %sign3A_286 = arith.extui %sign3A_285 : i1 to i32
      %sign3A_287 = arith.constant 0 : i32
      %sign3A_288 = arith.cmpi slt, %jit3A, %sign3A_287 : i32
      %sign3A_289 = arith.extui %sign3A_288 : i1 to i32
      %sign3A_290 = arith.subi %sign3A_286, %sign3A_289 : i32
      %ne3A = arith.cmpi ne, %sign3A_283, %sign3A_290 : i32
      %rem3A = arith.remsi %add3A_277, %jit3A : i32
      %ne3A_291 = arith.constant 0 : i32
      %ne3A_292 = arith.cmpi ne, %rem3A, %ne3A_291 : i32
      %and3A = arith.andi %ne3A, %ne3A_292 : i1
      %sub3A = arith.constant 1 : i32
      %sub3A_293 = arith.subi %div3A, %sub3A : i32
      %select_n3A = arith.select %and3A, %sub3A_293, %div3A : i32
      %jit3A_294 = arith.constant 2 : i32
      %eq3A_295 = arith.constant 0 : i32
      %eq3A_296 = arith.cmpi eq, %jit3A_294, %eq3A_295 : i32
      %jit3A_297 = arith.constant 1 : i32
      %select_n3A_298 = arith.select %eq3A_296, %jit3A_297, %jit3A_294 : i32
      %rem3A_299 = arith.remsi %select_n3A, %select_n3A_298 : i32
      %ne3A_300 = arith.constant 0 : i32
      %ne3A_301 = arith.cmpi ne, %rem3A_299, %ne3A_300 : i32
      %lt3A = arith.constant 0 : i32
      %lt3A_302 = arith.cmpi slt, %rem3A_299, %lt3A : i32
      %lt3A_303 = arith.constant 0 : i32
      %lt3A_304 = arith.cmpi slt, %select_n3A_298, %lt3A_303 : i32
      %ne3A_305 = arith.xori %lt3A_302, %lt3A_304 : i1
      %and3A_306 = arith.andi %ne3A_305, %ne3A_301 : i1
      %add3A_307 = arith.addi %rem3A_299, %select_n3A_298 : i32
      %select_n3A_308 = arith.select %and3A_306, %add3A_307, %rem3A_299 : i32
      %jit3A_309 = arith.constant 21 : i32
      %eq3A_310 = arith.constant 0 : i32
      %eq3A_311 = arith.cmpi eq, %jit3A_309, %eq3A_310 : i32
      %jit3A_312 = arith.constant 1 : i32
      %select_n3A_313 = arith.select %eq3A_311, %jit3A_312, %jit3A_309 : i32
      %rem3A_314 = arith.remsi %add3A_277, %select_n3A_313 : i32
      %ne3A_315 = arith.constant 0 : i32
      %ne3A_316 = arith.cmpi ne, %rem3A_314, %ne3A_315 : i32
      %lt3A_317 = arith.constant 0 : i32
      %lt3A_318 = arith.cmpi slt, %rem3A_314, %lt3A_317 : i32
      %lt3A_319 = arith.constant 0 : i32
      %lt3A_320 = arith.cmpi slt, %select_n3A_313, %lt3A_319 : i32
      %ne3A_321 = arith.xori %lt3A_318, %lt3A_320 : i1
      %and3A_322 = arith.andi %ne3A_321, %ne3A_316 : i1
      %add3A_323 = arith.addi %rem3A_314, %select_n3A_313 : i32
      %select_n3A_324 = arith.select %and3A_322, %add3A_323, %rem3A_314 : i32
      %dma_wait3A_325 = arith.constant 1 : i32
      %dma_wait3A_326 = arith.constant 1 : i32
      %dma_wait3A_327 = arith.constant 0 : i32
      %dma_wait3A_328 = arith.constant 0 : i32
      %dma_wait3A_329 = tpu.memref_slice %arg9[%dma_wait3A_325, %dma_wait3A_327, %dma_wait3A_328] : memref<3x96x128xf32, #tpu.memory_space<vmem>> -> memref<1x96x128xf32, #tpu.memory_space<vmem>>
      %dma_wait3A_330 = tpu.memref_squeeze %dma_wait3A_329 : memref<1x96x128xf32, #tpu.memory_space<vmem>> -> memref<96x128xf32, #tpu.memory_space<vmem>>
      %dma_wait3A_331 = arith.constant 0 : i32
      %dma_wait3A_332 = tpu.memref_slice %arg7[%select_n3A_308, %select_n3A_324, %dma_wait3A_331] : memref<2x21x96xi32, #tpu.memory_space<vmem>> -> memref<1x1x96xi32, #tpu.memory_space<vmem>>
      %dma_wait3A_333 = tpu.memref_squeeze %dma_wait3A_332 : memref<1x1x96xi32, #tpu.memory_space<vmem>> -> memref<96xi32, #tpu.memory_space<vmem>>
      %dma_wait3A_334 = arith.constant 0 : i32
      %dma_wait3A_335 = arith.constant 0 : i32
      %dma_wait3A_336 = tpu.memref_slice %arg2[%dma_wait3A_334, %dma_wait3A_335] : memref<10000x128xf32, #tpu.memory_space<hbm>> -> memref<10000x128xf32, #tpu.memory_space<hbm>>
      %dma_wait3A_337 = tpu.memref_slice %arg11[%dma_wait3A_326] : memref<3x!tpu.dma_semaphore, #tpu.memory_space<semaphore_mem>> -> memref<1x!tpu.dma_semaphore, #tpu.memory_space<semaphore_mem>>
      %dma_wait3A_338 = tpu.memref_squeeze %dma_wait3A_337 : memref<1x!tpu.dma_semaphore, #tpu.memory_space<semaphore_mem>> -> memref<!tpu.dma_semaphore, #tpu.memory_space<semaphore_mem>>
      tpu.wait_indirect_dma semaphore(%dma_wait3A_338 : memref<!tpu.dma_semaphore, #tpu.memory_space<semaphore_mem>>) src(%dma_wait3A_336 : memref<10000x128xf32, #tpu.memory_space<hbm>>) dst(%dma_wait3A_330 : memref<96x128xf32, #tpu.memory_space<vmem>>)
      %jit3A_339 = arith.constant 21 : i32
      %div3A_340 = arith.divsi %add3A_277, %jit3A_339 : i32
      %sign3A_341 = arith.constant 0 : i32
      %sign3A_342 = arith.cmpi sgt, %add3A_277, %sign3A_341 : i32
      %sign3A_343 = arith.extui %sign3A_342 : i1 to i32
      %sign3A_344 = arith.constant 0 : i32
      %sign3A_345 = arith.cmpi slt, %add3A_277, %sign3A_344 : i32
      %sign3A_346 = arith.extui %sign3A_345 : i1 to i32
      %sign3A_347 = arith.subi %sign3A_343, %sign3A_346 : i32
      %sign3A_348 = arith.constant 0 : i32
      %sign3A_349 = arith.cmpi sgt, %jit3A_339, %sign3A_348 : i32
      %sign3A_350 = arith.extui %sign3A_349 : i1 to i32
      %sign3A_351 = arith.constant 0 : i32
      %sign3A_352 = arith.cmpi slt, %jit3A_339, %sign3A_351 : i32
      %sign3A_353 = arith.extui %sign3A_352 : i1 to i32
      %sign3A_354 = arith.subi %sign3A_350, %sign3A_353 : i32
      %ne3A_355 = arith.cmpi ne, %sign3A_347, %sign3A_354 : i32
      %rem3A_356 = arith.remsi %add3A_277, %jit3A_339 : i32
      %ne3A_357 = arith.constant 0 : i32
      %ne3A_358 = arith.cmpi ne, %rem3A_356, %ne3A_357 : i32
      %and3A_359 = arith.andi %ne3A_355, %ne3A_358 : i1
      %sub3A_360 = arith.constant 1 : i32
      %sub3A_361 = arith.subi %div3A_340, %sub3A_360 : i32
      %select_n3A_362 = arith.select %and3A_359, %sub3A_361, %div3A_340 : i32
      %jit3A_363 = arith.constant 2 : i32
      %eq3A_364 = arith.constant 0 : i32
      %eq3A_365 = arith.cmpi eq, %jit3A_363, %eq3A_364 : i32
      %jit3A_366 = arith.constant 1 : i32
      %select_n3A_367 = arith.select %eq3A_365, %jit3A_366, %jit3A_363 : i32
      %rem3A_368 = arith.remsi %select_n3A_362, %select_n3A_367 : i32
      %ne3A_369 = arith.constant 0 : i32
      %ne3A_370 = arith.cmpi ne, %rem3A_368, %ne3A_369 : i32
      %lt3A_371 = arith.constant 0 : i32
      %lt3A_372 = arith.cmpi slt, %rem3A_368, %lt3A_371 : i32
      %lt3A_373 = arith.constant 0 : i32
      %lt3A_374 = arith.cmpi slt, %select_n3A_367, %lt3A_373 : i32
      %ne3A_375 = arith.xori %lt3A_372, %lt3A_374 : i1
      %and3A_376 = arith.andi %ne3A_375, %ne3A_370 : i1
      %add3A_377 = arith.addi %rem3A_368, %select_n3A_367 : i32
      %select_n3A_378 = arith.select %and3A_376, %add3A_377, %rem3A_368 : i32
      %jit3A_379 = arith.constant 21 : i32
      %eq3A_380 = arith.constant 0 : i32
      %eq3A_381 = arith.cmpi eq, %jit3A_379, %eq3A_380 : i32
      %jit3A_382 = arith.constant 1 : i32
      %select_n3A_383 = arith.select %eq3A_381, %jit3A_382, %jit3A_379 : i32
      %rem3A_384 = arith.remsi %add3A_277, %select_n3A_383 : i32
      %ne3A_385 = arith.constant 0 : i32
      %ne3A_386 = arith.cmpi ne, %rem3A_384, %ne3A_385 : i32
      %lt3A_387 = arith.constant 0 : i32
      %lt3A_388 = arith.cmpi slt, %rem3A_384, %lt3A_387 : i32
      %lt3A_389 = arith.constant 0 : i32
      %lt3A_390 = arith.cmpi slt, %select_n3A_383, %lt3A_389 : i32
      %ne3A_391 = arith.xori %lt3A_388, %lt3A_390 : i1
      %and3A_392 = arith.andi %ne3A_391, %ne3A_386 : i1
      %add3A_393 = arith.addi %rem3A_384, %select_n3A_383 : i32
      %select_n3A_394 = arith.select %and3A_392, %add3A_393, %rem3A_384 : i32
      %dma_start3A_395 = arith.constant 1 : i32
      %dma_start3A_396 = arith.constant 1 : i32
      %dma_start3A_397 = arith.constant 0 : i32
      %dma_start3A_398 = arith.constant 0 : i32
      %dma_start3A_399 = tpu.memref_slice %arg9[%dma_start3A_395, %dma_start3A_397, %dma_start3A_398] : memref<3x96x128xf32, #tpu.memory_space<vmem>> -> memref<1x96x128xf32, #tpu.memory_space<vmem>>
      %dma_start3A_400 = tpu.memref_squeeze %dma_start3A_399 : memref<1x96x128xf32, #tpu.memory_space<vmem>> -> memref<96x128xf32, #tpu.memory_space<vmem>>
      %dma_start3A_401 = arith.constant 0 : i32
      %dma_start3A_402 = tpu.memref_slice %arg8[%select_n3A_378, %select_n3A_394, %dma_start3A_401] : memref<2x21x96xi32, #tpu.memory_space<vmem>> -> memref<1x1x96xi32, #tpu.memory_space<vmem>>
      %dma_start3A_403 = tpu.memref_squeeze %dma_start3A_402 : memref<1x1x96xi32, #tpu.memory_space<vmem>> -> memref<96xi32, #tpu.memory_space<vmem>>
      %dma_start3A_404 = arith.constant 0 : i32
      %dma_start3A_405 = arith.constant 0 : i32
      %dma_start3A_406 = tpu.memref_slice %arg10[%dma_start3A_404, %dma_start3A_405] : memref<10112x128xf32, #tpu.memory_space<vmem_shared>> -> memref<10112x128xf32, #tpu.memory_space<vmem_shared>>
      %dma_start3A_407 = tpu.memref_slice %arg12[%dma_start3A_396] : memref<3x!tpu.dma_semaphore, #tpu.memory_space<semaphore_mem>> -> memref<1x!tpu.dma_semaphore, #tpu.memory_space<semaphore_mem>>
      %dma_start3A_408 = tpu.memref_squeeze %dma_start3A_407 : memref<1x!tpu.dma_semaphore, #tpu.memory_space<semaphore_mem>> -> memref<!tpu.dma_semaphore, #tpu.memory_space<semaphore_mem>>
      tpu.enqueue_indirect_dma source(%dma_start3A_400 : memref<96x128xf32, #tpu.memory_space<vmem>>) target(%dma_start3A_406 : memref<10112x128xf32, #tpu.memory_space<vmem_shared>>) offsets(%dma_start3A_403 : memref<96xi32, #tpu.memory_space<vmem>>) semaphore(%dma_start3A_408 : memref<!tpu.dma_semaphore, #tpu.memory_space<semaphore_mem>>) {add = true}
      %sub3A_409 = arith.constant 1 : i32
      %sub3A_410 = arith.subi %add3A_277, %sub3A_409 : i32
      %jit3A_411 = arith.constant 21 : i32
      %div3A_412 = arith.divsi %sub3A_410, %jit3A_411 : i32
      %sign3A_413 = arith.constant 0 : i32
      %sign3A_414 = arith.cmpi sgt, %sub3A_410, %sign3A_413 : i32
      %sign3A_415 = arith.extui %sign3A_414 : i1 to i32
      %sign3A_416 = arith.constant 0 : i32
      %sign3A_417 = arith.cmpi slt, %sub3A_410, %sign3A_416 : i32
      %sign3A_418 = arith.extui %sign3A_417 : i1 to i32
      %sign3A_419 = arith.subi %sign3A_415, %sign3A_418 : i32
      %sign3A_420 = arith.constant 0 : i32
      %sign3A_421 = arith.cmpi sgt, %jit3A_411, %sign3A_420 : i32
      %sign3A_422 = arith.extui %sign3A_421 : i1 to i32
      %sign3A_423 = arith.constant 0 : i32
      %sign3A_424 = arith.cmpi slt, %jit3A_411, %sign3A_423 : i32
      %sign3A_425 = arith.extui %sign3A_424 : i1 to i32
      %sign3A_426 = arith.subi %sign3A_422, %sign3A_425 : i32
      %ne3A_427 = arith.cmpi ne, %sign3A_419, %sign3A_426 : i32
      %rem3A_428 = arith.remsi %sub3A_410, %jit3A_411 : i32
      %ne3A_429 = arith.constant 0 : i32
      %ne3A_430 = arith.cmpi ne, %rem3A_428, %ne3A_429 : i32
      %and3A_431 = arith.andi %ne3A_427, %ne3A_430 : i1
      %sub3A_432 = arith.constant 1 : i32
      %sub3A_433 = arith.subi %div3A_412, %sub3A_432 : i32
      %select_n3A_434 = arith.select %and3A_431, %sub3A_433, %div3A_412 : i32
      %jit3A_435 = arith.constant 2 : i32
      %eq3A_436 = arith.constant 0 : i32
      %eq3A_437 = arith.cmpi eq, %jit3A_435, %eq3A_436 : i32
      %jit3A_438 = arith.constant 1 : i32
      %select_n3A_439 = arith.select %eq3A_437, %jit3A_438, %jit3A_435 : i32
      %rem3A_440 = arith.remsi %select_n3A_434, %select_n3A_439 : i32
      %ne3A_441 = arith.constant 0 : i32
      %ne3A_442 = arith.cmpi ne, %rem3A_440, %ne3A_441 : i32
      %lt3A_443 = arith.constant 0 : i32
      %lt3A_444 = arith.cmpi slt, %rem3A_440, %lt3A_443 : i32
      %lt3A_445 = arith.constant 0 : i32
      %lt3A_446 = arith.cmpi slt, %select_n3A_439, %lt3A_445 : i32
      %ne3A_447 = arith.xori %lt3A_444, %lt3A_446 : i1
      %and3A_448 = arith.andi %ne3A_447, %ne3A_442 : i1
      %add3A_449 = arith.addi %rem3A_440, %select_n3A_439 : i32
      %select_n3A_450 = arith.select %and3A_448, %add3A_449, %rem3A_440 : i32
      %jit3A_451 = arith.constant 21 : i32
      %eq3A_452 = arith.constant 0 : i32
      %eq3A_453 = arith.cmpi eq, %jit3A_451, %eq3A_452 : i32
      %jit3A_454 = arith.constant 1 : i32
      %select_n3A_455 = arith.select %eq3A_453, %jit3A_454, %jit3A_451 : i32
      %rem3A_456 = arith.remsi %sub3A_410, %select_n3A_455 : i32
      %ne3A_457 = arith.constant 0 : i32
      %ne3A_458 = arith.cmpi ne, %rem3A_456, %ne3A_457 : i32
      %lt3A_459 = arith.constant 0 : i32
      %lt3A_460 = arith.cmpi slt, %rem3A_456, %lt3A_459 : i32
      %lt3A_461 = arith.constant 0 : i32
      %lt3A_462 = arith.cmpi slt, %select_n3A_455, %lt3A_461 : i32
      %ne3A_463 = arith.xori %lt3A_460, %lt3A_462 : i1
      %and3A_464 = arith.andi %ne3A_463, %ne3A_458 : i1
      %add3A_465 = arith.addi %rem3A_456, %select_n3A_455 : i32
      %select_n3A_466 = arith.select %and3A_464, %add3A_465, %rem3A_456 : i32
      %dma_wait3A_467 = arith.constant 0 : i32
      %dma_wait3A_468 = arith.constant 0 : i32
      %dma_wait3A_469 = arith.constant 0 : i32
      %dma_wait3A_470 = arith.constant 0 : i32
      %dma_wait3A_471 = tpu.memref_slice %arg9[%dma_wait3A_467, %dma_wait3A_469, %dma_wait3A_470] : memref<3x96x128xf32, #tpu.memory_space<vmem>> -> memref<1x96x128xf32, #tpu.memory_space<vmem>>
      %dma_wait3A_472 = tpu.memref_squeeze %dma_wait3A_471 : memref<1x96x128xf32, #tpu.memory_space<vmem>> -> memref<96x128xf32, #tpu.memory_space<vmem>>
      %dma_wait3A_473 = arith.constant 0 : i32
      %dma_wait3A_474 = tpu.memref_slice %arg8[%select_n3A_450, %select_n3A_466, %dma_wait3A_473] : memref<2x21x96xi32, #tpu.memory_space<vmem>> -> memref<1x1x96xi32, #tpu.memory_space<vmem>>
      %dma_wait3A_475 = tpu.memref_squeeze %dma_wait3A_474 : memref<1x1x96xi32, #tpu.memory_space<vmem>> -> memref<96xi32, #tpu.memory_space<vmem>>
      %dma_wait3A_476 = arith.constant 0 : i32
      %dma_wait3A_477 = arith.constant 0 : i32
      %dma_wait3A_478 = tpu.memref_slice %arg10[%dma_wait3A_476, %dma_wait3A_477] : memref<10112x128xf32, #tpu.memory_space<vmem_shared>> -> memref<10112x128xf32, #tpu.memory_space<vmem_shared>>
      %dma_wait3A_479 = tpu.memref_slice %arg12[%dma_wait3A_468] : memref<3x!tpu.dma_semaphore, #tpu.memory_space<semaphore_mem>> -> memref<1x!tpu.dma_semaphore, #tpu.memory_space<semaphore_mem>>
      %dma_wait3A_480 = tpu.memref_squeeze %dma_wait3A_479 : memref<1x!tpu.dma_semaphore, #tpu.memory_space<semaphore_mem>> -> memref<!tpu.dma_semaphore, #tpu.memory_space<semaphore_mem>>
      tpu.wait_indirect_dma semaphore(%dma_wait3A_480 : memref<!tpu.dma_semaphore, #tpu.memory_space<semaphore_mem>>) src(%dma_wait3A_472 : memref<96x128xf32, #tpu.memory_space<vmem>>) dst(%dma_wait3A_478 : memref<10112x128xf32, #tpu.memory_space<vmem_shared>>)
      %jit3A_481 = arith.constant 21 : i32
      %div3A_482 = arith.divsi %add3A_277, %jit3A_481 : i32
      %sign3A_483 = arith.constant 0 : i32
      %sign3A_484 = arith.cmpi sgt, %add3A_277, %sign3A_483 : i32
      %sign3A_485 = arith.extui %sign3A_484 : i1 to i32
      %sign3A_486 = arith.constant 0 : i32
      %sign3A_487 = arith.cmpi slt, %add3A_277, %sign3A_486 : i32
      %sign3A_488 = arith.extui %sign3A_487 : i1 to i32
      %sign3A_489 = arith.subi %sign3A_485, %sign3A_488 : i32
      %sign3A_490 = arith.constant 0 : i32
      %sign3A_491 = arith.cmpi sgt, %jit3A_481, %sign3A_490 : i32
      %sign3A_492 = arith.extui %sign3A_491 : i1 to i32
      %sign3A_493 = arith.constant 0 : i32
      %sign3A_494 = arith.cmpi slt, %jit3A_481, %sign3A_493 : i32
      %sign3A_495 = arith.extui %sign3A_494 : i1 to i32
      %sign3A_496 = arith.subi %sign3A_492, %sign3A_495 : i32
      %ne3A_497 = arith.cmpi ne, %sign3A_489, %sign3A_496 : i32
      %rem3A_498 = arith.remsi %add3A_277, %jit3A_481 : i32
      %ne3A_499 = arith.constant 0 : i32
      %ne3A_500 = arith.cmpi ne, %rem3A_498, %ne3A_499 : i32
      %and3A_501 = arith.andi %ne3A_497, %ne3A_500 : i1
      %sub3A_502 = arith.constant 1 : i32
      %sub3A_503 = arith.subi %div3A_482, %sub3A_502 : i32
      %select_n3A_504 = arith.select %and3A_501, %sub3A_503, %div3A_482 : i32
      %jit3A_505 = arith.constant 2 : i32
      %eq3A_506 = arith.constant 0 : i32
      %eq3A_507 = arith.cmpi eq, %jit3A_505, %eq3A_506 : i32
      %jit3A_508 = arith.constant 1 : i32
      %select_n3A_509 = arith.select %eq3A_507, %jit3A_508, %jit3A_505 : i32
      %rem3A_510 = arith.remsi %select_n3A_504, %select_n3A_509 : i32
      %ne3A_511 = arith.constant 0 : i32
      %ne3A_512 = arith.cmpi ne, %rem3A_510, %ne3A_511 : i32
      %lt3A_513 = arith.constant 0 : i32
      %lt3A_514 = arith.cmpi slt, %rem3A_510, %lt3A_513 : i32
      %lt3A_515 = arith.constant 0 : i32
      %lt3A_516 = arith.cmpi slt, %select_n3A_509, %lt3A_515 : i32
      %ne3A_517 = arith.xori %lt3A_514, %lt3A_516 : i1
      %and3A_518 = arith.andi %ne3A_517, %ne3A_512 : i1
      %add3A_519 = arith.addi %rem3A_510, %select_n3A_509 : i32
      %select_n3A_520 = arith.select %and3A_518, %add3A_519, %rem3A_510 : i32
      %jit3A_521 = arith.constant 21 : i32
      %eq3A_522 = arith.constant 0 : i32
      %eq3A_523 = arith.cmpi eq, %jit3A_521, %eq3A_522 : i32
      %jit3A_524 = arith.constant 1 : i32
      %select_n3A_525 = arith.select %eq3A_523, %jit3A_524, %jit3A_521 : i32
      %rem3A_526 = arith.remsi %add3A_277, %select_n3A_525 : i32
      %ne3A_527 = arith.constant 0 : i32
      %ne3A_528 = arith.cmpi ne, %rem3A_526, %ne3A_527 : i32
      %lt3A_529 = arith.constant 0 : i32
      %lt3A_530 = arith.cmpi slt, %rem3A_526, %lt3A_529 : i32
      %lt3A_531 = arith.constant 0 : i32
      %lt3A_532 = arith.cmpi slt, %select_n3A_525, %lt3A_531 : i32
      %ne3A_533 = arith.xori %lt3A_530, %lt3A_532 : i1
      %and3A_534 = arith.andi %ne3A_533, %ne3A_528 : i1
      %add3A_535 = arith.addi %rem3A_526, %select_n3A_525 : i32
      %select_n3A_536 = arith.select %and3A_534, %add3A_535, %rem3A_526 : i32
      %eq3A_537 = arith.constant 0 : i32
      %eq3A_538 = arith.cmpi eq, %select_n3A_536, %eq3A_537 : i32
      %lt3A_539 = arith.constant 64 : i32
      %lt3A_540 = arith.cmpi slt, %add3A_277, %lt3A_539 : i32
      %and3A_541 = arith.andi %eq3A_538, %lt3A_540 : i1
      %convert_element_type3A_542 = arith.extui %and3A_541 : i1 to i32
      %cond3A_543 = arith.constant 0 : i32
      %cond3A_544 = arith.cmpi ne, %convert_element_type3A_542, %cond3A_543 : i32
      scf.if %cond3A_544 {
        %jit3A_1340 = arith.constant 21 : i32
        %div3A_1341 = arith.divsi %add3A_277, %jit3A_1340 : i32
        %sign3A_1342 = arith.constant 0 : i32
        %sign3A_1343 = arith.cmpi sgt, %add3A_277, %sign3A_1342 : i32
        %sign3A_1344 = arith.extui %sign3A_1343 : i1 to i32
        %sign3A_1345 = arith.constant 0 : i32
        %sign3A_1346 = arith.cmpi slt, %add3A_277, %sign3A_1345 : i32
        %sign3A_1347 = arith.extui %sign3A_1346 : i1 to i32
        %sign3A_1348 = arith.subi %sign3A_1344, %sign3A_1347 : i32
        %sign3A_1349 = arith.constant 0 : i32
        %sign3A_1350 = arith.cmpi sgt, %jit3A_1340, %sign3A_1349 : i32
        %sign3A_1351 = arith.extui %sign3A_1350 : i1 to i32
        %sign3A_1352 = arith.constant 0 : i32
        %sign3A_1353 = arith.cmpi slt, %jit3A_1340, %sign3A_1352 : i32
        %sign3A_1354 = arith.extui %sign3A_1353 : i1 to i32
        %sign3A_1355 = arith.subi %sign3A_1351, %sign3A_1354 : i32
        %ne3A_1356 = arith.cmpi ne, %sign3A_1348, %sign3A_1355 : i32
        %rem3A_1357 = arith.remsi %add3A_277, %jit3A_1340 : i32
        %ne3A_1358 = arith.constant 0 : i32
        %ne3A_1359 = arith.cmpi ne, %rem3A_1357, %ne3A_1358 : i32
        %and3A_1360 = arith.andi %ne3A_1356, %ne3A_1359 : i1
        %sub3A_1361 = arith.constant 1 : i32
        %sub3A_1362 = arith.subi %div3A_1341, %sub3A_1361 : i32
        %select_n3A_1363 = arith.select %and3A_1360, %sub3A_1362, %div3A_1341 : i32
        %add3A_1364 = arith.constant 1 : i32
        %add3A_1365 = arith.addi %select_n3A_1363, %add3A_1364 : i32
        %add3A_1366 = arith.constant 1 : i32
        %add3A_1367 = arith.addi %select_n3A_520, %add3A_1366 : i32
        %jit3A_1368 = arith.constant 2 : i32
        %eq3A_1369 = arith.constant 0 : i32
        %eq3A_1370 = arith.cmpi eq, %jit3A_1368, %eq3A_1369 : i32
        %jit3A_1371 = arith.constant 1 : i32
        %select_n3A_1372 = arith.select %eq3A_1370, %jit3A_1371, %jit3A_1368 : i32
        %rem3A_1373 = arith.remsi %add3A_1367, %select_n3A_1372 : i32
        %ne3A_1374 = arith.constant 0 : i32
        %ne3A_1375 = arith.cmpi ne, %rem3A_1373, %ne3A_1374 : i32
        %lt3A_1376 = arith.constant 0 : i32
        %lt3A_1377 = arith.cmpi slt, %rem3A_1373, %lt3A_1376 : i32
        %lt3A_1378 = arith.constant 0 : i32
        %lt3A_1379 = arith.cmpi slt, %select_n3A_1372, %lt3A_1378 : i32
        %ne3A_1380 = arith.xori %lt3A_1377, %lt3A_1379 : i1
        %and3A_1381 = arith.andi %ne3A_1380, %ne3A_1375 : i1
        %add3A_1382 = arith.addi %rem3A_1373, %select_n3A_1372 : i32
        %select_n3A_1383 = arith.select %and3A_1381, %add3A_1382, %rem3A_1373 : i32
        %mul3A_1384 = arith.constant 5 : i32
        %mul3A_1385 = arith.muli %add3A, %mul3A_1384 : i32
        %add3A_1386 = arith.addi %mul3A_1385, %add3A_1365 : i32
        %dma_start3A_1387 = arith.constant 0 : i32
        %dma_start3A_1388 = arith.constant 0 : i32
        %dma_start3A_1389 = tpu.memref_slice %arg7[%select_n3A_1383, %dma_start3A_1387, %dma_start3A_1388] : memref<2x21x96xi32, #tpu.memory_space<vmem>> -> memref<1x21x96xi32, #tpu.memory_space<vmem>>
        %dma_start3A_1390 = tpu.memref_squeeze %dma_start3A_1389 : memref<1x21x96xi32, #tpu.memory_space<vmem>> -> memref<21x96xi32, #tpu.memory_space<vmem>>
        %dma_start3A_1391 = arith.constant 0 : i32
        %dma_start3A_1392 = arith.constant 0 : i32
        %dma_start3A_1393 = tpu.memref_slice %arg3[%add3A_1386, %dma_start3A_1391, %dma_start3A_1392] : memref<160x21x96xi32, #tpu.memory_space<hbm>> -> memref<1x21x96xi32, #tpu.memory_space<hbm>>
        %dma_start3A_1394 = tpu.memref_squeeze %dma_start3A_1393 : memref<1x21x96xi32, #tpu.memory_space<hbm>> -> memref<21x96xi32, #tpu.memory_space<hbm>>
        %dma_start3A_1395 = tpu.memref_slice %arg13[%select_n3A_1383] : memref<2x!tpu.dma_semaphore, #tpu.memory_space<semaphore_mem>> -> memref<1x!tpu.dma_semaphore, #tpu.memory_space<semaphore_mem>>
        %dma_start3A_1396 = tpu.memref_squeeze %dma_start3A_1395 : memref<1x!tpu.dma_semaphore, #tpu.memory_space<semaphore_mem>> -> memref<!tpu.dma_semaphore, #tpu.memory_space<semaphore_mem>>
        %dma_start3A_1397 = arith.constant 0 : i32
        %dma_start3A_1398 = arith.constant 0 : i32
        %dma_start3A_1399 = tpu.memref_slice %arg7[%select_n3A_1383, %dma_start3A_1397, %dma_start3A_1398] : memref<2x21x96xi32, #tpu.memory_space<vmem>> -> memref<1x21x96xi32, #tpu.memory_space<vmem>>
        %dma_start3A_1400 = tpu.memref_squeeze %dma_start3A_1399 : memref<1x21x96xi32, #tpu.memory_space<vmem>> -> memref<21x96xi32, #tpu.memory_space<vmem>>
        %dma_start3A_1401 = arith.constant 0 : i32
        %dma_start3A_1402 = arith.constant 0 : i32
        %dma_start3A_1403 = tpu.memref_slice %arg3[%add3A_1386, %dma_start3A_1401, %dma_start3A_1402] : memref<160x21x96xi32, #tpu.memory_space<hbm>> -> memref<1x21x96xi32, #tpu.memory_space<hbm>>
        %dma_start3A_1404 = tpu.memref_squeeze %dma_start3A_1403 : memref<1x21x96xi32, #tpu.memory_space<hbm>> -> memref<21x96xi32, #tpu.memory_space<hbm>>
        tpu.enqueue_dma source(%dma_start3A_1404 : memref<21x96xi32, #tpu.memory_space<hbm>>) target(%dma_start3A_1400 : memref<21x96xi32, #tpu.memory_space<vmem>>) target_semaphore(%dma_start3A_1396 : memref<!tpu.dma_semaphore, #tpu.memory_space<semaphore_mem>>)
        %mul3A_1405 = arith.constant 5 : i32
        %mul3A_1406 = arith.muli %add3A, %mul3A_1405 : i32
        %add3A_1407 = arith.addi %mul3A_1406, %add3A_1365 : i32
        %dma_start3A_1408 = arith.constant 0 : i32
        %dma_start3A_1409 = arith.constant 0 : i32
        %dma_start3A_1410 = tpu.memref_slice %arg8[%select_n3A_1383, %dma_start3A_1408, %dma_start3A_1409] : memref<2x21x96xi32, #tpu.memory_space<vmem>> -> memref<1x21x96xi32, #tpu.memory_space<vmem>>
        %dma_start3A_1411 = tpu.memref_squeeze %dma_start3A_1410 : memref<1x21x96xi32, #tpu.memory_space<vmem>> -> memref<21x96xi32, #tpu.memory_space<vmem>>
        %dma_start3A_1412 = arith.constant 0 : i32
        %dma_start3A_1413 = arith.constant 0 : i32
        %dma_start3A_1414 = tpu.memref_slice %arg4[%add3A_1407, %dma_start3A_1412, %dma_start3A_1413] : memref<160x21x96xi32, #tpu.memory_space<hbm>> -> memref<1x21x96xi32, #tpu.memory_space<hbm>>
        %dma_start3A_1415 = tpu.memref_squeeze %dma_start3A_1414 : memref<1x21x96xi32, #tpu.memory_space<hbm>> -> memref<21x96xi32, #tpu.memory_space<hbm>>
        %dma_start3A_1416 = tpu.memref_slice %arg13[%select_n3A_1383] : memref<2x!tpu.dma_semaphore, #tpu.memory_space<semaphore_mem>> -> memref<1x!tpu.dma_semaphore, #tpu.memory_space<semaphore_mem>>
        %dma_start3A_1417 = tpu.memref_squeeze %dma_start3A_1416 : memref<1x!tpu.dma_semaphore, #tpu.memory_space<semaphore_mem>> -> memref<!tpu.dma_semaphore, #tpu.memory_space<semaphore_mem>>
        %dma_start3A_1418 = arith.constant 0 : i32
        %dma_start3A_1419 = arith.constant 0 : i32
        %dma_start3A_1420 = tpu.memref_slice %arg8[%select_n3A_1383, %dma_start3A_1418, %dma_start3A_1419] : memref<2x21x96xi32, #tpu.memory_space<vmem>> -> memref<1x21x96xi32, #tpu.memory_space<vmem>>
        %dma_start3A_1421 = tpu.memref_squeeze %dma_start3A_1420 : memref<1x21x96xi32, #tpu.memory_space<vmem>> -> memref<21x96xi32, #tpu.memory_space<vmem>>
        %dma_start3A_1422 = arith.constant 0 : i32
        %dma_start3A_1423 = arith.constant 0 : i32
        %dma_start3A_1424 = tpu.memref_slice %arg4[%add3A_1407, %dma_start3A_1422, %dma_start3A_1423] : memref<160x21x96xi32, #tpu.memory_space<hbm>> -> memref<1x21x96xi32, #tpu.memory_space<hbm>>
        %dma_start3A_1425 = tpu.memref_squeeze %dma_start3A_1424 : memref<1x21x96xi32, #tpu.memory_space<hbm>> -> memref<21x96xi32, #tpu.memory_space<hbm>>
        tpu.enqueue_dma source(%dma_start3A_1425 : memref<21x96xi32, #tpu.memory_space<hbm>>) target(%dma_start3A_1421 : memref<21x96xi32, #tpu.memory_space<vmem>>) target_semaphore(%dma_start3A_1417 : memref<!tpu.dma_semaphore, #tpu.memory_space<semaphore_mem>>)
      } else {
      }
      %eq3A_545 = arith.constant 19 : i32
      %eq3A_546 = arith.cmpi eq, %select_n3A_536, %eq3A_545 : i32
      %convert_element_type3A_547 = arith.extui %eq3A_546 : i1 to i32
      %cond3A_548 = arith.constant 0 : i32
      %cond3A_549 = arith.cmpi ne, %convert_element_type3A_547, %cond3A_548 : i32
      scf.if %cond3A_549 {
        %add3A_1340 = arith.constant 1 : i32
        %add3A_1341 = arith.addi %select_n3A_520, %add3A_1340 : i32
        %jit3A_1342 = arith.constant 2 : i32
        %eq3A_1343 = arith.constant 0 : i32
        %eq3A_1344 = arith.cmpi eq, %jit3A_1342, %eq3A_1343 : i32
        %jit3A_1345 = arith.constant 1 : i32
        %select_n3A_1346 = arith.select %eq3A_1344, %jit3A_1345, %jit3A_1342 : i32
        %rem3A_1347 = arith.remsi %add3A_1341, %select_n3A_1346 : i32
        %ne3A_1348 = arith.constant 0 : i32
        %ne3A_1349 = arith.cmpi ne, %rem3A_1347, %ne3A_1348 : i32
        %lt3A_1350 = arith.constant 0 : i32
        %lt3A_1351 = arith.cmpi slt, %rem3A_1347, %lt3A_1350 : i32
        %lt3A_1352 = arith.constant 0 : i32
        %lt3A_1353 = arith.cmpi slt, %select_n3A_1346, %lt3A_1352 : i32
        %ne3A_1354 = arith.xori %lt3A_1351, %lt3A_1353 : i1
        %and3A_1355 = arith.andi %ne3A_1354, %ne3A_1349 : i1
        %add3A_1356 = arith.addi %rem3A_1347, %select_n3A_1346 : i32
        %select_n3A_1357 = arith.select %and3A_1355, %add3A_1356, %rem3A_1347 : i32
        %mul3A_1358 = arith.constant 5 : i32
        %mul3A_1359 = arith.muli %add3A, %mul3A_1358 : i32
        %dma_wait3A_1360 = arith.constant 0 : i32
        %dma_wait3A_1361 = arith.constant 0 : i32
        %dma_wait3A_1362 = tpu.memref_slice %arg7[%select_n3A_1357, %dma_wait3A_1360, %dma_wait3A_1361] : memref<2x21x96xi32, #tpu.memory_space<vmem>> -> memref<1x21x96xi32, #tpu.memory_space<vmem>>
        %dma_wait3A_1363 = tpu.memref_squeeze %dma_wait3A_1362 : memref<1x21x96xi32, #tpu.memory_space<vmem>> -> memref<21x96xi32, #tpu.memory_space<vmem>>
        %dma_wait3A_1364 = arith.constant 0 : i32
        %dma_wait3A_1365 = arith.constant 0 : i32
        %dma_wait3A_1366 = tpu.memref_slice %arg3[%mul3A_1359, %dma_wait3A_1364, %dma_wait3A_1365] : memref<160x21x96xi32, #tpu.memory_space<hbm>> -> memref<1x21x96xi32, #tpu.memory_space<hbm>>
        %dma_wait3A_1367 = tpu.memref_squeeze %dma_wait3A_1366 : memref<1x21x96xi32, #tpu.memory_space<hbm>> -> memref<21x96xi32, #tpu.memory_space<hbm>>
        %dma_wait3A_1368 = tpu.memref_slice %arg13[%select_n3A_1357] : memref<2x!tpu.dma_semaphore, #tpu.memory_space<semaphore_mem>> -> memref<1x!tpu.dma_semaphore, #tpu.memory_space<semaphore_mem>>
        %dma_wait3A_1369 = tpu.memref_squeeze %dma_wait3A_1368 : memref<1x!tpu.dma_semaphore, #tpu.memory_space<semaphore_mem>> -> memref<!tpu.dma_semaphore, #tpu.memory_space<semaphore_mem>>
        %dma_wait3A_1370 = arith.constant 0 : i32
        %dma_wait3A_1371 = arith.constant 0 : i32
        %dma_wait3A_1372 = tpu.memref_slice %arg7[%select_n3A_1357, %dma_wait3A_1370, %dma_wait3A_1371] : memref<2x21x96xi32, #tpu.memory_space<vmem>> -> memref<1x21x96xi32, #tpu.memory_space<vmem>>
        %dma_wait3A_1373 = tpu.memref_squeeze %dma_wait3A_1372 : memref<1x21x96xi32, #tpu.memory_space<vmem>> -> memref<21x96xi32, #tpu.memory_space<vmem>>
        %dma_wait3A_1374 = arith.constant 0 : i32
        %dma_wait3A_1375 = arith.constant 0 : i32
        %dma_wait3A_1376 = tpu.memref_slice %arg3[%mul3A_1359, %dma_wait3A_1374, %dma_wait3A_1375] : memref<160x21x96xi32, #tpu.memory_space<hbm>> -> memref<1x21x96xi32, #tpu.memory_space<hbm>>
        %dma_wait3A_1377 = tpu.memref_squeeze %dma_wait3A_1376 : memref<1x21x96xi32, #tpu.memory_space<hbm>> -> memref<21x96xi32, #tpu.memory_space<hbm>>
        tpu.wait_dma2 semaphore(%dma_wait3A_1369 : memref<!tpu.dma_semaphore, #tpu.memory_space<semaphore_mem>>) src(%dma_wait3A_1377 : memref<21x96xi32, #tpu.memory_space<hbm>>) dst(%dma_wait3A_1373 : memref<21x96xi32, #tpu.memory_space<vmem>>)
        %mul3A_1378 = arith.constant 5 : i32
        %mul3A_1379 = arith.muli %add3A, %mul3A_1378 : i32
        %dma_wait3A_1380 = arith.constant 0 : i32
        %dma_wait3A_1381 = arith.constant 0 : i32
        %dma_wait3A_1382 = tpu.memref_slice %arg8[%select_n3A_1357, %dma_wait3A_1380, %dma_wait3A_1381] : memref<2x21x96xi32, #tpu.memory_space<vmem>> -> memref<1x21x96xi32, #tpu.memory_space<vmem>>
        %dma_wait3A_1383 = tpu.memref_squeeze %dma_wait3A_1382 : memref<1x21x96xi32, #tpu.memory_space<vmem>> -> memref<21x96xi32, #tpu.memory_space<vmem>>
        %dma_wait3A_1384 = arith.constant 0 : i32
        %dma_wait3A_1385 = arith.constant 0 : i32
        %dma_wait3A_1386 = tpu.memref_slice %arg4[%mul3A_1379, %dma_wait3A_1384, %dma_wait3A_1385] : memref<160x21x96xi32, #tpu.memory_space<hbm>> -> memref<1x21x96xi32, #tpu.memory_space<hbm>>
        %dma_wait3A_1387 = tpu.memref_squeeze %dma_wait3A_1386 : memref<1x21x96xi32, #tpu.memory_space<hbm>> -> memref<21x96xi32, #tpu.memory_space<hbm>>
        %dma_wait3A_1388 = tpu.memref_slice %arg13[%select_n3A_1357] : memref<2x!tpu.dma_semaphore, #tpu.memory_space<semaphore_mem>> -> memref<1x!tpu.dma_semaphore, #tpu.memory_space<semaphore_mem>>
        %dma_wait3A_1389 = tpu.memref_squeeze %dma_wait3A_1388 : memref<1x!tpu.dma_semaphore, #tpu.memory_space<semaphore_mem>> -> memref<!tpu.dma_semaphore, #tpu.memory_space<semaphore_mem>>
        %dma_wait3A_1390 = arith.constant 0 : i32
        %dma_wait3A_1391 = arith.constant 0 : i32
        %dma_wait3A_1392 = tpu.memref_slice %arg8[%select_n3A_1357, %dma_wait3A_1390, %dma_wait3A_1391] : memref<2x21x96xi32, #tpu.memory_space<vmem>> -> memref<1x21x96xi32, #tpu.memory_space<vmem>>
        %dma_wait3A_1393 = tpu.memref_squeeze %dma_wait3A_1392 : memref<1x21x96xi32, #tpu.memory_space<vmem>> -> memref<21x96xi32, #tpu.memory_space<vmem>>
        %dma_wait3A_1394 = arith.constant 0 : i32
        %dma_wait3A_1395 = arith.constant 0 : i32
        %dma_wait3A_1396 = tpu.memref_slice %arg4[%mul3A_1379, %dma_wait3A_1394, %dma_wait3A_1395] : memref<160x21x96xi32, #tpu.memory_space<hbm>> -> memref<1x21x96xi32, #tpu.memory_space<hbm>>
        %dma_wait3A_1397 = tpu.memref_squeeze %dma_wait3A_1396 : memref<1x21x96xi32, #tpu.memory_space<hbm>> -> memref<21x96xi32, #tpu.memory_space<hbm>>
        tpu.wait_dma2 semaphore(%dma_wait3A_1389 : memref<!tpu.dma_semaphore, #tpu.memory_space<semaphore_mem>>) src(%dma_wait3A_1397 : memref<21x96xi32, #tpu.memory_space<hbm>>) dst(%dma_wait3A_1393 : memref<21x96xi32, #tpu.memory_space<vmem>>)
      } else {
      }
      %add3A_550 = arith.constant 2 : i32
      %add3A_551 = arith.addi %add3A_277, %add3A_550 : i32
      %jit3A_552 = arith.constant 21 : i32
      %div3A_553 = arith.divsi %add3A_551, %jit3A_552 : i32
      %sign3A_554 = arith.constant 0 : i32
      %sign3A_555 = arith.cmpi sgt, %add3A_551, %sign3A_554 : i32
      %sign3A_556 = arith.extui %sign3A_555 : i1 to i32
      %sign3A_557 = arith.constant 0 : i32
      %sign3A_558 = arith.cmpi slt, %add3A_551, %sign3A_557 : i32
      %sign3A_559 = arith.extui %sign3A_558 : i1 to i32
      %sign3A_560 = arith.subi %sign3A_556, %sign3A_559 : i32
      %sign3A_561 = arith.constant 0 : i32
      %sign3A_562 = arith.cmpi sgt, %jit3A_552, %sign3A_561 : i32
      %sign3A_563 = arith.extui %sign3A_562 : i1 to i32
      %sign3A_564 = arith.constant 0 : i32
      %sign3A_565 = arith.cmpi slt, %jit3A_552, %sign3A_564 : i32
      %sign3A_566 = arith.extui %sign3A_565 : i1 to i32
      %sign3A_567 = arith.subi %sign3A_563, %sign3A_566 : i32
      %ne3A_568 = arith.cmpi ne, %sign3A_560, %sign3A_567 : i32
      %rem3A_569 = arith.remsi %add3A_551, %jit3A_552 : i32
      %ne3A_570 = arith.constant 0 : i32
      %ne3A_571 = arith.cmpi ne, %rem3A_569, %ne3A_570 : i32
      %and3A_572 = arith.andi %ne3A_568, %ne3A_571 : i1
      %sub3A_573 = arith.constant 1 : i32
      %sub3A_574 = arith.subi %div3A_553, %sub3A_573 : i32
      %select_n3A_575 = arith.select %and3A_572, %sub3A_574, %div3A_553 : i32
      %jit3A_576 = arith.constant 2 : i32
      %eq3A_577 = arith.constant 0 : i32
      %eq3A_578 = arith.cmpi eq, %jit3A_576, %eq3A_577 : i32
      %jit3A_579 = arith.constant 1 : i32
      %select_n3A_580 = arith.select %eq3A_578, %jit3A_579, %jit3A_576 : i32
      %rem3A_581 = arith.remsi %select_n3A_575, %select_n3A_580 : i32
      %ne3A_582 = arith.constant 0 : i32
      %ne3A_583 = arith.cmpi ne, %rem3A_581, %ne3A_582 : i32
      %lt3A_584 = arith.constant 0 : i32
      %lt3A_585 = arith.cmpi slt, %rem3A_581, %lt3A_584 : i32
      %lt3A_586 = arith.constant 0 : i32
      %lt3A_587 = arith.cmpi slt, %select_n3A_580, %lt3A_586 : i32
      %ne3A_588 = arith.xori %lt3A_585, %lt3A_587 : i1
      %and3A_589 = arith.andi %ne3A_588, %ne3A_583 : i1
      %add3A_590 = arith.addi %rem3A_581, %select_n3A_580 : i32
      %select_n3A_591 = arith.select %and3A_589, %add3A_590, %rem3A_581 : i32
      %jit3A_592 = arith.constant 21 : i32
      %eq3A_593 = arith.constant 0 : i32
      %eq3A_594 = arith.cmpi eq, %jit3A_592, %eq3A_593 : i32
      %jit3A_595 = arith.constant 1 : i32
      %select_n3A_596 = arith.select %eq3A_594, %jit3A_595, %jit3A_592 : i32
      %rem3A_597 = arith.remsi %add3A_551, %select_n3A_596 : i32
      %ne3A_598 = arith.constant 0 : i32
      %ne3A_599 = arith.cmpi ne, %rem3A_597, %ne3A_598 : i32
      %lt3A_600 = arith.constant 0 : i32
      %lt3A_601 = arith.cmpi slt, %rem3A_597, %lt3A_600 : i32
      %lt3A_602 = arith.constant 0 : i32
      %lt3A_603 = arith.cmpi slt, %select_n3A_596, %lt3A_602 : i32
      %ne3A_604 = arith.xori %lt3A_601, %lt3A_603 : i1
      %and3A_605 = arith.andi %ne3A_604, %ne3A_599 : i1
      %add3A_606 = arith.addi %rem3A_597, %select_n3A_596 : i32
      %select_n3A_607 = arith.select %and3A_605, %add3A_606, %rem3A_597 : i32
      %dma_start3A_608 = arith.constant 0 : i32
      %dma_start3A_609 = arith.constant 0 : i32
      %dma_start3A_610 = arith.constant 0 : i32
      %dma_start3A_611 = arith.constant 0 : i32
      %dma_start3A_612 = tpu.memref_slice %arg9[%dma_start3A_608, %dma_start3A_610, %dma_start3A_611] : memref<3x96x128xf32, #tpu.memory_space<vmem>> -> memref<1x96x128xf32, #tpu.memory_space<vmem>>
      %dma_start3A_613 = tpu.memref_squeeze %dma_start3A_612 : memref<1x96x128xf32, #tpu.memory_space<vmem>> -> memref<96x128xf32, #tpu.memory_space<vmem>>
      %dma_start3A_614 = arith.constant 0 : i32
      %dma_start3A_615 = tpu.memref_slice %arg7[%select_n3A_591, %select_n3A_607, %dma_start3A_614] : memref<2x21x96xi32, #tpu.memory_space<vmem>> -> memref<1x1x96xi32, #tpu.memory_space<vmem>>
      %dma_start3A_616 = tpu.memref_squeeze %dma_start3A_615 : memref<1x1x96xi32, #tpu.memory_space<vmem>> -> memref<96xi32, #tpu.memory_space<vmem>>
      %dma_start3A_617 = arith.constant 0 : i32
      %dma_start3A_618 = arith.constant 0 : i32
      %dma_start3A_619 = tpu.memref_slice %arg2[%dma_start3A_617, %dma_start3A_618] : memref<10000x128xf32, #tpu.memory_space<hbm>> -> memref<10000x128xf32, #tpu.memory_space<hbm>>
      %dma_start3A_620 = tpu.memref_slice %arg11[%dma_start3A_609] : memref<3x!tpu.dma_semaphore, #tpu.memory_space<semaphore_mem>> -> memref<1x!tpu.dma_semaphore, #tpu.memory_space<semaphore_mem>>
      %dma_start3A_621 = tpu.memref_squeeze %dma_start3A_620 : memref<1x!tpu.dma_semaphore, #tpu.memory_space<semaphore_mem>> -> memref<!tpu.dma_semaphore, #tpu.memory_space<semaphore_mem>>
      tpu.enqueue_indirect_dma source(%dma_start3A_619 : memref<10000x128xf32, #tpu.memory_space<hbm>>) target(%dma_start3A_613 : memref<96x128xf32, #tpu.memory_space<vmem>>) offsets(%dma_start3A_616 : memref<96xi32, #tpu.memory_space<vmem>>) semaphore(%dma_start3A_621 : memref<!tpu.dma_semaphore, #tpu.memory_space<semaphore_mem>>)
      %mul3A_622 = arith.constant 3 : i32
      %mul3A_623 = arith.muli %mul3A_622, %scan3A_271 : i32
      %add3A_624 = arith.constant 1 : i32
      %add3A_625 = arith.addi %add3A_624, %mul3A_623 : i32
      %add3A_626 = arith.constant 1 : i32
      %add3A_627 = arith.addi %add3A_625, %add3A_626 : i32
      %jit3A_628 = arith.constant 21 : i32
      %div3A_629 = arith.divsi %add3A_627, %jit3A_628 : i32
      %sign3A_630 = arith.constant 0 : i32
      %sign3A_631 = arith.cmpi sgt, %add3A_627, %sign3A_630 : i32
      %sign3A_632 = arith.extui %sign3A_631 : i1 to i32
      %sign3A_633 = arith.constant 0 : i32
      %sign3A_634 = arith.cmpi slt, %add3A_627, %sign3A_633 : i32
      %sign3A_635 = arith.extui %sign3A_634 : i1 to i32
      %sign3A_636 = arith.subi %sign3A_632, %sign3A_635 : i32
      %sign3A_637 = arith.constant 0 : i32
      %sign3A_638 = arith.cmpi sgt, %jit3A_628, %sign3A_637 : i32
      %sign3A_639 = arith.extui %sign3A_638 : i1 to i32
      %sign3A_640 = arith.constant 0 : i32
      %sign3A_641 = arith.cmpi slt, %jit3A_628, %sign3A_640 : i32
      %sign3A_642 = arith.extui %sign3A_641 : i1 to i32
      %sign3A_643 = arith.subi %sign3A_639, %sign3A_642 : i32
      %ne3A_644 = arith.cmpi ne, %sign3A_636, %sign3A_643 : i32
      %rem3A_645 = arith.remsi %add3A_627, %jit3A_628 : i32
      %ne3A_646 = arith.constant 0 : i32
      %ne3A_647 = arith.cmpi ne, %rem3A_645, %ne3A_646 : i32
      %and3A_648 = arith.andi %ne3A_644, %ne3A_647 : i1
      %sub3A_649 = arith.constant 1 : i32
      %sub3A_650 = arith.subi %div3A_629, %sub3A_649 : i32
      %select_n3A_651 = arith.select %and3A_648, %sub3A_650, %div3A_629 : i32
      %jit3A_652 = arith.constant 2 : i32
      %eq3A_653 = arith.constant 0 : i32
      %eq3A_654 = arith.cmpi eq, %jit3A_652, %eq3A_653 : i32
      %jit3A_655 = arith.constant 1 : i32
      %select_n3A_656 = arith.select %eq3A_654, %jit3A_655, %jit3A_652 : i32
      %rem3A_657 = arith.remsi %select_n3A_651, %select_n3A_656 : i32
      %ne3A_658 = arith.constant 0 : i32
      %ne3A_659 = arith.cmpi ne, %rem3A_657, %ne3A_658 : i32
      %lt3A_660 = arith.constant 0 : i32
      %lt3A_661 = arith.cmpi slt, %rem3A_657, %lt3A_660 : i32
      %lt3A_662 = arith.constant 0 : i32
      %lt3A_663 = arith.cmpi slt, %select_n3A_656, %lt3A_662 : i32
      %ne3A_664 = arith.xori %lt3A_661, %lt3A_663 : i1
      %and3A_665 = arith.andi %ne3A_664, %ne3A_659 : i1
      %add3A_666 = arith.addi %rem3A_657, %select_n3A_656 : i32
      %select_n3A_667 = arith.select %and3A_665, %add3A_666, %rem3A_657 : i32
      %jit3A_668 = arith.constant 21 : i32
      %eq3A_669 = arith.constant 0 : i32
      %eq3A_670 = arith.cmpi eq, %jit3A_668, %eq3A_669 : i32
      %jit3A_671 = arith.constant 1 : i32
      %select_n3A_672 = arith.select %eq3A_670, %jit3A_671, %jit3A_668 : i32
      %rem3A_673 = arith.remsi %add3A_627, %select_n3A_672 : i32
      %ne3A_674 = arith.constant 0 : i32
      %ne3A_675 = arith.cmpi ne, %rem3A_673, %ne3A_674 : i32
      %lt3A_676 = arith.constant 0 : i32
      %lt3A_677 = arith.cmpi slt, %rem3A_673, %lt3A_676 : i32
      %lt3A_678 = arith.constant 0 : i32
      %lt3A_679 = arith.cmpi slt, %select_n3A_672, %lt3A_678 : i32
      %ne3A_680 = arith.xori %lt3A_677, %lt3A_679 : i1
      %and3A_681 = arith.andi %ne3A_680, %ne3A_675 : i1
      %add3A_682 = arith.addi %rem3A_673, %select_n3A_672 : i32
      %select_n3A_683 = arith.select %and3A_681, %add3A_682, %rem3A_673 : i32
      %dma_wait3A_684 = arith.constant 2 : i32
      %dma_wait3A_685 = arith.constant 2 : i32
      %dma_wait3A_686 = arith.constant 0 : i32
      %dma_wait3A_687 = arith.constant 0 : i32
      %dma_wait3A_688 = tpu.memref_slice %arg9[%dma_wait3A_684, %dma_wait3A_686, %dma_wait3A_687] : memref<3x96x128xf32, #tpu.memory_space<vmem>> -> memref<1x96x128xf32, #tpu.memory_space<vmem>>
      %dma_wait3A_689 = tpu.memref_squeeze %dma_wait3A_688 : memref<1x96x128xf32, #tpu.memory_space<vmem>> -> memref<96x128xf32, #tpu.memory_space<vmem>>
      %dma_wait3A_690 = arith.constant 0 : i32
      %dma_wait3A_691 = tpu.memref_slice %arg7[%select_n3A_667, %select_n3A_683, %dma_wait3A_690] : memref<2x21x96xi32, #tpu.memory_space<vmem>> -> memref<1x1x96xi32, #tpu.memory_space<vmem>>
      %dma_wait3A_692 = tpu.memref_squeeze %dma_wait3A_691 : memref<1x1x96xi32, #tpu.memory_space<vmem>> -> memref<96xi32, #tpu.memory_space<vmem>>
      %dma_wait3A_693 = arith.constant 0 : i32
      %dma_wait3A_694 = arith.constant 0 : i32
      %dma_wait3A_695 = tpu.memref_slice %arg2[%dma_wait3A_693, %dma_wait3A_694] : memref<10000x128xf32, #tpu.memory_space<hbm>> -> memref<10000x128xf32, #tpu.memory_space<hbm>>
      %dma_wait3A_696 = tpu.memref_slice %arg11[%dma_wait3A_685] : memref<3x!tpu.dma_semaphore, #tpu.memory_space<semaphore_mem>> -> memref<1x!tpu.dma_semaphore, #tpu.memory_space<semaphore_mem>>
      %dma_wait3A_697 = tpu.memref_squeeze %dma_wait3A_696 : memref<1x!tpu.dma_semaphore, #tpu.memory_space<semaphore_mem>> -> memref<!tpu.dma_semaphore, #tpu.memory_space<semaphore_mem>>
      tpu.wait_indirect_dma semaphore(%dma_wait3A_697 : memref<!tpu.dma_semaphore, #tpu.memory_space<semaphore_mem>>) src(%dma_wait3A_695 : memref<10000x128xf32, #tpu.memory_space<hbm>>) dst(%dma_wait3A_689 : memref<96x128xf32, #tpu.memory_space<vmem>>)
      %jit3A_698 = arith.constant 21 : i32
      %div3A_699 = arith.divsi %add3A_627, %jit3A_698 : i32
      %sign3A_700 = arith.constant 0 : i32
      %sign3A_701 = arith.cmpi sgt, %add3A_627, %sign3A_700 : i32
      %sign3A_702 = arith.extui %sign3A_701 : i1 to i32
      %sign3A_703 = arith.constant 0 : i32
      %sign3A_704 = arith.cmpi slt, %add3A_627, %sign3A_703 : i32
      %sign3A_705 = arith.extui %sign3A_704 : i1 to i32
      %sign3A_706 = arith.subi %sign3A_702, %sign3A_705 : i32
      %sign3A_707 = arith.constant 0 : i32
      %sign3A_708 = arith.cmpi sgt, %jit3A_698, %sign3A_707 : i32
      %sign3A_709 = arith.extui %sign3A_708 : i1 to i32
      %sign3A_710 = arith.constant 0 : i32
      %sign3A_711 = arith.cmpi slt, %jit3A_698, %sign3A_710 : i32
      %sign3A_712 = arith.extui %sign3A_711 : i1 to i32
      %sign3A_713 = arith.subi %sign3A_709, %sign3A_712 : i32
      %ne3A_714 = arith.cmpi ne, %sign3A_706, %sign3A_713 : i32
      %rem3A_715 = arith.remsi %add3A_627, %jit3A_698 : i32
      %ne3A_716 = arith.constant 0 : i32
      %ne3A_717 = arith.cmpi ne, %rem3A_715, %ne3A_716 : i32
      %and3A_718 = arith.andi %ne3A_714, %ne3A_717 : i1
      %sub3A_719 = arith.constant 1 : i32
      %sub3A_720 = arith.subi %div3A_699, %sub3A_719 : i32
      %select_n3A_721 = arith.select %and3A_718, %sub3A_720, %div3A_699 : i32
      %jit3A_722 = arith.constant 2 : i32
      %eq3A_723 = arith.constant 0 : i32
      %eq3A_724 = arith.cmpi eq, %jit3A_722, %eq3A_723 : i32
      %jit3A_725 = arith.constant 1 : i32
      %select_n3A_726 = arith.select %eq3A_724, %jit3A_725, %jit3A_722 : i32
      %rem3A_727 = arith.remsi %select_n3A_721, %select_n3A_726 : i32
      %ne3A_728 = arith.constant 0 : i32
      %ne3A_729 = arith.cmpi ne, %rem3A_727, %ne3A_728 : i32
      %lt3A_730 = arith.constant 0 : i32
      %lt3A_731 = arith.cmpi slt, %rem3A_727, %lt3A_730 : i32
      %lt3A_732 = arith.constant 0 : i32
      %lt3A_733 = arith.cmpi slt, %select_n3A_726, %lt3A_732 : i32
      %ne3A_734 = arith.xori %lt3A_731, %lt3A_733 : i1
      %and3A_735 = arith.andi %ne3A_734, %ne3A_729 : i1
      %add3A_736 = arith.addi %rem3A_727, %select_n3A_726 : i32
      %select_n3A_737 = arith.select %and3A_735, %add3A_736, %rem3A_727 : i32
      %jit3A_738 = arith.constant 21 : i32
      %eq3A_739 = arith.constant 0 : i32
      %eq3A_740 = arith.cmpi eq, %jit3A_738, %eq3A_739 : i32
      %jit3A_741 = arith.constant 1 : i32
      %select_n3A_742 = arith.select %eq3A_740, %jit3A_741, %jit3A_738 : i32
      %rem3A_743 = arith.remsi %add3A_627, %select_n3A_742 : i32
      %ne3A_744 = arith.constant 0 : i32
      %ne3A_745 = arith.cmpi ne, %rem3A_743, %ne3A_744 : i32
      %lt3A_746 = arith.constant 0 : i32
      %lt3A_747 = arith.cmpi slt, %rem3A_743, %lt3A_746 : i32
      %lt3A_748 = arith.constant 0 : i32
      %lt3A_749 = arith.cmpi slt, %select_n3A_742, %lt3A_748 : i32
      %ne3A_750 = arith.xori %lt3A_747, %lt3A_749 : i1
      %and3A_751 = arith.andi %ne3A_750, %ne3A_745 : i1
      %add3A_752 = arith.addi %rem3A_743, %select_n3A_742 : i32
      %select_n3A_753 = arith.select %and3A_751, %add3A_752, %rem3A_743 : i32
      %dma_start3A_754 = arith.constant 2 : i32
      %dma_start3A_755 = arith.constant 2 : i32
      %dma_start3A_756 = arith.constant 0 : i32
      %dma_start3A_757 = arith.constant 0 : i32
      %dma_start3A_758 = tpu.memref_slice %arg9[%dma_start3A_754, %dma_start3A_756, %dma_start3A_757] : memref<3x96x128xf32, #tpu.memory_space<vmem>> -> memref<1x96x128xf32, #tpu.memory_space<vmem>>
      %dma_start3A_759 = tpu.memref_squeeze %dma_start3A_758 : memref<1x96x128xf32, #tpu.memory_space<vmem>> -> memref<96x128xf32, #tpu.memory_space<vmem>>
      %dma_start3A_760 = arith.constant 0 : i32
      %dma_start3A_761 = tpu.memref_slice %arg8[%select_n3A_737, %select_n3A_753, %dma_start3A_760] : memref<2x21x96xi32, #tpu.memory_space<vmem>> -> memref<1x1x96xi32, #tpu.memory_space<vmem>>
      %dma_start3A_762 = tpu.memref_squeeze %dma_start3A_761 : memref<1x1x96xi32, #tpu.memory_space<vmem>> -> memref<96xi32, #tpu.memory_space<vmem>>
      %dma_start3A_763 = arith.constant 0 : i32
      %dma_start3A_764 = arith.constant 0 : i32
      %dma_start3A_765 = tpu.memref_slice %arg10[%dma_start3A_763, %dma_start3A_764] : memref<10112x128xf32, #tpu.memory_space<vmem_shared>> -> memref<10112x128xf32, #tpu.memory_space<vmem_shared>>
      %dma_start3A_766 = tpu.memref_slice %arg12[%dma_start3A_755] : memref<3x!tpu.dma_semaphore, #tpu.memory_space<semaphore_mem>> -> memref<1x!tpu.dma_semaphore, #tpu.memory_space<semaphore_mem>>
      %dma_start3A_767 = tpu.memref_squeeze %dma_start3A_766 : memref<1x!tpu.dma_semaphore, #tpu.memory_space<semaphore_mem>> -> memref<!tpu.dma_semaphore, #tpu.memory_space<semaphore_mem>>
      tpu.enqueue_indirect_dma source(%dma_start3A_759 : memref<96x128xf32, #tpu.memory_space<vmem>>) target(%dma_start3A_765 : memref<10112x128xf32, #tpu.memory_space<vmem_shared>>) offsets(%dma_start3A_762 : memref<96xi32, #tpu.memory_space<vmem>>) semaphore(%dma_start3A_767 : memref<!tpu.dma_semaphore, #tpu.memory_space<semaphore_mem>>) {add = true}
      %sub3A_768 = arith.constant 1 : i32
      %sub3A_769 = arith.subi %add3A_627, %sub3A_768 : i32
      %jit3A_770 = arith.constant 21 : i32
      %div3A_771 = arith.divsi %sub3A_769, %jit3A_770 : i32
      %sign3A_772 = arith.constant 0 : i32
      %sign3A_773 = arith.cmpi sgt, %sub3A_769, %sign3A_772 : i32
      %sign3A_774 = arith.extui %sign3A_773 : i1 to i32
      %sign3A_775 = arith.constant 0 : i32
      %sign3A_776 = arith.cmpi slt, %sub3A_769, %sign3A_775 : i32
      %sign3A_777 = arith.extui %sign3A_776 : i1 to i32
      %sign3A_778 = arith.subi %sign3A_774, %sign3A_777 : i32
      %sign3A_779 = arith.constant 0 : i32
      %sign3A_780 = arith.cmpi sgt, %jit3A_770, %sign3A_779 : i32
      %sign3A_781 = arith.extui %sign3A_780 : i1 to i32
      %sign3A_782 = arith.constant 0 : i32
      %sign3A_783 = arith.cmpi slt, %jit3A_770, %sign3A_782 : i32
      %sign3A_784 = arith.extui %sign3A_783 : i1 to i32
      %sign3A_785 = arith.subi %sign3A_781, %sign3A_784 : i32
      %ne3A_786 = arith.cmpi ne, %sign3A_778, %sign3A_785 : i32
      %rem3A_787 = arith.remsi %sub3A_769, %jit3A_770 : i32
      %ne3A_788 = arith.constant 0 : i32
      %ne3A_789 = arith.cmpi ne, %rem3A_787, %ne3A_788 : i32
      %and3A_790 = arith.andi %ne3A_786, %ne3A_789 : i1
      %sub3A_791 = arith.constant 1 : i32
      %sub3A_792 = arith.subi %div3A_771, %sub3A_791 : i32
      %select_n3A_793 = arith.select %and3A_790, %sub3A_792, %div3A_771 : i32
      %jit3A_794 = arith.constant 2 : i32
      %eq3A_795 = arith.constant 0 : i32
      %eq3A_796 = arith.cmpi eq, %jit3A_794, %eq3A_795 : i32
      %jit3A_797 = arith.constant 1 : i32
      %select_n3A_798 = arith.select %eq3A_796, %jit3A_797, %jit3A_794 : i32
      %rem3A_799 = arith.remsi %select_n3A_793, %select_n3A_798 : i32
      %ne3A_800 = arith.constant 0 : i32
      %ne3A_801 = arith.cmpi ne, %rem3A_799, %ne3A_800 : i32
      %lt3A_802 = arith.constant 0 : i32
      %lt3A_803 = arith.cmpi slt, %rem3A_799, %lt3A_802 : i32
      %lt3A_804 = arith.constant 0 : i32
      %lt3A_805 = arith.cmpi slt, %select_n3A_798, %lt3A_804 : i32
      %ne3A_806 = arith.xori %lt3A_803, %lt3A_805 : i1
      %and3A_807 = arith.andi %ne3A_806, %ne3A_801 : i1
      %add3A_808 = arith.addi %rem3A_799, %select_n3A_798 : i32
      %select_n3A_809 = arith.select %and3A_807, %add3A_808, %rem3A_799 : i32
      %jit3A_810 = arith.constant 21 : i32
      %eq3A_811 = arith.constant 0 : i32
      %eq3A_812 = arith.cmpi eq, %jit3A_810, %eq3A_811 : i32
      %jit3A_813 = arith.constant 1 : i32
      %select_n3A_814 = arith.select %eq3A_812, %jit3A_813, %jit3A_810 : i32
      %rem3A_815 = arith.remsi %sub3A_769, %select_n3A_814 : i32
      %ne3A_816 = arith.constant 0 : i32
      %ne3A_817 = arith.cmpi ne, %rem3A_815, %ne3A_816 : i32
      %lt3A_818 = arith.constant 0 : i32
      %lt3A_819 = arith.cmpi slt, %rem3A_815, %lt3A_818 : i32
      %lt3A_820 = arith.constant 0 : i32
      %lt3A_821 = arith.cmpi slt, %select_n3A_814, %lt3A_820 : i32
      %ne3A_822 = arith.xori %lt3A_819, %lt3A_821 : i1
      %and3A_823 = arith.andi %ne3A_822, %ne3A_817 : i1
      %add3A_824 = arith.addi %rem3A_815, %select_n3A_814 : i32
      %select_n3A_825 = arith.select %and3A_823, %add3A_824, %rem3A_815 : i32
      %dma_wait3A_826 = arith.constant 1 : i32
      %dma_wait3A_827 = arith.constant 1 : i32
      %dma_wait3A_828 = arith.constant 0 : i32
      %dma_wait3A_829 = arith.constant 0 : i32
      %dma_wait3A_830 = tpu.memref_slice %arg9[%dma_wait3A_826, %dma_wait3A_828, %dma_wait3A_829] : memref<3x96x128xf32, #tpu.memory_space<vmem>> -> memref<1x96x128xf32, #tpu.memory_space<vmem>>
      %dma_wait3A_831 = tpu.memref_squeeze %dma_wait3A_830 : memref<1x96x128xf32, #tpu.memory_space<vmem>> -> memref<96x128xf32, #tpu.memory_space<vmem>>
      %dma_wait3A_832 = arith.constant 0 : i32
      %dma_wait3A_833 = tpu.memref_slice %arg8[%select_n3A_809, %select_n3A_825, %dma_wait3A_832] : memref<2x21x96xi32, #tpu.memory_space<vmem>> -> memref<1x1x96xi32, #tpu.memory_space<vmem>>
      %dma_wait3A_834 = tpu.memref_squeeze %dma_wait3A_833 : memref<1x1x96xi32, #tpu.memory_space<vmem>> -> memref<96xi32, #tpu.memory_space<vmem>>
      %dma_wait3A_835 = arith.constant 0 : i32
      %dma_wait3A_836 = arith.constant 0 : i32
      %dma_wait3A_837 = tpu.memref_slice %arg10[%dma_wait3A_835, %dma_wait3A_836] : memref<10112x128xf32, #tpu.memory_space<vmem_shared>> -> memref<10112x128xf32, #tpu.memory_space<vmem_shared>>
      %dma_wait3A_838 = tpu.memref_slice %arg12[%dma_wait3A_827] : memref<3x!tpu.dma_semaphore, #tpu.memory_space<semaphore_mem>> -> memref<1x!tpu.dma_semaphore, #tpu.memory_space<semaphore_mem>>
      %dma_wait3A_839 = tpu.memref_squeeze %dma_wait3A_838 : memref<1x!tpu.dma_semaphore, #tpu.memory_space<semaphore_mem>> -> memref<!tpu.dma_semaphore, #tpu.memory_space<semaphore_mem>>
      tpu.wait_indirect_dma semaphore(%dma_wait3A_839 : memref<!tpu.dma_semaphore, #tpu.memory_space<semaphore_mem>>) src(%dma_wait3A_831 : memref<96x128xf32, #tpu.memory_space<vmem>>) dst(%dma_wait3A_837 : memref<10112x128xf32, #tpu.memory_space<vmem_shared>>)
      %jit3A_840 = arith.constant 21 : i32
      %div3A_841 = arith.divsi %add3A_627, %jit3A_840 : i32
      %sign3A_842 = arith.constant 0 : i32
      %sign3A_843 = arith.cmpi sgt, %add3A_627, %sign3A_842 : i32
      %sign3A_844 = arith.extui %sign3A_843 : i1 to i32
      %sign3A_845 = arith.constant 0 : i32
      %sign3A_846 = arith.cmpi slt, %add3A_627, %sign3A_845 : i32
      %sign3A_847 = arith.extui %sign3A_846 : i1 to i32
      %sign3A_848 = arith.subi %sign3A_844, %sign3A_847 : i32
      %sign3A_849 = arith.constant 0 : i32
      %sign3A_850 = arith.cmpi sgt, %jit3A_840, %sign3A_849 : i32
      %sign3A_851 = arith.extui %sign3A_850 : i1 to i32
      %sign3A_852 = arith.constant 0 : i32
      %sign3A_853 = arith.cmpi slt, %jit3A_840, %sign3A_852 : i32
      %sign3A_854 = arith.extui %sign3A_853 : i1 to i32
      %sign3A_855 = arith.subi %sign3A_851, %sign3A_854 : i32
      %ne3A_856 = arith.cmpi ne, %sign3A_848, %sign3A_855 : i32
      %rem3A_857 = arith.remsi %add3A_627, %jit3A_840 : i32
      %ne3A_858 = arith.constant 0 : i32
      %ne3A_859 = arith.cmpi ne, %rem3A_857, %ne3A_858 : i32
      %and3A_860 = arith.andi %ne3A_856, %ne3A_859 : i1
      %sub3A_861 = arith.constant 1 : i32
      %sub3A_862 = arith.subi %div3A_841, %sub3A_861 : i32
      %select_n3A_863 = arith.select %and3A_860, %sub3A_862, %div3A_841 : i32
      %jit3A_864 = arith.constant 2 : i32
      %eq3A_865 = arith.constant 0 : i32
      %eq3A_866 = arith.cmpi eq, %jit3A_864, %eq3A_865 : i32
      %jit3A_867 = arith.constant 1 : i32
      %select_n3A_868 = arith.select %eq3A_866, %jit3A_867, %jit3A_864 : i32
      %rem3A_869 = arith.remsi %select_n3A_863, %select_n3A_868 : i32
      %ne3A_870 = arith.constant 0 : i32
      %ne3A_871 = arith.cmpi ne, %rem3A_869, %ne3A_870 : i32
      %lt3A_872 = arith.constant 0 : i32
      %lt3A_873 = arith.cmpi slt, %rem3A_869, %lt3A_872 : i32
      %lt3A_874 = arith.constant 0 : i32
      %lt3A_875 = arith.cmpi slt, %select_n3A_868, %lt3A_874 : i32
      %ne3A_876 = arith.xori %lt3A_873, %lt3A_875 : i1
      %and3A_877 = arith.andi %ne3A_876, %ne3A_871 : i1
      %add3A_878 = arith.addi %rem3A_869, %select_n3A_868 : i32
      %select_n3A_879 = arith.select %and3A_877, %add3A_878, %rem3A_869 : i32
      %jit3A_880 = arith.constant 21 : i32
      %eq3A_881 = arith.constant 0 : i32
      %eq3A_882 = arith.cmpi eq, %jit3A_880, %eq3A_881 : i32
      %jit3A_883 = arith.constant 1 : i32
      %select_n3A_884 = arith.select %eq3A_882, %jit3A_883, %jit3A_880 : i32
      %rem3A_885 = arith.remsi %add3A_627, %select_n3A_884 : i32
      %ne3A_886 = arith.constant 0 : i32
      %ne3A_887 = arith.cmpi ne, %rem3A_885, %ne3A_886 : i32
      %lt3A_888 = arith.constant 0 : i32
      %lt3A_889 = arith.cmpi slt, %rem3A_885, %lt3A_888 : i32
      %lt3A_890 = arith.constant 0 : i32
      %lt3A_891 = arith.cmpi slt, %select_n3A_884, %lt3A_890 : i32
      %ne3A_892 = arith.xori %lt3A_889, %lt3A_891 : i1
      %and3A_893 = arith.andi %ne3A_892, %ne3A_887 : i1
      %add3A_894 = arith.addi %rem3A_885, %select_n3A_884 : i32
      %select_n3A_895 = arith.select %and3A_893, %add3A_894, %rem3A_885 : i32
      %eq3A_896 = arith.constant 0 : i32
      %eq3A_897 = arith.cmpi eq, %select_n3A_895, %eq3A_896 : i32
      %lt3A_898 = arith.constant 64 : i32
      %lt3A_899 = arith.cmpi slt, %add3A_627, %lt3A_898 : i32
      %and3A_900 = arith.andi %eq3A_897, %lt3A_899 : i1
      %convert_element_type3A_901 = arith.extui %and3A_900 : i1 to i32
      %cond3A_902 = arith.constant 0 : i32
      %cond3A_903 = arith.cmpi ne, %convert_element_type3A_901, %cond3A_902 : i32
      scf.if %cond3A_903 {
        %jit3A_1340 = arith.constant 21 : i32
        %div3A_1341 = arith.divsi %add3A_627, %jit3A_1340 : i32
        %sign3A_1342 = arith.constant 0 : i32
        %sign3A_1343 = arith.cmpi sgt, %add3A_627, %sign3A_1342 : i32
        %sign3A_1344 = arith.extui %sign3A_1343 : i1 to i32
        %sign3A_1345 = arith.constant 0 : i32
        %sign3A_1346 = arith.cmpi slt, %add3A_627, %sign3A_1345 : i32
        %sign3A_1347 = arith.extui %sign3A_1346 : i1 to i32
        %sign3A_1348 = arith.subi %sign3A_1344, %sign3A_1347 : i32
        %sign3A_1349 = arith.constant 0 : i32
        %sign3A_1350 = arith.cmpi sgt, %jit3A_1340, %sign3A_1349 : i32
        %sign3A_1351 = arith.extui %sign3A_1350 : i1 to i32
        %sign3A_1352 = arith.constant 0 : i32
        %sign3A_1353 = arith.cmpi slt, %jit3A_1340, %sign3A_1352 : i32
        %sign3A_1354 = arith.extui %sign3A_1353 : i1 to i32
        %sign3A_1355 = arith.subi %sign3A_1351, %sign3A_1354 : i32
        %ne3A_1356 = arith.cmpi ne, %sign3A_1348, %sign3A_1355 : i32
        %rem3A_1357 = arith.remsi %add3A_627, %jit3A_1340 : i32
        %ne3A_1358 = arith.constant 0 : i32
        %ne3A_1359 = arith.cmpi ne, %rem3A_1357, %ne3A_1358 : i32
        %and3A_1360 = arith.andi %ne3A_1356, %ne3A_1359 : i1
        %sub3A_1361 = arith.constant 1 : i32
        %sub3A_1362 = arith.subi %div3A_1341, %sub3A_1361 : i32
        %select_n3A_1363 = arith.select %and3A_1360, %sub3A_1362, %div3A_1341 : i32
        %add3A_1364 = arith.constant 1 : i32
        %add3A_1365 = arith.addi %select_n3A_1363, %add3A_1364 : i32
        %add3A_1366 = arith.constant 1 : i32
        %add3A_1367 = arith.addi %select_n3A_879, %add3A_1366 : i32
        %jit3A_1368 = arith.constant 2 : i32
        %eq3A_1369 = arith.constant 0 : i32
        %eq3A_1370 = arith.cmpi eq, %jit3A_1368, %eq3A_1369 : i32
        %jit3A_1371 = arith.constant 1 : i32
        %select_n3A_1372 = arith.select %eq3A_1370, %jit3A_1371, %jit3A_1368 : i32
        %rem3A_1373 = arith.remsi %add3A_1367, %select_n3A_1372 : i32
        %ne3A_1374 = arith.constant 0 : i32
        %ne3A_1375 = arith.cmpi ne, %rem3A_1373, %ne3A_1374 : i32
        %lt3A_1376 = arith.constant 0 : i32
        %lt3A_1377 = arith.cmpi slt, %rem3A_1373, %lt3A_1376 : i32
        %lt3A_1378 = arith.constant 0 : i32
        %lt3A_1379 = arith.cmpi slt, %select_n3A_1372, %lt3A_1378 : i32
        %ne3A_1380 = arith.xori %lt3A_1377, %lt3A_1379 : i1
        %and3A_1381 = arith.andi %ne3A_1380, %ne3A_1375 : i1
        %add3A_1382 = arith.addi %rem3A_1373, %select_n3A_1372 : i32
        %select_n3A_1383 = arith.select %and3A_1381, %add3A_1382, %rem3A_1373 : i32
        %mul3A_1384 = arith.constant 5 : i32
        %mul3A_1385 = arith.muli %add3A, %mul3A_1384 : i32
        %add3A_1386 = arith.addi %mul3A_1385, %add3A_1365 : i32
        %dma_start3A_1387 = arith.constant 0 : i32
        %dma_start3A_1388 = arith.constant 0 : i32
        %dma_start3A_1389 = tpu.memref_slice %arg7[%select_n3A_1383, %dma_start3A_1387, %dma_start3A_1388] : memref<2x21x96xi32, #tpu.memory_space<vmem>> -> memref<1x21x96xi32, #tpu.memory_space<vmem>>
        %dma_start3A_1390 = tpu.memref_squeeze %dma_start3A_1389 : memref<1x21x96xi32, #tpu.memory_space<vmem>> -> memref<21x96xi32, #tpu.memory_space<vmem>>
        %dma_start3A_1391 = arith.constant 0 : i32
        %dma_start3A_1392 = arith.constant 0 : i32
        %dma_start3A_1393 = tpu.memref_slice %arg3[%add3A_1386, %dma_start3A_1391, %dma_start3A_1392] : memref<160x21x96xi32, #tpu.memory_space<hbm>> -> memref<1x21x96xi32, #tpu.memory_space<hbm>>
        %dma_start3A_1394 = tpu.memref_squeeze %dma_start3A_1393 : memref<1x21x96xi32, #tpu.memory_space<hbm>> -> memref<21x96xi32, #tpu.memory_space<hbm>>
        %dma_start3A_1395 = tpu.memref_slice %arg13[%select_n3A_1383] : memref<2x!tpu.dma_semaphore, #tpu.memory_space<semaphore_mem>> -> memref<1x!tpu.dma_semaphore, #tpu.memory_space<semaphore_mem>>
        %dma_start3A_1396 = tpu.memref_squeeze %dma_start3A_1395 : memref<1x!tpu.dma_semaphore, #tpu.memory_space<semaphore_mem>> -> memref<!tpu.dma_semaphore, #tpu.memory_space<semaphore_mem>>
        %dma_start3A_1397 = arith.constant 0 : i32
        %dma_start3A_1398 = arith.constant 0 : i32
        %dma_start3A_1399 = tpu.memref_slice %arg7[%select_n3A_1383, %dma_start3A_1397, %dma_start3A_1398] : memref<2x21x96xi32, #tpu.memory_space<vmem>> -> memref<1x21x96xi32, #tpu.memory_space<vmem>>
        %dma_start3A_1400 = tpu.memref_squeeze %dma_start3A_1399 : memref<1x21x96xi32, #tpu.memory_space<vmem>> -> memref<21x96xi32, #tpu.memory_space<vmem>>
        %dma_start3A_1401 = arith.constant 0 : i32
        %dma_start3A_1402 = arith.constant 0 : i32
        %dma_start3A_1403 = tpu.memref_slice %arg3[%add3A_1386, %dma_start3A_1401, %dma_start3A_1402] : memref<160x21x96xi32, #tpu.memory_space<hbm>> -> memref<1x21x96xi32, #tpu.memory_space<hbm>>
        %dma_start3A_1404 = tpu.memref_squeeze %dma_start3A_1403 : memref<1x21x96xi32, #tpu.memory_space<hbm>> -> memref<21x96xi32, #tpu.memory_space<hbm>>
        tpu.enqueue_dma source(%dma_start3A_1404 : memref<21x96xi32, #tpu.memory_space<hbm>>) target(%dma_start3A_1400 : memref<21x96xi32, #tpu.memory_space<vmem>>) target_semaphore(%dma_start3A_1396 : memref<!tpu.dma_semaphore, #tpu.memory_space<semaphore_mem>>)
        %mul3A_1405 = arith.constant 5 : i32
        %mul3A_1406 = arith.muli %add3A, %mul3A_1405 : i32
        %add3A_1407 = arith.addi %mul3A_1406, %add3A_1365 : i32
        %dma_start3A_1408 = arith.constant 0 : i32
        %dma_start3A_1409 = arith.constant 0 : i32
        %dma_start3A_1410 = tpu.memref_slice %arg8[%select_n3A_1383, %dma_start3A_1408, %dma_start3A_1409] : memref<2x21x96xi32, #tpu.memory_space<vmem>> -> memref<1x21x96xi32, #tpu.memory_space<vmem>>
        %dma_start3A_1411 = tpu.memref_squeeze %dma_start3A_1410 : memref<1x21x96xi32, #tpu.memory_space<vmem>> -> memref<21x96xi32, #tpu.memory_space<vmem>>
        %dma_start3A_1412 = arith.constant 0 : i32
        %dma_start3A_1413 = arith.constant 0 : i32
        %dma_start3A_1414 = tpu.memref_slice %arg4[%add3A_1407, %dma_start3A_1412, %dma_start3A_1413] : memref<160x21x96xi32, #tpu.memory_space<hbm>> -> memref<1x21x96xi32, #tpu.memory_space<hbm>>
        %dma_start3A_1415 = tpu.memref_squeeze %dma_start3A_1414 : memref<1x21x96xi32, #tpu.memory_space<hbm>> -> memref<21x96xi32, #tpu.memory_space<hbm>>
        %dma_start3A_1416 = tpu.memref_slice %arg13[%select_n3A_1383] : memref<2x!tpu.dma_semaphore, #tpu.memory_space<semaphore_mem>> -> memref<1x!tpu.dma_semaphore, #tpu.memory_space<semaphore_mem>>
        %dma_start3A_1417 = tpu.memref_squeeze %dma_start3A_1416 : memref<1x!tpu.dma_semaphore, #tpu.memory_space<semaphore_mem>> -> memref<!tpu.dma_semaphore, #tpu.memory_space<semaphore_mem>>
        %dma_start3A_1418 = arith.constant 0 : i32
        %dma_start3A_1419 = arith.constant 0 : i32
        %dma_start3A_1420 = tpu.memref_slice %arg8[%select_n3A_1383, %dma_start3A_1418, %dma_start3A_1419] : memref<2x21x96xi32, #tpu.memory_space<vmem>> -> memref<1x21x96xi32, #tpu.memory_space<vmem>>
        %dma_start3A_1421 = tpu.memref_squeeze %dma_start3A_1420 : memref<1x21x96xi32, #tpu.memory_space<vmem>> -> memref<21x96xi32, #tpu.memory_space<vmem>>
        %dma_start3A_1422 = arith.constant 0 : i32
        %dma_start3A_1423 = arith.constant 0 : i32
        %dma_start3A_1424 = tpu.memref_slice %arg4[%add3A_1407, %dma_start3A_1422, %dma_start3A_1423] : memref<160x21x96xi32, #tpu.memory_space<hbm>> -> memref<1x21x96xi32, #tpu.memory_space<hbm>>
        %dma_start3A_1425 = tpu.memref_squeeze %dma_start3A_1424 : memref<1x21x96xi32, #tpu.memory_space<hbm>> -> memref<21x96xi32, #tpu.memory_space<hbm>>
        tpu.enqueue_dma source(%dma_start3A_1425 : memref<21x96xi32, #tpu.memory_space<hbm>>) target(%dma_start3A_1421 : memref<21x96xi32, #tpu.memory_space<vmem>>) target_semaphore(%dma_start3A_1417 : memref<!tpu.dma_semaphore, #tpu.memory_space<semaphore_mem>>)
      } else {
      }
      %eq3A_904 = arith.constant 19 : i32
      %eq3A_905 = arith.cmpi eq, %select_n3A_895, %eq3A_904 : i32
      %convert_element_type3A_906 = arith.extui %eq3A_905 : i1 to i32
      %cond3A_907 = arith.constant 0 : i32
      %cond3A_908 = arith.cmpi ne, %convert_element_type3A_906, %cond3A_907 : i32
      scf.if %cond3A_908 {
        %add3A_1340 = arith.constant 1 : i32
        %add3A_1341 = arith.addi %select_n3A_879, %add3A_1340 : i32
        %jit3A_1342 = arith.constant 2 : i32
        %eq3A_1343 = arith.constant 0 : i32
        %eq3A_1344 = arith.cmpi eq, %jit3A_1342, %eq3A_1343 : i32
        %jit3A_1345 = arith.constant 1 : i32
        %select_n3A_1346 = arith.select %eq3A_1344, %jit3A_1345, %jit3A_1342 : i32
        %rem3A_1347 = arith.remsi %add3A_1341, %select_n3A_1346 : i32
        %ne3A_1348 = arith.constant 0 : i32
        %ne3A_1349 = arith.cmpi ne, %rem3A_1347, %ne3A_1348 : i32
        %lt3A_1350 = arith.constant 0 : i32
        %lt3A_1351 = arith.cmpi slt, %rem3A_1347, %lt3A_1350 : i32
        %lt3A_1352 = arith.constant 0 : i32
        %lt3A_1353 = arith.cmpi slt, %select_n3A_1346, %lt3A_1352 : i32
        %ne3A_1354 = arith.xori %lt3A_1351, %lt3A_1353 : i1
        %and3A_1355 = arith.andi %ne3A_1354, %ne3A_1349 : i1
        %add3A_1356 = arith.addi %rem3A_1347, %select_n3A_1346 : i32
        %select_n3A_1357 = arith.select %and3A_1355, %add3A_1356, %rem3A_1347 : i32
        %mul3A_1358 = arith.constant 5 : i32
        %mul3A_1359 = arith.muli %add3A, %mul3A_1358 : i32
        %dma_wait3A_1360 = arith.constant 0 : i32
        %dma_wait3A_1361 = arith.constant 0 : i32
        %dma_wait3A_1362 = tpu.memref_slice %arg7[%select_n3A_1357, %dma_wait3A_1360, %dma_wait3A_1361] : memref<2x21x96xi32, #tpu.memory_space<vmem>> -> memref<1x21x96xi32, #tpu.memory_space<vmem>>
        %dma_wait3A_1363 = tpu.memref_squeeze %dma_wait3A_1362 : memref<1x21x96xi32, #tpu.memory_space<vmem>> -> memref<21x96xi32, #tpu.memory_space<vmem>>
        %dma_wait3A_1364 = arith.constant 0 : i32
        %dma_wait3A_1365 = arith.constant 0 : i32
        %dma_wait3A_1366 = tpu.memref_slice %arg3[%mul3A_1359, %dma_wait3A_1364, %dma_wait3A_1365] : memref<160x21x96xi32, #tpu.memory_space<hbm>> -> memref<1x21x96xi32, #tpu.memory_space<hbm>>
        %dma_wait3A_1367 = tpu.memref_squeeze %dma_wait3A_1366 : memref<1x21x96xi32, #tpu.memory_space<hbm>> -> memref<21x96xi32, #tpu.memory_space<hbm>>
        %dma_wait3A_1368 = tpu.memref_slice %arg13[%select_n3A_1357] : memref<2x!tpu.dma_semaphore, #tpu.memory_space<semaphore_mem>> -> memref<1x!tpu.dma_semaphore, #tpu.memory_space<semaphore_mem>>
        %dma_wait3A_1369 = tpu.memref_squeeze %dma_wait3A_1368 : memref<1x!tpu.dma_semaphore, #tpu.memory_space<semaphore_mem>> -> memref<!tpu.dma_semaphore, #tpu.memory_space<semaphore_mem>>
        %dma_wait3A_1370 = arith.constant 0 : i32
        %dma_wait3A_1371 = arith.constant 0 : i32
        %dma_wait3A_1372 = tpu.memref_slice %arg7[%select_n3A_1357, %dma_wait3A_1370, %dma_wait3A_1371] : memref<2x21x96xi32, #tpu.memory_space<vmem>> -> memref<1x21x96xi32, #tpu.memory_space<vmem>>
        %dma_wait3A_1373 = tpu.memref_squeeze %dma_wait3A_1372 : memref<1x21x96xi32, #tpu.memory_space<vmem>> -> memref<21x96xi32, #tpu.memory_space<vmem>>
        %dma_wait3A_1374 = arith.constant 0 : i32
        %dma_wait3A_1375 = arith.constant 0 : i32
        %dma_wait3A_1376 = tpu.memref_slice %arg3[%mul3A_1359, %dma_wait3A_1374, %dma_wait3A_1375] : memref<160x21x96xi32, #tpu.memory_space<hbm>> -> memref<1x21x96xi32, #tpu.memory_space<hbm>>
        %dma_wait3A_1377 = tpu.memref_squeeze %dma_wait3A_1376 : memref<1x21x96xi32, #tpu.memory_space<hbm>> -> memref<21x96xi32, #tpu.memory_space<hbm>>
        tpu.wait_dma2 semaphore(%dma_wait3A_1369 : memref<!tpu.dma_semaphore, #tpu.memory_space<semaphore_mem>>) src(%dma_wait3A_1377 : memref<21x96xi32, #tpu.memory_space<hbm>>) dst(%dma_wait3A_1373 : memref<21x96xi32, #tpu.memory_space<vmem>>)
        %mul3A_1378 = arith.constant 5 : i32
        %mul3A_1379 = arith.muli %add3A, %mul3A_1378 : i32
        %dma_wait3A_1380 = arith.constant 0 : i32
        %dma_wait3A_1381 = arith.constant 0 : i32
        %dma_wait3A_1382 = tpu.memref_slice %arg8[%select_n3A_1357, %dma_wait3A_1380, %dma_wait3A_1381] : memref<2x21x96xi32, #tpu.memory_space<vmem>> -> memref<1x21x96xi32, #tpu.memory_space<vmem>>
        %dma_wait3A_1383 = tpu.memref_squeeze %dma_wait3A_1382 : memref<1x21x96xi32, #tpu.memory_space<vmem>> -> memref<21x96xi32, #tpu.memory_space<vmem>>
        %dma_wait3A_1384 = arith.constant 0 : i32
        %dma_wait3A_1385 = arith.constant 0 : i32
        %dma_wait3A_1386 = tpu.memref_slice %arg4[%mul3A_1379, %dma_wait3A_1384, %dma_wait3A_1385] : memref<160x21x96xi32, #tpu.memory_space<hbm>> -> memref<1x21x96xi32, #tpu.memory_space<hbm>>
        %dma_wait3A_1387 = tpu.memref_squeeze %dma_wait3A_1386 : memref<1x21x96xi32, #tpu.memory_space<hbm>> -> memref<21x96xi32, #tpu.memory_space<hbm>>
        %dma_wait3A_1388 = tpu.memref_slice %arg13[%select_n3A_1357] : memref<2x!tpu.dma_semaphore, #tpu.memory_space<semaphore_mem>> -> memref<1x!tpu.dma_semaphore, #tpu.memory_space<semaphore_mem>>
        %dma_wait3A_1389 = tpu.memref_squeeze %dma_wait3A_1388 : memref<1x!tpu.dma_semaphore, #tpu.memory_space<semaphore_mem>> -> memref<!tpu.dma_semaphore, #tpu.memory_space<semaphore_mem>>
        %dma_wait3A_1390 = arith.constant 0 : i32
        %dma_wait3A_1391 = arith.constant 0 : i32
        %dma_wait3A_1392 = tpu.memref_slice %arg8[%select_n3A_1357, %dma_wait3A_1390, %dma_wait3A_1391] : memref<2x21x96xi32, #tpu.memory_space<vmem>> -> memref<1x21x96xi32, #tpu.memory_space<vmem>>
        %dma_wait3A_1393 = tpu.memref_squeeze %dma_wait3A_1392 : memref<1x21x96xi32, #tpu.memory_space<vmem>> -> memref<21x96xi32, #tpu.memory_space<vmem>>
        %dma_wait3A_1394 = arith.constant 0 : i32
        %dma_wait3A_1395 = arith.constant 0 : i32
        %dma_wait3A_1396 = tpu.memref_slice %arg4[%mul3A_1379, %dma_wait3A_1394, %dma_wait3A_1395] : memref<160x21x96xi32, #tpu.memory_space<hbm>> -> memref<1x21x96xi32, #tpu.memory_space<hbm>>
        %dma_wait3A_1397 = tpu.memref_squeeze %dma_wait3A_1396 : memref<1x21x96xi32, #tpu.memory_space<hbm>> -> memref<21x96xi32, #tpu.memory_space<hbm>>
        tpu.wait_dma2 semaphore(%dma_wait3A_1389 : memref<!tpu.dma_semaphore, #tpu.memory_space<semaphore_mem>>) src(%dma_wait3A_1397 : memref<21x96xi32, #tpu.memory_space<hbm>>) dst(%dma_wait3A_1393 : memref<21x96xi32, #tpu.memory_space<vmem>>)
      } else {
      }
      %add3A_909 = arith.constant 2 : i32
      %add3A_910 = arith.addi %add3A_627, %add3A_909 : i32
      %jit3A_911 = arith.constant 21 : i32
      %div3A_912 = arith.divsi %add3A_910, %jit3A_911 : i32
      %sign3A_913 = arith.constant 0 : i32
      %sign3A_914 = arith.cmpi sgt, %add3A_910, %sign3A_913 : i32
      %sign3A_915 = arith.extui %sign3A_914 : i1 to i32
      %sign3A_916 = arith.constant 0 : i32
      %sign3A_917 = arith.cmpi slt, %add3A_910, %sign3A_916 : i32
      %sign3A_918 = arith.extui %sign3A_917 : i1 to i32
      %sign3A_919 = arith.subi %sign3A_915, %sign3A_918 : i32
      %sign3A_920 = arith.constant 0 : i32
      %sign3A_921 = arith.cmpi sgt, %jit3A_911, %sign3A_920 : i32
      %sign3A_922 = arith.extui %sign3A_921 : i1 to i32
      %sign3A_923 = arith.constant 0 : i32
      %sign3A_924 = arith.cmpi slt, %jit3A_911, %sign3A_923 : i32
      %sign3A_925 = arith.extui %sign3A_924 : i1 to i32
      %sign3A_926 = arith.subi %sign3A_922, %sign3A_925 : i32
      %ne3A_927 = arith.cmpi ne, %sign3A_919, %sign3A_926 : i32
      %rem3A_928 = arith.remsi %add3A_910, %jit3A_911 : i32
      %ne3A_929 = arith.constant 0 : i32
      %ne3A_930 = arith.cmpi ne, %rem3A_928, %ne3A_929 : i32
      %and3A_931 = arith.andi %ne3A_927, %ne3A_930 : i1
      %sub3A_932 = arith.constant 1 : i32
      %sub3A_933 = arith.subi %div3A_912, %sub3A_932 : i32
      %select_n3A_934 = arith.select %and3A_931, %sub3A_933, %div3A_912 : i32
      %jit3A_935 = arith.constant 2 : i32
      %eq3A_936 = arith.constant 0 : i32
      %eq3A_937 = arith.cmpi eq, %jit3A_935, %eq3A_936 : i32
      %jit3A_938 = arith.constant 1 : i32
      %select_n3A_939 = arith.select %eq3A_937, %jit3A_938, %jit3A_935 : i32
      %rem3A_940 = arith.remsi %select_n3A_934, %select_n3A_939 : i32
      %ne3A_941 = arith.constant 0 : i32
      %ne3A_942 = arith.cmpi ne, %rem3A_940, %ne3A_941 : i32
      %lt3A_943 = arith.constant 0 : i32
      %lt3A_944 = arith.cmpi slt, %rem3A_940, %lt3A_943 : i32
      %lt3A_945 = arith.constant 0 : i32
      %lt3A_946 = arith.cmpi slt, %select_n3A_939, %lt3A_945 : i32
      %ne3A_947 = arith.xori %lt3A_944, %lt3A_946 : i1
      %and3A_948 = arith.andi %ne3A_947, %ne3A_942 : i1
      %add3A_949 = arith.addi %rem3A_940, %select_n3A_939 : i32
      %select_n3A_950 = arith.select %and3A_948, %add3A_949, %rem3A_940 : i32
      %jit3A_951 = arith.constant 21 : i32
      %eq3A_952 = arith.constant 0 : i32
      %eq3A_953 = arith.cmpi eq, %jit3A_951, %eq3A_952 : i32
      %jit3A_954 = arith.constant 1 : i32
      %select_n3A_955 = arith.select %eq3A_953, %jit3A_954, %jit3A_951 : i32
      %rem3A_956 = arith.remsi %add3A_910, %select_n3A_955 : i32
      %ne3A_957 = arith.constant 0 : i32
      %ne3A_958 = arith.cmpi ne, %rem3A_956, %ne3A_957 : i32
      %lt3A_959 = arith.constant 0 : i32
      %lt3A_960 = arith.cmpi slt, %rem3A_956, %lt3A_959 : i32
      %lt3A_961 = arith.constant 0 : i32
      %lt3A_962 = arith.cmpi slt, %select_n3A_955, %lt3A_961 : i32
      %ne3A_963 = arith.xori %lt3A_960, %lt3A_962 : i1
      %and3A_964 = arith.andi %ne3A_963, %ne3A_958 : i1
      %add3A_965 = arith.addi %rem3A_956, %select_n3A_955 : i32
      %select_n3A_966 = arith.select %and3A_964, %add3A_965, %rem3A_956 : i32
      %dma_start3A_967 = arith.constant 1 : i32
      %dma_start3A_968 = arith.constant 1 : i32
      %dma_start3A_969 = arith.constant 0 : i32
      %dma_start3A_970 = arith.constant 0 : i32
      %dma_start3A_971 = tpu.memref_slice %arg9[%dma_start3A_967, %dma_start3A_969, %dma_start3A_970] : memref<3x96x128xf32, #tpu.memory_space<vmem>> -> memref<1x96x128xf32, #tpu.memory_space<vmem>>
      %dma_start3A_972 = tpu.memref_squeeze %dma_start3A_971 : memref<1x96x128xf32, #tpu.memory_space<vmem>> -> memref<96x128xf32, #tpu.memory_space<vmem>>
      %dma_start3A_973 = arith.constant 0 : i32
      %dma_start3A_974 = tpu.memref_slice %arg7[%select_n3A_950, %select_n3A_966, %dma_start3A_973] : memref<2x21x96xi32, #tpu.memory_space<vmem>> -> memref<1x1x96xi32, #tpu.memory_space<vmem>>
      %dma_start3A_975 = tpu.memref_squeeze %dma_start3A_974 : memref<1x1x96xi32, #tpu.memory_space<vmem>> -> memref<96xi32, #tpu.memory_space<vmem>>
      %dma_start3A_976 = arith.constant 0 : i32
      %dma_start3A_977 = arith.constant 0 : i32
      %dma_start3A_978 = tpu.memref_slice %arg2[%dma_start3A_976, %dma_start3A_977] : memref<10000x128xf32, #tpu.memory_space<hbm>> -> memref<10000x128xf32, #tpu.memory_space<hbm>>
      %dma_start3A_979 = tpu.memref_slice %arg11[%dma_start3A_968] : memref<3x!tpu.dma_semaphore, #tpu.memory_space<semaphore_mem>> -> memref<1x!tpu.dma_semaphore, #tpu.memory_space<semaphore_mem>>
      %dma_start3A_980 = tpu.memref_squeeze %dma_start3A_979 : memref<1x!tpu.dma_semaphore, #tpu.memory_space<semaphore_mem>> -> memref<!tpu.dma_semaphore, #tpu.memory_space<semaphore_mem>>
      tpu.enqueue_indirect_dma source(%dma_start3A_978 : memref<10000x128xf32, #tpu.memory_space<hbm>>) target(%dma_start3A_972 : memref<96x128xf32, #tpu.memory_space<vmem>>) offsets(%dma_start3A_975 : memref<96xi32, #tpu.memory_space<vmem>>) semaphore(%dma_start3A_980 : memref<!tpu.dma_semaphore, #tpu.memory_space<semaphore_mem>>)
      %mul3A_981 = arith.constant 3 : i32
      %mul3A_982 = arith.muli %mul3A_981, %scan3A_271 : i32
      %add3A_983 = arith.constant 1 : i32
      %add3A_984 = arith.addi %add3A_983, %mul3A_982 : i32
      %add3A_985 = arith.constant 2 : i32
      %add3A_986 = arith.addi %add3A_984, %add3A_985 : i32
      %jit3A_987 = arith.constant 21 : i32
      %div3A_988 = arith.divsi %add3A_986, %jit3A_987 : i32
      %sign3A_989 = arith.constant 0 : i32
      %sign3A_990 = arith.cmpi sgt, %add3A_986, %sign3A_989 : i32
      %sign3A_991 = arith.extui %sign3A_990 : i1 to i32
      %sign3A_992 = arith.constant 0 : i32
      %sign3A_993 = arith.cmpi slt, %add3A_986, %sign3A_992 : i32
      %sign3A_994 = arith.extui %sign3A_993 : i1 to i32
      %sign3A_995 = arith.subi %sign3A_991, %sign3A_994 : i32
      %sign3A_996 = arith.constant 0 : i32
      %sign3A_997 = arith.cmpi sgt, %jit3A_987, %sign3A_996 : i32
      %sign3A_998 = arith.extui %sign3A_997 : i1 to i32
      %sign3A_999 = arith.constant 0 : i32
      %sign3A_1000 = arith.cmpi slt, %jit3A_987, %sign3A_999 : i32
      %sign3A_1001 = arith.extui %sign3A_1000 : i1 to i32
      %sign3A_1002 = arith.subi %sign3A_998, %sign3A_1001 : i32
      %ne3A_1003 = arith.cmpi ne, %sign3A_995, %sign3A_1002 : i32
      %rem3A_1004 = arith.remsi %add3A_986, %jit3A_987 : i32
      %ne3A_1005 = arith.constant 0 : i32
      %ne3A_1006 = arith.cmpi ne, %rem3A_1004, %ne3A_1005 : i32
      %and3A_1007 = arith.andi %ne3A_1003, %ne3A_1006 : i1
      %sub3A_1008 = arith.constant 1 : i32
      %sub3A_1009 = arith.subi %div3A_988, %sub3A_1008 : i32
      %select_n3A_1010 = arith.select %and3A_1007, %sub3A_1009, %div3A_988 : i32
      %jit3A_1011 = arith.constant 2 : i32
      %eq3A_1012 = arith.constant 0 : i32
      %eq3A_1013 = arith.cmpi eq, %jit3A_1011, %eq3A_1012 : i32
      %jit3A_1014 = arith.constant 1 : i32
      %select_n3A_1015 = arith.select %eq3A_1013, %jit3A_1014, %jit3A_1011 : i32
      %rem3A_1016 = arith.remsi %select_n3A_1010, %select_n3A_1015 : i32
      %ne3A_1017 = arith.constant 0 : i32
      %ne3A_1018 = arith.cmpi ne, %rem3A_1016, %ne3A_1017 : i32
      %lt3A_1019 = arith.constant 0 : i32
      %lt3A_1020 = arith.cmpi slt, %rem3A_1016, %lt3A_1019 : i32
      %lt3A_1021 = arith.constant 0 : i32
      %lt3A_1022 = arith.cmpi slt, %select_n3A_1015, %lt3A_1021 : i32
      %ne3A_1023 = arith.xori %lt3A_1020, %lt3A_1022 : i1
      %and3A_1024 = arith.andi %ne3A_1023, %ne3A_1018 : i1
      %add3A_1025 = arith.addi %rem3A_1016, %select_n3A_1015 : i32
      %select_n3A_1026 = arith.select %and3A_1024, %add3A_1025, %rem3A_1016 : i32
      %jit3A_1027 = arith.constant 21 : i32
      %eq3A_1028 = arith.constant 0 : i32
      %eq3A_1029 = arith.cmpi eq, %jit3A_1027, %eq3A_1028 : i32
      %jit3A_1030 = arith.constant 1 : i32
      %select_n3A_1031 = arith.select %eq3A_1029, %jit3A_1030, %jit3A_1027 : i32
      %rem3A_1032 = arith.remsi %add3A_986, %select_n3A_1031 : i32
      %ne3A_1033 = arith.constant 0 : i32
      %ne3A_1034 = arith.cmpi ne, %rem3A_1032, %ne3A_1033 : i32
      %lt3A_1035 = arith.constant 0 : i32
      %lt3A_1036 = arith.cmpi slt, %rem3A_1032, %lt3A_1035 : i32
      %lt3A_1037 = arith.constant 0 : i32
      %lt3A_1038 = arith.cmpi slt, %select_n3A_1031, %lt3A_1037 : i32
      %ne3A_1039 = arith.xori %lt3A_1036, %lt3A_1038 : i1
      %and3A_1040 = arith.andi %ne3A_1039, %ne3A_1034 : i1
      %add3A_1041 = arith.addi %rem3A_1032, %select_n3A_1031 : i32
      %select_n3A_1042 = arith.select %and3A_1040, %add3A_1041, %rem3A_1032 : i32
      %dma_wait3A_1043 = arith.constant 0 : i32
      %dma_wait3A_1044 = arith.constant 0 : i32
      %dma_wait3A_1045 = arith.constant 0 : i32
      %dma_wait3A_1046 = arith.constant 0 : i32
      %dma_wait3A_1047 = tpu.memref_slice %arg9[%dma_wait3A_1043, %dma_wait3A_1045, %dma_wait3A_1046] : memref<3x96x128xf32, #tpu.memory_space<vmem>> -> memref<1x96x128xf32, #tpu.memory_space<vmem>>
      %dma_wait3A_1048 = tpu.memref_squeeze %dma_wait3A_1047 : memref<1x96x128xf32, #tpu.memory_space<vmem>> -> memref<96x128xf32, #tpu.memory_space<vmem>>
      %dma_wait3A_1049 = arith.constant 0 : i32
      %dma_wait3A_1050 = tpu.memref_slice %arg7[%select_n3A_1026, %select_n3A_1042, %dma_wait3A_1049] : memref<2x21x96xi32, #tpu.memory_space<vmem>> -> memref<1x1x96xi32, #tpu.memory_space<vmem>>
      %dma_wait3A_1051 = tpu.memref_squeeze %dma_wait3A_1050 : memref<1x1x96xi32, #tpu.memory_space<vmem>> -> memref<96xi32, #tpu.memory_space<vmem>>
      %dma_wait3A_1052 = arith.constant 0 : i32
      %dma_wait3A_1053 = arith.constant 0 : i32
      %dma_wait3A_1054 = tpu.memref_slice %arg2[%dma_wait3A_1052, %dma_wait3A_1053] : memref<10000x128xf32, #tpu.memory_space<hbm>> -> memref<10000x128xf32, #tpu.memory_space<hbm>>
      %dma_wait3A_1055 = tpu.memref_slice %arg11[%dma_wait3A_1044] : memref<3x!tpu.dma_semaphore, #tpu.memory_space<semaphore_mem>> -> memref<1x!tpu.dma_semaphore, #tpu.memory_space<semaphore_mem>>
      %dma_wait3A_1056 = tpu.memref_squeeze %dma_wait3A_1055 : memref<1x!tpu.dma_semaphore, #tpu.memory_space<semaphore_mem>> -> memref<!tpu.dma_semaphore, #tpu.memory_space<semaphore_mem>>
      tpu.wait_indirect_dma semaphore(%dma_wait3A_1056 : memref<!tpu.dma_semaphore, #tpu.memory_space<semaphore_mem>>) src(%dma_wait3A_1054 : memref<10000x128xf32, #tpu.memory_space<hbm>>) dst(%dma_wait3A_1048 : memref<96x128xf32, #tpu.memory_space<vmem>>)
      %jit3A_1057 = arith.constant 21 : i32
      %div3A_1058 = arith.divsi %add3A_986, %jit3A_1057 : i32
      %sign3A_1059 = arith.constant 0 : i32
      %sign3A_1060 = arith.cmpi sgt, %add3A_986, %sign3A_1059 : i32
      %sign3A_1061 = arith.extui %sign3A_1060 : i1 to i32
      %sign3A_1062 = arith.constant 0 : i32
      %sign3A_1063 = arith.cmpi slt, %add3A_986, %sign3A_1062 : i32
      %sign3A_1064 = arith.extui %sign3A_1063 : i1 to i32
      %sign3A_1065 = arith.subi %sign3A_1061, %sign3A_1064 : i32
      %sign3A_1066 = arith.constant 0 : i32
      %sign3A_1067 = arith.cmpi sgt, %jit3A_1057, %sign3A_1066 : i32
      %sign3A_1068 = arith.extui %sign3A_1067 : i1 to i32
      %sign3A_1069 = arith.constant 0 : i32
      %sign3A_1070 = arith.cmpi slt, %jit3A_1057, %sign3A_1069 : i32
      %sign3A_1071 = arith.extui %sign3A_1070 : i1 to i32
      %sign3A_1072 = arith.subi %sign3A_1068, %sign3A_1071 : i32
      %ne3A_1073 = arith.cmpi ne, %sign3A_1065, %sign3A_1072 : i32
      %rem3A_1074 = arith.remsi %add3A_986, %jit3A_1057 : i32
      %ne3A_1075 = arith.constant 0 : i32
      %ne3A_1076 = arith.cmpi ne, %rem3A_1074, %ne3A_1075 : i32
      %and3A_1077 = arith.andi %ne3A_1073, %ne3A_1076 : i1
      %sub3A_1078 = arith.constant 1 : i32
      %sub3A_1079 = arith.subi %div3A_1058, %sub3A_1078 : i32
      %select_n3A_1080 = arith.select %and3A_1077, %sub3A_1079, %div3A_1058 : i32
      %jit3A_1081 = arith.constant 2 : i32
      %eq3A_1082 = arith.constant 0 : i32
      %eq3A_1083 = arith.cmpi eq, %jit3A_1081, %eq3A_1082 : i32
      %jit3A_1084 = arith.constant 1 : i32
      %select_n3A_1085 = arith.select %eq3A_1083, %jit3A_1084, %jit3A_1081 : i32
      %rem3A_1086 = arith.remsi %select_n3A_1080, %select_n3A_1085 : i32
      %ne3A_1087 = arith.constant 0 : i32
      %ne3A_1088 = arith.cmpi ne, %rem3A_1086, %ne3A_1087 : i32
      %lt3A_1089 = arith.constant 0 : i32
      %lt3A_1090 = arith.cmpi slt, %rem3A_1086, %lt3A_1089 : i32
      %lt3A_1091 = arith.constant 0 : i32
      %lt3A_1092 = arith.cmpi slt, %select_n3A_1085, %lt3A_1091 : i32
      %ne3A_1093 = arith.xori %lt3A_1090, %lt3A_1092 : i1
      %and3A_1094 = arith.andi %ne3A_1093, %ne3A_1088 : i1
      %add3A_1095 = arith.addi %rem3A_1086, %select_n3A_1085 : i32
      %select_n3A_1096 = arith.select %and3A_1094, %add3A_1095, %rem3A_1086 : i32
      %jit3A_1097 = arith.constant 21 : i32
      %eq3A_1098 = arith.constant 0 : i32
      %eq3A_1099 = arith.cmpi eq, %jit3A_1097, %eq3A_1098 : i32
      %jit3A_1100 = arith.constant 1 : i32
      %select_n3A_1101 = arith.select %eq3A_1099, %jit3A_1100, %jit3A_1097 : i32
      %rem3A_1102 = arith.remsi %add3A_986, %select_n3A_1101 : i32
      %ne3A_1103 = arith.constant 0 : i32
      %ne3A_1104 = arith.cmpi ne, %rem3A_1102, %ne3A_1103 : i32
      %lt3A_1105 = arith.constant 0 : i32
      %lt3A_1106 = arith.cmpi slt, %rem3A_1102, %lt3A_1105 : i32
      %lt3A_1107 = arith.constant 0 : i32
      %lt3A_1108 = arith.cmpi slt, %select_n3A_1101, %lt3A_1107 : i32
      %ne3A_1109 = arith.xori %lt3A_1106, %lt3A_1108 : i1
      %and3A_1110 = arith.andi %ne3A_1109, %ne3A_1104 : i1
      %add3A_1111 = arith.addi %rem3A_1102, %select_n3A_1101 : i32
      %select_n3A_1112 = arith.select %and3A_1110, %add3A_1111, %rem3A_1102 : i32
      %dma_start3A_1113 = arith.constant 0 : i32
      %dma_start3A_1114 = arith.constant 0 : i32
      %dma_start3A_1115 = arith.constant 0 : i32
      %dma_start3A_1116 = arith.constant 0 : i32
      %dma_start3A_1117 = tpu.memref_slice %arg9[%dma_start3A_1113, %dma_start3A_1115, %dma_start3A_1116] : memref<3x96x128xf32, #tpu.memory_space<vmem>> -> memref<1x96x128xf32, #tpu.memory_space<vmem>>
      %dma_start3A_1118 = tpu.memref_squeeze %dma_start3A_1117 : memref<1x96x128xf32, #tpu.memory_space<vmem>> -> memref<96x128xf32, #tpu.memory_space<vmem>>
      %dma_start3A_1119 = arith.constant 0 : i32
      %dma_start3A_1120 = tpu.memref_slice %arg8[%select_n3A_1096, %select_n3A_1112, %dma_start3A_1119] : memref<2x21x96xi32, #tpu.memory_space<vmem>> -> memref<1x1x96xi32, #tpu.memory_space<vmem>>
      %dma_start3A_1121 = tpu.memref_squeeze %dma_start3A_1120 : memref<1x1x96xi32, #tpu.memory_space<vmem>> -> memref<96xi32, #tpu.memory_space<vmem>>
      %dma_start3A_1122 = arith.constant 0 : i32
      %dma_start3A_1123 = arith.constant 0 : i32
      %dma_start3A_1124 = tpu.memref_slice %arg10[%dma_start3A_1122, %dma_start3A_1123] : memref<10112x128xf32, #tpu.memory_space<vmem_shared>> -> memref<10112x128xf32, #tpu.memory_space<vmem_shared>>
      %dma_start3A_1125 = tpu.memref_slice %arg12[%dma_start3A_1114] : memref<3x!tpu.dma_semaphore, #tpu.memory_space<semaphore_mem>> -> memref<1x!tpu.dma_semaphore, #tpu.memory_space<semaphore_mem>>
      %dma_start3A_1126 = tpu.memref_squeeze %dma_start3A_1125 : memref<1x!tpu.dma_semaphore, #tpu.memory_space<semaphore_mem>> -> memref<!tpu.dma_semaphore, #tpu.memory_space<semaphore_mem>>
      tpu.enqueue_indirect_dma source(%dma_start3A_1118 : memref<96x128xf32, #tpu.memory_space<vmem>>) target(%dma_start3A_1124 : memref<10112x128xf32, #tpu.memory_space<vmem_shared>>) offsets(%dma_start3A_1121 : memref<96xi32, #tpu.memory_space<vmem>>) semaphore(%dma_start3A_1126 : memref<!tpu.dma_semaphore, #tpu.memory_space<semaphore_mem>>) {add = true}
      %sub3A_1127 = arith.constant 1 : i32
      %sub3A_1128 = arith.subi %add3A_986, %sub3A_1127 : i32
      %jit3A_1129 = arith.constant 21 : i32
      %div3A_1130 = arith.divsi %sub3A_1128, %jit3A_1129 : i32
      %sign3A_1131 = arith.constant 0 : i32
      %sign3A_1132 = arith.cmpi sgt, %sub3A_1128, %sign3A_1131 : i32
      %sign3A_1133 = arith.extui %sign3A_1132 : i1 to i32
      %sign3A_1134 = arith.constant 0 : i32
      %sign3A_1135 = arith.cmpi slt, %sub3A_1128, %sign3A_1134 : i32
      %sign3A_1136 = arith.extui %sign3A_1135 : i1 to i32
      %sign3A_1137 = arith.subi %sign3A_1133, %sign3A_1136 : i32
      %sign3A_1138 = arith.constant 0 : i32
      %sign3A_1139 = arith.cmpi sgt, %jit3A_1129, %sign3A_1138 : i32
      %sign3A_1140 = arith.extui %sign3A_1139 : i1 to i32
      %sign3A_1141 = arith.constant 0 : i32
      %sign3A_1142 = arith.cmpi slt, %jit3A_1129, %sign3A_1141 : i32
      %sign3A_1143 = arith.extui %sign3A_1142 : i1 to i32
      %sign3A_1144 = arith.subi %sign3A_1140, %sign3A_1143 : i32
      %ne3A_1145 = arith.cmpi ne, %sign3A_1137, %sign3A_1144 : i32
      %rem3A_1146 = arith.remsi %sub3A_1128, %jit3A_1129 : i32
      %ne3A_1147 = arith.constant 0 : i32
      %ne3A_1148 = arith.cmpi ne, %rem3A_1146, %ne3A_1147 : i32
      %and3A_1149 = arith.andi %ne3A_1145, %ne3A_1148 : i1
      %sub3A_1150 = arith.constant 1 : i32
      %sub3A_1151 = arith.subi %div3A_1130, %sub3A_1150 : i32
      %select_n3A_1152 = arith.select %and3A_1149, %sub3A_1151, %div3A_1130 : i32
      %jit3A_1153 = arith.constant 2 : i32
      %eq3A_1154 = arith.constant 0 : i32
      %eq3A_1155 = arith.cmpi eq, %jit3A_1153, %eq3A_1154 : i32
      %jit3A_1156 = arith.constant 1 : i32
      %select_n3A_1157 = arith.select %eq3A_1155, %jit3A_1156, %jit3A_1153 : i32
      %rem3A_1158 = arith.remsi %select_n3A_1152, %select_n3A_1157 : i32
      %ne3A_1159 = arith.constant 0 : i32
      %ne3A_1160 = arith.cmpi ne, %rem3A_1158, %ne3A_1159 : i32
      %lt3A_1161 = arith.constant 0 : i32
      %lt3A_1162 = arith.cmpi slt, %rem3A_1158, %lt3A_1161 : i32
      %lt3A_1163 = arith.constant 0 : i32
      %lt3A_1164 = arith.cmpi slt, %select_n3A_1157, %lt3A_1163 : i32
      %ne3A_1165 = arith.xori %lt3A_1162, %lt3A_1164 : i1
      %and3A_1166 = arith.andi %ne3A_1165, %ne3A_1160 : i1
      %add3A_1167 = arith.addi %rem3A_1158, %select_n3A_1157 : i32
      %select_n3A_1168 = arith.select %and3A_1166, %add3A_1167, %rem3A_1158 : i32
      %jit3A_1169 = arith.constant 21 : i32
      %eq3A_1170 = arith.constant 0 : i32
      %eq3A_1171 = arith.cmpi eq, %jit3A_1169, %eq3A_1170 : i32
      %jit3A_1172 = arith.constant 1 : i32
      %select_n3A_1173 = arith.select %eq3A_1171, %jit3A_1172, %jit3A_1169 : i32
      %rem3A_1174 = arith.remsi %sub3A_1128, %select_n3A_1173 : i32
      %ne3A_1175 = arith.constant 0 : i32
      %ne3A_1176 = arith.cmpi ne, %rem3A_1174, %ne3A_1175 : i32
      %lt3A_1177 = arith.constant 0 : i32
      %lt3A_1178 = arith.cmpi slt, %rem3A_1174, %lt3A_1177 : i32
      %lt3A_1179 = arith.constant 0 : i32
      %lt3A_1180 = arith.cmpi slt, %select_n3A_1173, %lt3A_1179 : i32
      %ne3A_1181 = arith.xori %lt3A_1178, %lt3A_1180 : i1
      %and3A_1182 = arith.andi %ne3A_1181, %ne3A_1176 : i1
      %add3A_1183 = arith.addi %rem3A_1174, %select_n3A_1173 : i32
      %select_n3A_1184 = arith.select %and3A_1182, %add3A_1183, %rem3A_1174 : i32
      %dma_wait3A_1185 = arith.constant 2 : i32
      %dma_wait3A_1186 = arith.constant 2 : i32
      %dma_wait3A_1187 = arith.constant 0 : i32
      %dma_wait3A_1188 = arith.constant 0 : i32
      %dma_wait3A_1189 = tpu.memref_slice %arg9[%dma_wait3A_1185, %dma_wait3A_1187, %dma_wait3A_1188] : memref<3x96x128xf32, #tpu.memory_space<vmem>> -> memref<1x96x128xf32, #tpu.memory_space<vmem>>
      %dma_wait3A_1190 = tpu.memref_squeeze %dma_wait3A_1189 : memref<1x96x128xf32, #tpu.memory_space<vmem>> -> memref<96x128xf32, #tpu.memory_space<vmem>>
      %dma_wait3A_1191 = arith.constant 0 : i32
      %dma_wait3A_1192 = tpu.memref_slice %arg8[%select_n3A_1168, %select_n3A_1184, %dma_wait3A_1191] : memref<2x21x96xi32, #tpu.memory_space<vmem>> -> memref<1x1x96xi32, #tpu.memory_space<vmem>>
      %dma_wait3A_1193 = tpu.memref_squeeze %dma_wait3A_1192 : memref<1x1x96xi32, #tpu.memory_space<vmem>> -> memref<96xi32, #tpu.memory_space<vmem>>
      %dma_wait3A_1194 = arith.constant 0 : i32
      %dma_wait3A_1195 = arith.constant 0 : i32
      %dma_wait3A_1196 = tpu.memref_slice %arg10[%dma_wait3A_1194, %dma_wait3A_1195] : memref<10112x128xf32, #tpu.memory_space<vmem_shared>> -> memref<10112x128xf32, #tpu.memory_space<vmem_shared>>
      %dma_wait3A_1197 = tpu.memref_slice %arg12[%dma_wait3A_1186] : memref<3x!tpu.dma_semaphore, #tpu.memory_space<semaphore_mem>> -> memref<1x!tpu.dma_semaphore, #tpu.memory_space<semaphore_mem>>
      %dma_wait3A_1198 = tpu.memref_squeeze %dma_wait3A_1197 : memref<1x!tpu.dma_semaphore, #tpu.memory_space<semaphore_mem>> -> memref<!tpu.dma_semaphore, #tpu.memory_space<semaphore_mem>>
      tpu.wait_indirect_dma semaphore(%dma_wait3A_1198 : memref<!tpu.dma_semaphore, #tpu.memory_space<semaphore_mem>>) src(%dma_wait3A_1190 : memref<96x128xf32, #tpu.memory_space<vmem>>) dst(%dma_wait3A_1196 : memref<10112x128xf32, #tpu.memory_space<vmem_shared>>)
      %jit3A_1199 = arith.constant 21 : i32
      %div3A_1200 = arith.divsi %add3A_986, %jit3A_1199 : i32
      %sign3A_1201 = arith.constant 0 : i32
      %sign3A_1202 = arith.cmpi sgt, %add3A_986, %sign3A_1201 : i32
      %sign3A_1203 = arith.extui %sign3A_1202 : i1 to i32
      %sign3A_1204 = arith.constant 0 : i32
      %sign3A_1205 = arith.cmpi slt, %add3A_986, %sign3A_1204 : i32
      %sign3A_1206 = arith.extui %sign3A_1205 : i1 to i32
      %sign3A_1207 = arith.subi %sign3A_1203, %sign3A_1206 : i32
      %sign3A_1208 = arith.constant 0 : i32
      %sign3A_1209 = arith.cmpi sgt, %jit3A_1199, %sign3A_1208 : i32
      %sign3A_1210 = arith.extui %sign3A_1209 : i1 to i32
      %sign3A_1211 = arith.constant 0 : i32
      %sign3A_1212 = arith.cmpi slt, %jit3A_1199, %sign3A_1211 : i32
      %sign3A_1213 = arith.extui %sign3A_1212 : i1 to i32
      %sign3A_1214 = arith.subi %sign3A_1210, %sign3A_1213 : i32
      %ne3A_1215 = arith.cmpi ne, %sign3A_1207, %sign3A_1214 : i32
      %rem3A_1216 = arith.remsi %add3A_986, %jit3A_1199 : i32
      %ne3A_1217 = arith.constant 0 : i32
      %ne3A_1218 = arith.cmpi ne, %rem3A_1216, %ne3A_1217 : i32
      %and3A_1219 = arith.andi %ne3A_1215, %ne3A_1218 : i1
      %sub3A_1220 = arith.constant 1 : i32
      %sub3A_1221 = arith.subi %div3A_1200, %sub3A_1220 : i32
      %select_n3A_1222 = arith.select %and3A_1219, %sub3A_1221, %div3A_1200 : i32
      %jit3A_1223 = arith.constant 2 : i32
      %eq3A_1224 = arith.constant 0 : i32
      %eq3A_1225 = arith.cmpi eq, %jit3A_1223, %eq3A_1224 : i32
      %jit3A_1226 = arith.constant 1 : i32
      %select_n3A_1227 = arith.select %eq3A_1225, %jit3A_1226, %jit3A_1223 : i32
      %rem3A_1228 = arith.remsi %select_n3A_1222, %select_n3A_1227 : i32
      %ne3A_1229 = arith.constant 0 : i32
      %ne3A_1230 = arith.cmpi ne, %rem3A_1228, %ne3A_1229 : i32
      %lt3A_1231 = arith.constant 0 : i32
      %lt3A_1232 = arith.cmpi slt, %rem3A_1228, %lt3A_1231 : i32
      %lt3A_1233 = arith.constant 0 : i32
      %lt3A_1234 = arith.cmpi slt, %select_n3A_1227, %lt3A_1233 : i32
      %ne3A_1235 = arith.xori %lt3A_1232, %lt3A_1234 : i1
      %and3A_1236 = arith.andi %ne3A_1235, %ne3A_1230 : i1
      %add3A_1237 = arith.addi %rem3A_1228, %select_n3A_1227 : i32
      %select_n3A_1238 = arith.select %and3A_1236, %add3A_1237, %rem3A_1228 : i32
      %jit3A_1239 = arith.constant 21 : i32
      %eq3A_1240 = arith.constant 0 : i32
      %eq3A_1241 = arith.cmpi eq, %jit3A_1239, %eq3A_1240 : i32
      %jit3A_1242 = arith.constant 1 : i32
      %select_n3A_1243 = arith.select %eq3A_1241, %jit3A_1242, %jit3A_1239 : i32
      %rem3A_1244 = arith.remsi %add3A_986, %select_n3A_1243 : i32
      %ne3A_1245 = arith.constant 0 : i32
      %ne3A_1246 = arith.cmpi ne, %rem3A_1244, %ne3A_1245 : i32
      %lt3A_1247 = arith.constant 0 : i32
      %lt3A_1248 = arith.cmpi slt, %rem3A_1244, %lt3A_1247 : i32
      %lt3A_1249 = arith.constant 0 : i32
      %lt3A_1250 = arith.cmpi slt, %select_n3A_1243, %lt3A_1249 : i32
      %ne3A_1251 = arith.xori %lt3A_1248, %lt3A_1250 : i1
      %and3A_1252 = arith.andi %ne3A_1251, %ne3A_1246 : i1
      %add3A_1253 = arith.addi %rem3A_1244, %select_n3A_1243 : i32
      %select_n3A_1254 = arith.select %and3A_1252, %add3A_1253, %rem3A_1244 : i32
      %eq3A_1255 = arith.constant 0 : i32
      %eq3A_1256 = arith.cmpi eq, %select_n3A_1254, %eq3A_1255 : i32
      %lt3A_1257 = arith.constant 64 : i32
      %lt3A_1258 = arith.cmpi slt, %add3A_986, %lt3A_1257 : i32
      %and3A_1259 = arith.andi %eq3A_1256, %lt3A_1258 : i1
      %convert_element_type3A_1260 = arith.extui %and3A_1259 : i1 to i32
      %cond3A_1261 = arith.constant 0 : i32
      %cond3A_1262 = arith.cmpi ne, %convert_element_type3A_1260, %cond3A_1261 : i32
      scf.if %cond3A_1262 {
        %jit3A_1340 = arith.constant 21 : i32
        %div3A_1341 = arith.divsi %add3A_986, %jit3A_1340 : i32
        %sign3A_1342 = arith.constant 0 : i32
        %sign3A_1343 = arith.cmpi sgt, %add3A_986, %sign3A_1342 : i32
        %sign3A_1344 = arith.extui %sign3A_1343 : i1 to i32
        %sign3A_1345 = arith.constant 0 : i32
        %sign3A_1346 = arith.cmpi slt, %add3A_986, %sign3A_1345 : i32
        %sign3A_1347 = arith.extui %sign3A_1346 : i1 to i32
        %sign3A_1348 = arith.subi %sign3A_1344, %sign3A_1347 : i32
        %sign3A_1349 = arith.constant 0 : i32
        %sign3A_1350 = arith.cmpi sgt, %jit3A_1340, %sign3A_1349 : i32
        %sign3A_1351 = arith.extui %sign3A_1350 : i1 to i32
        %sign3A_1352 = arith.constant 0 : i32
        %sign3A_1353 = arith.cmpi slt, %jit3A_1340, %sign3A_1352 : i32
        %sign3A_1354 = arith.extui %sign3A_1353 : i1 to i32
        %sign3A_1355 = arith.subi %sign3A_1351, %sign3A_1354 : i32
        %ne3A_1356 = arith.cmpi ne, %sign3A_1348, %sign3A_1355 : i32
        %rem3A_1357 = arith.remsi %add3A_986, %jit3A_1340 : i32
        %ne3A_1358 = arith.constant 0 : i32
        %ne3A_1359 = arith.cmpi ne, %rem3A_1357, %ne3A_1358 : i32
        %and3A_1360 = arith.andi %ne3A_1356, %ne3A_1359 : i1
        %sub3A_1361 = arith.constant 1 : i32
        %sub3A_1362 = arith.subi %div3A_1341, %sub3A_1361 : i32
        %select_n3A_1363 = arith.select %and3A_1360, %sub3A_1362, %div3A_1341 : i32
        %add3A_1364 = arith.constant 1 : i32
        %add3A_1365 = arith.addi %select_n3A_1363, %add3A_1364 : i32
        %add3A_1366 = arith.constant 1 : i32
        %add3A_1367 = arith.addi %select_n3A_1238, %add3A_1366 : i32
        %jit3A_1368 = arith.constant 2 : i32
        %eq3A_1369 = arith.constant 0 : i32
        %eq3A_1370 = arith.cmpi eq, %jit3A_1368, %eq3A_1369 : i32
        %jit3A_1371 = arith.constant 1 : i32
        %select_n3A_1372 = arith.select %eq3A_1370, %jit3A_1371, %jit3A_1368 : i32
        %rem3A_1373 = arith.remsi %add3A_1367, %select_n3A_1372 : i32
        %ne3A_1374 = arith.constant 0 : i32
        %ne3A_1375 = arith.cmpi ne, %rem3A_1373, %ne3A_1374 : i32
        %lt3A_1376 = arith.constant 0 : i32
        %lt3A_1377 = arith.cmpi slt, %rem3A_1373, %lt3A_1376 : i32
        %lt3A_1378 = arith.constant 0 : i32
        %lt3A_1379 = arith.cmpi slt, %select_n3A_1372, %lt3A_1378 : i32
        %ne3A_1380 = arith.xori %lt3A_1377, %lt3A_1379 : i1
        %and3A_1381 = arith.andi %ne3A_1380, %ne3A_1375 : i1
        %add3A_1382 = arith.addi %rem3A_1373, %select_n3A_1372 : i32
        %select_n3A_1383 = arith.select %and3A_1381, %add3A_1382, %rem3A_1373 : i32
        %mul3A_1384 = arith.constant 5 : i32
        %mul3A_1385 = arith.muli %add3A, %mul3A_1384 : i32
        %add3A_1386 = arith.addi %mul3A_1385, %add3A_1365 : i32
        %dma_start3A_1387 = arith.constant 0 : i32
        %dma_start3A_1388 = arith.constant 0 : i32
        %dma_start3A_1389 = tpu.memref_slice %arg7[%select_n3A_1383, %dma_start3A_1387, %dma_start3A_1388] : memref<2x21x96xi32, #tpu.memory_space<vmem>> -> memref<1x21x96xi32, #tpu.memory_space<vmem>>
        %dma_start3A_1390 = tpu.memref_squeeze %dma_start3A_1389 : memref<1x21x96xi32, #tpu.memory_space<vmem>> -> memref<21x96xi32, #tpu.memory_space<vmem>>
        %dma_start3A_1391 = arith.constant 0 : i32
        %dma_start3A_1392 = arith.constant 0 : i32
        %dma_start3A_1393 = tpu.memref_slice %arg3[%add3A_1386, %dma_start3A_1391, %dma_start3A_1392] : memref<160x21x96xi32, #tpu.memory_space<hbm>> -> memref<1x21x96xi32, #tpu.memory_space<hbm>>
        %dma_start3A_1394 = tpu.memref_squeeze %dma_start3A_1393 : memref<1x21x96xi32, #tpu.memory_space<hbm>> -> memref<21x96xi32, #tpu.memory_space<hbm>>
        %dma_start3A_1395 = tpu.memref_slice %arg13[%select_n3A_1383] : memref<2x!tpu.dma_semaphore, #tpu.memory_space<semaphore_mem>> -> memref<1x!tpu.dma_semaphore, #tpu.memory_space<semaphore_mem>>
        %dma_start3A_1396 = tpu.memref_squeeze %dma_start3A_1395 : memref<1x!tpu.dma_semaphore, #tpu.memory_space<semaphore_mem>> -> memref<!tpu.dma_semaphore, #tpu.memory_space<semaphore_mem>>
        %dma_start3A_1397 = arith.constant 0 : i32
        %dma_start3A_1398 = arith.constant 0 : i32
        %dma_start3A_1399 = tpu.memref_slice %arg7[%select_n3A_1383, %dma_start3A_1397, %dma_start3A_1398] : memref<2x21x96xi32, #tpu.memory_space<vmem>> -> memref<1x21x96xi32, #tpu.memory_space<vmem>>
        %dma_start3A_1400 = tpu.memref_squeeze %dma_start3A_1399 : memref<1x21x96xi32, #tpu.memory_space<vmem>> -> memref<21x96xi32, #tpu.memory_space<vmem>>
        %dma_start3A_1401 = arith.constant 0 : i32
        %dma_start3A_1402 = arith.constant 0 : i32
        %dma_start3A_1403 = tpu.memref_slice %arg3[%add3A_1386, %dma_start3A_1401, %dma_start3A_1402] : memref<160x21x96xi32, #tpu.memory_space<hbm>> -> memref<1x21x96xi32, #tpu.memory_space<hbm>>
        %dma_start3A_1404 = tpu.memref_squeeze %dma_start3A_1403 : memref<1x21x96xi32, #tpu.memory_space<hbm>> -> memref<21x96xi32, #tpu.memory_space<hbm>>
        tpu.enqueue_dma source(%dma_start3A_1404 : memref<21x96xi32, #tpu.memory_space<hbm>>) target(%dma_start3A_1400 : memref<21x96xi32, #tpu.memory_space<vmem>>) target_semaphore(%dma_start3A_1396 : memref<!tpu.dma_semaphore, #tpu.memory_space<semaphore_mem>>)
        %mul3A_1405 = arith.constant 5 : i32
        %mul3A_1406 = arith.muli %add3A, %mul3A_1405 : i32
        %add3A_1407 = arith.addi %mul3A_1406, %add3A_1365 : i32
        %dma_start3A_1408 = arith.constant 0 : i32
        %dma_start3A_1409 = arith.constant 0 : i32
        %dma_start3A_1410 = tpu.memref_slice %arg8[%select_n3A_1383, %dma_start3A_1408, %dma_start3A_1409] : memref<2x21x96xi32, #tpu.memory_space<vmem>> -> memref<1x21x96xi32, #tpu.memory_space<vmem>>
        %dma_start3A_1411 = tpu.memref_squeeze %dma_start3A_1410 : memref<1x21x96xi32, #tpu.memory_space<vmem>> -> memref<21x96xi32, #tpu.memory_space<vmem>>
        %dma_start3A_1412 = arith.constant 0 : i32
        %dma_start3A_1413 = arith.constant 0 : i32
        %dma_start3A_1414 = tpu.memref_slice %arg4[%add3A_1407, %dma_start3A_1412, %dma_start3A_1413] : memref<160x21x96xi32, #tpu.memory_space<hbm>> -> memref<1x21x96xi32, #tpu.memory_space<hbm>>
        %dma_start3A_1415 = tpu.memref_squeeze %dma_start3A_1414 : memref<1x21x96xi32, #tpu.memory_space<hbm>> -> memref<21x96xi32, #tpu.memory_space<hbm>>
        %dma_start3A_1416 = tpu.memref_slice %arg13[%select_n3A_1383] : memref<2x!tpu.dma_semaphore, #tpu.memory_space<semaphore_mem>> -> memref<1x!tpu.dma_semaphore, #tpu.memory_space<semaphore_mem>>
        %dma_start3A_1417 = tpu.memref_squeeze %dma_start3A_1416 : memref<1x!tpu.dma_semaphore, #tpu.memory_space<semaphore_mem>> -> memref<!tpu.dma_semaphore, #tpu.memory_space<semaphore_mem>>
        %dma_start3A_1418 = arith.constant 0 : i32
        %dma_start3A_1419 = arith.constant 0 : i32
        %dma_start3A_1420 = tpu.memref_slice %arg8[%select_n3A_1383, %dma_start3A_1418, %dma_start3A_1419] : memref<2x21x96xi32, #tpu.memory_space<vmem>> -> memref<1x21x96xi32, #tpu.memory_space<vmem>>
        %dma_start3A_1421 = tpu.memref_squeeze %dma_start3A_1420 : memref<1x21x96xi32, #tpu.memory_space<vmem>> -> memref<21x96xi32, #tpu.memory_space<vmem>>
        %dma_start3A_1422 = arith.constant 0 : i32
        %dma_start3A_1423 = arith.constant 0 : i32
        %dma_start3A_1424 = tpu.memref_slice %arg4[%add3A_1407, %dma_start3A_1422, %dma_start3A_1423] : memref<160x21x96xi32, #tpu.memory_space<hbm>> -> memref<1x21x96xi32, #tpu.memory_space<hbm>>
        %dma_start3A_1425 = tpu.memref_squeeze %dma_start3A_1424 : memref<1x21x96xi32, #tpu.memory_space<hbm>> -> memref<21x96xi32, #tpu.memory_space<hbm>>
        tpu.enqueue_dma source(%dma_start3A_1425 : memref<21x96xi32, #tpu.memory_space<hbm>>) target(%dma_start3A_1421 : memref<21x96xi32, #tpu.memory_space<vmem>>) target_semaphore(%dma_start3A_1417 : memref<!tpu.dma_semaphore, #tpu.memory_space<semaphore_mem>>)
      } else {
      }
      %eq3A_1263 = arith.constant 19 : i32
      %eq3A_1264 = arith.cmpi eq, %select_n3A_1254, %eq3A_1263 : i32
      %convert_element_type3A_1265 = arith.extui %eq3A_1264 : i1 to i32
      %cond3A_1266 = arith.constant 0 : i32
      %cond3A_1267 = arith.cmpi ne, %convert_element_type3A_1265, %cond3A_1266 : i32
      scf.if %cond3A_1267 {
        %add3A_1340 = arith.constant 1 : i32
        %add3A_1341 = arith.addi %select_n3A_1238, %add3A_1340 : i32
        %jit3A_1342 = arith.constant 2 : i32
        %eq3A_1343 = arith.constant 0 : i32
        %eq3A_1344 = arith.cmpi eq, %jit3A_1342, %eq3A_1343 : i32
        %jit3A_1345 = arith.constant 1 : i32
        %select_n3A_1346 = arith.select %eq3A_1344, %jit3A_1345, %jit3A_1342 : i32
        %rem3A_1347 = arith.remsi %add3A_1341, %select_n3A_1346 : i32
        %ne3A_1348 = arith.constant 0 : i32
        %ne3A_1349 = arith.cmpi ne, %rem3A_1347, %ne3A_1348 : i32
        %lt3A_1350 = arith.constant 0 : i32
        %lt3A_1351 = arith.cmpi slt, %rem3A_1347, %lt3A_1350 : i32
        %lt3A_1352 = arith.constant 0 : i32
        %lt3A_1353 = arith.cmpi slt, %select_n3A_1346, %lt3A_1352 : i32
        %ne3A_1354 = arith.xori %lt3A_1351, %lt3A_1353 : i1
        %and3A_1355 = arith.andi %ne3A_1354, %ne3A_1349 : i1
        %add3A_1356 = arith.addi %rem3A_1347, %select_n3A_1346 : i32
        %select_n3A_1357 = arith.select %and3A_1355, %add3A_1356, %rem3A_1347 : i32
        %mul3A_1358 = arith.constant 5 : i32
        %mul3A_1359 = arith.muli %add3A, %mul3A_1358 : i32
        %dma_wait3A_1360 = arith.constant 0 : i32
        %dma_wait3A_1361 = arith.constant 0 : i32
        %dma_wait3A_1362 = tpu.memref_slice %arg7[%select_n3A_1357, %dma_wait3A_1360, %dma_wait3A_1361] : memref<2x21x96xi32, #tpu.memory_space<vmem>> -> memref<1x21x96xi32, #tpu.memory_space<vmem>>
        %dma_wait3A_1363 = tpu.memref_squeeze %dma_wait3A_1362 : memref<1x21x96xi32, #tpu.memory_space<vmem>> -> memref<21x96xi32, #tpu.memory_space<vmem>>
        %dma_wait3A_1364 = arith.constant 0 : i32
        %dma_wait3A_1365 = arith.constant 0 : i32
        %dma_wait3A_1366 = tpu.memref_slice %arg3[%mul3A_1359, %dma_wait3A_1364, %dma_wait3A_1365] : memref<160x21x96xi32, #tpu.memory_space<hbm>> -> memref<1x21x96xi32, #tpu.memory_space<hbm>>
        %dma_wait3A_1367 = tpu.memref_squeeze %dma_wait3A_1366 : memref<1x21x96xi32, #tpu.memory_space<hbm>> -> memref<21x96xi32, #tpu.memory_space<hbm>>
        %dma_wait3A_1368 = tpu.memref_slice %arg13[%select_n3A_1357] : memref<2x!tpu.dma_semaphore, #tpu.memory_space<semaphore_mem>> -> memref<1x!tpu.dma_semaphore, #tpu.memory_space<semaphore_mem>>
        %dma_wait3A_1369 = tpu.memref_squeeze %dma_wait3A_1368 : memref<1x!tpu.dma_semaphore, #tpu.memory_space<semaphore_mem>> -> memref<!tpu.dma_semaphore, #tpu.memory_space<semaphore_mem>>
        %dma_wait3A_1370 = arith.constant 0 : i32
        %dma_wait3A_1371 = arith.constant 0 : i32
        %dma_wait3A_1372 = tpu.memref_slice %arg7[%select_n3A_1357, %dma_wait3A_1370, %dma_wait3A_1371] : memref<2x21x96xi32, #tpu.memory_space<vmem>> -> memref<1x21x96xi32, #tpu.memory_space<vmem>>
        %dma_wait3A_1373 = tpu.memref_squeeze %dma_wait3A_1372 : memref<1x21x96xi32, #tpu.memory_space<vmem>> -> memref<21x96xi32, #tpu.memory_space<vmem>>
        %dma_wait3A_1374 = arith.constant 0 : i32
        %dma_wait3A_1375 = arith.constant 0 : i32
        %dma_wait3A_1376 = tpu.memref_slice %arg3[%mul3A_1359, %dma_wait3A_1374, %dma_wait3A_1375] : memref<160x21x96xi32, #tpu.memory_space<hbm>> -> memref<1x21x96xi32, #tpu.memory_space<hbm>>
        %dma_wait3A_1377 = tpu.memref_squeeze %dma_wait3A_1376 : memref<1x21x96xi32, #tpu.memory_space<hbm>> -> memref<21x96xi32, #tpu.memory_space<hbm>>
        tpu.wait_dma2 semaphore(%dma_wait3A_1369 : memref<!tpu.dma_semaphore, #tpu.memory_space<semaphore_mem>>) src(%dma_wait3A_1377 : memref<21x96xi32, #tpu.memory_space<hbm>>) dst(%dma_wait3A_1373 : memref<21x96xi32, #tpu.memory_space<vmem>>)
        %mul3A_1378 = arith.constant 5 : i32
        %mul3A_1379 = arith.muli %add3A, %mul3A_1378 : i32
        %dma_wait3A_1380 = arith.constant 0 : i32
        %dma_wait3A_1381 = arith.constant 0 : i32
        %dma_wait3A_1382 = tpu.memref_slice %arg8[%select_n3A_1357, %dma_wait3A_1380, %dma_wait3A_1381] : memref<2x21x96xi32, #tpu.memory_space<vmem>> -> memref<1x21x96xi32, #tpu.memory_space<vmem>>
        %dma_wait3A_1383 = tpu.memref_squeeze %dma_wait3A_1382 : memref<1x21x96xi32, #tpu.memory_space<vmem>> -> memref<21x96xi32, #tpu.memory_space<vmem>>
        %dma_wait3A_1384 = arith.constant 0 : i32
        %dma_wait3A_1385 = arith.constant 0 : i32
        %dma_wait3A_1386 = tpu.memref_slice %arg4[%mul3A_1379, %dma_wait3A_1384, %dma_wait3A_1385] : memref<160x21x96xi32, #tpu.memory_space<hbm>> -> memref<1x21x96xi32, #tpu.memory_space<hbm>>
        %dma_wait3A_1387 = tpu.memref_squeeze %dma_wait3A_1386 : memref<1x21x96xi32, #tpu.memory_space<hbm>> -> memref<21x96xi32, #tpu.memory_space<hbm>>
        %dma_wait3A_1388 = tpu.memref_slice %arg13[%select_n3A_1357] : memref<2x!tpu.dma_semaphore, #tpu.memory_space<semaphore_mem>> -> memref<1x!tpu.dma_semaphore, #tpu.memory_space<semaphore_mem>>
        %dma_wait3A_1389 = tpu.memref_squeeze %dma_wait3A_1388 : memref<1x!tpu.dma_semaphore, #tpu.memory_space<semaphore_mem>> -> memref<!tpu.dma_semaphore, #tpu.memory_space<semaphore_mem>>
        %dma_wait3A_1390 = arith.constant 0 : i32
        %dma_wait3A_1391 = arith.constant 0 : i32
        %dma_wait3A_1392 = tpu.memref_slice %arg8[%select_n3A_1357, %dma_wait3A_1390, %dma_wait3A_1391] : memref<2x21x96xi32, #tpu.memory_space<vmem>> -> memref<1x21x96xi32, #tpu.memory_space<vmem>>
        %dma_wait3A_1393 = tpu.memref_squeeze %dma_wait3A_1392 : memref<1x21x96xi32, #tpu.memory_space<vmem>> -> memref<21x96xi32, #tpu.memory_space<vmem>>
        %dma_wait3A_1394 = arith.constant 0 : i32
        %dma_wait3A_1395 = arith.constant 0 : i32
        %dma_wait3A_1396 = tpu.memref_slice %arg4[%mul3A_1379, %dma_wait3A_1394, %dma_wait3A_1395] : memref<160x21x96xi32, #tpu.memory_space<hbm>> -> memref<1x21x96xi32, #tpu.memory_space<hbm>>
        %dma_wait3A_1397 = tpu.memref_squeeze %dma_wait3A_1396 : memref<1x21x96xi32, #tpu.memory_space<hbm>> -> memref<21x96xi32, #tpu.memory_space<hbm>>
        tpu.wait_dma2 semaphore(%dma_wait3A_1389 : memref<!tpu.dma_semaphore, #tpu.memory_space<semaphore_mem>>) src(%dma_wait3A_1397 : memref<21x96xi32, #tpu.memory_space<hbm>>) dst(%dma_wait3A_1393 : memref<21x96xi32, #tpu.memory_space<vmem>>)
      } else {
      }
      %add3A_1268 = arith.constant 2 : i32
      %add3A_1269 = arith.addi %add3A_986, %add3A_1268 : i32
      %jit3A_1270 = arith.constant 21 : i32
      %div3A_1271 = arith.divsi %add3A_1269, %jit3A_1270 : i32
      %sign3A_1272 = arith.constant 0 : i32
      %sign3A_1273 = arith.cmpi sgt, %add3A_1269, %sign3A_1272 : i32
      %sign3A_1274 = arith.extui %sign3A_1273 : i1 to i32
      %sign3A_1275 = arith.constant 0 : i32
      %sign3A_1276 = arith.cmpi slt, %add3A_1269, %sign3A_1275 : i32
      %sign3A_1277 = arith.extui %sign3A_1276 : i1 to i32
      %sign3A_1278 = arith.subi %sign3A_1274, %sign3A_1277 : i32
      %sign3A_1279 = arith.constant 0 : i32
      %sign3A_1280 = arith.cmpi sgt, %jit3A_1270, %sign3A_1279 : i32
      %sign3A_1281 = arith.extui %sign3A_1280 : i1 to i32
      %sign3A_1282 = arith.constant 0 : i32
      %sign3A_1283 = arith.cmpi slt, %jit3A_1270, %sign3A_1282 : i32
      %sign3A_1284 = arith.extui %sign3A_1283 : i1 to i32
      %sign3A_1285 = arith.subi %sign3A_1281, %sign3A_1284 : i32
      %ne3A_1286 = arith.cmpi ne, %sign3A_1278, %sign3A_1285 : i32
      %rem3A_1287 = arith.remsi %add3A_1269, %jit3A_1270 : i32
      %ne3A_1288 = arith.constant 0 : i32
      %ne3A_1289 = arith.cmpi ne, %rem3A_1287, %ne3A_1288 : i32
      %and3A_1290 = arith.andi %ne3A_1286, %ne3A_1289 : i1
      %sub3A_1291 = arith.constant 1 : i32
      %sub3A_1292 = arith.subi %div3A_1271, %sub3A_1291 : i32
      %select_n3A_1293 = arith.select %and3A_1290, %sub3A_1292, %div3A_1271 : i32
      %jit3A_1294 = arith.constant 2 : i32
      %eq3A_1295 = arith.constant 0 : i32
      %eq3A_1296 = arith.cmpi eq, %jit3A_1294, %eq3A_1295 : i32
      %jit3A_1297 = arith.constant 1 : i32
      %select_n3A_1298 = arith.select %eq3A_1296, %jit3A_1297, %jit3A_1294 : i32
      %rem3A_1299 = arith.remsi %select_n3A_1293, %select_n3A_1298 : i32
      %ne3A_1300 = arith.constant 0 : i32
      %ne3A_1301 = arith.cmpi ne, %rem3A_1299, %ne3A_1300 : i32
      %lt3A_1302 = arith.constant 0 : i32
      %lt3A_1303 = arith.cmpi slt, %rem3A_1299, %lt3A_1302 : i32
      %lt3A_1304 = arith.constant 0 : i32
      %lt3A_1305 = arith.cmpi slt, %select_n3A_1298, %lt3A_1304 : i32
      %ne3A_1306 = arith.xori %lt3A_1303, %lt3A_1305 : i1
      %and3A_1307 = arith.andi %ne3A_1306, %ne3A_1301 : i1
      %add3A_1308 = arith.addi %rem3A_1299, %select_n3A_1298 : i32
      %select_n3A_1309 = arith.select %and3A_1307, %add3A_1308, %rem3A_1299 : i32
      %jit3A_1310 = arith.constant 21 : i32
      %eq3A_1311 = arith.constant 0 : i32
      %eq3A_1312 = arith.cmpi eq, %jit3A_1310, %eq3A_1311 : i32
      %jit3A_1313 = arith.constant 1 : i32
      %select_n3A_1314 = arith.select %eq3A_1312, %jit3A_1313, %jit3A_1310 : i32
      %rem3A_1315 = arith.remsi %add3A_1269, %select_n3A_1314 : i32
      %ne3A_1316 = arith.constant 0 : i32
      %ne3A_1317 = arith.cmpi ne, %rem3A_1315, %ne3A_1316 : i32
      %lt3A_1318 = arith.constant 0 : i32
      %lt3A_1319 = arith.cmpi slt, %rem3A_1315, %lt3A_1318 : i32
      %lt3A_1320 = arith.constant 0 : i32
      %lt3A_1321 = arith.cmpi slt, %select_n3A_1314, %lt3A_1320 : i32
      %ne3A_1322 = arith.xori %lt3A_1319, %lt3A_1321 : i1
      %and3A_1323 = arith.andi %ne3A_1322, %ne3A_1317 : i1
      %add3A_1324 = arith.addi %rem3A_1315, %select_n3A_1314 : i32
      %select_n3A_1325 = arith.select %and3A_1323, %add3A_1324, %rem3A_1315 : i32
      %dma_start3A_1326 = arith.constant 2 : i32
      %dma_start3A_1327 = arith.constant 2 : i32
      %dma_start3A_1328 = arith.constant 0 : i32
      %dma_start3A_1329 = arith.constant 0 : i32
      %dma_start3A_1330 = tpu.memref_slice %arg9[%dma_start3A_1326, %dma_start3A_1328, %dma_start3A_1329] : memref<3x96x128xf32, #tpu.memory_space<vmem>> -> memref<1x96x128xf32, #tpu.memory_space<vmem>>
      %dma_start3A_1331 = tpu.memref_squeeze %dma_start3A_1330 : memref<1x96x128xf32, #tpu.memory_space<vmem>> -> memref<96x128xf32, #tpu.memory_space<vmem>>
      %dma_start3A_1332 = arith.constant 0 : i32
      %dma_start3A_1333 = tpu.memref_slice %arg7[%select_n3A_1309, %select_n3A_1325, %dma_start3A_1332] : memref<2x21x96xi32, #tpu.memory_space<vmem>> -> memref<1x1x96xi32, #tpu.memory_space<vmem>>
      %dma_start3A_1334 = tpu.memref_squeeze %dma_start3A_1333 : memref<1x1x96xi32, #tpu.memory_space<vmem>> -> memref<96xi32, #tpu.memory_space<vmem>>
      %dma_start3A_1335 = arith.constant 0 : i32
      %dma_start3A_1336 = arith.constant 0 : i32
      %dma_start3A_1337 = tpu.memref_slice %arg2[%dma_start3A_1335, %dma_start3A_1336] : memref<10000x128xf32, #tpu.memory_space<hbm>> -> memref<10000x128xf32, #tpu.memory_space<hbm>>
      %dma_start3A_1338 = tpu.memref_slice %arg11[%dma_start3A_1327] : memref<3x!tpu.dma_semaphore, #tpu.memory_space<semaphore_mem>> -> memref<1x!tpu.dma_semaphore, #tpu.memory_space<semaphore_mem>>
      %dma_start3A_1339 = tpu.memref_squeeze %dma_start3A_1338 : memref<1x!tpu.dma_semaphore, #tpu.memory_space<semaphore_mem>> -> memref<!tpu.dma_semaphore, #tpu.memory_space<semaphore_mem>>
      tpu.enqueue_indirect_dma source(%dma_start3A_1337 : memref<10000x128xf32, #tpu.memory_space<hbm>>) target(%dma_start3A_1331 : memref<96x128xf32, #tpu.memory_space<vmem>>) offsets(%dma_start3A_1334 : memref<96xi32, #tpu.memory_space<vmem>>) semaphore(%dma_start3A_1339 : memref<!tpu.dma_semaphore, #tpu.memory_space<semaphore_mem>>)
    }
    %scan3A_153 = arith.constant 34 : i32
    %dma_wait3A_154 = arith.constant 0 : i32
    %dma_wait3A_155 = arith.constant 19 : i32
    %dma_wait3A_156 = arith.constant 1 : i32
    %dma_wait3A_157 = arith.constant 1 : i32
    %dma_wait3A_158 = arith.constant 0 : i32
    %dma_wait3A_159 = arith.constant 0 : i32
    %dma_wait3A_160 = tpu.memref_slice %arg9[%dma_wait3A_156, %dma_wait3A_158, %dma_wait3A_159] : memref<3x96x128xf32, #tpu.memory_space<vmem>> -> memref<1x96x128xf32, #tpu.memory_space<vmem>>
    %dma_wait3A_161 = tpu.memref_squeeze %dma_wait3A_160 : memref<1x96x128xf32, #tpu.memory_space<vmem>> -> memref<96x128xf32, #tpu.memory_space<vmem>>
    %dma_wait3A_162 = arith.constant 0 : i32
    %dma_wait3A_163 = tpu.memref_slice %arg7[%dma_wait3A_154, %dma_wait3A_155, %dma_wait3A_162] : memref<2x21x96xi32, #tpu.memory_space<vmem>> -> memref<1x1x96xi32, #tpu.memory_space<vmem>>
    %dma_wait3A_164 = tpu.memref_squeeze %dma_wait3A_163 : memref<1x1x96xi32, #tpu.memory_space<vmem>> -> memref<96xi32, #tpu.memory_space<vmem>>
    %dma_wait3A_165 = arith.constant 0 : i32
    %dma_wait3A_166 = arith.constant 0 : i32
    %dma_wait3A_167 = tpu.memref_slice %arg2[%dma_wait3A_165, %dma_wait3A_166] : memref<10000x128xf32, #tpu.memory_space<hbm>> -> memref<10000x128xf32, #tpu.memory_space<hbm>>
    %dma_wait3A_168 = tpu.memref_slice %arg11[%dma_wait3A_157] : memref<3x!tpu.dma_semaphore, #tpu.memory_space<semaphore_mem>> -> memref<1x!tpu.dma_semaphore, #tpu.memory_space<semaphore_mem>>
    %dma_wait3A_169 = tpu.memref_squeeze %dma_wait3A_168 : memref<1x!tpu.dma_semaphore, #tpu.memory_space<semaphore_mem>> -> memref<!tpu.dma_semaphore, #tpu.memory_space<semaphore_mem>>
    tpu.wait_indirect_dma semaphore(%dma_wait3A_169 : memref<!tpu.dma_semaphore, #tpu.memory_space<semaphore_mem>>) src(%dma_wait3A_167 : memref<10000x128xf32, #tpu.memory_space<hbm>>) dst(%dma_wait3A_161 : memref<96x128xf32, #tpu.memory_space<vmem>>)
    %dma_start3A_170 = arith.constant 1 : i32
    %dma_start3A_171 = arith.constant 0 : i32
    %dma_start3A_172 = arith.constant 19 : i32
    %dma_start3A_173 = arith.constant 1 : i32
    %dma_start3A_174 = arith.constant 0 : i32
    %dma_start3A_175 = arith.constant 0 : i32
    %dma_start3A_176 = tpu.memref_slice %arg9[%dma_start3A_170, %dma_start3A_174, %dma_start3A_175] : memref<3x96x128xf32, #tpu.memory_space<vmem>> -> memref<1x96x128xf32, #tpu.memory_space<vmem>>
    %dma_start3A_177 = tpu.memref_squeeze %dma_start3A_176 : memref<1x96x128xf32, #tpu.memory_space<vmem>> -> memref<96x128xf32, #tpu.memory_space<vmem>>
    %dma_start3A_178 = arith.constant 0 : i32
    %dma_start3A_179 = tpu.memref_slice %arg8[%dma_start3A_171, %dma_start3A_172, %dma_start3A_178] : memref<2x21x96xi32, #tpu.memory_space<vmem>> -> memref<1x1x96xi32, #tpu.memory_space<vmem>>
    %dma_start3A_180 = tpu.memref_squeeze %dma_start3A_179 : memref<1x1x96xi32, #tpu.memory_space<vmem>> -> memref<96xi32, #tpu.memory_space<vmem>>
    %dma_start3A_181 = arith.constant 0 : i32
    %dma_start3A_182 = arith.constant 0 : i32
    %dma_start3A_183 = tpu.memref_slice %arg10[%dma_start3A_181, %dma_start3A_182] : memref<10112x128xf32, #tpu.memory_space<vmem_shared>> -> memref<10112x128xf32, #tpu.memory_space<vmem_shared>>
    %dma_start3A_184 = tpu.memref_slice %arg12[%dma_start3A_173] : memref<3x!tpu.dma_semaphore, #tpu.memory_space<semaphore_mem>> -> memref<1x!tpu.dma_semaphore, #tpu.memory_space<semaphore_mem>>
    %dma_start3A_185 = tpu.memref_squeeze %dma_start3A_184 : memref<1x!tpu.dma_semaphore, #tpu.memory_space<semaphore_mem>> -> memref<!tpu.dma_semaphore, #tpu.memory_space<semaphore_mem>>
    tpu.enqueue_indirect_dma source(%dma_start3A_177 : memref<96x128xf32, #tpu.memory_space<vmem>>) target(%dma_start3A_183 : memref<10112x128xf32, #tpu.memory_space<vmem_shared>>) offsets(%dma_start3A_180 : memref<96xi32, #tpu.memory_space<vmem>>) semaphore(%dma_start3A_185 : memref<!tpu.dma_semaphore, #tpu.memory_space<semaphore_mem>>) {add = true}
    %dma_wait3A_186 = arith.constant 0 : i32
    %dma_wait3A_187 = arith.constant 0 : i32
    %dma_wait3A_188 = arith.constant 18 : i32
    %dma_wait3A_189 = arith.constant 0 : i32
    %dma_wait3A_190 = arith.constant 0 : i32
    %dma_wait3A_191 = arith.constant 0 : i32
    %dma_wait3A_192 = tpu.memref_slice %arg9[%dma_wait3A_186, %dma_wait3A_190, %dma_wait3A_191] : memref<3x96x128xf32, #tpu.memory_space<vmem>> -> memref<1x96x128xf32, #tpu.memory_space<vmem>>
    %dma_wait3A_193 = tpu.memref_squeeze %dma_wait3A_192 : memref<1x96x128xf32, #tpu.memory_space<vmem>> -> memref<96x128xf32, #tpu.memory_space<vmem>>
    %dma_wait3A_194 = arith.constant 0 : i32
    %dma_wait3A_195 = tpu.memref_slice %arg8[%dma_wait3A_187, %dma_wait3A_188, %dma_wait3A_194] : memref<2x21x96xi32, #tpu.memory_space<vmem>> -> memref<1x1x96xi32, #tpu.memory_space<vmem>>
    %dma_wait3A_196 = tpu.memref_squeeze %dma_wait3A_195 : memref<1x1x96xi32, #tpu.memory_space<vmem>> -> memref<96xi32, #tpu.memory_space<vmem>>
    %dma_wait3A_197 = arith.constant 0 : i32
    %dma_wait3A_198 = arith.constant 0 : i32
    %dma_wait3A_199 = tpu.memref_slice %arg10[%dma_wait3A_197, %dma_wait3A_198] : memref<10112x128xf32, #tpu.memory_space<vmem_shared>> -> memref<10112x128xf32, #tpu.memory_space<vmem_shared>>
    %dma_wait3A_200 = tpu.memref_slice %arg12[%dma_wait3A_189] : memref<3x!tpu.dma_semaphore, #tpu.memory_space<semaphore_mem>> -> memref<1x!tpu.dma_semaphore, #tpu.memory_space<semaphore_mem>>
    %dma_wait3A_201 = tpu.memref_squeeze %dma_wait3A_200 : memref<1x!tpu.dma_semaphore, #tpu.memory_space<semaphore_mem>> -> memref<!tpu.dma_semaphore, #tpu.memory_space<semaphore_mem>>
    tpu.wait_indirect_dma semaphore(%dma_wait3A_201 : memref<!tpu.dma_semaphore, #tpu.memory_space<semaphore_mem>>) src(%dma_wait3A_193 : memref<96x128xf32, #tpu.memory_space<vmem>>) dst(%dma_wait3A_199 : memref<10112x128xf32, #tpu.memory_space<vmem_shared>>)
    %dma_wait3A_202 = arith.constant 0 : i32
    %dma_wait3A_203 = arith.constant 20 : i32
    %dma_wait3A_204 = arith.constant 2 : i32
    %dma_wait3A_205 = arith.constant 2 : i32
    %dma_wait3A_206 = arith.constant 0 : i32
    %dma_wait3A_207 = arith.constant 0 : i32
    %dma_wait3A_208 = tpu.memref_slice %arg9[%dma_wait3A_204, %dma_wait3A_206, %dma_wait3A_207] : memref<3x96x128xf32, #tpu.memory_space<vmem>> -> memref<1x96x128xf32, #tpu.memory_space<vmem>>
    %dma_wait3A_209 = tpu.memref_squeeze %dma_wait3A_208 : memref<1x96x128xf32, #tpu.memory_space<vmem>> -> memref<96x128xf32, #tpu.memory_space<vmem>>
    %dma_wait3A_210 = arith.constant 0 : i32
    %dma_wait3A_211 = tpu.memref_slice %arg7[%dma_wait3A_202, %dma_wait3A_203, %dma_wait3A_210] : memref<2x21x96xi32, #tpu.memory_space<vmem>> -> memref<1x1x96xi32, #tpu.memory_space<vmem>>
    %dma_wait3A_212 = tpu.memref_squeeze %dma_wait3A_211 : memref<1x1x96xi32, #tpu.memory_space<vmem>> -> memref<96xi32, #tpu.memory_space<vmem>>
    %dma_wait3A_213 = arith.constant 0 : i32
    %dma_wait3A_214 = arith.constant 0 : i32
    %dma_wait3A_215 = tpu.memref_slice %arg2[%dma_wait3A_213, %dma_wait3A_214] : memref<10000x128xf32, #tpu.memory_space<hbm>> -> memref<10000x128xf32, #tpu.memory_space<hbm>>
    %dma_wait3A_216 = tpu.memref_slice %arg11[%dma_wait3A_205] : memref<3x!tpu.dma_semaphore, #tpu.memory_space<semaphore_mem>> -> memref<1x!tpu.dma_semaphore, #tpu.memory_space<semaphore_mem>>
    %dma_wait3A_217 = tpu.memref_squeeze %dma_wait3A_216 : memref<1x!tpu.dma_semaphore, #tpu.memory_space<semaphore_mem>> -> memref<!tpu.dma_semaphore, #tpu.memory_space<semaphore_mem>>
    tpu.wait_indirect_dma semaphore(%dma_wait3A_217 : memref<!tpu.dma_semaphore, #tpu.memory_space<semaphore_mem>>) src(%dma_wait3A_215 : memref<10000x128xf32, #tpu.memory_space<hbm>>) dst(%dma_wait3A_209 : memref<96x128xf32, #tpu.memory_space<vmem>>)
    %dma_start3A_218 = arith.constant 2 : i32
    %dma_start3A_219 = arith.constant 0 : i32
    %dma_start3A_220 = arith.constant 20 : i32
    %dma_start3A_221 = arith.constant 2 : i32
    %dma_start3A_222 = arith.constant 0 : i32
    %dma_start3A_223 = arith.constant 0 : i32
    %dma_start3A_224 = tpu.memref_slice %arg9[%dma_start3A_218, %dma_start3A_222, %dma_start3A_223] : memref<3x96x128xf32, #tpu.memory_space<vmem>> -> memref<1x96x128xf32, #tpu.memory_space<vmem>>
    %dma_start3A_225 = tpu.memref_squeeze %dma_start3A_224 : memref<1x96x128xf32, #tpu.memory_space<vmem>> -> memref<96x128xf32, #tpu.memory_space<vmem>>
    %dma_start3A_226 = arith.constant 0 : i32
    %dma_start3A_227 = tpu.memref_slice %arg8[%dma_start3A_219, %dma_start3A_220, %dma_start3A_226] : memref<2x21x96xi32, #tpu.memory_space<vmem>> -> memref<1x1x96xi32, #tpu.memory_space<vmem>>
    %dma_start3A_228 = tpu.memref_squeeze %dma_start3A_227 : memref<1x1x96xi32, #tpu.memory_space<vmem>> -> memref<96xi32, #tpu.memory_space<vmem>>
    %dma_start3A_229 = arith.constant 0 : i32
    %dma_start3A_230 = arith.constant 0 : i32
    %dma_start3A_231 = tpu.memref_slice %arg10[%dma_start3A_229, %dma_start3A_230] : memref<10112x128xf32, #tpu.memory_space<vmem_shared>> -> memref<10112x128xf32, #tpu.memory_space<vmem_shared>>
    %dma_start3A_232 = tpu.memref_slice %arg12[%dma_start3A_221] : memref<3x!tpu.dma_semaphore, #tpu.memory_space<semaphore_mem>> -> memref<1x!tpu.dma_semaphore, #tpu.memory_space<semaphore_mem>>
    %dma_start3A_233 = tpu.memref_squeeze %dma_start3A_232 : memref<1x!tpu.dma_semaphore, #tpu.memory_space<semaphore_mem>> -> memref<!tpu.dma_semaphore, #tpu.memory_space<semaphore_mem>>
    tpu.enqueue_indirect_dma source(%dma_start3A_225 : memref<96x128xf32, #tpu.memory_space<vmem>>) target(%dma_start3A_231 : memref<10112x128xf32, #tpu.memory_space<vmem_shared>>) offsets(%dma_start3A_228 : memref<96xi32, #tpu.memory_space<vmem>>) semaphore(%dma_start3A_233 : memref<!tpu.dma_semaphore, #tpu.memory_space<semaphore_mem>>) {add = true}
    %dma_wait3A_234 = arith.constant 1 : i32
    %dma_wait3A_235 = arith.constant 0 : i32
    %dma_wait3A_236 = arith.constant 19 : i32
    %dma_wait3A_237 = arith.constant 1 : i32
    %dma_wait3A_238 = arith.constant 0 : i32
    %dma_wait3A_239 = arith.constant 0 : i32
    %dma_wait3A_240 = tpu.memref_slice %arg9[%dma_wait3A_234, %dma_wait3A_238, %dma_wait3A_239] : memref<3x96x128xf32, #tpu.memory_space<vmem>> -> memref<1x96x128xf32, #tpu.memory_space<vmem>>
    %dma_wait3A_241 = tpu.memref_squeeze %dma_wait3A_240 : memref<1x96x128xf32, #tpu.memory_space<vmem>> -> memref<96x128xf32, #tpu.memory_space<vmem>>
    %dma_wait3A_242 = arith.constant 0 : i32
    %dma_wait3A_243 = tpu.memref_slice %arg8[%dma_wait3A_235, %dma_wait3A_236, %dma_wait3A_242] : memref<2x21x96xi32, #tpu.memory_space<vmem>> -> memref<1x1x96xi32, #tpu.memory_space<vmem>>
    %dma_wait3A_244 = tpu.memref_squeeze %dma_wait3A_243 : memref<1x1x96xi32, #tpu.memory_space<vmem>> -> memref<96xi32, #tpu.memory_space<vmem>>
    %dma_wait3A_245 = arith.constant 0 : i32
    %dma_wait3A_246 = arith.constant 0 : i32
    %dma_wait3A_247 = tpu.memref_slice %arg10[%dma_wait3A_245, %dma_wait3A_246] : memref<10112x128xf32, #tpu.memory_space<vmem_shared>> -> memref<10112x128xf32, #tpu.memory_space<vmem_shared>>
    %dma_wait3A_248 = tpu.memref_slice %arg12[%dma_wait3A_237] : memref<3x!tpu.dma_semaphore, #tpu.memory_space<semaphore_mem>> -> memref<1x!tpu.dma_semaphore, #tpu.memory_space<semaphore_mem>>
    %dma_wait3A_249 = tpu.memref_squeeze %dma_wait3A_248 : memref<1x!tpu.dma_semaphore, #tpu.memory_space<semaphore_mem>> -> memref<!tpu.dma_semaphore, #tpu.memory_space<semaphore_mem>>
    tpu.wait_indirect_dma semaphore(%dma_wait3A_249 : memref<!tpu.dma_semaphore, #tpu.memory_space<semaphore_mem>>) src(%dma_wait3A_241 : memref<96x128xf32, #tpu.memory_space<vmem>>) dst(%dma_wait3A_247 : memref<10112x128xf32, #tpu.memory_space<vmem_shared>>)
    %dma_wait3A_250 = arith.constant 2 : i32
    %dma_wait3A_251 = arith.constant 0 : i32
    %dma_wait3A_252 = arith.constant 20 : i32
    %dma_wait3A_253 = arith.constant 2 : i32
    %dma_wait3A_254 = arith.constant 0 : i32
    %dma_wait3A_255 = arith.constant 0 : i32
    %dma_wait3A_256 = tpu.memref_slice %arg9[%dma_wait3A_250, %dma_wait3A_254, %dma_wait3A_255] : memref<3x96x128xf32, #tpu.memory_space<vmem>> -> memref<1x96x128xf32, #tpu.memory_space<vmem>>
    %dma_wait3A_257 = tpu.memref_squeeze %dma_wait3A_256 : memref<1x96x128xf32, #tpu.memory_space<vmem>> -> memref<96x128xf32, #tpu.memory_space<vmem>>
    %dma_wait3A_258 = arith.constant 0 : i32
    %dma_wait3A_259 = tpu.memref_slice %arg8[%dma_wait3A_251, %dma_wait3A_252, %dma_wait3A_258] : memref<2x21x96xi32, #tpu.memory_space<vmem>> -> memref<1x1x96xi32, #tpu.memory_space<vmem>>
    %dma_wait3A_260 = tpu.memref_squeeze %dma_wait3A_259 : memref<1x1x96xi32, #tpu.memory_space<vmem>> -> memref<96xi32, #tpu.memory_space<vmem>>
    %dma_wait3A_261 = arith.constant 0 : i32
    %dma_wait3A_262 = arith.constant 0 : i32
    %dma_wait3A_263 = tpu.memref_slice %arg10[%dma_wait3A_261, %dma_wait3A_262] : memref<10112x128xf32, #tpu.memory_space<vmem_shared>> -> memref<10112x128xf32, #tpu.memory_space<vmem_shared>>
    %dma_wait3A_264 = tpu.memref_slice %arg12[%dma_wait3A_253] : memref<3x!tpu.dma_semaphore, #tpu.memory_space<semaphore_mem>> -> memref<1x!tpu.dma_semaphore, #tpu.memory_space<semaphore_mem>>
    %dma_wait3A_265 = tpu.memref_squeeze %dma_wait3A_264 : memref<1x!tpu.dma_semaphore, #tpu.memory_space<semaphore_mem>> -> memref<!tpu.dma_semaphore, #tpu.memory_space<semaphore_mem>>
    tpu.wait_indirect_dma semaphore(%dma_wait3A_265 : memref<!tpu.dma_semaphore, #tpu.memory_space<semaphore_mem>>) src(%dma_wait3A_257 : memref<96x128xf32, #tpu.memory_space<vmem>>) dst(%dma_wait3A_263 : memref<10112x128xf32, #tpu.memory_space<vmem_shared>>)
    %barrier3A_266 = arith.constant 0 : index
    tpu.barrier barrier_id(%barrier3A_266)
    %mul3A_267 = arith.constant 632 : i32
    %mul3A_268 = arith.muli %arg1, %mul3A_267 : i32
    %mul3A_269 = arith.constant 632 : i32
    %mul3A_270 = arith.muli %arg1, %mul3A_269 : i32
    "tpu.region"() ({
      %run_scoped3A_271 = tpu.sem_alloc : memref<!tpu.dma_semaphore, #tpu.memory_space<semaphore_mem>>
      %dma_start3A_272 = arith.constant 0 : i32
      %dma_start3A_273 = tpu.memref_slice %arg6[%arg0, %mul3A_270, %dma_start3A_272] : memref<2x10112x128xf32, #tpu.memory_space<hbm>> -> memref<1x632x128xf32, #tpu.memory_space<hbm>>
      %dma_start3A_274 = tpu.memref_squeeze %dma_start3A_273 : memref<1x632x128xf32, #tpu.memory_space<hbm>> -> memref<632x128xf32, #tpu.memory_space<hbm>>
      %dma_start3A_275 = arith.constant 0 : i32
      %dma_start3A_276 = tpu.memref_slice %arg10[%mul3A_268, %dma_start3A_275] : memref<10112x128xf32, #tpu.memory_space<vmem_shared>> -> memref<632x128xf32, #tpu.memory_space<vmem_shared>>
      tpu.enqueue_dma source(%dma_start3A_276 : memref<632x128xf32, #tpu.memory_space<vmem_shared>>) target(%dma_start3A_274 : memref<632x128xf32, #tpu.memory_space<hbm>>) target_semaphore(%run_scoped3A_271 : memref<!tpu.dma_semaphore, #tpu.memory_space<semaphore_mem>>)
      %dma_wait3A_277 = arith.constant 0 : i32
      %dma_wait3A_278 = tpu.memref_slice %arg6[%arg0, %mul3A_270, %dma_wait3A_277] : memref<2x10112x128xf32, #tpu.memory_space<hbm>> -> memref<1x632x128xf32, #tpu.memory_space<hbm>>
      %dma_wait3A_279 = tpu.memref_squeeze %dma_wait3A_278 : memref<1x632x128xf32, #tpu.memory_space<hbm>> -> memref<632x128xf32, #tpu.memory_space<hbm>>
      %dma_wait3A_280 = arith.constant 0 : i32
      %dma_wait3A_281 = tpu.memref_slice %arg10[%mul3A_268, %dma_wait3A_280] : memref<10112x128xf32, #tpu.memory_space<vmem_shared>> -> memref<632x128xf32, #tpu.memory_space<vmem_shared>>
      tpu.wait_dma2 semaphore(%run_scoped3A_271 : memref<!tpu.dma_semaphore, #tpu.memory_space<semaphore_mem>>) src(%dma_wait3A_281 : memref<632x128xf32, #tpu.memory_space<vmem_shared>>) dst(%dma_wait3A_279 : memref<632x128xf32, #tpu.memory_space<hbm>>)
      tpu.yield
    }) : () -> ()
    return
  }
}

#map = affine_map<(d0, d1) -> (0, 0)>
#map1 = affine_map<(d0, d1) -> (0, 0, 0)>
module attributes {stable_mosaic.version = 14 : i64} {
  func.func @_spmm(%arg0: i32, %arg1: i32, %arg2: memref<10000x128xf32, #tpu.memory_space<hbm>>, %arg3: memref<160x21x96xi32, #tpu.memory_space<hbm>>, %arg4: memref<160x21x96xi32, #tpu.memory_space<hbm>>, %arg5: memref<632x128xf32, #tpu.memory_space<hbm>>, %arg6: memref<2x10112x128xf32, #tpu.memory_space<hbm>>, %arg7: memref<2x21x96xi32, #tpu.memory_space<vmem>>, %arg8: memref<2x21x96xi32, #tpu.memory_space<vmem>>, %arg9: memref<3x96x128xf32, #tpu.memory_space<vmem>>, %arg10: memref<10112x128xf32, #tpu.memory_space<vmem_shared>>, %arg11: memref<3x!tpu.dma_semaphore, #tpu.memory_space<semaphore_mem>>, %arg12: memref<3x!tpu.dma_semaphore, #tpu.memory_space<semaphore_mem>>, %arg13: memref<2x!tpu.dma_semaphore, #tpu.memory_space<semaphore_mem>>, %arg14: memref<!tpu.dma_semaphore, #tpu.memory_space<semaphore_mem>>) attributes {dimension_semantics = [#tpu.dimension_semantics<core_parallel>, #tpu.dimension_semantics<subcore_parallel>], iteration_bounds = array<i64: 2, 16>, scalar_prefetch = 0 : i64, scratch_operands = 8 : i64, tpu.core_type = #tpu.core_type<sc_vector_subcore>, window_params = [{transform_indices = #map}, {transform_indices = #map1}, {transform_indices = #map1}, {transform_indices = #map}, {transform_indices = #map1}]} {
    %mul3A = arith.constant 16 : i32
    %mul3A_0 = arith.muli %arg0, %mul3A : i32
    %add3A = arith.addi %mul3A_0, %arg1 : i32
    %eq3A = arith.constant 0 : i32
    %eq3A_1 = arith.cmpi eq, %arg0, %eq3A : i32
    %convert_element_type3A = arith.extui %eq3A_1 : i1 to i32
    %cond3A = arith.constant 0 : i32
    %cond3A_2 = arith.cmpi ne, %convert_element_type3A, %cond3A : i32
    scf.if %cond3A_2 {
      %lt3A = arith.constant 15 : i32
      %lt3A_271 = arith.cmpi slt, %arg1, %lt3A : i32
      %convert_element_type3A_272 = arith.extui %lt3A_271 : i1 to i32
      %cond3A_273 = arith.constant 0 : i32
      %cond3A_274 = arith.cmpi ne, %convert_element_type3A_272, %cond3A_273 : i32
      scf.if %cond3A_274 {
        %mul3A_280 = arith.constant 632 : i32
        %mul3A_281 = arith.muli %arg1, %mul3A_280 : i32
        %mul3A_282 = arith.constant 632 : i32
        %mul3A_283 = arith.muli %arg1, %mul3A_282 : i32
        %dma_start3A_284 = arith.constant 0 : i32
        %dma_start3A_285 = tpu.memref_slice %arg10[%mul3A_283, %dma_start3A_284] : memref<10112x128xf32, #tpu.memory_space<vmem_shared>> -> memref<632x128xf32, #tpu.memory_space<vmem_shared>>
        %dma_start3A_286 = arith.constant 0 : i32
        %dma_start3A_287 = tpu.memref_slice %arg2[%mul3A_281, %dma_start3A_286] : memref<10000x128xf32, #tpu.memory_space<hbm>> -> memref<632x128xf32, #tpu.memory_space<hbm>>
        tpu.enqueue_dma source(%dma_start3A_287 : memref<632x128xf32, #tpu.memory_space<hbm>>) target(%dma_start3A_285 : memref<632x128xf32, #tpu.memory_space<vmem_shared>>) target_semaphore(%arg14 : memref<!tpu.dma_semaphore, #tpu.memory_space<semaphore_mem>>)
      } else {
      }
      %eq3A_275 = arith.constant 15 : i32
      %eq3A_276 = arith.cmpi eq, %arg1, %eq3A_275 : i32
      %convert_element_type3A_277 = arith.extui %eq3A_276 : i1 to i32
      %cond3A_278 = arith.constant 0 : i32
      %cond3A_279 = arith.cmpi ne, %convert_element_type3A_277, %cond3A_278 : i32
      scf.if %cond3A_279 {
        %dma_start3A_280 = arith.constant 9480 : i32
        %dma_start3A_281 = arith.constant 0 : i32
        %dma_start3A_282 = tpu.memref_slice %arg10[%dma_start3A_280, %dma_start3A_281] : memref<10112x128xf32, #tpu.memory_space<vmem_shared>> -> memref<520x128xf32, #tpu.memory_space<vmem_shared>>
        %dma_start3A_283 = arith.constant 9480 : i32
        %dma_start3A_284 = arith.constant 0 : i32
        %dma_start3A_285 = tpu.memref_slice %arg2[%dma_start3A_283, %dma_start3A_284] : memref<10000x128xf32, #tpu.memory_space<hbm>> -> memref<520x128xf32, #tpu.memory_space<hbm>>
        tpu.enqueue_dma source(%dma_start3A_285 : memref<520x128xf32, #tpu.memory_space<hbm>>) target(%dma_start3A_282 : memref<520x128xf32, #tpu.memory_space<vmem_shared>>) target_semaphore(%arg14 : memref<!tpu.dma_semaphore, #tpu.memory_space<semaphore_mem>>)
        %dma_start3A_286 = arith.constant 10000 : i32
        %dma_start3A_287 = arith.constant 0 : i32
        %dma_start3A_288 = tpu.memref_slice %arg10[%dma_start3A_286, %dma_start3A_287] : memref<10112x128xf32, #tpu.memory_space<vmem_shared>> -> memref<112x128xf32, #tpu.memory_space<vmem_shared>>
        %dma_start3A_289 = arith.constant 0 : i32
        %dma_start3A_290 = arith.constant 0 : i32
        %dma_start3A_291 = tpu.memref_slice %arg5[%dma_start3A_289, %dma_start3A_290] : memref<632x128xf32, #tpu.memory_space<hbm>> -> memref<112x128xf32, #tpu.memory_space<hbm>>
        tpu.enqueue_dma source(%dma_start3A_291 : memref<112x128xf32, #tpu.memory_space<hbm>>) target(%dma_start3A_288 : memref<112x128xf32, #tpu.memory_space<vmem_shared>>) target_semaphore(%arg14 : memref<!tpu.dma_semaphore, #tpu.memory_space<semaphore_mem>>)
      } else {
      }
    } else {
    }
    %eq3A_3 = arith.constant 1 : i32
    %eq3A_4 = arith.cmpi eq, %arg0, %eq3A_3 : i32
    %convert_element_type3A_5 = arith.extui %eq3A_4 : i1 to i32
    %cond3A_6 = arith.constant 0 : i32
    %cond3A_7 = arith.cmpi ne, %convert_element_type3A_5, %cond3A_6 : i32
    scf.if %cond3A_7 {
      %mul3A_271 = arith.constant 632 : i32
      %mul3A_272 = arith.muli %arg1, %mul3A_271 : i32
      %dma_start3A_273 = arith.constant 0 : i32
      %dma_start3A_274 = tpu.memref_slice %arg10[%mul3A_272, %dma_start3A_273] : memref<10112x128xf32, #tpu.memory_space<vmem_shared>> -> memref<632x128xf32, #tpu.memory_space<vmem_shared>>
      tpu.enqueue_dma source(%arg5 : memref<632x128xf32, #tpu.memory_space<hbm>>) target(%dma_start3A_274 : memref<632x128xf32, #tpu.memory_space<vmem_shared>>) target_semaphore(%arg14 : memref<!tpu.dma_semaphore, #tpu.memory_space<semaphore_mem>>)
    } else {
    }
    %mul3A_8 = arith.constant 5 : i32
    %mul3A_9 = arith.muli %add3A, %mul3A_8 : i32
    %run_scoped3A = arith.constant 0 : i32
    "tpu.region"() ({
      %run_scoped3A_271 = tpu.sem_alloc : memref<!tpu.dma_semaphore, #tpu.memory_space<semaphore_mem>>
      %dma_start3A_272 = arith.constant 0 : i32
      %dma_start3A_273 = arith.constant 0 : i32
      %dma_start3A_274 = tpu.memref_slice %arg7[%run_scoped3A, %dma_start3A_272, %dma_start3A_273] : memref<2x21x96xi32, #tpu.memory_space<vmem>> -> memref<1x21x96xi32, #tpu.memory_space<vmem>>
      %dma_start3A_275 = tpu.memref_squeeze %dma_start3A_274 : memref<1x21x96xi32, #tpu.memory_space<vmem>> -> memref<21x96xi32, #tpu.memory_space<vmem>>
      %dma_start3A_276 = arith.constant 0 : i32
      %dma_start3A_277 = arith.constant 0 : i32
      %dma_start3A_278 = tpu.memref_slice %arg3[%mul3A_9, %dma_start3A_276, %dma_start3A_277] : memref<160x21x96xi32, #tpu.memory_space<hbm>> -> memref<1x21x96xi32, #tpu.memory_space<hbm>>
      %dma_start3A_279 = tpu.memref_squeeze %dma_start3A_278 : memref<1x21x96xi32, #tpu.memory_space<hbm>> -> memref<21x96xi32, #tpu.memory_space<hbm>>
      %dma_start3A_280 = arith.constant 0 : i32
      %dma_start3A_281 = arith.constant 0 : i32
      %dma_start3A_282 = tpu.memref_slice %arg7[%run_scoped3A, %dma_start3A_280, %dma_start3A_281] : memref<2x21x96xi32, #tpu.memory_space<vmem>> -> memref<1x21x96xi32, #tpu.memory_space<vmem>>
      %dma_start3A_283 = tpu.memref_squeeze %dma_start3A_282 : memref<1x21x96xi32, #tpu.memory_space<vmem>> -> memref<21x96xi32, #tpu.memory_space<vmem>>
      %dma_start3A_284 = arith.constant 0 : i32
      %dma_start3A_285 = arith.constant 0 : i32
      %dma_start3A_286 = tpu.memref_slice %arg3[%mul3A_9, %dma_start3A_284, %dma_start3A_285] : memref<160x21x96xi32, #tpu.memory_space<hbm>> -> memref<1x21x96xi32, #tpu.memory_space<hbm>>
      %dma_start3A_287 = tpu.memref_squeeze %dma_start3A_286 : memref<1x21x96xi32, #tpu.memory_space<hbm>> -> memref<21x96xi32, #tpu.memory_space<hbm>>
      tpu.enqueue_dma source(%dma_start3A_287 : memref<21x96xi32, #tpu.memory_space<hbm>>) target(%dma_start3A_283 : memref<21x96xi32, #tpu.memory_space<vmem>>) target_semaphore(%run_scoped3A_271 : memref<!tpu.dma_semaphore, #tpu.memory_space<semaphore_mem>>)
      %dma_wait3A_288 = arith.constant 0 : i32
      %dma_wait3A_289 = arith.constant 0 : i32
      %dma_wait3A_290 = tpu.memref_slice %arg7[%run_scoped3A, %dma_wait3A_288, %dma_wait3A_289] : memref<2x21x96xi32, #tpu.memory_space<vmem>> -> memref<1x21x96xi32, #tpu.memory_space<vmem>>
      %dma_wait3A_291 = tpu.memref_squeeze %dma_wait3A_290 : memref<1x21x96xi32, #tpu.memory_space<vmem>> -> memref<21x96xi32, #tpu.memory_space<vmem>>
      %dma_wait3A_292 = arith.constant 0 : i32
      %dma_wait3A_293 = arith.constant 0 : i32
      %dma_wait3A_294 = tpu.memref_slice %arg3[%mul3A_9, %dma_wait3A_292, %dma_wait3A_293] : memref<160x21x96xi32, #tpu.memory_space<hbm>> -> memref<1x21x96xi32, #tpu.memory_space<hbm>>
      %dma_wait3A_295 = tpu.memref_squeeze %dma_wait3A_294 : memref<1x21x96xi32, #tpu.memory_space<hbm>> -> memref<21x96xi32, #tpu.memory_space<hbm>>
      %dma_wait3A_296 = arith.constant 0 : i32
      %dma_wait3A_297 = arith.constant 0 : i32
      %dma_wait3A_298 = tpu.memref_slice %arg7[%run_scoped3A, %dma_wait3A_296, %dma_wait3A_297] : memref<2x21x96xi32, #tpu.memory_space<vmem>> -> memref<1x21x96xi32, #tpu.memory_space<vmem>>
      %dma_wait3A_299 = tpu.memref_squeeze %dma_wait3A_298 : memref<1x21x96xi32, #tpu.memory_space<vmem>> -> memref<21x96xi32, #tpu.memory_space<vmem>>
      %dma_wait3A_300 = arith.constant 0 : i32
      %dma_wait3A_301 = arith.constant 0 : i32
      %dma_wait3A_302 = tpu.memref_slice %arg3[%mul3A_9, %dma_wait3A_300, %dma_wait3A_301] : memref<160x21x96xi32, #tpu.memory_space<hbm>> -> memref<1x21x96xi32, #tpu.memory_space<hbm>>
      %dma_wait3A_303 = tpu.memref_squeeze %dma_wait3A_302 : memref<1x21x96xi32, #tpu.memory_space<hbm>> -> memref<21x96xi32, #tpu.memory_space<hbm>>
      tpu.wait_dma2 semaphore(%run_scoped3A_271 : memref<!tpu.dma_semaphore, #tpu.memory_space<semaphore_mem>>) src(%dma_wait3A_303 : memref<21x96xi32, #tpu.memory_space<hbm>>) dst(%dma_wait3A_299 : memref<21x96xi32, #tpu.memory_space<vmem>>)
      tpu.yield
    }) : () -> ()
    %mul3A_10 = arith.constant 5 : i32
    %mul3A_11 = arith.muli %add3A, %mul3A_10 : i32
    %run_scoped3A_12 = arith.constant 0 : i32
    "tpu.region"() ({
      %run_scoped3A_271 = tpu.sem_alloc : memref<!tpu.dma_semaphore, #tpu.memory_space<semaphore_mem>>
      %dma_start3A_272 = arith.constant 0 : i32
      %dma_start3A_273 = arith.constant 0 : i32
      %dma_start3A_274 = tpu.memref_slice %arg8[%run_scoped3A_12, %dma_start3A_272, %dma_start3A_273] : memref<2x21x96xi32, #tpu.memory_space<vmem>> -> memref<1x21x96xi32, #tpu.memory_space<vmem>>
      %dma_start3A_275 = tpu.memref_squeeze %dma_start3A_274 : memref<1x21x96xi32, #tpu.memory_space<vmem>> -> memref<21x96xi32, #tpu.memory_space<vmem>>
      %dma_start3A_276 = arith.constant 0 : i32
      %dma_start3A_277 = arith.constant 0 : i32
      %dma_start3A_278 = tpu.memref_slice %arg4[%mul3A_11, %dma_start3A_276, %dma_start3A_277] : memref<160x21x96xi32, #tpu.memory_space<hbm>> -> memref<1x21x96xi32, #tpu.memory_space<hbm>>
      %dma_start3A_279 = tpu.memref_squeeze %dma_start3A_278 : memref<1x21x96xi32, #tpu.memory_space<hbm>> -> memref<21x96xi32, #tpu.memory_space<hbm>>
      %dma_start3A_280 = arith.constant 0 : i32
      %dma_start3A_281 = arith.constant 0 : i32
      %dma_start3A_282 = tpu.memref_slice %arg8[%run_scoped3A_12, %dma_start3A_280, %dma_start3A_281] : memref<2x21x96xi32, #tpu.memory_space<vmem>> -> memref<1x21x96xi32, #tpu.memory_space<vmem>>
      %dma_start3A_283 = tpu.memref_squeeze %dma_start3A_282 : memref<1x21x96xi32, #tpu.memory_space<vmem>> -> memref<21x96xi32, #tpu.memory_space<vmem>>
      %dma_start3A_284 = arith.constant 0 : i32
      %dma_start3A_285 = arith.constant 0 : i32
      %dma_start3A_286 = tpu.memref_slice %arg4[%mul3A_11, %dma_start3A_284, %dma_start3A_285] : memref<160x21x96xi32, #tpu.memory_space<hbm>> -> memref<1x21x96xi32, #tpu.memory_space<hbm>>
      %dma_start3A_287 = tpu.memref_squeeze %dma_start3A_286 : memref<1x21x96xi32, #tpu.memory_space<hbm>> -> memref<21x96xi32, #tpu.memory_space<hbm>>
      tpu.enqueue_dma source(%dma_start3A_287 : memref<21x96xi32, #tpu.memory_space<hbm>>) target(%dma_start3A_283 : memref<21x96xi32, #tpu.memory_space<vmem>>) target_semaphore(%run_scoped3A_271 : memref<!tpu.dma_semaphore, #tpu.memory_space<semaphore_mem>>)
      %dma_wait3A_288 = arith.constant 0 : i32
      %dma_wait3A_289 = arith.constant 0 : i32
      %dma_wait3A_290 = tpu.memref_slice %arg8[%run_scoped3A_12, %dma_wait3A_288, %dma_wait3A_289] : memref<2x21x96xi32, #tpu.memory_space<vmem>> -> memref<1x21x96xi32, #tpu.memory_space<vmem>>
      %dma_wait3A_291 = tpu.memref_squeeze %dma_wait3A_290 : memref<1x21x96xi32, #tpu.memory_space<vmem>> -> memref<21x96xi32, #tpu.memory_space<vmem>>
      %dma_wait3A_292 = arith.constant 0 : i32
      %dma_wait3A_293 = arith.constant 0 : i32
      %dma_wait3A_294 = tpu.memref_slice %arg4[%mul3A_11, %dma_wait3A_292, %dma_wait3A_293] : memref<160x21x96xi32, #tpu.memory_space<hbm>> -> memref<1x21x96xi32, #tpu.memory_space<hbm>>
      %dma_wait3A_295 = tpu.memref_squeeze %dma_wait3A_294 : memref<1x21x96xi32, #tpu.memory_space<hbm>> -> memref<21x96xi32, #tpu.memory_space<hbm>>
      %dma_wait3A_296 = arith.constant 0 : i32
      %dma_wait3A_297 = arith.constant 0 : i32
      %dma_wait3A_298 = tpu.memref_slice %arg8[%run_scoped3A_12, %dma_wait3A_296, %dma_wait3A_297] : memref<2x21x96xi32, #tpu.memory_space<vmem>> -> memref<1x21x96xi32, #tpu.memory_space<vmem>>
      %dma_wait3A_299 = tpu.memref_squeeze %dma_wait3A_298 : memref<1x21x96xi32, #tpu.memory_space<vmem>> -> memref<21x96xi32, #tpu.memory_space<vmem>>
      %dma_wait3A_300 = arith.constant 0 : i32
      %dma_wait3A_301 = arith.constant 0 : i32
      %dma_wait3A_302 = tpu.memref_slice %arg4[%mul3A_11, %dma_wait3A_300, %dma_wait3A_301] : memref<160x21x96xi32, #tpu.memory_space<hbm>> -> memref<1x21x96xi32, #tpu.memory_space<hbm>>
      %dma_wait3A_303 = tpu.memref_squeeze %dma_wait3A_302 : memref<1x21x96xi32, #tpu.memory_space<hbm>> -> memref<21x96xi32, #tpu.memory_space<hbm>>
      tpu.wait_dma2 semaphore(%run_scoped3A_271 : memref<!tpu.dma_semaphore, #tpu.memory_space<semaphore_mem>>) src(%dma_wait3A_303 : memref<21x96xi32, #tpu.memory_space<hbm>>) dst(%dma_wait3A_299 : memref<21x96xi32, #tpu.memory_space<vmem>>)
      tpu.yield
    }) : () -> ()
    %mul3A_13 = arith.constant 5 : i32
    %mul3A_14 = arith.muli %add3A, %mul3A_13 : i32
    %add3A_15 = arith.constant 1 : i32
    %add3A_16 = arith.addi %mul3A_14, %add3A_15 : i32
    %dma_start3A = arith.constant 1 : i32
    %dma_start3A_17 = arith.constant 1 : i32
    %dma_start3A_18 = arith.constant 0 : i32
    %dma_start3A_19 = arith.constant 0 : i32
    %dma_start3A_20 = tpu.memref_slice %arg7[%dma_start3A, %dma_start3A_18, %dma_start3A_19] : memref<2x21x96xi32, #tpu.memory_space<vmem>> -> memref<1x21x96xi32, #tpu.memory_space<vmem>>
    %dma_start3A_21 = tpu.memref_squeeze %dma_start3A_20 : memref<1x21x96xi32, #tpu.memory_space<vmem>> -> memref<21x96xi32, #tpu.memory_space<vmem>>
    %dma_start3A_22 = arith.constant 0 : i32
    %dma_start3A_23 = arith.constant 0 : i32
    %dma_start3A_24 = tpu.memref_slice %arg3[%add3A_16, %dma_start3A_22, %dma_start3A_23] : memref<160x21x96xi32, #tpu.memory_space<hbm>> -> memref<1x21x96xi32, #tpu.memory_space<hbm>>
    %dma_start3A_25 = tpu.memref_squeeze %dma_start3A_24 : memref<1x21x96xi32, #tpu.memory_space<hbm>> -> memref<21x96xi32, #tpu.memory_space<hbm>>
    %dma_start3A_26 = tpu.memref_slice %arg13[%dma_start3A_17] : memref<2x!tpu.dma_semaphore, #tpu.memory_space<semaphore_mem>> -> memref<1x!tpu.dma_semaphore, #tpu.memory_space<semaphore_mem>>
    %dma_start3A_27 = tpu.memref_squeeze %dma_start3A_26 : memref<1x!tpu.dma_semaphore, #tpu.memory_space<semaphore_mem>> -> memref<!tpu.dma_semaphore, #tpu.memory_space<semaphore_mem>>
    %dma_start3A_28 = arith.constant 0 : i32
    %dma_start3A_29 = arith.constant 0 : i32
    %dma_start3A_30 = tpu.memref_slice %arg7[%dma_start3A, %dma_start3A_28, %dma_start3A_29] : memref<2x21x96xi32, #tpu.memory_space<vmem>> -> memref<1x21x96xi32, #tpu.memory_space<vmem>>
    %dma_start3A_31 = tpu.memref_squeeze %dma_start3A_30 : memref<1x21x96xi32, #tpu.memory_space<vmem>> -> memref<21x96xi32, #tpu.memory_space<vmem>>
    %dma_start3A_32 = arith.constant 0 : i32
    %dma_start3A_33 = arith.constant 0 : i32
    %dma_start3A_34 = tpu.memref_slice %arg3[%add3A_16, %dma_start3A_32, %dma_start3A_33] : memref<160x21x96xi32, #tpu.memory_space<hbm>> -> memref<1x21x96xi32, #tpu.memory_space<hbm>>
    %dma_start3A_35 = tpu.memref_squeeze %dma_start3A_34 : memref<1x21x96xi32, #tpu.memory_space<hbm>> -> memref<21x96xi32, #tpu.memory_space<hbm>>
    tpu.enqueue_dma source(%dma_start3A_35 : memref<21x96xi32, #tpu.memory_space<hbm>>) target(%dma_start3A_31 : memref<21x96xi32, #tpu.memory_space<vmem>>) target_semaphore(%dma_start3A_27 : memref<!tpu.dma_semaphore, #tpu.memory_space<semaphore_mem>>)
    %mul3A_36 = arith.constant 5 : i32
    %mul3A_37 = arith.muli %add3A, %mul3A_36 : i32
    %add3A_38 = arith.constant 1 : i32
    %add3A_39 = arith.addi %mul3A_37, %add3A_38 : i32
    %dma_start3A_40 = arith.constant 1 : i32
    %dma_start3A_41 = arith.constant 1 : i32
    %dma_start3A_42 = arith.constant 0 : i32
    %dma_start3A_43 = arith.constant 0 : i32
    %dma_start3A_44 = tpu.memref_slice %arg8[%dma_start3A_40, %dma_start3A_42, %dma_start3A_43] : memref<2x21x96xi32, #tpu.memory_space<vmem>> -> memref<1x21x96xi32, #tpu.memory_space<vmem>>
    %dma_start3A_45 = tpu.memref_squeeze %dma_start3A_44 : memref<1x21x96xi32, #tpu.memory_space<vmem>> -> memref<21x96xi32, #tpu.memory_space<vmem>>
    %dma_start3A_46 = arith.constant 0 : i32
    %dma_start3A_47 = arith.constant 0 : i32
    %dma_start3A_48 = tpu.memref_slice %arg4[%add3A_39, %dma_start3A_46, %dma_start3A_47] : memref<160x21x96xi32, #tpu.memory_space<hbm>> -> memref<1x21x96xi32, #tpu.memory_space<hbm>>
    %dma_start3A_49 = tpu.memref_squeeze %dma_start3A_48 : memref<1x21x96xi32, #tpu.memory_space<hbm>> -> memref<21x96xi32, #tpu.memory_space<hbm>>
    %dma_start3A_50 = tpu.memref_slice %arg13[%dma_start3A_41] : memref<2x!tpu.dma_semaphore, #tpu.memory_space<semaphore_mem>> -> memref<1x!tpu.dma_semaphore, #tpu.memory_space<semaphore_mem>>
    %dma_start3A_51 = tpu.memref_squeeze %dma_start3A_50 : memref<1x!tpu.dma_semaphore, #tpu.memory_space<semaphore_mem>> -> memref<!tpu.dma_semaphore, #tpu.memory_space<semaphore_mem>>
    %dma_start3A_52 = arith.constant 0 : i32
    %dma_start3A_53 = arith.constant 0 : i32
    %dma_start3A_54 = tpu.memref_slice %arg8[%dma_start3A_40, %dma_start3A_52, %dma_start3A_53] : memref<2x21x96xi32, #tpu.memory_space<vmem>> -> memref<1x21x96xi32, #tpu.memory_space<vmem>>
    %dma_start3A_55 = tpu.memref_squeeze %dma_start3A_54 : memref<1x21x96xi32, #tpu.memory_space<vmem>> -> memref<21x96xi32, #tpu.memory_space<vmem>>
    %dma_start3A_56 = arith.constant 0 : i32
    %dma_start3A_57 = arith.constant 0 : i32
    %dma_start3A_58 = tpu.memref_slice %arg4[%add3A_39, %dma_start3A_56, %dma_start3A_57] : memref<160x21x96xi32, #tpu.memory_space<hbm>> -> memref<1x21x96xi32, #tpu.memory_space<hbm>>
    %dma_start3A_59 = tpu.memref_squeeze %dma_start3A_58 : memref<1x21x96xi32, #tpu.memory_space<hbm>> -> memref<21x96xi32, #tpu.memory_space<hbm>>
    tpu.enqueue_dma source(%dma_start3A_59 : memref<21x96xi32, #tpu.memory_space<hbm>>) target(%dma_start3A_55 : memref<21x96xi32, #tpu.memory_space<vmem>>) target_semaphore(%dma_start3A_51 : memref<!tpu.dma_semaphore, #tpu.memory_space<semaphore_mem>>)
    %dma_start3A_60 = arith.constant 0 : i32
    %dma_start3A_61 = arith.constant 0 : i32
    %dma_start3A_62 = arith.constant 0 : i32
    %dma_start3A_63 = arith.constant 0 : i32
    %dma_start3A_64 = arith.constant 0 : i32
    %dma_start3A_65 = arith.constant 0 : i32
    %dma_start3A_66 = tpu.memref_slice %arg9[%dma_start3A_62, %dma_start3A_64, %dma_start3A_65] : memref<3x96x128xf32, #tpu.memory_space<vmem>> -> memref<1x96x128xf32, #tpu.memory_space<vmem>>
    %dma_start3A_67 = tpu.memref_squeeze %dma_start3A_66 : memref<1x96x128xf32, #tpu.memory_space<vmem>> -> memref<96x128xf32, #tpu.memory_space<vmem>>
    %dma_start3A_68 = arith.constant 0 : i32
    %dma_start3A_69 = tpu.memref_slice %arg7[%dma_start3A_60, %dma_start3A_61, %dma_start3A_68] : memref<2x21x96xi32, #tpu.memory_space<vmem>> -> memref<1x1x96xi32, #tpu.memory_space<vmem>>
    %dma_start3A_70 = tpu.memref_squeeze %dma_start3A_69 : memref<1x1x96xi32, #tpu.memory_space<vmem>> -> memref<96xi32, #tpu.memory_space<vmem>>
    %dma_start3A_71 = arith.constant 0 : i32
    %dma_start3A_72 = arith.constant 0 : i32
    %dma_start3A_73 = tpu.memref_slice %arg2[%dma_start3A_71, %dma_start3A_72] : memref<10000x128xf32, #tpu.memory_space<hbm>> -> memref<10000x128xf32, #tpu.memory_space<hbm>>
    %dma_start3A_74 = tpu.memref_slice %arg11[%dma_start3A_63] : memref<3x!tpu.dma_semaphore, #tpu.memory_space<semaphore_mem>> -> memref<1x!tpu.dma_semaphore, #tpu.memory_space<semaphore_mem>>
    %dma_start3A_75 = tpu.memref_squeeze %dma_start3A_74 : memref<1x!tpu.dma_semaphore, #tpu.memory_space<semaphore_mem>> -> memref<!tpu.dma_semaphore, #tpu.memory_space<semaphore_mem>>
    tpu.enqueue_indirect_dma source(%dma_start3A_73 : memref<10000x128xf32, #tpu.memory_space<hbm>>) target(%dma_start3A_67 : memref<96x128xf32, #tpu.memory_space<vmem>>) offsets(%dma_start3A_70 : memref<96xi32, #tpu.memory_space<vmem>>) semaphore(%dma_start3A_75 : memref<!tpu.dma_semaphore, #tpu.memory_space<semaphore_mem>>)
    %dma_start3A_76 = arith.constant 0 : i32
    %dma_start3A_77 = arith.constant 1 : i32
    %dma_start3A_78 = arith.constant 1 : i32
    %dma_start3A_79 = arith.constant 1 : i32
    %dma_start3A_80 = arith.constant 0 : i32
    %dma_start3A_81 = arith.constant 0 : i32
    %dma_start3A_82 = tpu.memref_slice %arg9[%dma_start3A_78, %dma_start3A_80, %dma_start3A_81] : memref<3x96x128xf32, #tpu.memory_space<vmem>> -> memref<1x96x128xf32, #tpu.memory_space<vmem>>
    %dma_start3A_83 = tpu.memref_squeeze %dma_start3A_82 : memref<1x96x128xf32, #tpu.memory_space<vmem>> -> memref<96x128xf32, #tpu.memory_space<vmem>>
    %dma_start3A_84 = arith.constant 0 : i32
    %dma_start3A_85 = tpu.memref_slice %arg7[%dma_start3A_76, %dma_start3A_77, %dma_start3A_84] : memref<2x21x96xi32, #tpu.memory_space<vmem>> -> memref<1x1x96xi32, #tpu.memory_space<vmem>>
    %dma_start3A_86 = tpu.memref_squeeze %dma_start3A_85 : memref<1x1x96xi32, #tpu.memory_space<vmem>> -> memref<96xi32, #tpu.memory_space<vmem>>
    %dma_start3A_87 = arith.constant 0 : i32
    %dma_start3A_88 = arith.constant 0 : i32
    %dma_start3A_89 = tpu.memref_slice %arg2[%dma_start3A_87, %dma_start3A_88] : memref<10000x128xf32, #tpu.memory_space<hbm>> -> memref<10000x128xf32, #tpu.memory_space<hbm>>
    %dma_start3A_90 = tpu.memref_slice %arg11[%dma_start3A_79] : memref<3x!tpu.dma_semaphore, #tpu.memory_space<semaphore_mem>> -> memref<1x!tpu.dma_semaphore, #tpu.memory_space<semaphore_mem>>
    %dma_start3A_91 = tpu.memref_squeeze %dma_start3A_90 : memref<1x!tpu.dma_semaphore, #tpu.memory_space<semaphore_mem>> -> memref<!tpu.dma_semaphore, #tpu.memory_space<semaphore_mem>>
    tpu.enqueue_indirect_dma source(%dma_start3A_89 : memref<10000x128xf32, #tpu.memory_space<hbm>>) target(%dma_start3A_83 : memref<96x128xf32, #tpu.memory_space<vmem>>) offsets(%dma_start3A_86 : memref<96xi32, #tpu.memory_space<vmem>>) semaphore(%dma_start3A_91 : memref<!tpu.dma_semaphore, #tpu.memory_space<semaphore_mem>>)
    %eq3A_92 = arith.constant 0 : i32
    %eq3A_93 = arith.cmpi eq, %arg0, %eq3A_92 : i32
    %convert_element_type3A_94 = arith.extui %eq3A_93 : i1 to i32
    %cond3A_95 = arith.constant 0 : i32
    %cond3A_96 = arith.cmpi ne, %convert_element_type3A_94, %cond3A_95 : i32
    scf.if %cond3A_96 {
      %lt3A = arith.constant 15 : i32
      %lt3A_271 = arith.cmpi slt, %arg1, %lt3A : i32
      %convert_element_type3A_272 = arith.extui %lt3A_271 : i1 to i32
      %cond3A_273 = arith.constant 0 : i32
      %cond3A_274 = arith.cmpi ne, %convert_element_type3A_272, %cond3A_273 : i32
      scf.if %cond3A_274 {
        %mul3A_280 = arith.constant 632 : i32
        %mul3A_281 = arith.muli %arg1, %mul3A_280 : i32
        %mul3A_282 = arith.constant 632 : i32
        %mul3A_283 = arith.muli %arg1, %mul3A_282 : i32
        %dma_wait3A_284 = arith.constant 0 : i32
        %dma_wait3A_285 = tpu.memref_slice %arg10[%mul3A_283, %dma_wait3A_284] : memref<10112x128xf32, #tpu.memory_space<vmem_shared>> -> memref<632x128xf32, #tpu.memory_space<vmem_shared>>
        %dma_wait3A_286 = arith.constant 0 : i32
        %dma_wait3A_287 = tpu.memref_slice %arg2[%mul3A_281, %dma_wait3A_286] : memref<10000x128xf32, #tpu.memory_space<hbm>> -> memref<632x128xf32, #tpu.memory_space<hbm>>
        tpu.wait_dma2 semaphore(%arg14 : memref<!tpu.dma_semaphore, #tpu.memory_space<semaphore_mem>>) src(%dma_wait3A_287 : memref<632x128xf32, #tpu.memory_space<hbm>>) dst(%dma_wait3A_285 : memref<632x128xf32, #tpu.memory_space<vmem_shared>>)
      } else {
      }
      %eq3A_275 = arith.constant 15 : i32
      %eq3A_276 = arith.cmpi eq, %arg1, %eq3A_275 : i32
      %convert_element_type3A_277 = arith.extui %eq3A_276 : i1 to i32
      %cond3A_278 = arith.constant 0 : i32
      %cond3A_279 = arith.cmpi ne, %convert_element_type3A_277, %cond3A_278 : i32
      scf.if %cond3A_279 {
        %dma_wait3A_280 = arith.constant 9480 : i32
        %dma_wait3A_281 = arith.constant 0 : i32
        %dma_wait3A_282 = tpu.memref_slice %arg10[%dma_wait3A_280, %dma_wait3A_281] : memref<10112x128xf32, #tpu.memory_space<vmem_shared>> -> memref<520x128xf32, #tpu.memory_space<vmem_shared>>
        %dma_wait3A_283 = arith.constant 9480 : i32
        %dma_wait3A_284 = arith.constant 0 : i32
        %dma_wait3A_285 = tpu.memref_slice %arg2[%dma_wait3A_283, %dma_wait3A_284] : memref<10000x128xf32, #tpu.memory_space<hbm>> -> memref<520x128xf32, #tpu.memory_space<hbm>>
        tpu.wait_dma2 semaphore(%arg14 : memref<!tpu.dma_semaphore, #tpu.memory_space<semaphore_mem>>) src(%dma_wait3A_285 : memref<520x128xf32, #tpu.memory_space<hbm>>) dst(%dma_wait3A_282 : memref<520x128xf32, #tpu.memory_space<vmem_shared>>)
        %dma_wait3A_286 = arith.constant 10000 : i32
        %dma_wait3A_287 = arith.constant 0 : i32
        %dma_wait3A_288 = tpu.memref_slice %arg10[%dma_wait3A_286, %dma_wait3A_287] : memref<10112x128xf32, #tpu.memory_space<vmem_shared>> -> memref<112x128xf32, #tpu.memory_space<vmem_shared>>
        %dma_wait3A_289 = arith.constant 0 : i32
        %dma_wait3A_290 = arith.constant 0 : i32
        %dma_wait3A_291 = tpu.memref_slice %arg5[%dma_wait3A_289, %dma_wait3A_290] : memref<632x128xf32, #tpu.memory_space<hbm>> -> memref<112x128xf32, #tpu.memory_space<hbm>>
        tpu.wait_dma2 semaphore(%arg14 : memref<!tpu.dma_semaphore, #tpu.memory_space<semaphore_mem>>) src(%dma_wait3A_291 : memref<112x128xf32, #tpu.memory_space<hbm>>) dst(%dma_wait3A_288 : memref<112x128xf32, #tpu.memory_space<vmem_shared>>)
      } else {
      }
    } else {
    }
    %eq3A_97 = arith.constant 1 : i32
    %eq3A_98 = arith.cmpi eq, %arg0, %eq3A_97 : i32
    %convert_element_type3A_99 = arith.extui %eq3A_98 : i1 to i32
    %cond3A_100 = arith.constant 0 : i32
    %cond3A_101 = arith.cmpi ne, %convert_element_type3A_99, %cond3A_100 : i32
    scf.if %cond3A_101 {
      %mul3A_271 = arith.constant 632 : i32
      %mul3A_272 = arith.muli %arg1, %mul3A_271 : i32
      %dma_wait3A_273 = arith.constant 0 : i32
      %dma_wait3A_274 = tpu.memref_slice %arg10[%mul3A_272, %dma_wait3A_273] : memref<10112x128xf32, #tpu.memory_space<vmem_shared>> -> memref<632x128xf32, #tpu.memory_space<vmem_shared>>
      tpu.wait_dma2 semaphore(%arg14 : memref<!tpu.dma_semaphore, #tpu.memory_space<semaphore_mem>>) src(%arg5 : memref<632x128xf32, #tpu.memory_space<hbm>>) dst(%dma_wait3A_274 : memref<632x128xf32, #tpu.memory_space<vmem_shared>>)
    } else {
    }
    %barrier3A = arith.constant 0 : index
    tpu.barrier barrier_id(%barrier3A)
    %dma_wait3A = arith.constant 0 : i32
    %dma_wait3A_102 = arith.constant 0 : i32
    %dma_wait3A_103 = arith.constant 0 : i32
    %dma_wait3A_104 = arith.constant 0 : i32
    %dma_wait3A_105 = arith.constant 0 : i32
    %dma_wait3A_106 = arith.constant 0 : i32
    %dma_wait3A_107 = tpu.memref_slice %arg9[%dma_wait3A_103, %dma_wait3A_105, %dma_wait3A_106] : memref<3x96x128xf32, #tpu.memory_space<vmem>> -> memref<1x96x128xf32, #tpu.memory_space<vmem>>
    %dma_wait3A_108 = tpu.memref_squeeze %dma_wait3A_107 : memref<1x96x128xf32, #tpu.memory_space<vmem>> -> memref<96x128xf32, #tpu.memory_space<vmem>>
    %dma_wait3A_109 = arith.constant 0 : i32
    %dma_wait3A_110 = tpu.memref_slice %arg7[%dma_wait3A, %dma_wait3A_102, %dma_wait3A_109] : memref<2x21x96xi32, #tpu.memory_space<vmem>> -> memref<1x1x96xi32, #tpu.memory_space<vmem>>
    %dma_wait3A_111 = tpu.memref_squeeze %dma_wait3A_110 : memref<1x1x96xi32, #tpu.memory_space<vmem>> -> memref<96xi32, #tpu.memory_space<vmem>>
    %dma_wait3A_112 = arith.constant 0 : i32
    %dma_wait3A_113 = arith.constant 0 : i32
    %dma_wait3A_114 = tpu.memref_slice %arg2[%dma_wait3A_112, %dma_wait3A_113] : memref<10000x128xf32, #tpu.memory_space<hbm>> -> memref<10000x128xf32, #tpu.memory_space<hbm>>
    %dma_wait3A_115 = tpu.memref_slice %arg11[%dma_wait3A_104] : memref<3x!tpu.dma_semaphore, #tpu.memory_space<semaphore_mem>> -> memref<1x!tpu.dma_semaphore, #tpu.memory_space<semaphore_mem>>
    %dma_wait3A_116 = tpu.memref_squeeze %dma_wait3A_115 : memref<1x!tpu.dma_semaphore, #tpu.memory_space<semaphore_mem>> -> memref<!tpu.dma_semaphore, #tpu.memory_space<semaphore_mem>>
    tpu.wait_indirect_dma semaphore(%dma_wait3A_116 : memref<!tpu.dma_semaphore, #tpu.memory_space<semaphore_mem>>) src(%dma_wait3A_114 : memref<10000x128xf32, #tpu.memory_space<hbm>>) dst(%dma_wait3A_108 : memref<96x128xf32, #tpu.memory_space<vmem>>)
    %dma_start3A_117 = arith.constant 0 : i32
    %dma_start3A_118 = arith.constant 0 : i32
    %dma_start3A_119 = arith.constant 0 : i32
    %dma_start3A_120 = arith.constant 0 : i32
    %dma_start3A_121 = arith.constant 0 : i32
    %dma_start3A_122 = arith.constant 0 : i32
    %dma_start3A_123 = tpu.memref_slice %arg9[%dma_start3A_117, %dma_start3A_121, %dma_start3A_122] : memref<3x96x128xf32, #tpu.memory_space<vmem>> -> memref<1x96x128xf32, #tpu.memory_space<vmem>>
    %dma_start3A_124 = tpu.memref_squeeze %dma_start3A_123 : memref<1x96x128xf32, #tpu.memory_space<vmem>> -> memref<96x128xf32, #tpu.memory_space<vmem>>
    %dma_start3A_125 = arith.constant 0 : i32
    %dma_start3A_126 = tpu.memref_slice %arg8[%dma_start3A_118, %dma_start3A_119, %dma_start3A_125] : memref<2x21x96xi32, #tpu.memory_space<vmem>> -> memref<1x1x96xi32, #tpu.memory_space<vmem>>
    %dma_start3A_127 = tpu.memref_squeeze %dma_start3A_126 : memref<1x1x96xi32, #tpu.memory_space<vmem>> -> memref<96xi32, #tpu.memory_space<vmem>>
    %dma_start3A_128 = arith.constant 0 : i32
    %dma_start3A_129 = arith.constant 0 : i32
    %dma_start3A_130 = tpu.memref_slice %arg10[%dma_start3A_128, %dma_start3A_129] : memref<10112x128xf32, #tpu.memory_space<vmem_shared>> -> memref<10112x128xf32, #tpu.memory_space<vmem_shared>>
    %dma_start3A_131 = tpu.memref_slice %arg12[%dma_start3A_120] : memref<3x!tpu.dma_semaphore, #tpu.memory_space<semaphore_mem>> -> memref<1x!tpu.dma_semaphore, #tpu.memory_space<semaphore_mem>>
    %dma_start3A_132 = tpu.memref_squeeze %dma_start3A_131 : memref<1x!tpu.dma_semaphore, #tpu.memory_space<semaphore_mem>> -> memref<!tpu.dma_semaphore, #tpu.memory_space<semaphore_mem>>
    tpu.enqueue_indirect_dma source(%dma_start3A_124 : memref<96x128xf32, #tpu.memory_space<vmem>>) target(%dma_start3A_130 : memref<10112x128xf32, #tpu.memory_space<vmem_shared>>) offsets(%dma_start3A_127 : memref<96xi32, #tpu.memory_space<vmem>>) semaphore(%dma_start3A_132 : memref<!tpu.dma_semaphore, #tpu.memory_space<semaphore_mem>>) {add = true}
    %dma_start3A_133 = arith.constant 0 : i32
    %dma_start3A_134 = arith.constant 2 : i32
    %dma_start3A_135 = arith.constant 2 : i32
    %dma_start3A_136 = arith.constant 2 : i32
    %dma_start3A_137 = arith.constant 0 : i32
    %dma_start3A_138 = arith.constant 0 : i32
    %dma_start3A_139 = tpu.memref_slice %arg9[%dma_start3A_135, %dma_start3A_137, %dma_start3A_138] : memref<3x96x128xf32, #tpu.memory_space<vmem>> -> memref<1x96x128xf32, #tpu.memory_space<vmem>>
    %dma_start3A_140 = tpu.memref_squeeze %dma_start3A_139 : memref<1x96x128xf32, #tpu.memory_space<vmem>> -> memref<96x128xf32, #tpu.memory_space<vmem>>
    %dma_start3A_141 = arith.constant 0 : i32
    %dma_start3A_142 = tpu.memref_slice %arg7[%dma_start3A_133, %dma_start3A_134, %dma_start3A_141] : memref<2x21x96xi32, #tpu.memory_space<vmem>> -> memref<1x1x96xi32, #tpu.memory_space<vmem>>
    %dma_start3A_143 = tpu.memref_squeeze %dma_start3A_142 : memref<1x1x96xi32, #tpu.memory_space<vmem>> -> memref<96xi32, #tpu.memory_space<vmem>>
    %dma_start3A_144 = arith.constant 0 : i32
    %dma_start3A_145 = arith.constant 0 : i32
    %dma_start3A_146 = tpu.memref_slice %arg2[%dma_start3A_144, %dma_start3A_145] : memref<10000x128xf32, #tpu.memory_space<hbm>> -> memref<10000x128xf32, #tpu.memory_space<hbm>>
    %dma_start3A_147 = tpu.memref_slice %arg11[%dma_start3A_136] : memref<3x!tpu.dma_semaphore, #tpu.memory_space<semaphore_mem>> -> memref<1x!tpu.dma_semaphore, #tpu.memory_space<semaphore_mem>>
    %dma_start3A_148 = tpu.memref_squeeze %dma_start3A_147 : memref<1x!tpu.dma_semaphore, #tpu.memory_space<semaphore_mem>> -> memref<!tpu.dma_semaphore, #tpu.memory_space<semaphore_mem>>
    tpu.enqueue_indirect_dma source(%dma_start3A_146 : memref<10000x128xf32, #tpu.memory_space<hbm>>) target(%dma_start3A_140 : memref<96x128xf32, #tpu.memory_space<vmem>>) offsets(%dma_start3A_143 : memref<96xi32, #tpu.memory_space<vmem>>) semaphore(%dma_start3A_148 : memref<!tpu.dma_semaphore, #tpu.memory_space<semaphore_mem>>)
    %scan3A = arith.constant 0 : i32
    %scan3A_149 = arith.constant 0 : i32
    %scan3A_150 = arith.constant 34 : i32
    %scan3A_151 = arith.addi %scan3A_149, %scan3A_150 : i32
    %scan3A_152 = arith.constant 1 : i32
    scf.for %scan3A_271 = %scan3A_149 to %scan3A_151 step %scan3A_152  : i32 {
      %mul3A_272 = arith.constant 3 : i32
      %mul3A_273 = arith.muli %mul3A_272, %scan3A_271 : i32
      %add3A_274 = arith.constant 1 : i32
      %add3A_275 = arith.addi %add3A_274, %mul3A_273 : i32
      %add3A_276 = arith.constant 0 : i32
      %add3A_277 = arith.addi %add3A_275, %add3A_276 : i32
      %jit3A = arith.constant 21 : i32
      %div3A = arith.divsi %add3A_277, %jit3A : i32
      %sign3A = arith.constant 0 : i32
      %sign3A_278 = arith.cmpi sgt, %add3A_277, %sign3A : i32
      %sign3A_279 = arith.extui %sign3A_278 : i1 to i32
      %sign3A_280 = arith.constant 0 : i32
      %sign3A_281 = arith.cmpi slt, %add3A_277, %sign3A_280 : i32
      %sign3A_282 = arith.extui %sign3A_281 : i1 to i32
      %sign3A_283 = arith.subi %sign3A_279, %sign3A_282 : i32
      %sign3A_284 = arith.constant 0 : i32
      %sign3A_285 = arith.cmpi sgt, %jit3A, %sign3A_284 : i32
      %sign3A_286 = arith.extui %sign3A_285 : i1 to i32
      %sign3A_287 = arith.constant 0 : i32
      %sign3A_288 = arith.cmpi slt, %jit3A, %sign3A_287 : i32
      %sign3A_289 = arith.extui %sign3A_288 : i1 to i32
      %sign3A_290 = arith.subi %sign3A_286, %sign3A_289 : i32
      %ne3A = arith.cmpi ne, %sign3A_283, %sign3A_290 : i32
      %rem3A = arith.remsi %add3A_277, %jit3A : i32
      %ne3A_291 = arith.constant 0 : i32
      %ne3A_292 = arith.cmpi ne, %rem3A, %ne3A_291 : i32
      %and3A = arith.andi %ne3A, %ne3A_292 : i1
      %sub3A = arith.constant 1 : i32
      %sub3A_293 = arith.subi %div3A, %sub3A : i32
      %select_n3A = arith.select %and3A, %sub3A_293, %div3A : i32
      %jit3A_294 = arith.constant 2 : i32
      %eq3A_295 = arith.constant 0 : i32
      %eq3A_296 = arith.cmpi eq, %jit3A_294, %eq3A_295 : i32
      %jit3A_297 = arith.constant 1 : i32
      %select_n3A_298 = arith.select %eq3A_296, %jit3A_297, %jit3A_294 : i32
      %rem3A_299 = arith.remsi %select_n3A, %select_n3A_298 : i32
      %ne3A_300 = arith.constant 0 : i32
      %ne3A_301 = arith.cmpi ne, %rem3A_299, %ne3A_300 : i32
      %lt3A = arith.constant 0 : i32
      %lt3A_302 = arith.cmpi slt, %rem3A_299, %lt3A : i32
      %lt3A_303 = arith.constant 0 : i32
      %lt3A_304 = arith.cmpi slt, %select_n3A_298, %lt3A_303 : i32
      %ne3A_305 = arith.xori %lt3A_302, %lt3A_304 : i1
      %and3A_306 = arith.andi %ne3A_305, %ne3A_301 : i1
      %add3A_307 = arith.addi %rem3A_299, %select_n3A_298 : i32
      %select_n3A_308 = arith.select %and3A_306, %add3A_307, %rem3A_299 : i32
      %jit3A_309 = arith.constant 21 : i32
      %eq3A_310 = arith.constant 0 : i32
      %eq3A_311 = arith.cmpi eq, %jit3A_309, %eq3A_310 : i32
      %jit3A_312 = arith.constant 1 : i32
      %select_n3A_313 = arith.select %eq3A_311, %jit3A_312, %jit3A_309 : i32
      %rem3A_314 = arith.remsi %add3A_277, %select_n3A_313 : i32
      %ne3A_315 = arith.constant 0 : i32
      %ne3A_316 = arith.cmpi ne, %rem3A_314, %ne3A_315 : i32
      %lt3A_317 = arith.constant 0 : i32
      %lt3A_318 = arith.cmpi slt, %rem3A_314, %lt3A_317 : i32
      %lt3A_319 = arith.constant 0 : i32
      %lt3A_320 = arith.cmpi slt, %select_n3A_313, %lt3A_319 : i32
      %ne3A_321 = arith.xori %lt3A_318, %lt3A_320 : i1
      %and3A_322 = arith.andi %ne3A_321, %ne3A_316 : i1
      %add3A_323 = arith.addi %rem3A_314, %select_n3A_313 : i32
      %select_n3A_324 = arith.select %and3A_322, %add3A_323, %rem3A_314 : i32
      %dma_wait3A_325 = arith.constant 1 : i32
      %dma_wait3A_326 = arith.constant 1 : i32
      %dma_wait3A_327 = arith.constant 0 : i32
      %dma_wait3A_328 = arith.constant 0 : i32
      %dma_wait3A_329 = tpu.memref_slice %arg9[%dma_wait3A_325, %dma_wait3A_327, %dma_wait3A_328] : memref<3x96x128xf32, #tpu.memory_space<vmem>> -> memref<1x96x128xf32, #tpu.memory_space<vmem>>
      %dma_wait3A_330 = tpu.memref_squeeze %dma_wait3A_329 : memref<1x96x128xf32, #tpu.memory_space<vmem>> -> memref<96x128xf32, #tpu.memory_space<vmem>>
      %dma_wait3A_331 = arith.constant 0 : i32
      %dma_wait3A_332 = tpu.memref_slice %arg7[%select_n3A_308, %select_n3A_324, %dma_wait3A_331] : memref<2x21x96xi32, #tpu.memory_space<vmem>> -> memref<1x1x96xi32, #tpu.memory_space<vmem>>
      %dma_wait3A_333 = tpu.memref_squeeze %dma_wait3A_332 : memref<1x1x96xi32, #tpu.memory_space<vmem>> -> memref<96xi32, #tpu.memory_space<vmem>>
      %dma_wait3A_334 = arith.constant 0 : i32
      %dma_wait3A_335 = arith.constant 0 : i32
      %dma_wait3A_336 = tpu.memref_slice %arg2[%dma_wait3A_334, %dma_wait3A_335] : memref<10000x128xf32, #tpu.memory_space<hbm>> -> memref<10000x128xf32, #tpu.memory_space<hbm>>
      %dma_wait3A_337 = tpu.memref_slice %arg11[%dma_wait3A_326] : memref<3x!tpu.dma_semaphore, #tpu.memory_space<semaphore_mem>> -> memref<1x!tpu.dma_semaphore, #tpu.memory_space<semaphore_mem>>
      %dma_wait3A_338 = tpu.memref_squeeze %dma_wait3A_337 : memref<1x!tpu.dma_semaphore, #tpu.memory_space<semaphore_mem>> -> memref<!tpu.dma_semaphore, #tpu.memory_space<semaphore_mem>>
      tpu.wait_indirect_dma semaphore(%dma_wait3A_338 : memref<!tpu.dma_semaphore, #tpu.memory_space<semaphore_mem>>) src(%dma_wait3A_336 : memref<10000x128xf32, #tpu.memory_space<hbm>>) dst(%dma_wait3A_330 : memref<96x128xf32, #tpu.memory_space<vmem>>)
      %jit3A_339 = arith.constant 21 : i32
      %div3A_340 = arith.divsi %add3A_277, %jit3A_339 : i32
      %sign3A_341 = arith.constant 0 : i32
      %sign3A_342 = arith.cmpi sgt, %add3A_277, %sign3A_341 : i32
      %sign3A_343 = arith.extui %sign3A_342 : i1 to i32
      %sign3A_344 = arith.constant 0 : i32
      %sign3A_345 = arith.cmpi slt, %add3A_277, %sign3A_344 : i32
      %sign3A_346 = arith.extui %sign3A_345 : i1 to i32
      %sign3A_347 = arith.subi %sign3A_343, %sign3A_346 : i32
      %sign3A_348 = arith.constant 0 : i32
      %sign3A_349 = arith.cmpi sgt, %jit3A_339, %sign3A_348 : i32
      %sign3A_350 = arith.extui %sign3A_349 : i1 to i32
      %sign3A_351 = arith.constant 0 : i32
      %sign3A_352 = arith.cmpi slt, %jit3A_339, %sign3A_351 : i32
      %sign3A_353 = arith.extui %sign3A_352 : i1 to i32
      %sign3A_354 = arith.subi %sign3A_350, %sign3A_353 : i32
      %ne3A_355 = arith.cmpi ne, %sign3A_347, %sign3A_354 : i32
      %rem3A_356 = arith.remsi %add3A_277, %jit3A_339 : i32
      %ne3A_357 = arith.constant 0 : i32
      %ne3A_358 = arith.cmpi ne, %rem3A_356, %ne3A_357 : i32
      %and3A_359 = arith.andi %ne3A_355, %ne3A_358 : i1
      %sub3A_360 = arith.constant 1 : i32
      %sub3A_361 = arith.subi %div3A_340, %sub3A_360 : i32
      %select_n3A_362 = arith.select %and3A_359, %sub3A_361, %div3A_340 : i32
      %jit3A_363 = arith.constant 2 : i32
      %eq3A_364 = arith.constant 0 : i32
      %eq3A_365 = arith.cmpi eq, %jit3A_363, %eq3A_364 : i32
      %jit3A_366 = arith.constant 1 : i32
      %select_n3A_367 = arith.select %eq3A_365, %jit3A_366, %jit3A_363 : i32
      %rem3A_368 = arith.remsi %select_n3A_362, %select_n3A_367 : i32
      %ne3A_369 = arith.constant 0 : i32
      %ne3A_370 = arith.cmpi ne, %rem3A_368, %ne3A_369 : i32
      %lt3A_371 = arith.constant 0 : i32
      %lt3A_372 = arith.cmpi slt, %rem3A_368, %lt3A_371 : i32
      %lt3A_373 = arith.constant 0 : i32
      %lt3A_374 = arith.cmpi slt, %select_n3A_367, %lt3A_373 : i32
      %ne3A_375 = arith.xori %lt3A_372, %lt3A_374 : i1
      %and3A_376 = arith.andi %ne3A_375, %ne3A_370 : i1
      %add3A_377 = arith.addi %rem3A_368, %select_n3A_367 : i32
      %select_n3A_378 = arith.select %and3A_376, %add3A_377, %rem3A_368 : i32
      %jit3A_379 = arith.constant 21 : i32
      %eq3A_380 = arith.constant 0 : i32
      %eq3A_381 = arith.cmpi eq, %jit3A_379, %eq3A_380 : i32
      %jit3A_382 = arith.constant 1 : i32
      %select_n3A_383 = arith.select %eq3A_381, %jit3A_382, %jit3A_379 : i32
      %rem3A_384 = arith.remsi %add3A_277, %select_n3A_383 : i32
      %ne3A_385 = arith.constant 0 : i32
      %ne3A_386 = arith.cmpi ne, %rem3A_384, %ne3A_385 : i32
      %lt3A_387 = arith.constant 0 : i32
      %lt3A_388 = arith.cmpi slt, %rem3A_384, %lt3A_387 : i32
      %lt3A_389 = arith.constant 0 : i32
      %lt3A_390 = arith.cmpi slt, %select_n3A_383, %lt3A_389 : i32
      %ne3A_391 = arith.xori %lt3A_388, %lt3A_390 : i1
      %and3A_392 = arith.andi %ne3A_391, %ne3A_386 : i1
      %add3A_393 = arith.addi %rem3A_384, %select_n3A_383 : i32
      %select_n3A_394 = arith.select %and3A_392, %add3A_393, %rem3A_384 : i32
      %dma_start3A_395 = arith.constant 1 : i32
      %dma_start3A_396 = arith.constant 1 : i32
      %dma_start3A_397 = arith.constant 0 : i32
      %dma_start3A_398 = arith.constant 0 : i32
      %dma_start3A_399 = tpu.memref_slice %arg9[%dma_start3A_395, %dma_start3A_397, %dma_start3A_398] : memref<3x96x128xf32, #tpu.memory_space<vmem>> -> memref<1x96x128xf32, #tpu.memory_space<vmem>>
      %dma_start3A_400 = tpu.memref_squeeze %dma_start3A_399 : memref<1x96x128xf32, #tpu.memory_space<vmem>> -> memref<96x128xf32, #tpu.memory_space<vmem>>
      %dma_start3A_401 = arith.constant 0 : i32
      %dma_start3A_402 = tpu.memref_slice %arg8[%select_n3A_378, %select_n3A_394, %dma_start3A_401] : memref<2x21x96xi32, #tpu.memory_space<vmem>> -> memref<1x1x96xi32, #tpu.memory_space<vmem>>
      %dma_start3A_403 = tpu.memref_squeeze %dma_start3A_402 : memref<1x1x96xi32, #tpu.memory_space<vmem>> -> memref<96xi32, #tpu.memory_space<vmem>>
      %dma_start3A_404 = arith.constant 0 : i32
      %dma_start3A_405 = arith.constant 0 : i32
      %dma_start3A_406 = tpu.memref_slice %arg10[%dma_start3A_404, %dma_start3A_405] : memref<10112x128xf32, #tpu.memory_space<vmem_shared>> -> memref<10112x128xf32, #tpu.memory_space<vmem_shared>>
      %dma_start3A_407 = tpu.memref_slice %arg12[%dma_start3A_396] : memref<3x!tpu.dma_semaphore, #tpu.memory_space<semaphore_mem>> -> memref<1x!tpu.dma_semaphore, #tpu.memory_space<semaphore_mem>>
      %dma_start3A_408 = tpu.memref_squeeze %dma_start3A_407 : memref<1x!tpu.dma_semaphore, #tpu.memory_space<semaphore_mem>> -> memref<!tpu.dma_semaphore, #tpu.memory_space<semaphore_mem>>
      tpu.enqueue_indirect_dma source(%dma_start3A_400 : memref<96x128xf32, #tpu.memory_space<vmem>>) target(%dma_start3A_406 : memref<10112x128xf32, #tpu.memory_space<vmem_shared>>) offsets(%dma_start3A_403 : memref<96xi32, #tpu.memory_space<vmem>>) semaphore(%dma_start3A_408 : memref<!tpu.dma_semaphore, #tpu.memory_space<semaphore_mem>>) {add = true}
      %sub3A_409 = arith.constant 1 : i32
      %sub3A_410 = arith.subi %add3A_277, %sub3A_409 : i32
      %jit3A_411 = arith.constant 21 : i32
      %div3A_412 = arith.divsi %sub3A_410, %jit3A_411 : i32
      %sign3A_413 = arith.constant 0 : i32
      %sign3A_414 = arith.cmpi sgt, %sub3A_410, %sign3A_413 : i32
      %sign3A_415 = arith.extui %sign3A_414 : i1 to i32
      %sign3A_416 = arith.constant 0 : i32
      %sign3A_417 = arith.cmpi slt, %sub3A_410, %sign3A_416 : i32
      %sign3A_418 = arith.extui %sign3A_417 : i1 to i32
      %sign3A_419 = arith.subi %sign3A_415, %sign3A_418 : i32
      %sign3A_420 = arith.constant 0 : i32
      %sign3A_421 = arith.cmpi sgt, %jit3A_411, %sign3A_420 : i32
      %sign3A_422 = arith.extui %sign3A_421 : i1 to i32
      %sign3A_423 = arith.constant 0 : i32
      %sign3A_424 = arith.cmpi slt, %jit3A_411, %sign3A_423 : i32
      %sign3A_425 = arith.extui %sign3A_424 : i1 to i32
      %sign3A_426 = arith.subi %sign3A_422, %sign3A_425 : i32
      %ne3A_427 = arith.cmpi ne, %sign3A_419, %sign3A_426 : i32
      %rem3A_428 = arith.remsi %sub3A_410, %jit3A_411 : i32
      %ne3A_429 = arith.constant 0 : i32
      %ne3A_430 = arith.cmpi ne, %rem3A_428, %ne3A_429 : i32
      %and3A_431 = arith.andi %ne3A_427, %ne3A_430 : i1
      %sub3A_432 = arith.constant 1 : i32
      %sub3A_433 = arith.subi %div3A_412, %sub3A_432 : i32
      %select_n3A_434 = arith.select %and3A_431, %sub3A_433, %div3A_412 : i32
      %jit3A_435 = arith.constant 2 : i32
      %eq3A_436 = arith.constant 0 : i32
      %eq3A_437 = arith.cmpi eq, %jit3A_435, %eq3A_436 : i32
      %jit3A_438 = arith.constant 1 : i32
      %select_n3A_439 = arith.select %eq3A_437, %jit3A_438, %jit3A_435 : i32
      %rem3A_440 = arith.remsi %select_n3A_434, %select_n3A_439 : i32
      %ne3A_441 = arith.constant 0 : i32
      %ne3A_442 = arith.cmpi ne, %rem3A_440, %ne3A_441 : i32
      %lt3A_443 = arith.constant 0 : i32
      %lt3A_444 = arith.cmpi slt, %rem3A_440, %lt3A_443 : i32
      %lt3A_445 = arith.constant 0 : i32
      %lt3A_446 = arith.cmpi slt, %select_n3A_439, %lt3A_445 : i32
      %ne3A_447 = arith.xori %lt3A_444, %lt3A_446 : i1
      %and3A_448 = arith.andi %ne3A_447, %ne3A_442 : i1
      %add3A_449 = arith.addi %rem3A_440, %select_n3A_439 : i32
      %select_n3A_450 = arith.select %and3A_448, %add3A_449, %rem3A_440 : i32
      %jit3A_451 = arith.constant 21 : i32
      %eq3A_452 = arith.constant 0 : i32
      %eq3A_453 = arith.cmpi eq, %jit3A_451, %eq3A_452 : i32
      %jit3A_454 = arith.constant 1 : i32
      %select_n3A_455 = arith.select %eq3A_453, %jit3A_454, %jit3A_451 : i32
      %rem3A_456 = arith.remsi %sub3A_410, %select_n3A_455 : i32
      %ne3A_457 = arith.constant 0 : i32
      %ne3A_458 = arith.cmpi ne, %rem3A_456, %ne3A_457 : i32
      %lt3A_459 = arith.constant 0 : i32
      %lt3A_460 = arith.cmpi slt, %rem3A_456, %lt3A_459 : i32
      %lt3A_461 = arith.constant 0 : i32
      %lt3A_462 = arith.cmpi slt, %select_n3A_455, %lt3A_461 : i32
      %ne3A_463 = arith.xori %lt3A_460, %lt3A_462 : i1
      %and3A_464 = arith.andi %ne3A_463, %ne3A_458 : i1
      %add3A_465 = arith.addi %rem3A_456, %select_n3A_455 : i32
      %select_n3A_466 = arith.select %and3A_464, %add3A_465, %rem3A_456 : i32
      %dma_wait3A_467 = arith.constant 0 : i32
      %dma_wait3A_468 = arith.constant 0 : i32
      %dma_wait3A_469 = arith.constant 0 : i32
      %dma_wait3A_470 = arith.constant 0 : i32
      %dma_wait3A_471 = tpu.memref_slice %arg9[%dma_wait3A_467, %dma_wait3A_469, %dma_wait3A_470] : memref<3x96x128xf32, #tpu.memory_space<vmem>> -> memref<1x96x128xf32, #tpu.memory_space<vmem>>
      %dma_wait3A_472 = tpu.memref_squeeze %dma_wait3A_471 : memref<1x96x128xf32, #tpu.memory_space<vmem>> -> memref<96x128xf32, #tpu.memory_space<vmem>>
      %dma_wait3A_473 = arith.constant 0 : i32
      %dma_wait3A_474 = tpu.memref_slice %arg8[%select_n3A_450, %select_n3A_466, %dma_wait3A_473] : memref<2x21x96xi32, #tpu.memory_space<vmem>> -> memref<1x1x96xi32, #tpu.memory_space<vmem>>
      %dma_wait3A_475 = tpu.memref_squeeze %dma_wait3A_474 : memref<1x1x96xi32, #tpu.memory_space<vmem>> -> memref<96xi32, #tpu.memory_space<vmem>>
      %dma_wait3A_476 = arith.constant 0 : i32
      %dma_wait3A_477 = arith.constant 0 : i32
      %dma_wait3A_478 = tpu.memref_slice %arg10[%dma_wait3A_476, %dma_wait3A_477] : memref<10112x128xf32, #tpu.memory_space<vmem_shared>> -> memref<10112x128xf32, #tpu.memory_space<vmem_shared>>
      %dma_wait3A_479 = tpu.memref_slice %arg12[%dma_wait3A_468] : memref<3x!tpu.dma_semaphore, #tpu.memory_space<semaphore_mem>> -> memref<1x!tpu.dma_semaphore, #tpu.memory_space<semaphore_mem>>
      %dma_wait3A_480 = tpu.memref_squeeze %dma_wait3A_479 : memref<1x!tpu.dma_semaphore, #tpu.memory_space<semaphore_mem>> -> memref<!tpu.dma_semaphore, #tpu.memory_space<semaphore_mem>>
      tpu.wait_indirect_dma semaphore(%dma_wait3A_480 : memref<!tpu.dma_semaphore, #tpu.memory_space<semaphore_mem>>) src(%dma_wait3A_472 : memref<96x128xf32, #tpu.memory_space<vmem>>) dst(%dma_wait3A_478 : memref<10112x128xf32, #tpu.memory_space<vmem_shared>>)
      %jit3A_481 = arith.constant 21 : i32
      %div3A_482 = arith.divsi %add3A_277, %jit3A_481 : i32
      %sign3A_483 = arith.constant 0 : i32
      %sign3A_484 = arith.cmpi sgt, %add3A_277, %sign3A_483 : i32
      %sign3A_485 = arith.extui %sign3A_484 : i1 to i32
      %sign3A_486 = arith.constant 0 : i32
      %sign3A_487 = arith.cmpi slt, %add3A_277, %sign3A_486 : i32
      %sign3A_488 = arith.extui %sign3A_487 : i1 to i32
      %sign3A_489 = arith.subi %sign3A_485, %sign3A_488 : i32
      %sign3A_490 = arith.constant 0 : i32
      %sign3A_491 = arith.cmpi sgt, %jit3A_481, %sign3A_490 : i32
      %sign3A_492 = arith.extui %sign3A_491 : i1 to i32
      %sign3A_493 = arith.constant 0 : i32
      %sign3A_494 = arith.cmpi slt, %jit3A_481, %sign3A_493 : i32
      %sign3A_495 = arith.extui %sign3A_494 : i1 to i32
      %sign3A_496 = arith.subi %sign3A_492, %sign3A_495 : i32
      %ne3A_497 = arith.cmpi ne, %sign3A_489, %sign3A_496 : i32
      %rem3A_498 = arith.remsi %add3A_277, %jit3A_481 : i32
      %ne3A_499 = arith.constant 0 : i32
      %ne3A_500 = arith.cmpi ne, %rem3A_498, %ne3A_499 : i32
      %and3A_501 = arith.andi %ne3A_497, %ne3A_500 : i1
      %sub3A_502 = arith.constant 1 : i32
      %sub3A_503 = arith.subi %div3A_482, %sub3A_502 : i32
      %select_n3A_504 = arith.select %and3A_501, %sub3A_503, %div3A_482 : i32
      %jit3A_505 = arith.constant 2 : i32
      %eq3A_506 = arith.constant 0 : i32
      %eq3A_507 = arith.cmpi eq, %jit3A_505, %eq3A_506 : i32
      %jit3A_508 = arith.constant 1 : i32
      %select_n3A_509 = arith.select %eq3A_507, %jit3A_508, %jit3A_505 : i32
      %rem3A_510 = arith.remsi %select_n3A_504, %select_n3A_509 : i32
      %ne3A_511 = arith.constant 0 : i32
      %ne3A_512 = arith.cmpi ne, %rem3A_510, %ne3A_511 : i32
      %lt3A_513 = arith.constant 0 : i32
      %lt3A_514 = arith.cmpi slt, %rem3A_510, %lt3A_513 : i32
      %lt3A_515 = arith.constant 0 : i32
      %lt3A_516 = arith.cmpi slt, %select_n3A_509, %lt3A_515 : i32
      %ne3A_517 = arith.xori %lt3A_514, %lt3A_516 : i1
      %and3A_518 = arith.andi %ne3A_517, %ne3A_512 : i1
      %add3A_519 = arith.addi %rem3A_510, %select_n3A_509 : i32
      %select_n3A_520 = arith.select %and3A_518, %add3A_519, %rem3A_510 : i32
      %jit3A_521 = arith.constant 21 : i32
      %eq3A_522 = arith.constant 0 : i32
      %eq3A_523 = arith.cmpi eq, %jit3A_521, %eq3A_522 : i32
      %jit3A_524 = arith.constant 1 : i32
      %select_n3A_525 = arith.select %eq3A_523, %jit3A_524, %jit3A_521 : i32
      %rem3A_526 = arith.remsi %add3A_277, %select_n3A_525 : i32
      %ne3A_527 = arith.constant 0 : i32
      %ne3A_528 = arith.cmpi ne, %rem3A_526, %ne3A_527 : i32
      %lt3A_529 = arith.constant 0 : i32
      %lt3A_530 = arith.cmpi slt, %rem3A_526, %lt3A_529 : i32
      %lt3A_531 = arith.constant 0 : i32
      %lt3A_532 = arith.cmpi slt, %select_n3A_525, %lt3A_531 : i32
      %ne3A_533 = arith.xori %lt3A_530, %lt3A_532 : i1
      %and3A_534 = arith.andi %ne3A_533, %ne3A_528 : i1
      %add3A_535 = arith.addi %rem3A_526, %select_n3A_525 : i32
      %select_n3A_536 = arith.select %and3A_534, %add3A_535, %rem3A_526 : i32
      %eq3A_537 = arith.constant 0 : i32
      %eq3A_538 = arith.cmpi eq, %select_n3A_536, %eq3A_537 : i32
      %lt3A_539 = arith.constant 64 : i32
      %lt3A_540 = arith.cmpi slt, %add3A_277, %lt3A_539 : i32
      %and3A_541 = arith.andi %eq3A_538, %lt3A_540 : i1
      %convert_element_type3A_542 = arith.extui %and3A_541 : i1 to i32
      %cond3A_543 = arith.constant 0 : i32
      %cond3A_544 = arith.cmpi ne, %convert_element_type3A_542, %cond3A_543 : i32
      scf.if %cond3A_544 {
        %jit3A_1340 = arith.constant 21 : i32
        %div3A_1341 = arith.divsi %add3A_277, %jit3A_1340 : i32
        %sign3A_1342 = arith.constant 0 : i32
        %sign3A_1343 = arith.cmpi sgt, %add3A_277, %sign3A_1342 : i32
        %sign3A_1344 = arith.extui %sign3A_1343 : i1 to i32
        %sign3A_1345 = arith.constant 0 : i32
        %sign3A_1346 = arith.cmpi slt, %add3A_277, %sign3A_1345 : i32
        %sign3A_1347 = arith.extui %sign3A_1346 : i1 to i32
        %sign3A_1348 = arith.subi %sign3A_1344, %sign3A_1347 : i32
        %sign3A_1349 = arith.constant 0 : i32
        %sign3A_1350 = arith.cmpi sgt, %jit3A_1340, %sign3A_1349 : i32
        %sign3A_1351 = arith.extui %sign3A_1350 : i1 to i32
        %sign3A_1352 = arith.constant 0 : i32
        %sign3A_1353 = arith.cmpi slt, %jit3A_1340, %sign3A_1352 : i32
        %sign3A_1354 = arith.extui %sign3A_1353 : i1 to i32
        %sign3A_1355 = arith.subi %sign3A_1351, %sign3A_1354 : i32
        %ne3A_1356 = arith.cmpi ne, %sign3A_1348, %sign3A_1355 : i32
        %rem3A_1357 = arith.remsi %add3A_277, %jit3A_1340 : i32
        %ne3A_1358 = arith.constant 0 : i32
        %ne3A_1359 = arith.cmpi ne, %rem3A_1357, %ne3A_1358 : i32
        %and3A_1360 = arith.andi %ne3A_1356, %ne3A_1359 : i1
        %sub3A_1361 = arith.constant 1 : i32
        %sub3A_1362 = arith.subi %div3A_1341, %sub3A_1361 : i32
        %select_n3A_1363 = arith.select %and3A_1360, %sub3A_1362, %div3A_1341 : i32
        %add3A_1364 = arith.constant 1 : i32
        %add3A_1365 = arith.addi %select_n3A_1363, %add3A_1364 : i32
        %add3A_1366 = arith.constant 1 : i32
        %add3A_1367 = arith.addi %select_n3A_520, %add3A_1366 : i32
        %jit3A_1368 = arith.constant 2 : i32
        %eq3A_1369 = arith.constant 0 : i32
        %eq3A_1370 = arith.cmpi eq, %jit3A_1368, %eq3A_1369 : i32
        %jit3A_1371 = arith.constant 1 : i32
        %select_n3A_1372 = arith.select %eq3A_1370, %jit3A_1371, %jit3A_1368 : i32
        %rem3A_1373 = arith.remsi %add3A_1367, %select_n3A_1372 : i32
        %ne3A_1374 = arith.constant 0 : i32
        %ne3A_1375 = arith.cmpi ne, %rem3A_1373, %ne3A_1374 : i32
        %lt3A_1376 = arith.constant 0 : i32
        %lt3A_1377 = arith.cmpi slt, %rem3A_1373, %lt3A_1376 : i32
        %lt3A_1378 = arith.constant 0 : i32
        %lt3A_1379 = arith.cmpi slt, %select_n3A_1372, %lt3A_1378 : i32
        %ne3A_1380 = arith.xori %lt3A_1377, %lt3A_1379 : i1
        %and3A_1381 = arith.andi %ne3A_1380, %ne3A_1375 : i1
        %add3A_1382 = arith.addi %rem3A_1373, %select_n3A_1372 : i32
        %select_n3A_1383 = arith.select %and3A_1381, %add3A_1382, %rem3A_1373 : i32
        %mul3A_1384 = arith.constant 5 : i32
        %mul3A_1385 = arith.muli %add3A, %mul3A_1384 : i32
        %add3A_1386 = arith.addi %mul3A_1385, %add3A_1365 : i32
        %dma_start3A_1387 = arith.constant 0 : i32
        %dma_start3A_1388 = arith.constant 0 : i32
        %dma_start3A_1389 = tpu.memref_slice %arg7[%select_n3A_1383, %dma_start3A_1387, %dma_start3A_1388] : memref<2x21x96xi32, #tpu.memory_space<vmem>> -> memref<1x21x96xi32, #tpu.memory_space<vmem>>
        %dma_start3A_1390 = tpu.memref_squeeze %dma_start3A_1389 : memref<1x21x96xi32, #tpu.memory_space<vmem>> -> memref<21x96xi32, #tpu.memory_space<vmem>>
        %dma_start3A_1391 = arith.constant 0 : i32
        %dma_start3A_1392 = arith.constant 0 : i32
        %dma_start3A_1393 = tpu.memref_slice %arg3[%add3A_1386, %dma_start3A_1391, %dma_start3A_1392] : memref<160x21x96xi32, #tpu.memory_space<hbm>> -> memref<1x21x96xi32, #tpu.memory_space<hbm>>
        %dma_start3A_1394 = tpu.memref_squeeze %dma_start3A_1393 : memref<1x21x96xi32, #tpu.memory_space<hbm>> -> memref<21x96xi32, #tpu.memory_space<hbm>>
        %dma_start3A_1395 = tpu.memref_slice %arg13[%select_n3A_1383] : memref<2x!tpu.dma_semaphore, #tpu.memory_space<semaphore_mem>> -> memref<1x!tpu.dma_semaphore, #tpu.memory_space<semaphore_mem>>
        %dma_start3A_1396 = tpu.memref_squeeze %dma_start3A_1395 : memref<1x!tpu.dma_semaphore, #tpu.memory_space<semaphore_mem>> -> memref<!tpu.dma_semaphore, #tpu.memory_space<semaphore_mem>>
        %dma_start3A_1397 = arith.constant 0 : i32
        %dma_start3A_1398 = arith.constant 0 : i32
        %dma_start3A_1399 = tpu.memref_slice %arg7[%select_n3A_1383, %dma_start3A_1397, %dma_start3A_1398] : memref<2x21x96xi32, #tpu.memory_space<vmem>> -> memref<1x21x96xi32, #tpu.memory_space<vmem>>
        %dma_start3A_1400 = tpu.memref_squeeze %dma_start3A_1399 : memref<1x21x96xi32, #tpu.memory_space<vmem>> -> memref<21x96xi32, #tpu.memory_space<vmem>>
        %dma_start3A_1401 = arith.constant 0 : i32
        %dma_start3A_1402 = arith.constant 0 : i32
        %dma_start3A_1403 = tpu.memref_slice %arg3[%add3A_1386, %dma_start3A_1401, %dma_start3A_1402] : memref<160x21x96xi32, #tpu.memory_space<hbm>> -> memref<1x21x96xi32, #tpu.memory_space<hbm>>
        %dma_start3A_1404 = tpu.memref_squeeze %dma_start3A_1403 : memref<1x21x96xi32, #tpu.memory_space<hbm>> -> memref<21x96xi32, #tpu.memory_space<hbm>>
        tpu.enqueue_dma source(%dma_start3A_1404 : memref<21x96xi32, #tpu.memory_space<hbm>>) target(%dma_start3A_1400 : memref<21x96xi32, #tpu.memory_space<vmem>>) target_semaphore(%dma_start3A_1396 : memref<!tpu.dma_semaphore, #tpu.memory_space<semaphore_mem>>)
        %mul3A_1405 = arith.constant 5 : i32
        %mul3A_1406 = arith.muli %add3A, %mul3A_1405 : i32
        %add3A_1407 = arith.addi %mul3A_1406, %add3A_1365 : i32
        %dma_start3A_1408 = arith.constant 0 : i32
        %dma_start3A_1409 = arith.constant 0 : i32
        %dma_start3A_1410 = tpu.memref_slice %arg8[%select_n3A_1383, %dma_start3A_1408, %dma_start3A_1409] : memref<2x21x96xi32, #tpu.memory_space<vmem>> -> memref<1x21x96xi32, #tpu.memory_space<vmem>>
        %dma_start3A_1411 = tpu.memref_squeeze %dma_start3A_1410 : memref<1x21x96xi32, #tpu.memory_space<vmem>> -> memref<21x96xi32, #tpu.memory_space<vmem>>
        %dma_start3A_1412 = arith.constant 0 : i32
        %dma_start3A_1413 = arith.constant 0 : i32
        %dma_start3A_1414 = tpu.memref_slice %arg4[%add3A_1407, %dma_start3A_1412, %dma_start3A_1413] : memref<160x21x96xi32, #tpu.memory_space<hbm>> -> memref<1x21x96xi32, #tpu.memory_space<hbm>>
        %dma_start3A_1415 = tpu.memref_squeeze %dma_start3A_1414 : memref<1x21x96xi32, #tpu.memory_space<hbm>> -> memref<21x96xi32, #tpu.memory_space<hbm>>
        %dma_start3A_1416 = tpu.memref_slice %arg13[%select_n3A_1383] : memref<2x!tpu.dma_semaphore, #tpu.memory_space<semaphore_mem>> -> memref<1x!tpu.dma_semaphore, #tpu.memory_space<semaphore_mem>>
        %dma_start3A_1417 = tpu.memref_squeeze %dma_start3A_1416 : memref<1x!tpu.dma_semaphore, #tpu.memory_space<semaphore_mem>> -> memref<!tpu.dma_semaphore, #tpu.memory_space<semaphore_mem>>
        %dma_start3A_1418 = arith.constant 0 : i32
        %dma_start3A_1419 = arith.constant 0 : i32
        %dma_start3A_1420 = tpu.memref_slice %arg8[%select_n3A_1383, %dma_start3A_1418, %dma_start3A_1419] : memref<2x21x96xi32, #tpu.memory_space<vmem>> -> memref<1x21x96xi32, #tpu.memory_space<vmem>>
        %dma_start3A_1421 = tpu.memref_squeeze %dma_start3A_1420 : memref<1x21x96xi32, #tpu.memory_space<vmem>> -> memref<21x96xi32, #tpu.memory_space<vmem>>
        %dma_start3A_1422 = arith.constant 0 : i32
        %dma_start3A_1423 = arith.constant 0 : i32
        %dma_start3A_1424 = tpu.memref_slice %arg4[%add3A_1407, %dma_start3A_1422, %dma_start3A_1423] : memref<160x21x96xi32, #tpu.memory_space<hbm>> -> memref<1x21x96xi32, #tpu.memory_space<hbm>>
        %dma_start3A_1425 = tpu.memref_squeeze %dma_start3A_1424 : memref<1x21x96xi32, #tpu.memory_space<hbm>> -> memref<21x96xi32, #tpu.memory_space<hbm>>
        tpu.enqueue_dma source(%dma_start3A_1425 : memref<21x96xi32, #tpu.memory_space<hbm>>) target(%dma_start3A_1421 : memref<21x96xi32, #tpu.memory_space<vmem>>) target_semaphore(%dma_start3A_1417 : memref<!tpu.dma_semaphore, #tpu.memory_space<semaphore_mem>>)
      } else {
      }
      %eq3A_545 = arith.constant 19 : i32
      %eq3A_546 = arith.cmpi eq, %select_n3A_536, %eq3A_545 : i32
      %convert_element_type3A_547 = arith.extui %eq3A_546 : i1 to i32
      %cond3A_548 = arith.constant 0 : i32
      %cond3A_549 = arith.cmpi ne, %convert_element_type3A_547, %cond3A_548 : i32
      scf.if %cond3A_549 {
        %add3A_1340 = arith.constant 1 : i32
        %add3A_1341 = arith.addi %select_n3A_520, %add3A_1340 : i32
        %jit3A_1342 = arith.constant 2 : i32
        %eq3A_1343 = arith.constant 0 : i32
        %eq3A_1344 = arith.cmpi eq, %jit3A_1342, %eq3A_1343 : i32
        %jit3A_1345 = arith.constant 1 : i32
        %select_n3A_1346 = arith.select %eq3A_1344, %jit3A_1345, %jit3A_1342 : i32
        %rem3A_1347 = arith.remsi %add3A_1341, %select_n3A_1346 : i32
        %ne3A_1348 = arith.constant 0 : i32
        %ne3A_1349 = arith.cmpi ne, %rem3A_1347, %ne3A_1348 : i32
        %lt3A_1350 = arith.constant 0 : i32
        %lt3A_1351 = arith.cmpi slt, %rem3A_1347, %lt3A_1350 : i32
        %lt3A_1352 = arith.constant 0 : i32
        %lt3A_1353 = arith.cmpi slt, %select_n3A_1346, %lt3A_1352 : i32
        %ne3A_1354 = arith.xori %lt3A_1351, %lt3A_1353 : i1
        %and3A_1355 = arith.andi %ne3A_1354, %ne3A_1349 : i1
        %add3A_1356 = arith.addi %rem3A_1347, %select_n3A_1346 : i32
        %select_n3A_1357 = arith.select %and3A_1355, %add3A_1356, %rem3A_1347 : i32
        %mul3A_1358 = arith.constant 5 : i32
        %mul3A_1359 = arith.muli %add3A, %mul3A_1358 : i32
        %dma_wait3A_1360 = arith.constant 0 : i32
        %dma_wait3A_1361 = arith.constant 0 : i32
        %dma_wait3A_1362 = tpu.memref_slice %arg7[%select_n3A_1357, %dma_wait3A_1360, %dma_wait3A_1361] : memref<2x21x96xi32, #tpu.memory_space<vmem>> -> memref<1x21x96xi32, #tpu.memory_space<vmem>>
        %dma_wait3A_1363 = tpu.memref_squeeze %dma_wait3A_1362 : memref<1x21x96xi32, #tpu.memory_space<vmem>> -> memref<21x96xi32, #tpu.memory_space<vmem>>
        %dma_wait3A_1364 = arith.constant 0 : i32
        %dma_wait3A_1365 = arith.constant 0 : i32
        %dma_wait3A_1366 = tpu.memref_slice %arg3[%mul3A_1359, %dma_wait3A_1364, %dma_wait3A_1365] : memref<160x21x96xi32, #tpu.memory_space<hbm>> -> memref<1x21x96xi32, #tpu.memory_space<hbm>>
        %dma_wait3A_1367 = tpu.memref_squeeze %dma_wait3A_1366 : memref<1x21x96xi32, #tpu.memory_space<hbm>> -> memref<21x96xi32, #tpu.memory_space<hbm>>
        %dma_wait3A_1368 = tpu.memref_slice %arg13[%select_n3A_1357] : memref<2x!tpu.dma_semaphore, #tpu.memory_space<semaphore_mem>> -> memref<1x!tpu.dma_semaphore, #tpu.memory_space<semaphore_mem>>
        %dma_wait3A_1369 = tpu.memref_squeeze %dma_wait3A_1368 : memref<1x!tpu.dma_semaphore, #tpu.memory_space<semaphore_mem>> -> memref<!tpu.dma_semaphore, #tpu.memory_space<semaphore_mem>>
        %dma_wait3A_1370 = arith.constant 0 : i32
        %dma_wait3A_1371 = arith.constant 0 : i32
        %dma_wait3A_1372 = tpu.memref_slice %arg7[%select_n3A_1357, %dma_wait3A_1370, %dma_wait3A_1371] : memref<2x21x96xi32, #tpu.memory_space<vmem>> -> memref<1x21x96xi32, #tpu.memory_space<vmem>>
        %dma_wait3A_1373 = tpu.memref_squeeze %dma_wait3A_1372 : memref<1x21x96xi32, #tpu.memory_space<vmem>> -> memref<21x96xi32, #tpu.memory_space<vmem>>
        %dma_wait3A_1374 = arith.constant 0 : i32
        %dma_wait3A_1375 = arith.constant 0 : i32
        %dma_wait3A_1376 = tpu.memref_slice %arg3[%mul3A_1359, %dma_wait3A_1374, %dma_wait3A_1375] : memref<160x21x96xi32, #tpu.memory_space<hbm>> -> memref<1x21x96xi32, #tpu.memory_space<hbm>>
        %dma_wait3A_1377 = tpu.memref_squeeze %dma_wait3A_1376 : memref<1x21x96xi32, #tpu.memory_space<hbm>> -> memref<21x96xi32, #tpu.memory_space<hbm>>
        tpu.wait_dma2 semaphore(%dma_wait3A_1369 : memref<!tpu.dma_semaphore, #tpu.memory_space<semaphore_mem>>) src(%dma_wait3A_1377 : memref<21x96xi32, #tpu.memory_space<hbm>>) dst(%dma_wait3A_1373 : memref<21x96xi32, #tpu.memory_space<vmem>>)
        %mul3A_1378 = arith.constant 5 : i32
        %mul3A_1379 = arith.muli %add3A, %mul3A_1378 : i32
        %dma_wait3A_1380 = arith.constant 0 : i32
        %dma_wait3A_1381 = arith.constant 0 : i32
        %dma_wait3A_1382 = tpu.memref_slice %arg8[%select_n3A_1357, %dma_wait3A_1380, %dma_wait3A_1381] : memref<2x21x96xi32, #tpu.memory_space<vmem>> -> memref<1x21x96xi32, #tpu.memory_space<vmem>>
        %dma_wait3A_1383 = tpu.memref_squeeze %dma_wait3A_1382 : memref<1x21x96xi32, #tpu.memory_space<vmem>> -> memref<21x96xi32, #tpu.memory_space<vmem>>
        %dma_wait3A_1384 = arith.constant 0 : i32
        %dma_wait3A_1385 = arith.constant 0 : i32
        %dma_wait3A_1386 = tpu.memref_slice %arg4[%mul3A_1379, %dma_wait3A_1384, %dma_wait3A_1385] : memref<160x21x96xi32, #tpu.memory_space<hbm>> -> memref<1x21x96xi32, #tpu.memory_space<hbm>>
        %dma_wait3A_1387 = tpu.memref_squeeze %dma_wait3A_1386 : memref<1x21x96xi32, #tpu.memory_space<hbm>> -> memref<21x96xi32, #tpu.memory_space<hbm>>
        %dma_wait3A_1388 = tpu.memref_slice %arg13[%select_n3A_1357] : memref<2x!tpu.dma_semaphore, #tpu.memory_space<semaphore_mem>> -> memref<1x!tpu.dma_semaphore, #tpu.memory_space<semaphore_mem>>
        %dma_wait3A_1389 = tpu.memref_squeeze %dma_wait3A_1388 : memref<1x!tpu.dma_semaphore, #tpu.memory_space<semaphore_mem>> -> memref<!tpu.dma_semaphore, #tpu.memory_space<semaphore_mem>>
        %dma_wait3A_1390 = arith.constant 0 : i32
        %dma_wait3A_1391 = arith.constant 0 : i32
        %dma_wait3A_1392 = tpu.memref_slice %arg8[%select_n3A_1357, %dma_wait3A_1390, %dma_wait3A_1391] : memref<2x21x96xi32, #tpu.memory_space<vmem>> -> memref<1x21x96xi32, #tpu.memory_space<vmem>>
        %dma_wait3A_1393 = tpu.memref_squeeze %dma_wait3A_1392 : memref<1x21x96xi32, #tpu.memory_space<vmem>> -> memref<21x96xi32, #tpu.memory_space<vmem>>
        %dma_wait3A_1394 = arith.constant 0 : i32
        %dma_wait3A_1395 = arith.constant 0 : i32
        %dma_wait3A_1396 = tpu.memref_slice %arg4[%mul3A_1379, %dma_wait3A_1394, %dma_wait3A_1395] : memref<160x21x96xi32, #tpu.memory_space<hbm>> -> memref<1x21x96xi32, #tpu.memory_space<hbm>>
        %dma_wait3A_1397 = tpu.memref_squeeze %dma_wait3A_1396 : memref<1x21x96xi32, #tpu.memory_space<hbm>> -> memref<21x96xi32, #tpu.memory_space<hbm>>
        tpu.wait_dma2 semaphore(%dma_wait3A_1389 : memref<!tpu.dma_semaphore, #tpu.memory_space<semaphore_mem>>) src(%dma_wait3A_1397 : memref<21x96xi32, #tpu.memory_space<hbm>>) dst(%dma_wait3A_1393 : memref<21x96xi32, #tpu.memory_space<vmem>>)
      } else {
      }
      %add3A_550 = arith.constant 2 : i32
      %add3A_551 = arith.addi %add3A_277, %add3A_550 : i32
      %jit3A_552 = arith.constant 21 : i32
      %div3A_553 = arith.divsi %add3A_551, %jit3A_552 : i32
      %sign3A_554 = arith.constant 0 : i32
      %sign3A_555 = arith.cmpi sgt, %add3A_551, %sign3A_554 : i32
      %sign3A_556 = arith.extui %sign3A_555 : i1 to i32
      %sign3A_557 = arith.constant 0 : i32
      %sign3A_558 = arith.cmpi slt, %add3A_551, %sign3A_557 : i32
      %sign3A_559 = arith.extui %sign3A_558 : i1 to i32
      %sign3A_560 = arith.subi %sign3A_556, %sign3A_559 : i32
      %sign3A_561 = arith.constant 0 : i32
      %sign3A_562 = arith.cmpi sgt, %jit3A_552, %sign3A_561 : i32
      %sign3A_563 = arith.extui %sign3A_562 : i1 to i32
      %sign3A_564 = arith.constant 0 : i32
      %sign3A_565 = arith.cmpi slt, %jit3A_552, %sign3A_564 : i32
      %sign3A_566 = arith.extui %sign3A_565 : i1 to i32
      %sign3A_567 = arith.subi %sign3A_563, %sign3A_566 : i32
      %ne3A_568 = arith.cmpi ne, %sign3A_560, %sign3A_567 : i32
      %rem3A_569 = arith.remsi %add3A_551, %jit3A_552 : i32
      %ne3A_570 = arith.constant 0 : i32
      %ne3A_571 = arith.cmpi ne, %rem3A_569, %ne3A_570 : i32
      %and3A_572 = arith.andi %ne3A_568, %ne3A_571 : i1
      %sub3A_573 = arith.constant 1 : i32
      %sub3A_574 = arith.subi %div3A_553, %sub3A_573 : i32
      %select_n3A_575 = arith.select %and3A_572, %sub3A_574, %div3A_553 : i32
      %jit3A_576 = arith.constant 2 : i32
      %eq3A_577 = arith.constant 0 : i32
      %eq3A_578 = arith.cmpi eq, %jit3A_576, %eq3A_577 : i32
      %jit3A_579 = arith.constant 1 : i32
      %select_n3A_580 = arith.select %eq3A_578, %jit3A_579, %jit3A_576 : i32
      %rem3A_581 = arith.remsi %select_n3A_575, %select_n3A_580 : i32
      %ne3A_582 = arith.constant 0 : i32
      %ne3A_583 = arith.cmpi ne, %rem3A_581, %ne3A_582 : i32
      %lt3A_584 = arith.constant 0 : i32
      %lt3A_585 = arith.cmpi slt, %rem3A_581, %lt3A_584 : i32
      %lt3A_586 = arith.constant 0 : i32
      %lt3A_587 = arith.cmpi slt, %select_n3A_580, %lt3A_586 : i32
      %ne3A_588 = arith.xori %lt3A_585, %lt3A_587 : i1
      %and3A_589 = arith.andi %ne3A_588, %ne3A_583 : i1
      %add3A_590 = arith.addi %rem3A_581, %select_n3A_580 : i32
      %select_n3A_591 = arith.select %and3A_589, %add3A_590, %rem3A_581 : i32
      %jit3A_592 = arith.constant 21 : i32
      %eq3A_593 = arith.constant 0 : i32
      %eq3A_594 = arith.cmpi eq, %jit3A_592, %eq3A_593 : i32
      %jit3A_595 = arith.constant 1 : i32
      %select_n3A_596 = arith.select %eq3A_594, %jit3A_595, %jit3A_592 : i32
      %rem3A_597 = arith.remsi %add3A_551, %select_n3A_596 : i32
      %ne3A_598 = arith.constant 0 : i32
      %ne3A_599 = arith.cmpi ne, %rem3A_597, %ne3A_598 : i32
      %lt3A_600 = arith.constant 0 : i32
      %lt3A_601 = arith.cmpi slt, %rem3A_597, %lt3A_600 : i32
      %lt3A_602 = arith.constant 0 : i32
      %lt3A_603 = arith.cmpi slt, %select_n3A_596, %lt3A_602 : i32
      %ne3A_604 = arith.xori %lt3A_601, %lt3A_603 : i1
      %and3A_605 = arith.andi %ne3A_604, %ne3A_599 : i1
      %add3A_606 = arith.addi %rem3A_597, %select_n3A_596 : i32
      %select_n3A_607 = arith.select %and3A_605, %add3A_606, %rem3A_597 : i32
      %dma_start3A_608 = arith.constant 0 : i32
      %dma_start3A_609 = arith.constant 0 : i32
      %dma_start3A_610 = arith.constant 0 : i32
      %dma_start3A_611 = arith.constant 0 : i32
      %dma_start3A_612 = tpu.memref_slice %arg9[%dma_start3A_608, %dma_start3A_610, %dma_start3A_611] : memref<3x96x128xf32, #tpu.memory_space<vmem>> -> memref<1x96x128xf32, #tpu.memory_space<vmem>>
      %dma_start3A_613 = tpu.memref_squeeze %dma_start3A_612 : memref<1x96x128xf32, #tpu.memory_space<vmem>> -> memref<96x128xf32, #tpu.memory_space<vmem>>
      %dma_start3A_614 = arith.constant 0 : i32
      %dma_start3A_615 = tpu.memref_slice %arg7[%select_n3A_591, %select_n3A_607, %dma_start3A_614] : memref<2x21x96xi32, #tpu.memory_space<vmem>> -> memref<1x1x96xi32, #tpu.memory_space<vmem>>
      %dma_start3A_616 = tpu.memref_squeeze %dma_start3A_615 : memref<1x1x96xi32, #tpu.memory_space<vmem>> -> memref<96xi32, #tpu.memory_space<vmem>>
      %dma_start3A_617 = arith.constant 0 : i32
      %dma_start3A_618 = arith.constant 0 : i32
      %dma_start3A_619 = tpu.memref_slice %arg2[%dma_start3A_617, %dma_start3A_618] : memref<10000x128xf32, #tpu.memory_space<hbm>> -> memref<10000x128xf32, #tpu.memory_space<hbm>>
      %dma_start3A_620 = tpu.memref_slice %arg11[%dma_start3A_609] : memref<3x!tpu.dma_semaphore, #tpu.memory_space<semaphore_mem>> -> memref<1x!tpu.dma_semaphore, #tpu.memory_space<semaphore_mem>>
      %dma_start3A_621 = tpu.memref_squeeze %dma_start3A_620 : memref<1x!tpu.dma_semaphore, #tpu.memory_space<semaphore_mem>> -> memref<!tpu.dma_semaphore, #tpu.memory_space<semaphore_mem>>
      tpu.enqueue_indirect_dma source(%dma_start3A_619 : memref<10000x128xf32, #tpu.memory_space<hbm>>) target(%dma_start3A_613 : memref<96x128xf32, #tpu.memory_space<vmem>>) offsets(%dma_start3A_616 : memref<96xi32, #tpu.memory_space<vmem>>) semaphore(%dma_start3A_621 : memref<!tpu.dma_semaphore, #tpu.memory_space<semaphore_mem>>)
      %mul3A_622 = arith.constant 3 : i32
      %mul3A_623 = arith.muli %mul3A_622, %scan3A_271 : i32
      %add3A_624 = arith.constant 1 : i32
      %add3A_625 = arith.addi %add3A_624, %mul3A_623 : i32
      %add3A_626 = arith.constant 1 : i32
      %add3A_627 = arith.addi %add3A_625, %add3A_626 : i32
      %jit3A_628 = arith.constant 21 : i32
      %div3A_629 = arith.divsi %add3A_627, %jit3A_628 : i32
      %sign3A_630 = arith.constant 0 : i32
      %sign3A_631 = arith.cmpi sgt, %add3A_627, %sign3A_630 : i32
      %sign3A_632 = arith.extui %sign3A_631 : i1 to i32
      %sign3A_633 = arith.constant 0 : i32
      %sign3A_634 = arith.cmpi slt, %add3A_627, %sign3A_633 : i32
      %sign3A_635 = arith.extui %sign3A_634 : i1 to i32
      %sign3A_636 = arith.subi %sign3A_632, %sign3A_635 : i32
      %sign3A_637 = arith.constant 0 : i32
      %sign3A_638 = arith.cmpi sgt, %jit3A_628, %sign3A_637 : i32
      %sign3A_639 = arith.extui %sign3A_638 : i1 to i32
      %sign3A_640 = arith.constant 0 : i32
      %sign3A_641 = arith.cmpi slt, %jit3A_628, %sign3A_640 : i32
      %sign3A_642 = arith.extui %sign3A_641 : i1 to i32
      %sign3A_643 = arith.subi %sign3A_639, %sign3A_642 : i32
      %ne3A_644 = arith.cmpi ne, %sign3A_636, %sign3A_643 : i32
      %rem3A_645 = arith.remsi %add3A_627, %jit3A_628 : i32
      %ne3A_646 = arith.constant 0 : i32
      %ne3A_647 = arith.cmpi ne, %rem3A_645, %ne3A_646 : i32
      %and3A_648 = arith.andi %ne3A_644, %ne3A_647 : i1
      %sub3A_649 = arith.constant 1 : i32
      %sub3A_650 = arith.subi %div3A_629, %sub3A_649 : i32
      %select_n3A_651 = arith.select %and3A_648, %sub3A_650, %div3A_629 : i32
      %jit3A_652 = arith.constant 2 : i32
      %eq3A_653 = arith.constant 0 : i32
      %eq3A_654 = arith.cmpi eq, %jit3A_652, %eq3A_653 : i32
      %jit3A_655 = arith.constant 1 : i32
      %select_n3A_656 = arith.select %eq3A_654, %jit3A_655, %jit3A_652 : i32
      %rem3A_657 = arith.remsi %select_n3A_651, %select_n3A_656 : i32
      %ne3A_658 = arith.constant 0 : i32
      %ne3A_659 = arith.cmpi ne, %rem3A_657, %ne3A_658 : i32
      %lt3A_660 = arith.constant 0 : i32
      %lt3A_661 = arith.cmpi slt, %rem3A_657, %lt3A_660 : i32
      %lt3A_662 = arith.constant 0 : i32
      %lt3A_663 = arith.cmpi slt, %select_n3A_656, %lt3A_662 : i32
      %ne3A_664 = arith.xori %lt3A_661, %lt3A_663 : i1
      %and3A_665 = arith.andi %ne3A_664, %ne3A_659 : i1
      %add3A_666 = arith.addi %rem3A_657, %select_n3A_656 : i32
      %select_n3A_667 = arith.select %and3A_665, %add3A_666, %rem3A_657 : i32
      %jit3A_668 = arith.constant 21 : i32
      %eq3A_669 = arith.constant 0 : i32
      %eq3A_670 = arith.cmpi eq, %jit3A_668, %eq3A_669 : i32
      %jit3A_671 = arith.constant 1 : i32
      %select_n3A_672 = arith.select %eq3A_670, %jit3A_671, %jit3A_668 : i32
      %rem3A_673 = arith.remsi %add3A_627, %select_n3A_672 : i32
      %ne3A_674 = arith.constant 0 : i32
      %ne3A_675 = arith.cmpi ne, %rem3A_673, %ne3A_674 : i32
      %lt3A_676 = arith.constant 0 : i32
      %lt3A_677 = arith.cmpi slt, %rem3A_673, %lt3A_676 : i32
      %lt3A_678 = arith.constant 0 : i32
      %lt3A_679 = arith.cmpi slt, %select_n3A_672, %lt3A_678 : i32
      %ne3A_680 = arith.xori %lt3A_677, %lt3A_679 : i1
      %and3A_681 = arith.andi %ne3A_680, %ne3A_675 : i1
      %add3A_682 = arith.addi %rem3A_673, %select_n3A_672 : i32
      %select_n3A_683 = arith.select %and3A_681, %add3A_682, %rem3A_673 : i32
      %dma_wait3A_684 = arith.constant 2 : i32
      %dma_wait3A_685 = arith.constant 2 : i32
      %dma_wait3A_686 = arith.constant 0 : i32
      %dma_wait3A_687 = arith.constant 0 : i32
      %dma_wait3A_688 = tpu.memref_slice %arg9[%dma_wait3A_684, %dma_wait3A_686, %dma_wait3A_687] : memref<3x96x128xf32, #tpu.memory_space<vmem>> -> memref<1x96x128xf32, #tpu.memory_space<vmem>>
      %dma_wait3A_689 = tpu.memref_squeeze %dma_wait3A_688 : memref<1x96x128xf32, #tpu.memory_space<vmem>> -> memref<96x128xf32, #tpu.memory_space<vmem>>
      %dma_wait3A_690 = arith.constant 0 : i32
      %dma_wait3A_691 = tpu.memref_slice %arg7[%select_n3A_667, %select_n3A_683, %dma_wait3A_690] : memref<2x21x96xi32, #tpu.memory_space<vmem>> -> memref<1x1x96xi32, #tpu.memory_space<vmem>>
      %dma_wait3A_692 = tpu.memref_squeeze %dma_wait3A_691 : memref<1x1x96xi32, #tpu.memory_space<vmem>> -> memref<96xi32, #tpu.memory_space<vmem>>
      %dma_wait3A_693 = arith.constant 0 : i32
      %dma_wait3A_694 = arith.constant 0 : i32
      %dma_wait3A_695 = tpu.memref_slice %arg2[%dma_wait3A_693, %dma_wait3A_694] : memref<10000x128xf32, #tpu.memory_space<hbm>> -> memref<10000x128xf32, #tpu.memory_space<hbm>>
      %dma_wait3A_696 = tpu.memref_slice %arg11[%dma_wait3A_685] : memref<3x!tpu.dma_semaphore, #tpu.memory_space<semaphore_mem>> -> memref<1x!tpu.dma_semaphore, #tpu.memory_space<semaphore_mem>>
      %dma_wait3A_697 = tpu.memref_squeeze %dma_wait3A_696 : memref<1x!tpu.dma_semaphore, #tpu.memory_space<semaphore_mem>> -> memref<!tpu.dma_semaphore, #tpu.memory_space<semaphore_mem>>
      tpu.wait_indirect_dma semaphore(%dma_wait3A_697 : memref<!tpu.dma_semaphore, #tpu.memory_space<semaphore_mem>>) src(%dma_wait3A_695 : memref<10000x128xf32, #tpu.memory_space<hbm>>) dst(%dma_wait3A_689 : memref<96x128xf32, #tpu.memory_space<vmem>>)
      %jit3A_698 = arith.constant 21 : i32
      %div3A_699 = arith.divsi %add3A_627, %jit3A_698 : i32
      %sign3A_700 = arith.constant 0 : i32
      %sign3A_701 = arith.cmpi sgt, %add3A_627, %sign3A_700 : i32
      %sign3A_702 = arith.extui %sign3A_701 : i1 to i32
      %sign3A_703 = arith.constant 0 : i32
      %sign3A_704 = arith.cmpi slt, %add3A_627, %sign3A_703 : i32
      %sign3A_705 = arith.extui %sign3A_704 : i1 to i32
      %sign3A_706 = arith.subi %sign3A_702, %sign3A_705 : i32
      %sign3A_707 = arith.constant 0 : i32
      %sign3A_708 = arith.cmpi sgt, %jit3A_698, %sign3A_707 : i32
      %sign3A_709 = arith.extui %sign3A_708 : i1 to i32
      %sign3A_710 = arith.constant 0 : i32
      %sign3A_711 = arith.cmpi slt, %jit3A_698, %sign3A_710 : i32
      %sign3A_712 = arith.extui %sign3A_711 : i1 to i32
      %sign3A_713 = arith.subi %sign3A_709, %sign3A_712 : i32
      %ne3A_714 = arith.cmpi ne, %sign3A_706, %sign3A_713 : i32
      %rem3A_715 = arith.remsi %add3A_627, %jit3A_698 : i32
      %ne3A_716 = arith.constant 0 : i32
      %ne3A_717 = arith.cmpi ne, %rem3A_715, %ne3A_716 : i32
      %and3A_718 = arith.andi %ne3A_714, %ne3A_717 : i1
      %sub3A_719 = arith.constant 1 : i32
      %sub3A_720 = arith.subi %div3A_699, %sub3A_719 : i32
      %select_n3A_721 = arith.select %and3A_718, %sub3A_720, %div3A_699 : i32
      %jit3A_722 = arith.constant 2 : i32
      %eq3A_723 = arith.constant 0 : i32
      %eq3A_724 = arith.cmpi eq, %jit3A_722, %eq3A_723 : i32
      %jit3A_725 = arith.constant 1 : i32
      %select_n3A_726 = arith.select %eq3A_724, %jit3A_725, %jit3A_722 : i32
      %rem3A_727 = arith.remsi %select_n3A_721, %select_n3A_726 : i32
      %ne3A_728 = arith.constant 0 : i32
      %ne3A_729 = arith.cmpi ne, %rem3A_727, %ne3A_728 : i32
      %lt3A_730 = arith.constant 0 : i32
      %lt3A_731 = arith.cmpi slt, %rem3A_727, %lt3A_730 : i32
      %lt3A_732 = arith.constant 0 : i32
      %lt3A_733 = arith.cmpi slt, %select_n3A_726, %lt3A_732 : i32
      %ne3A_734 = arith.xori %lt3A_731, %lt3A_733 : i1
      %and3A_735 = arith.andi %ne3A_734, %ne3A_729 : i1
      %add3A_736 = arith.addi %rem3A_727, %select_n3A_726 : i32
      %select_n3A_737 = arith.select %and3A_735, %add3A_736, %rem3A_727 : i32
      %jit3A_738 = arith.constant 21 : i32
      %eq3A_739 = arith.constant 0 : i32
      %eq3A_740 = arith.cmpi eq, %jit3A_738, %eq3A_739 : i32
      %jit3A_741 = arith.constant 1 : i32
      %select_n3A_742 = arith.select %eq3A_740, %jit3A_741, %jit3A_738 : i32
      %rem3A_743 = arith.remsi %add3A_627, %select_n3A_742 : i32
      %ne3A_744 = arith.constant 0 : i32
      %ne3A_745 = arith.cmpi ne, %rem3A_743, %ne3A_744 : i32
      %lt3A_746 = arith.constant 0 : i32
      %lt3A_747 = arith.cmpi slt, %rem3A_743, %lt3A_746 : i32
      %lt3A_748 = arith.constant 0 : i32
      %lt3A_749 = arith.cmpi slt, %select_n3A_742, %lt3A_748 : i32
      %ne3A_750 = arith.xori %lt3A_747, %lt3A_749 : i1
      %and3A_751 = arith.andi %ne3A_750, %ne3A_745 : i1
      %add3A_752 = arith.addi %rem3A_743, %select_n3A_742 : i32
      %select_n3A_753 = arith.select %and3A_751, %add3A_752, %rem3A_743 : i32
      %dma_start3A_754 = arith.constant 2 : i32
      %dma_start3A_755 = arith.constant 2 : i32
      %dma_start3A_756 = arith.constant 0 : i32
      %dma_start3A_757 = arith.constant 0 : i32
      %dma_start3A_758 = tpu.memref_slice %arg9[%dma_start3A_754, %dma_start3A_756, %dma_start3A_757] : memref<3x96x128xf32, #tpu.memory_space<vmem>> -> memref<1x96x128xf32, #tpu.memory_space<vmem>>
      %dma_start3A_759 = tpu.memref_squeeze %dma_start3A_758 : memref<1x96x128xf32, #tpu.memory_space<vmem>> -> memref<96x128xf32, #tpu.memory_space<vmem>>
      %dma_start3A_760 = arith.constant 0 : i32
      %dma_start3A_761 = tpu.memref_slice %arg8[%select_n3A_737, %select_n3A_753, %dma_start3A_760] : memref<2x21x96xi32, #tpu.memory_space<vmem>> -> memref<1x1x96xi32, #tpu.memory_space<vmem>>
      %dma_start3A_762 = tpu.memref_squeeze %dma_start3A_761 : memref<1x1x96xi32, #tpu.memory_space<vmem>> -> memref<96xi32, #tpu.memory_space<vmem>>
      %dma_start3A_763 = arith.constant 0 : i32
      %dma_start3A_764 = arith.constant 0 : i32
      %dma_start3A_765 = tpu.memref_slice %arg10[%dma_start3A_763, %dma_start3A_764] : memref<10112x128xf32, #tpu.memory_space<vmem_shared>> -> memref<10112x128xf32, #tpu.memory_space<vmem_shared>>
      %dma_start3A_766 = tpu.memref_slice %arg12[%dma_start3A_755] : memref<3x!tpu.dma_semaphore, #tpu.memory_space<semaphore_mem>> -> memref<1x!tpu.dma_semaphore, #tpu.memory_space<semaphore_mem>>
      %dma_start3A_767 = tpu.memref_squeeze %dma_start3A_766 : memref<1x!tpu.dma_semaphore, #tpu.memory_space<semaphore_mem>> -> memref<!tpu.dma_semaphore, #tpu.memory_space<semaphore_mem>>
      tpu.enqueue_indirect_dma source(%dma_start3A_759 : memref<96x128xf32, #tpu.memory_space<vmem>>) target(%dma_start3A_765 : memref<10112x128xf32, #tpu.memory_space<vmem_shared>>) offsets(%dma_start3A_762 : memref<96xi32, #tpu.memory_space<vmem>>) semaphore(%dma_start3A_767 : memref<!tpu.dma_semaphore, #tpu.memory_space<semaphore_mem>>) {add = true}
      %sub3A_768 = arith.constant 1 : i32
      %sub3A_769 = arith.subi %add3A_627, %sub3A_768 : i32
      %jit3A_770 = arith.constant 21 : i32
      %div3A_771 = arith.divsi %sub3A_769, %jit3A_770 : i32
      %sign3A_772 = arith.constant 0 : i32
      %sign3A_773 = arith.cmpi sgt, %sub3A_769, %sign3A_772 : i32
      %sign3A_774 = arith.extui %sign3A_773 : i1 to i32
      %sign3A_775 = arith.constant 0 : i32
      %sign3A_776 = arith.cmpi slt, %sub3A_769, %sign3A_775 : i32
      %sign3A_777 = arith.extui %sign3A_776 : i1 to i32
      %sign3A_778 = arith.subi %sign3A_774, %sign3A_777 : i32
      %sign3A_779 = arith.constant 0 : i32
      %sign3A_780 = arith.cmpi sgt, %jit3A_770, %sign3A_779 : i32
      %sign3A_781 = arith.extui %sign3A_780 : i1 to i32
      %sign3A_782 = arith.constant 0 : i32
      %sign3A_783 = arith.cmpi slt, %jit3A_770, %sign3A_782 : i32
      %sign3A_784 = arith.extui %sign3A_783 : i1 to i32
      %sign3A_785 = arith.subi %sign3A_781, %sign3A_784 : i32
      %ne3A_786 = arith.cmpi ne, %sign3A_778, %sign3A_785 : i32
      %rem3A_787 = arith.remsi %sub3A_769, %jit3A_770 : i32
      %ne3A_788 = arith.constant 0 : i32
      %ne3A_789 = arith.cmpi ne, %rem3A_787, %ne3A_788 : i32
      %and3A_790 = arith.andi %ne3A_786, %ne3A_789 : i1
      %sub3A_791 = arith.constant 1 : i32
      %sub3A_792 = arith.subi %div3A_771, %sub3A_791 : i32
      %select_n3A_793 = arith.select %and3A_790, %sub3A_792, %div3A_771 : i32
      %jit3A_794 = arith.constant 2 : i32
      %eq3A_795 = arith.constant 0 : i32
      %eq3A_796 = arith.cmpi eq, %jit3A_794, %eq3A_795 : i32
      %jit3A_797 = arith.constant 1 : i32
      %select_n3A_798 = arith.select %eq3A_796, %jit3A_797, %jit3A_794 : i32
      %rem3A_799 = arith.remsi %select_n3A_793, %select_n3A_798 : i32
      %ne3A_800 = arith.constant 0 : i32
      %ne3A_801 = arith.cmpi ne, %rem3A_799, %ne3A_800 : i32
      %lt3A_802 = arith.constant 0 : i32
      %lt3A_803 = arith.cmpi slt, %rem3A_799, %lt3A_802 : i32
      %lt3A_804 = arith.constant 0 : i32
      %lt3A_805 = arith.cmpi slt, %select_n3A_798, %lt3A_804 : i32
      %ne3A_806 = arith.xori %lt3A_803, %lt3A_805 : i1
      %and3A_807 = arith.andi %ne3A_806, %ne3A_801 : i1
      %add3A_808 = arith.addi %rem3A_799, %select_n3A_798 : i32
      %select_n3A_809 = arith.select %and3A_807, %add3A_808, %rem3A_799 : i32
      %jit3A_810 = arith.constant 21 : i32
      %eq3A_811 = arith.constant 0 : i32
      %eq3A_812 = arith.cmpi eq, %jit3A_810, %eq3A_811 : i32
      %jit3A_813 = arith.constant 1 : i32
      %select_n3A_814 = arith.select %eq3A_812, %jit3A_813, %jit3A_810 : i32
      %rem3A_815 = arith.remsi %sub3A_769, %select_n3A_814 : i32
      %ne3A_816 = arith.constant 0 : i32
      %ne3A_817 = arith.cmpi ne, %rem3A_815, %ne3A_816 : i32
      %lt3A_818 = arith.constant 0 : i32
      %lt3A_819 = arith.cmpi slt, %rem3A_815, %lt3A_818 : i32
      %lt3A_820 = arith.constant 0 : i32
      %lt3A_821 = arith.cmpi slt, %select_n3A_814, %lt3A_820 : i32
      %ne3A_822 = arith.xori %lt3A_819, %lt3A_821 : i1
      %and3A_823 = arith.andi %ne3A_822, %ne3A_817 : i1
      %add3A_824 = arith.addi %rem3A_815, %select_n3A_814 : i32
      %select_n3A_825 = arith.select %and3A_823, %add3A_824, %rem3A_815 : i32
      %dma_wait3A_826 = arith.constant 1 : i32
      %dma_wait3A_827 = arith.constant 1 : i32
      %dma_wait3A_828 = arith.constant 0 : i32
      %dma_wait3A_829 = arith.constant 0 : i32
      %dma_wait3A_830 = tpu.memref_slice %arg9[%dma_wait3A_826, %dma_wait3A_828, %dma_wait3A_829] : memref<3x96x128xf32, #tpu.memory_space<vmem>> -> memref<1x96x128xf32, #tpu.memory_space<vmem>>
      %dma_wait3A_831 = tpu.memref_squeeze %dma_wait3A_830 : memref<1x96x128xf32, #tpu.memory_space<vmem>> -> memref<96x128xf32, #tpu.memory_space<vmem>>
      %dma_wait3A_832 = arith.constant 0 : i32
      %dma_wait3A_833 = tpu.memref_slice %arg8[%select_n3A_809, %select_n3A_825, %dma_wait3A_832] : memref<2x21x96xi32, #tpu.memory_space<vmem>> -> memref<1x1x96xi32, #tpu.memory_space<vmem>>
      %dma_wait3A_834 = tpu.memref_squeeze %dma_wait3A_833 : memref<1x1x96xi32, #tpu.memory_space<vmem>> -> memref<96xi32, #tpu.memory_space<vmem>>
      %dma_wait3A_835 = arith.constant 0 : i32
      %dma_wait3A_836 = arith.constant 0 : i32
      %dma_wait3A_837 = tpu.memref_slice %arg10[%dma_wait3A_835, %dma_wait3A_836] : memref<10112x128xf32, #tpu.memory_space<vmem_shared>> -> memref<10112x128xf32, #tpu.memory_space<vmem_shared>>
      %dma_wait3A_838 = tpu.memref_slice %arg12[%dma_wait3A_827] : memref<3x!tpu.dma_semaphore, #tpu.memory_space<semaphore_mem>> -> memref<1x!tpu.dma_semaphore, #tpu.memory_space<semaphore_mem>>
      %dma_wait3A_839 = tpu.memref_squeeze %dma_wait3A_838 : memref<1x!tpu.dma_semaphore, #tpu.memory_space<semaphore_mem>> -> memref<!tpu.dma_semaphore, #tpu.memory_space<semaphore_mem>>
      tpu.wait_indirect_dma semaphore(%dma_wait3A_839 : memref<!tpu.dma_semaphore, #tpu.memory_space<semaphore_mem>>) src(%dma_wait3A_831 : memref<96x128xf32, #tpu.memory_space<vmem>>) dst(%dma_wait3A_837 : memref<10112x128xf32, #tpu.memory_space<vmem_shared>>)
      %jit3A_840 = arith.constant 21 : i32
      %div3A_841 = arith.divsi %add3A_627, %jit3A_840 : i32
      %sign3A_842 = arith.constant 0 : i32
      %sign3A_843 = arith.cmpi sgt, %add3A_627, %sign3A_842 : i32
      %sign3A_844 = arith.extui %sign3A_843 : i1 to i32
      %sign3A_845 = arith.constant 0 : i32
      %sign3A_846 = arith.cmpi slt, %add3A_627, %sign3A_845 : i32
      %sign3A_847 = arith.extui %sign3A_846 : i1 to i32
      %sign3A_848 = arith.subi %sign3A_844, %sign3A_847 : i32
      %sign3A_849 = arith.constant 0 : i32
      %sign3A_850 = arith.cmpi sgt, %jit3A_840, %sign3A_849 : i32
      %sign3A_851 = arith.extui %sign3A_850 : i1 to i32
      %sign3A_852 = arith.constant 0 : i32
      %sign3A_853 = arith.cmpi slt, %jit3A_840, %sign3A_852 : i32
      %sign3A_854 = arith.extui %sign3A_853 : i1 to i32
      %sign3A_855 = arith.subi %sign3A_851, %sign3A_854 : i32
      %ne3A_856 = arith.cmpi ne, %sign3A_848, %sign3A_855 : i32
      %rem3A_857 = arith.remsi %add3A_627, %jit3A_840 : i32
      %ne3A_858 = arith.constant 0 : i32
      %ne3A_859 = arith.cmpi ne, %rem3A_857, %ne3A_858 : i32
      %and3A_860 = arith.andi %ne3A_856, %ne3A_859 : i1
      %sub3A_861 = arith.constant 1 : i32
      %sub3A_862 = arith.subi %div3A_841, %sub3A_861 : i32
      %select_n3A_863 = arith.select %and3A_860, %sub3A_862, %div3A_841 : i32
      %jit3A_864 = arith.constant 2 : i32
      %eq3A_865 = arith.constant 0 : i32
      %eq3A_866 = arith.cmpi eq, %jit3A_864, %eq3A_865 : i32
      %jit3A_867 = arith.constant 1 : i32
      %select_n3A_868 = arith.select %eq3A_866, %jit3A_867, %jit3A_864 : i32
      %rem3A_869 = arith.remsi %select_n3A_863, %select_n3A_868 : i32
      %ne3A_870 = arith.constant 0 : i32
      %ne3A_871 = arith.cmpi ne, %rem3A_869, %ne3A_870 : i32
      %lt3A_872 = arith.constant 0 : i32
      %lt3A_873 = arith.cmpi slt, %rem3A_869, %lt3A_872 : i32
      %lt3A_874 = arith.constant 0 : i32
      %lt3A_875 = arith.cmpi slt, %select_n3A_868, %lt3A_874 : i32
      %ne3A_876 = arith.xori %lt3A_873, %lt3A_875 : i1
      %and3A_877 = arith.andi %ne3A_876, %ne3A_871 : i1
      %add3A_878 = arith.addi %rem3A_869, %select_n3A_868 : i32
      %select_n3A_879 = arith.select %and3A_877, %add3A_878, %rem3A_869 : i32
      %jit3A_880 = arith.constant 21 : i32
      %eq3A_881 = arith.constant 0 : i32
      %eq3A_882 = arith.cmpi eq, %jit3A_880, %eq3A_881 : i32
      %jit3A_883 = arith.constant 1 : i32
      %select_n3A_884 = arith.select %eq3A_882, %jit3A_883, %jit3A_880 : i32
      %rem3A_885 = arith.remsi %add3A_627, %select_n3A_884 : i32
      %ne3A_886 = arith.constant 0 : i32
      %ne3A_887 = arith.cmpi ne, %rem3A_885, %ne3A_886 : i32
      %lt3A_888 = arith.constant 0 : i32
      %lt3A_889 = arith.cmpi slt, %rem3A_885, %lt3A_888 : i32
      %lt3A_890 = arith.constant 0 : i32
      %lt3A_891 = arith.cmpi slt, %select_n3A_884, %lt3A_890 : i32
      %ne3A_892 = arith.xori %lt3A_889, %lt3A_891 : i1
      %and3A_893 = arith.andi %ne3A_892, %ne3A_887 : i1
      %add3A_894 = arith.addi %rem3A_885, %select_n3A_884 : i32
      %select_n3A_895 = arith.select %and3A_893, %add3A_894, %rem3A_885 : i32
      %eq3A_896 = arith.constant 0 : i32
      %eq3A_897 = arith.cmpi eq, %select_n3A_895, %eq3A_896 : i32
      %lt3A_898 = arith.constant 64 : i32
      %lt3A_899 = arith.cmpi slt, %add3A_627, %lt3A_898 : i32
      %and3A_900 = arith.andi %eq3A_897, %lt3A_899 : i1
      %convert_element_type3A_901 = arith.extui %and3A_900 : i1 to i32
      %cond3A_902 = arith.constant 0 : i32
      %cond3A_903 = arith.cmpi ne, %convert_element_type3A_901, %cond3A_902 : i32
      scf.if %cond3A_903 {
        %jit3A_1340 = arith.constant 21 : i32
        %div3A_1341 = arith.divsi %add3A_627, %jit3A_1340 : i32
        %sign3A_1342 = arith.constant 0 : i32
        %sign3A_1343 = arith.cmpi sgt, %add3A_627, %sign3A_1342 : i32
        %sign3A_1344 = arith.extui %sign3A_1343 : i1 to i32
        %sign3A_1345 = arith.constant 0 : i32
        %sign3A_1346 = arith.cmpi slt, %add3A_627, %sign3A_1345 : i32
        %sign3A_1347 = arith.extui %sign3A_1346 : i1 to i32
        %sign3A_1348 = arith.subi %sign3A_1344, %sign3A_1347 : i32
        %sign3A_1349 = arith.constant 0 : i32
        %sign3A_1350 = arith.cmpi sgt, %jit3A_1340, %sign3A_1349 : i32
        %sign3A_1351 = arith.extui %sign3A_1350 : i1 to i32
        %sign3A_1352 = arith.constant 0 : i32
        %sign3A_1353 = arith.cmpi slt, %jit3A_1340, %sign3A_1352 : i32
        %sign3A_1354 = arith.extui %sign3A_1353 : i1 to i32
        %sign3A_1355 = arith.subi %sign3A_1351, %sign3A_1354 : i32
        %ne3A_1356 = arith.cmpi ne, %sign3A_1348, %sign3A_1355 : i32
        %rem3A_1357 = arith.remsi %add3A_627, %jit3A_1340 : i32
        %ne3A_1358 = arith.constant 0 : i32
        %ne3A_1359 = arith.cmpi ne, %rem3A_1357, %ne3A_1358 : i32
        %and3A_1360 = arith.andi %ne3A_1356, %ne3A_1359 : i1
        %sub3A_1361 = arith.constant 1 : i32
        %sub3A_1362 = arith.subi %div3A_1341, %sub3A_1361 : i32
        %select_n3A_1363 = arith.select %and3A_1360, %sub3A_1362, %div3A_1341 : i32
        %add3A_1364 = arith.constant 1 : i32
        %add3A_1365 = arith.addi %select_n3A_1363, %add3A_1364 : i32
        %add3A_1366 = arith.constant 1 : i32
        %add3A_1367 = arith.addi %select_n3A_879, %add3A_1366 : i32
        %jit3A_1368 = arith.constant 2 : i32
        %eq3A_1369 = arith.constant 0 : i32
        %eq3A_1370 = arith.cmpi eq, %jit3A_1368, %eq3A_1369 : i32
        %jit3A_1371 = arith.constant 1 : i32
        %select_n3A_1372 = arith.select %eq3A_1370, %jit3A_1371, %jit3A_1368 : i32
        %rem3A_1373 = arith.remsi %add3A_1367, %select_n3A_1372 : i32
        %ne3A_1374 = arith.constant 0 : i32
        %ne3A_1375 = arith.cmpi ne, %rem3A_1373, %ne3A_1374 : i32
        %lt3A_1376 = arith.constant 0 : i32
        %lt3A_1377 = arith.cmpi slt, %rem3A_1373, %lt3A_1376 : i32
        %lt3A_1378 = arith.constant 0 : i32
        %lt3A_1379 = arith.cmpi slt, %select_n3A_1372, %lt3A_1378 : i32
        %ne3A_1380 = arith.xori %lt3A_1377, %lt3A_1379 : i1
        %and3A_1381 = arith.andi %ne3A_1380, %ne3A_1375 : i1
        %add3A_1382 = arith.addi %rem3A_1373, %select_n3A_1372 : i32
        %select_n3A_1383 = arith.select %and3A_1381, %add3A_1382, %rem3A_1373 : i32
        %mul3A_1384 = arith.constant 5 : i32
        %mul3A_1385 = arith.muli %add3A, %mul3A_1384 : i32
        %add3A_1386 = arith.addi %mul3A_1385, %add3A_1365 : i32
        %dma_start3A_1387 = arith.constant 0 : i32
        %dma_start3A_1388 = arith.constant 0 : i32
        %dma_start3A_1389 = tpu.memref_slice %arg7[%select_n3A_1383, %dma_start3A_1387, %dma_start3A_1388] : memref<2x21x96xi32, #tpu.memory_space<vmem>> -> memref<1x21x96xi32, #tpu.memory_space<vmem>>
        %dma_start3A_1390 = tpu.memref_squeeze %dma_start3A_1389 : memref<1x21x96xi32, #tpu.memory_space<vmem>> -> memref<21x96xi32, #tpu.memory_space<vmem>>
        %dma_start3A_1391 = arith.constant 0 : i32
        %dma_start3A_1392 = arith.constant 0 : i32
        %dma_start3A_1393 = tpu.memref_slice %arg3[%add3A_1386, %dma_start3A_1391, %dma_start3A_1392] : memref<160x21x96xi32, #tpu.memory_space<hbm>> -> memref<1x21x96xi32, #tpu.memory_space<hbm>>
        %dma_start3A_1394 = tpu.memref_squeeze %dma_start3A_1393 : memref<1x21x96xi32, #tpu.memory_space<hbm>> -> memref<21x96xi32, #tpu.memory_space<hbm>>
        %dma_start3A_1395 = tpu.memref_slice %arg13[%select_n3A_1383] : memref<2x!tpu.dma_semaphore, #tpu.memory_space<semaphore_mem>> -> memref<1x!tpu.dma_semaphore, #tpu.memory_space<semaphore_mem>>
        %dma_start3A_1396 = tpu.memref_squeeze %dma_start3A_1395 : memref<1x!tpu.dma_semaphore, #tpu.memory_space<semaphore_mem>> -> memref<!tpu.dma_semaphore, #tpu.memory_space<semaphore_mem>>
        %dma_start3A_1397 = arith.constant 0 : i32
        %dma_start3A_1398 = arith.constant 0 : i32
        %dma_start3A_1399 = tpu.memref_slice %arg7[%select_n3A_1383, %dma_start3A_1397, %dma_start3A_1398] : memref<2x21x96xi32, #tpu.memory_space<vmem>> -> memref<1x21x96xi32, #tpu.memory_space<vmem>>
        %dma_start3A_1400 = tpu.memref_squeeze %dma_start3A_1399 : memref<1x21x96xi32, #tpu.memory_space<vmem>> -> memref<21x96xi32, #tpu.memory_space<vmem>>
        %dma_start3A_1401 = arith.constant 0 : i32
        %dma_start3A_1402 = arith.constant 0 : i32
        %dma_start3A_1403 = tpu.memref_slice %arg3[%add3A_1386, %dma_start3A_1401, %dma_start3A_1402] : memref<160x21x96xi32, #tpu.memory_space<hbm>> -> memref<1x21x96xi32, #tpu.memory_space<hbm>>
        %dma_start3A_1404 = tpu.memref_squeeze %dma_start3A_1403 : memref<1x21x96xi32, #tpu.memory_space<hbm>> -> memref<21x96xi32, #tpu.memory_space<hbm>>
        tpu.enqueue_dma source(%dma_start3A_1404 : memref<21x96xi32, #tpu.memory_space<hbm>>) target(%dma_start3A_1400 : memref<21x96xi32, #tpu.memory_space<vmem>>) target_semaphore(%dma_start3A_1396 : memref<!tpu.dma_semaphore, #tpu.memory_space<semaphore_mem>>)
        %mul3A_1405 = arith.constant 5 : i32
        %mul3A_1406 = arith.muli %add3A, %mul3A_1405 : i32
        %add3A_1407 = arith.addi %mul3A_1406, %add3A_1365 : i32
        %dma_start3A_1408 = arith.constant 0 : i32
        %dma_start3A_1409 = arith.constant 0 : i32
        %dma_start3A_1410 = tpu.memref_slice %arg8[%select_n3A_1383, %dma_start3A_1408, %dma_start3A_1409] : memref<2x21x96xi32, #tpu.memory_space<vmem>> -> memref<1x21x96xi32, #tpu.memory_space<vmem>>
        %dma_start3A_1411 = tpu.memref_squeeze %dma_start3A_1410 : memref<1x21x96xi32, #tpu.memory_space<vmem>> -> memref<21x96xi32, #tpu.memory_space<vmem>>
        %dma_start3A_1412 = arith.constant 0 : i32
        %dma_start3A_1413 = arith.constant 0 : i32
        %dma_start3A_1414 = tpu.memref_slice %arg4[%add3A_1407, %dma_start3A_1412, %dma_start3A_1413] : memref<160x21x96xi32, #tpu.memory_space<hbm>> -> memref<1x21x96xi32, #tpu.memory_space<hbm>>
        %dma_start3A_1415 = tpu.memref_squeeze %dma_start3A_1414 : memref<1x21x96xi32, #tpu.memory_space<hbm>> -> memref<21x96xi32, #tpu.memory_space<hbm>>
        %dma_start3A_1416 = tpu.memref_slice %arg13[%select_n3A_1383] : memref<2x!tpu.dma_semaphore, #tpu.memory_space<semaphore_mem>> -> memref<1x!tpu.dma_semaphore, #tpu.memory_space<semaphore_mem>>
        %dma_start3A_1417 = tpu.memref_squeeze %dma_start3A_1416 : memref<1x!tpu.dma_semaphore, #tpu.memory_space<semaphore_mem>> -> memref<!tpu.dma_semaphore, #tpu.memory_space<semaphore_mem>>
        %dma_start3A_1418 = arith.constant 0 : i32
        %dma_start3A_1419 = arith.constant 0 : i32
        %dma_start3A_1420 = tpu.memref_slice %arg8[%select_n3A_1383, %dma_start3A_1418, %dma_start3A_1419] : memref<2x21x96xi32, #tpu.memory_space<vmem>> -> memref<1x21x96xi32, #tpu.memory_space<vmem>>
        %dma_start3A_1421 = tpu.memref_squeeze %dma_start3A_1420 : memref<1x21x96xi32, #tpu.memory_space<vmem>> -> memref<21x96xi32, #tpu.memory_space<vmem>>
        %dma_start3A_1422 = arith.constant 0 : i32
        %dma_start3A_1423 = arith.constant 0 : i32
        %dma_start3A_1424 = tpu.memref_slice %arg4[%add3A_1407, %dma_start3A_1422, %dma_start3A_1423] : memref<160x21x96xi32, #tpu.memory_space<hbm>> -> memref<1x21x96xi32, #tpu.memory_space<hbm>>
        %dma_start3A_1425 = tpu.memref_squeeze %dma_start3A_1424 : memref<1x21x96xi32, #tpu.memory_space<hbm>> -> memref<21x96xi32, #tpu.memory_space<hbm>>
        tpu.enqueue_dma source(%dma_start3A_1425 : memref<21x96xi32, #tpu.memory_space<hbm>>) target(%dma_start3A_1421 : memref<21x96xi32, #tpu.memory_space<vmem>>) target_semaphore(%dma_start3A_1417 : memref<!tpu.dma_semaphore, #tpu.memory_space<semaphore_mem>>)
      } else {
      }
      %eq3A_904 = arith.constant 19 : i32
      %eq3A_905 = arith.cmpi eq, %select_n3A_895, %eq3A_904 : i32
      %convert_element_type3A_906 = arith.extui %eq3A_905 : i1 to i32
      %cond3A_907 = arith.constant 0 : i32
      %cond3A_908 = arith.cmpi ne, %convert_element_type3A_906, %cond3A_907 : i32
      scf.if %cond3A_908 {
        %add3A_1340 = arith.constant 1 : i32
        %add3A_1341 = arith.addi %select_n3A_879, %add3A_1340 : i32
        %jit3A_1342 = arith.constant 2 : i32
        %eq3A_1343 = arith.constant 0 : i32
        %eq3A_1344 = arith.cmpi eq, %jit3A_1342, %eq3A_1343 : i32
        %jit3A_1345 = arith.constant 1 : i32
        %select_n3A_1346 = arith.select %eq3A_1344, %jit3A_1345, %jit3A_1342 : i32
        %rem3A_1347 = arith.remsi %add3A_1341, %select_n3A_1346 : i32
        %ne3A_1348 = arith.constant 0 : i32
        %ne3A_1349 = arith.cmpi ne, %rem3A_1347, %ne3A_1348 : i32
        %lt3A_1350 = arith.constant 0 : i32
        %lt3A_1351 = arith.cmpi slt, %rem3A_1347, %lt3A_1350 : i32
        %lt3A_1352 = arith.constant 0 : i32
        %lt3A_1353 = arith.cmpi slt, %select_n3A_1346, %lt3A_1352 : i32
        %ne3A_1354 = arith.xori %lt3A_1351, %lt3A_1353 : i1
        %and3A_1355 = arith.andi %ne3A_1354, %ne3A_1349 : i1
        %add3A_1356 = arith.addi %rem3A_1347, %select_n3A_1346 : i32
        %select_n3A_1357 = arith.select %and3A_1355, %add3A_1356, %rem3A_1347 : i32
        %mul3A_1358 = arith.constant 5 : i32
        %mul3A_1359 = arith.muli %add3A, %mul3A_1358 : i32
        %dma_wait3A_1360 = arith.constant 0 : i32
        %dma_wait3A_1361 = arith.constant 0 : i32
        %dma_wait3A_1362 = tpu.memref_slice %arg7[%select_n3A_1357, %dma_wait3A_1360, %dma_wait3A_1361] : memref<2x21x96xi32, #tpu.memory_space<vmem>> -> memref<1x21x96xi32, #tpu.memory_space<vmem>>
        %dma_wait3A_1363 = tpu.memref_squeeze %dma_wait3A_1362 : memref<1x21x96xi32, #tpu.memory_space<vmem>> -> memref<21x96xi32, #tpu.memory_space<vmem>>
        %dma_wait3A_1364 = arith.constant 0 : i32
        %dma_wait3A_1365 = arith.constant 0 : i32
        %dma_wait3A_1366 = tpu.memref_slice %arg3[%mul3A_1359, %dma_wait3A_1364, %dma_wait3A_1365] : memref<160x21x96xi32, #tpu.memory_space<hbm>> -> memref<1x21x96xi32, #tpu.memory_space<hbm>>
        %dma_wait3A_1367 = tpu.memref_squeeze %dma_wait3A_1366 : memref<1x21x96xi32, #tpu.memory_space<hbm>> -> memref<21x96xi32, #tpu.memory_space<hbm>>
        %dma_wait3A_1368 = tpu.memref_slice %arg13[%select_n3A_1357] : memref<2x!tpu.dma_semaphore, #tpu.memory_space<semaphore_mem>> -> memref<1x!tpu.dma_semaphore, #tpu.memory_space<semaphore_mem>>
        %dma_wait3A_1369 = tpu.memref_squeeze %dma_wait3A_1368 : memref<1x!tpu.dma_semaphore, #tpu.memory_space<semaphore_mem>> -> memref<!tpu.dma_semaphore, #tpu.memory_space<semaphore_mem>>
        %dma_wait3A_1370 = arith.constant 0 : i32
        %dma_wait3A_1371 = arith.constant 0 : i32
        %dma_wait3A_1372 = tpu.memref_slice %arg7[%select_n3A_1357, %dma_wait3A_1370, %dma_wait3A_1371] : memref<2x21x96xi32, #tpu.memory_space<vmem>> -> memref<1x21x96xi32, #tpu.memory_space<vmem>>
        %dma_wait3A_1373 = tpu.memref_squeeze %dma_wait3A_1372 : memref<1x21x96xi32, #tpu.memory_space<vmem>> -> memref<21x96xi32, #tpu.memory_space<vmem>>
        %dma_wait3A_1374 = arith.constant 0 : i32
        %dma_wait3A_1375 = arith.constant 0 : i32
        %dma_wait3A_1376 = tpu.memref_slice %arg3[%mul3A_1359, %dma_wait3A_1374, %dma_wait3A_1375] : memref<160x21x96xi32, #tpu.memory_space<hbm>> -> memref<1x21x96xi32, #tpu.memory_space<hbm>>
        %dma_wait3A_1377 = tpu.memref_squeeze %dma_wait3A_1376 : memref<1x21x96xi32, #tpu.memory_space<hbm>> -> memref<21x96xi32, #tpu.memory_space<hbm>>
        tpu.wait_dma2 semaphore(%dma_wait3A_1369 : memref<!tpu.dma_semaphore, #tpu.memory_space<semaphore_mem>>) src(%dma_wait3A_1377 : memref<21x96xi32, #tpu.memory_space<hbm>>) dst(%dma_wait3A_1373 : memref<21x96xi32, #tpu.memory_space<vmem>>)
        %mul3A_1378 = arith.constant 5 : i32
        %mul3A_1379 = arith.muli %add3A, %mul3A_1378 : i32
        %dma_wait3A_1380 = arith.constant 0 : i32
        %dma_wait3A_1381 = arith.constant 0 : i32
        %dma_wait3A_1382 = tpu.memref_slice %arg8[%select_n3A_1357, %dma_wait3A_1380, %dma_wait3A_1381] : memref<2x21x96xi32, #tpu.memory_space<vmem>> -> memref<1x21x96xi32, #tpu.memory_space<vmem>>
        %dma_wait3A_1383 = tpu.memref_squeeze %dma_wait3A_1382 : memref<1x21x96xi32, #tpu.memory_space<vmem>> -> memref<21x96xi32, #tpu.memory_space<vmem>>
        %dma_wait3A_1384 = arith.constant 0 : i32
        %dma_wait3A_1385 = arith.constant 0 : i32
        %dma_wait3A_1386 = tpu.memref_slice %arg4[%mul3A_1379, %dma_wait3A_1384, %dma_wait3A_1385] : memref<160x21x96xi32, #tpu.memory_space<hbm>> -> memref<1x21x96xi32, #tpu.memory_space<hbm>>
        %dma_wait3A_1387 = tpu.memref_squeeze %dma_wait3A_1386 : memref<1x21x96xi32, #tpu.memory_space<hbm>> -> memref<21x96xi32, #tpu.memory_space<hbm>>
        %dma_wait3A_1388 = tpu.memref_slice %arg13[%select_n3A_1357] : memref<2x!tpu.dma_semaphore, #tpu.memory_space<semaphore_mem>> -> memref<1x!tpu.dma_semaphore, #tpu.memory_space<semaphore_mem>>
        %dma_wait3A_1389 = tpu.memref_squeeze %dma_wait3A_1388 : memref<1x!tpu.dma_semaphore, #tpu.memory_space<semaphore_mem>> -> memref<!tpu.dma_semaphore, #tpu.memory_space<semaphore_mem>>
        %dma_wait3A_1390 = arith.constant 0 : i32
        %dma_wait3A_1391 = arith.constant 0 : i32
        %dma_wait3A_1392 = tpu.memref_slice %arg8[%select_n3A_1357, %dma_wait3A_1390, %dma_wait3A_1391] : memref<2x21x96xi32, #tpu.memory_space<vmem>> -> memref<1x21x96xi32, #tpu.memory_space<vmem>>
        %dma_wait3A_1393 = tpu.memref_squeeze %dma_wait3A_1392 : memref<1x21x96xi32, #tpu.memory_space<vmem>> -> memref<21x96xi32, #tpu.memory_space<vmem>>
        %dma_wait3A_1394 = arith.constant 0 : i32
        %dma_wait3A_1395 = arith.constant 0 : i32
        %dma_wait3A_1396 = tpu.memref_slice %arg4[%mul3A_1379, %dma_wait3A_1394, %dma_wait3A_1395] : memref<160x21x96xi32, #tpu.memory_space<hbm>> -> memref<1x21x96xi32, #tpu.memory_space<hbm>>
        %dma_wait3A_1397 = tpu.memref_squeeze %dma_wait3A_1396 : memref<1x21x96xi32, #tpu.memory_space<hbm>> -> memref<21x96xi32, #tpu.memory_space<hbm>>
        tpu.wait_dma2 semaphore(%dma_wait3A_1389 : memref<!tpu.dma_semaphore, #tpu.memory_space<semaphore_mem>>) src(%dma_wait3A_1397 : memref<21x96xi32, #tpu.memory_space<hbm>>) dst(%dma_wait3A_1393 : memref<21x96xi32, #tpu.memory_space<vmem>>)
      } else {
      }
      %add3A_909 = arith.constant 2 : i32
      %add3A_910 = arith.addi %add3A_627, %add3A_909 : i32
      %jit3A_911 = arith.constant 21 : i32
      %div3A_912 = arith.divsi %add3A_910, %jit3A_911 : i32
      %sign3A_913 = arith.constant 0 : i32
      %sign3A_914 = arith.cmpi sgt, %add3A_910, %sign3A_913 : i32
      %sign3A_915 = arith.extui %sign3A_914 : i1 to i32
      %sign3A_916 = arith.constant 0 : i32
      %sign3A_917 = arith.cmpi slt, %add3A_910, %sign3A_916 : i32
      %sign3A_918 = arith.extui %sign3A_917 : i1 to i32
      %sign3A_919 = arith.subi %sign3A_915, %sign3A_918 : i32
      %sign3A_920 = arith.constant 0 : i32
      %sign3A_921 = arith.cmpi sgt, %jit3A_911, %sign3A_920 : i32
      %sign3A_922 = arith.extui %sign3A_921 : i1 to i32
      %sign3A_923 = arith.constant 0 : i32
      %sign3A_924 = arith.cmpi slt, %jit3A_911, %sign3A_923 : i32
      %sign3A_925 = arith.extui %sign3A_924 : i1 to i32
      %sign3A_926 = arith.subi %sign3A_922, %sign3A_925 : i32
      %ne3A_927 = arith.cmpi ne, %sign3A_919, %sign3A_926 : i32
      %rem3A_928 = arith.remsi %add3A_910, %jit3A_911 : i32
      %ne3A_929 = arith.constant 0 : i32
      %ne3A_930 = arith.cmpi ne, %rem3A_928, %ne3A_929 : i32
      %and3A_931 = arith.andi %ne3A_927, %ne3A_930 : i1
      %sub3A_932 = arith.constant 1 : i32
      %sub3A_933 = arith.subi %div3A_912, %sub3A_932 : i32
      %select_n3A_934 = arith.select %and3A_931, %sub3A_933, %div3A_912 : i32
      %jit3A_935 = arith.constant 2 : i32
      %eq3A_936 = arith.constant 0 : i32
      %eq3A_937 = arith.cmpi eq, %jit3A_935, %eq3A_936 : i32
      %jit3A_938 = arith.constant 1 : i32
      %select_n3A_939 = arith.select %eq3A_937, %jit3A_938, %jit3A_935 : i32
      %rem3A_940 = arith.remsi %select_n3A_934, %select_n3A_939 : i32
      %ne3A_941 = arith.constant 0 : i32
      %ne3A_942 = arith.cmpi ne, %rem3A_940, %ne3A_941 : i32
      %lt3A_943 = arith.constant 0 : i32
      %lt3A_944 = arith.cmpi slt, %rem3A_940, %lt3A_943 : i32
      %lt3A_945 = arith.constant 0 : i32
      %lt3A_946 = arith.cmpi slt, %select_n3A_939, %lt3A_945 : i32
      %ne3A_947 = arith.xori %lt3A_944, %lt3A_946 : i1
      %and3A_948 = arith.andi %ne3A_947, %ne3A_942 : i1
      %add3A_949 = arith.addi %rem3A_940, %select_n3A_939 : i32
      %select_n3A_950 = arith.select %and3A_948, %add3A_949, %rem3A_940 : i32
      %jit3A_951 = arith.constant 21 : i32
      %eq3A_952 = arith.constant 0 : i32
      %eq3A_953 = arith.cmpi eq, %jit3A_951, %eq3A_952 : i32
      %jit3A_954 = arith.constant 1 : i32
      %select_n3A_955 = arith.select %eq3A_953, %jit3A_954, %jit3A_951 : i32
      %rem3A_956 = arith.remsi %add3A_910, %select_n3A_955 : i32
      %ne3A_957 = arith.constant 0 : i32
      %ne3A_958 = arith.cmpi ne, %rem3A_956, %ne3A_957 : i32
      %lt3A_959 = arith.constant 0 : i32
      %lt3A_960 = arith.cmpi slt, %rem3A_956, %lt3A_959 : i32
      %lt3A_961 = arith.constant 0 : i32
      %lt3A_962 = arith.cmpi slt, %select_n3A_955, %lt3A_961 : i32
      %ne3A_963 = arith.xori %lt3A_960, %lt3A_962 : i1
      %and3A_964 = arith.andi %ne3A_963, %ne3A_958 : i1
      %add3A_965 = arith.addi %rem3A_956, %select_n3A_955 : i32
      %select_n3A_966 = arith.select %and3A_964, %add3A_965, %rem3A_956 : i32
      %dma_start3A_967 = arith.constant 1 : i32
      %dma_start3A_968 = arith.constant 1 : i32
      %dma_start3A_969 = arith.constant 0 : i32
      %dma_start3A_970 = arith.constant 0 : i32
      %dma_start3A_971 = tpu.memref_slice %arg9[%dma_start3A_967, %dma_start3A_969, %dma_start3A_970] : memref<3x96x128xf32, #tpu.memory_space<vmem>> -> memref<1x96x128xf32, #tpu.memory_space<vmem>>
      %dma_start3A_972 = tpu.memref_squeeze %dma_start3A_971 : memref<1x96x128xf32, #tpu.memory_space<vmem>> -> memref<96x128xf32, #tpu.memory_space<vmem>>
      %dma_start3A_973 = arith.constant 0 : i32
      %dma_start3A_974 = tpu.memref_slice %arg7[%select_n3A_950, %select_n3A_966, %dma_start3A_973] : memref<2x21x96xi32, #tpu.memory_space<vmem>> -> memref<1x1x96xi32, #tpu.memory_space<vmem>>
      %dma_start3A_975 = tpu.memref_squeeze %dma_start3A_974 : memref<1x1x96xi32, #tpu.memory_space<vmem>> -> memref<96xi32, #tpu.memory_space<vmem>>
      %dma_start3A_976 = arith.constant 0 : i32
      %dma_start3A_977 = arith.constant 0 : i32
      %dma_start3A_978 = tpu.memref_slice %arg2[%dma_start3A_976, %dma_start3A_977] : memref<10000x128xf32, #tpu.memory_space<hbm>> -> memref<10000x128xf32, #tpu.memory_space<hbm>>
      %dma_start3A_979 = tpu.memref_slice %arg11[%dma_start3A_968] : memref<3x!tpu.dma_semaphore, #tpu.memory_space<semaphore_mem>> -> memref<1x!tpu.dma_semaphore, #tpu.memory_space<semaphore_mem>>
      %dma_start3A_980 = tpu.memref_squeeze %dma_start3A_979 : memref<1x!tpu.dma_semaphore, #tpu.memory_space<semaphore_mem>> -> memref<!tpu.dma_semaphore, #tpu.memory_space<semaphore_mem>>
      tpu.enqueue_indirect_dma source(%dma_start3A_978 : memref<10000x128xf32, #tpu.memory_space<hbm>>) target(%dma_start3A_972 : memref<96x128xf32, #tpu.memory_space<vmem>>) offsets(%dma_start3A_975 : memref<96xi32, #tpu.memory_space<vmem>>) semaphore(%dma_start3A_980 : memref<!tpu.dma_semaphore, #tpu.memory_space<semaphore_mem>>)
      %mul3A_981 = arith.constant 3 : i32
      %mul3A_982 = arith.muli %mul3A_981, %scan3A_271 : i32
      %add3A_983 = arith.constant 1 : i32
      %add3A_984 = arith.addi %add3A_983, %mul3A_982 : i32
      %add3A_985 = arith.constant 2 : i32
      %add3A_986 = arith.addi %add3A_984, %add3A_985 : i32
      %jit3A_987 = arith.constant 21 : i32
      %div3A_988 = arith.divsi %add3A_986, %jit3A_987 : i32
      %sign3A_989 = arith.constant 0 : i32
      %sign3A_990 = arith.cmpi sgt, %add3A_986, %sign3A_989 : i32
      %sign3A_991 = arith.extui %sign3A_990 : i1 to i32
      %sign3A_992 = arith.constant 0 : i32
      %sign3A_993 = arith.cmpi slt, %add3A_986, %sign3A_992 : i32
      %sign3A_994 = arith.extui %sign3A_993 : i1 to i32
      %sign3A_995 = arith.subi %sign3A_991, %sign3A_994 : i32
      %sign3A_996 = arith.constant 0 : i32
      %sign3A_997 = arith.cmpi sgt, %jit3A_987, %sign3A_996 : i32
      %sign3A_998 = arith.extui %sign3A_997 : i1 to i32
      %sign3A_999 = arith.constant 0 : i32
      %sign3A_1000 = arith.cmpi slt, %jit3A_987, %sign3A_999 : i32
      %sign3A_1001 = arith.extui %sign3A_1000 : i1 to i32
      %sign3A_1002 = arith.subi %sign3A_998, %sign3A_1001 : i32
      %ne3A_1003 = arith.cmpi ne, %sign3A_995, %sign3A_1002 : i32
      %rem3A_1004 = arith.remsi %add3A_986, %jit3A_987 : i32
      %ne3A_1005 = arith.constant 0 : i32
      %ne3A_1006 = arith.cmpi ne, %rem3A_1004, %ne3A_1005 : i32
      %and3A_1007 = arith.andi %ne3A_1003, %ne3A_1006 : i1
      %sub3A_1008 = arith.constant 1 : i32
      %sub3A_1009 = arith.subi %div3A_988, %sub3A_1008 : i32
      %select_n3A_1010 = arith.select %and3A_1007, %sub3A_1009, %div3A_988 : i32
      %jit3A_1011 = arith.constant 2 : i32
      %eq3A_1012 = arith.constant 0 : i32
      %eq3A_1013 = arith.cmpi eq, %jit3A_1011, %eq3A_1012 : i32
      %jit3A_1014 = arith.constant 1 : i32
      %select_n3A_1015 = arith.select %eq3A_1013, %jit3A_1014, %jit3A_1011 : i32
      %rem3A_1016 = arith.remsi %select_n3A_1010, %select_n3A_1015 : i32
      %ne3A_1017 = arith.constant 0 : i32
      %ne3A_1018 = arith.cmpi ne, %rem3A_1016, %ne3A_1017 : i32
      %lt3A_1019 = arith.constant 0 : i32
      %lt3A_1020 = arith.cmpi slt, %rem3A_1016, %lt3A_1019 : i32
      %lt3A_1021 = arith.constant 0 : i32
      %lt3A_1022 = arith.cmpi slt, %select_n3A_1015, %lt3A_1021 : i32
      %ne3A_1023 = arith.xori %lt3A_1020, %lt3A_1022 : i1
      %and3A_1024 = arith.andi %ne3A_1023, %ne3A_1018 : i1
      %add3A_1025 = arith.addi %rem3A_1016, %select_n3A_1015 : i32
      %select_n3A_1026 = arith.select %and3A_1024, %add3A_1025, %rem3A_1016 : i32
      %jit3A_1027 = arith.constant 21 : i32
      %eq3A_1028 = arith.constant 0 : i32
      %eq3A_1029 = arith.cmpi eq, %jit3A_1027, %eq3A_1028 : i32
      %jit3A_1030 = arith.constant 1 : i32
      %select_n3A_1031 = arith.select %eq3A_1029, %jit3A_1030, %jit3A_1027 : i32
      %rem3A_1032 = arith.remsi %add3A_986, %select_n3A_1031 : i32
      %ne3A_1033 = arith.constant 0 : i32
      %ne3A_1034 = arith.cmpi ne, %rem3A_1032, %ne3A_1033 : i32
      %lt3A_1035 = arith.constant 0 : i32
      %lt3A_1036 = arith.cmpi slt, %rem3A_1032, %lt3A_1035 : i32
      %lt3A_1037 = arith.constant 0 : i32
      %lt3A_1038 = arith.cmpi slt, %select_n3A_1031, %lt3A_1037 : i32
      %ne3A_1039 = arith.xori %lt3A_1036, %lt3A_1038 : i1
      %and3A_1040 = arith.andi %ne3A_1039, %ne3A_1034 : i1
      %add3A_1041 = arith.addi %rem3A_1032, %select_n3A_1031 : i32
      %select_n3A_1042 = arith.select %and3A_1040, %add3A_1041, %rem3A_1032 : i32
      %dma_wait3A_1043 = arith.constant 0 : i32
      %dma_wait3A_1044 = arith.constant 0 : i32
      %dma_wait3A_1045 = arith.constant 0 : i32
      %dma_wait3A_1046 = arith.constant 0 : i32
      %dma_wait3A_1047 = tpu.memref_slice %arg9[%dma_wait3A_1043, %dma_wait3A_1045, %dma_wait3A_1046] : memref<3x96x128xf32, #tpu.memory_space<vmem>> -> memref<1x96x128xf32, #tpu.memory_space<vmem>>
      %dma_wait3A_1048 = tpu.memref_squeeze %dma_wait3A_1047 : memref<1x96x128xf32, #tpu.memory_space<vmem>> -> memref<96x128xf32, #tpu.memory_space<vmem>>
      %dma_wait3A_1049 = arith.constant 0 : i32
      %dma_wait3A_1050 = tpu.memref_slice %arg7[%select_n3A_1026, %select_n3A_1042, %dma_wait3A_1049] : memref<2x21x96xi32, #tpu.memory_space<vmem>> -> memref<1x1x96xi32, #tpu.memory_space<vmem>>
      %dma_wait3A_1051 = tpu.memref_squeeze %dma_wait3A_1050 : memref<1x1x96xi32, #tpu.memory_space<vmem>> -> memref<96xi32, #tpu.memory_space<vmem>>
      %dma_wait3A_1052 = arith.constant 0 : i32
      %dma_wait3A_1053 = arith.constant 0 : i32
      %dma_wait3A_1054 = tpu.memref_slice %arg2[%dma_wait3A_1052, %dma_wait3A_1053] : memref<10000x128xf32, #tpu.memory_space<hbm>> -> memref<10000x128xf32, #tpu.memory_space<hbm>>
      %dma_wait3A_1055 = tpu.memref_slice %arg11[%dma_wait3A_1044] : memref<3x!tpu.dma_semaphore, #tpu.memory_space<semaphore_mem>> -> memref<1x!tpu.dma_semaphore, #tpu.memory_space<semaphore_mem>>
      %dma_wait3A_1056 = tpu.memref_squeeze %dma_wait3A_1055 : memref<1x!tpu.dma_semaphore, #tpu.memory_space<semaphore_mem>> -> memref<!tpu.dma_semaphore, #tpu.memory_space<semaphore_mem>>
      tpu.wait_indirect_dma semaphore(%dma_wait3A_1056 : memref<!tpu.dma_semaphore, #tpu.memory_space<semaphore_mem>>) src(%dma_wait3A_1054 : memref<10000x128xf32, #tpu.memory_space<hbm>>) dst(%dma_wait3A_1048 : memref<96x128xf32, #tpu.memory_space<vmem>>)
      %jit3A_1057 = arith.constant 21 : i32
      %div3A_1058 = arith.divsi %add3A_986, %jit3A_1057 : i32
      %sign3A_1059 = arith.constant 0 : i32
      %sign3A_1060 = arith.cmpi sgt, %add3A_986, %sign3A_1059 : i32
      %sign3A_1061 = arith.extui %sign3A_1060 : i1 to i32
      %sign3A_1062 = arith.constant 0 : i32
      %sign3A_1063 = arith.cmpi slt, %add3A_986, %sign3A_1062 : i32
      %sign3A_1064 = arith.extui %sign3A_1063 : i1 to i32
      %sign3A_1065 = arith.subi %sign3A_1061, %sign3A_1064 : i32
      %sign3A_1066 = arith.constant 0 : i32
      %sign3A_1067 = arith.cmpi sgt, %jit3A_1057, %sign3A_1066 : i32
      %sign3A_1068 = arith.extui %sign3A_1067 : i1 to i32
      %sign3A_1069 = arith.constant 0 : i32
      %sign3A_1070 = arith.cmpi slt, %jit3A_1057, %sign3A_1069 : i32
      %sign3A_1071 = arith.extui %sign3A_1070 : i1 to i32
      %sign3A_1072 = arith.subi %sign3A_1068, %sign3A_1071 : i32
      %ne3A_1073 = arith.cmpi ne, %sign3A_1065, %sign3A_1072 : i32
      %rem3A_1074 = arith.remsi %add3A_986, %jit3A_1057 : i32
      %ne3A_1075 = arith.constant 0 : i32
      %ne3A_1076 = arith.cmpi ne, %rem3A_1074, %ne3A_1075 : i32
      %and3A_1077 = arith.andi %ne3A_1073, %ne3A_1076 : i1
      %sub3A_1078 = arith.constant 1 : i32
      %sub3A_1079 = arith.subi %div3A_1058, %sub3A_1078 : i32
      %select_n3A_1080 = arith.select %and3A_1077, %sub3A_1079, %div3A_1058 : i32
      %jit3A_1081 = arith.constant 2 : i32
      %eq3A_1082 = arith.constant 0 : i32
      %eq3A_1083 = arith.cmpi eq, %jit3A_1081, %eq3A_1082 : i32
      %jit3A_1084 = arith.constant 1 : i32
      %select_n3A_1085 = arith.select %eq3A_1083, %jit3A_1084, %jit3A_1081 : i32
      %rem3A_1086 = arith.remsi %select_n3A_1080, %select_n3A_1085 : i32
      %ne3A_1087 = arith.constant 0 : i32
      %ne3A_1088 = arith.cmpi ne, %rem3A_1086, %ne3A_1087 : i32
      %lt3A_1089 = arith.constant 0 : i32
      %lt3A_1090 = arith.cmpi slt, %rem3A_1086, %lt3A_1089 : i32
      %lt3A_1091 = arith.constant 0 : i32
      %lt3A_1092 = arith.cmpi slt, %select_n3A_1085, %lt3A_1091 : i32
      %ne3A_1093 = arith.xori %lt3A_1090, %lt3A_1092 : i1
      %and3A_1094 = arith.andi %ne3A_1093, %ne3A_1088 : i1
      %add3A_1095 = arith.addi %rem3A_1086, %select_n3A_1085 : i32
      %select_n3A_1096 = arith.select %and3A_1094, %add3A_1095, %rem3A_1086 : i32
      %jit3A_1097 = arith.constant 21 : i32
      %eq3A_1098 = arith.constant 0 : i32
      %eq3A_1099 = arith.cmpi eq, %jit3A_1097, %eq3A_1098 : i32
      %jit3A_1100 = arith.constant 1 : i32
      %select_n3A_1101 = arith.select %eq3A_1099, %jit3A_1100, %jit3A_1097 : i32
      %rem3A_1102 = arith.remsi %add3A_986, %select_n3A_1101 : i32
      %ne3A_1103 = arith.constant 0 : i32
      %ne3A_1104 = arith.cmpi ne, %rem3A_1102, %ne3A_1103 : i32
      %lt3A_1105 = arith.constant 0 : i32
      %lt3A_1106 = arith.cmpi slt, %rem3A_1102, %lt3A_1105 : i32
      %lt3A_1107 = arith.constant 0 : i32
      %lt3A_1108 = arith.cmpi slt, %select_n3A_1101, %lt3A_1107 : i32
      %ne3A_1109 = arith.xori %lt3A_1106, %lt3A_1108 : i1
      %and3A_1110 = arith.andi %ne3A_1109, %ne3A_1104 : i1
      %add3A_1111 = arith.addi %rem3A_1102, %select_n3A_1101 : i32
      %select_n3A_1112 = arith.select %and3A_1110, %add3A_1111, %rem3A_1102 : i32
      %dma_start3A_1113 = arith.constant 0 : i32
      %dma_start3A_1114 = arith.constant 0 : i32
      %dma_start3A_1115 = arith.constant 0 : i32
      %dma_start3A_1116 = arith.constant 0 : i32
      %dma_start3A_1117 = tpu.memref_slice %arg9[%dma_start3A_1113, %dma_start3A_1115, %dma_start3A_1116] : memref<3x96x128xf32, #tpu.memory_space<vmem>> -> memref<1x96x128xf32, #tpu.memory_space<vmem>>
      %dma_start3A_1118 = tpu.memref_squeeze %dma_start3A_1117 : memref<1x96x128xf32, #tpu.memory_space<vmem>> -> memref<96x128xf32, #tpu.memory_space<vmem>>
      %dma_start3A_1119 = arith.constant 0 : i32
      %dma_start3A_1120 = tpu.memref_slice %arg8[%select_n3A_1096, %select_n3A_1112, %dma_start3A_1119] : memref<2x21x96xi32, #tpu.memory_space<vmem>> -> memref<1x1x96xi32, #tpu.memory_space<vmem>>
      %dma_start3A_1121 = tpu.memref_squeeze %dma_start3A_1120 : memref<1x1x96xi32, #tpu.memory_space<vmem>> -> memref<96xi32, #tpu.memory_space<vmem>>
      %dma_start3A_1122 = arith.constant 0 : i32
      %dma_start3A_1123 = arith.constant 0 : i32
      %dma_start3A_1124 = tpu.memref_slice %arg10[%dma_start3A_1122, %dma_start3A_1123] : memref<10112x128xf32, #tpu.memory_space<vmem_shared>> -> memref<10112x128xf32, #tpu.memory_space<vmem_shared>>
      %dma_start3A_1125 = tpu.memref_slice %arg12[%dma_start3A_1114] : memref<3x!tpu.dma_semaphore, #tpu.memory_space<semaphore_mem>> -> memref<1x!tpu.dma_semaphore, #tpu.memory_space<semaphore_mem>>
      %dma_start3A_1126 = tpu.memref_squeeze %dma_start3A_1125 : memref<1x!tpu.dma_semaphore, #tpu.memory_space<semaphore_mem>> -> memref<!tpu.dma_semaphore, #tpu.memory_space<semaphore_mem>>
      tpu.enqueue_indirect_dma source(%dma_start3A_1118 : memref<96x128xf32, #tpu.memory_space<vmem>>) target(%dma_start3A_1124 : memref<10112x128xf32, #tpu.memory_space<vmem_shared>>) offsets(%dma_start3A_1121 : memref<96xi32, #tpu.memory_space<vmem>>) semaphore(%dma_start3A_1126 : memref<!tpu.dma_semaphore, #tpu.memory_space<semaphore_mem>>) {add = true}
      %sub3A_1127 = arith.constant 1 : i32
      %sub3A_1128 = arith.subi %add3A_986, %sub3A_1127 : i32
      %jit3A_1129 = arith.constant 21 : i32
      %div3A_1130 = arith.divsi %sub3A_1128, %jit3A_1129 : i32
      %sign3A_1131 = arith.constant 0 : i32
      %sign3A_1132 = arith.cmpi sgt, %sub3A_1128, %sign3A_1131 : i32
      %sign3A_1133 = arith.extui %sign3A_1132 : i1 to i32
      %sign3A_1134 = arith.constant 0 : i32
      %sign3A_1135 = arith.cmpi slt, %sub3A_1128, %sign3A_1134 : i32
      %sign3A_1136 = arith.extui %sign3A_1135 : i1 to i32
      %sign3A_1137 = arith.subi %sign3A_1133, %sign3A_1136 : i32
      %sign3A_1138 = arith.constant 0 : i32
      %sign3A_1139 = arith.cmpi sgt, %jit3A_1129, %sign3A_1138 : i32
      %sign3A_1140 = arith.extui %sign3A_1139 : i1 to i32
      %sign3A_1141 = arith.constant 0 : i32
      %sign3A_1142 = arith.cmpi slt, %jit3A_1129, %sign3A_1141 : i32
      %sign3A_1143 = arith.extui %sign3A_1142 : i1 to i32
      %sign3A_1144 = arith.subi %sign3A_1140, %sign3A_1143 : i32
      %ne3A_1145 = arith.cmpi ne, %sign3A_1137, %sign3A_1144 : i32
      %rem3A_1146 = arith.remsi %sub3A_1128, %jit3A_1129 : i32
      %ne3A_1147 = arith.constant 0 : i32
      %ne3A_1148 = arith.cmpi ne, %rem3A_1146, %ne3A_1147 : i32
      %and3A_1149 = arith.andi %ne3A_1145, %ne3A_1148 : i1
      %sub3A_1150 = arith.constant 1 : i32
      %sub3A_1151 = arith.subi %div3A_1130, %sub3A_1150 : i32
      %select_n3A_1152 = arith.select %and3A_1149, %sub3A_1151, %div3A_1130 : i32
      %jit3A_1153 = arith.constant 2 : i32
      %eq3A_1154 = arith.constant 0 : i32
      %eq3A_1155 = arith.cmpi eq, %jit3A_1153, %eq3A_1154 : i32
      %jit3A_1156 = arith.constant 1 : i32
      %select_n3A_1157 = arith.select %eq3A_1155, %jit3A_1156, %jit3A_1153 : i32
      %rem3A_1158 = arith.remsi %select_n3A_1152, %select_n3A_1157 : i32
      %ne3A_1159 = arith.constant 0 : i32
      %ne3A_1160 = arith.cmpi ne, %rem3A_1158, %ne3A_1159 : i32
      %lt3A_1161 = arith.constant 0 : i32
      %lt3A_1162 = arith.cmpi slt, %rem3A_1158, %lt3A_1161 : i32
      %lt3A_1163 = arith.constant 0 : i32
      %lt3A_1164 = arith.cmpi slt, %select_n3A_1157, %lt3A_1163 : i32
      %ne3A_1165 = arith.xori %lt3A_1162, %lt3A_1164 : i1
      %and3A_1166 = arith.andi %ne3A_1165, %ne3A_1160 : i1
      %add3A_1167 = arith.addi %rem3A_1158, %select_n3A_1157 : i32
      %select_n3A_1168 = arith.select %and3A_1166, %add3A_1167, %rem3A_1158 : i32
      %jit3A_1169 = arith.constant 21 : i32
      %eq3A_1170 = arith.constant 0 : i32
      %eq3A_1171 = arith.cmpi eq, %jit3A_1169, %eq3A_1170 : i32
      %jit3A_1172 = arith.constant 1 : i32
      %select_n3A_1173 = arith.select %eq3A_1171, %jit3A_1172, %jit3A_1169 : i32
      %rem3A_1174 = arith.remsi %sub3A_1128, %select_n3A_1173 : i32
      %ne3A_1175 = arith.constant 0 : i32
      %ne3A_1176 = arith.cmpi ne, %rem3A_1174, %ne3A_1175 : i32
      %lt3A_1177 = arith.constant 0 : i32
      %lt3A_1178 = arith.cmpi slt, %rem3A_1174, %lt3A_1177 : i32
      %lt3A_1179 = arith.constant 0 : i32
      %lt3A_1180 = arith.cmpi slt, %select_n3A_1173, %lt3A_1179 : i32
      %ne3A_1181 = arith.xori %lt3A_1178, %lt3A_1180 : i1
      %and3A_1182 = arith.andi %ne3A_1181, %ne3A_1176 : i1
      %add3A_1183 = arith.addi %rem3A_1174, %select_n3A_1173 : i32
      %select_n3A_1184 = arith.select %and3A_1182, %add3A_1183, %rem3A_1174 : i32
      %dma_wait3A_1185 = arith.constant 2 : i32
      %dma_wait3A_1186 = arith.constant 2 : i32
      %dma_wait3A_1187 = arith.constant 0 : i32
      %dma_wait3A_1188 = arith.constant 0 : i32
      %dma_wait3A_1189 = tpu.memref_slice %arg9[%dma_wait3A_1185, %dma_wait3A_1187, %dma_wait3A_1188] : memref<3x96x128xf32, #tpu.memory_space<vmem>> -> memref<1x96x128xf32, #tpu.memory_space<vmem>>
      %dma_wait3A_1190 = tpu.memref_squeeze %dma_wait3A_1189 : memref<1x96x128xf32, #tpu.memory_space<vmem>> -> memref<96x128xf32, #tpu.memory_space<vmem>>
      %dma_wait3A_1191 = arith.constant 0 : i32
      %dma_wait3A_1192 = tpu.memref_slice %arg8[%select_n3A_1168, %select_n3A_1184, %dma_wait3A_1191] : memref<2x21x96xi32, #tpu.memory_space<vmem>> -> memref<1x1x96xi32, #tpu.memory_space<vmem>>
      %dma_wait3A_1193 = tpu.memref_squeeze %dma_wait3A_1192 : memref<1x1x96xi32, #tpu.memory_space<vmem>> -> memref<96xi32, #tpu.memory_space<vmem>>
      %dma_wait3A_1194 = arith.constant 0 : i32
      %dma_wait3A_1195 = arith.constant 0 : i32
      %dma_wait3A_1196 = tpu.memref_slice %arg10[%dma_wait3A_1194, %dma_wait3A_1195] : memref<10112x128xf32, #tpu.memory_space<vmem_shared>> -> memref<10112x128xf32, #tpu.memory_space<vmem_shared>>
      %dma_wait3A_1197 = tpu.memref_slice %arg12[%dma_wait3A_1186] : memref<3x!tpu.dma_semaphore, #tpu.memory_space<semaphore_mem>> -> memref<1x!tpu.dma_semaphore, #tpu.memory_space<semaphore_mem>>
      %dma_wait3A_1198 = tpu.memref_squeeze %dma_wait3A_1197 : memref<1x!tpu.dma_semaphore, #tpu.memory_space<semaphore_mem>> -> memref<!tpu.dma_semaphore, #tpu.memory_space<semaphore_mem>>
      tpu.wait_indirect_dma semaphore(%dma_wait3A_1198 : memref<!tpu.dma_semaphore, #tpu.memory_space<semaphore_mem>>) src(%dma_wait3A_1190 : memref<96x128xf32, #tpu.memory_space<vmem>>) dst(%dma_wait3A_1196 : memref<10112x128xf32, #tpu.memory_space<vmem_shared>>)
      %jit3A_1199 = arith.constant 21 : i32
      %div3A_1200 = arith.divsi %add3A_986, %jit3A_1199 : i32
      %sign3A_1201 = arith.constant 0 : i32
      %sign3A_1202 = arith.cmpi sgt, %add3A_986, %sign3A_1201 : i32
      %sign3A_1203 = arith.extui %sign3A_1202 : i1 to i32
      %sign3A_1204 = arith.constant 0 : i32
      %sign3A_1205 = arith.cmpi slt, %add3A_986, %sign3A_1204 : i32
      %sign3A_1206 = arith.extui %sign3A_1205 : i1 to i32
      %sign3A_1207 = arith.subi %sign3A_1203, %sign3A_1206 : i32
      %sign3A_1208 = arith.constant 0 : i32
      %sign3A_1209 = arith.cmpi sgt, %jit3A_1199, %sign3A_1208 : i32
      %sign3A_1210 = arith.extui %sign3A_1209 : i1 to i32
      %sign3A_1211 = arith.constant 0 : i32
      %sign3A_1212 = arith.cmpi slt, %jit3A_1199, %sign3A_1211 : i32
      %sign3A_1213 = arith.extui %sign3A_1212 : i1 to i32
      %sign3A_1214 = arith.subi %sign3A_1210, %sign3A_1213 : i32
      %ne3A_1215 = arith.cmpi ne, %sign3A_1207, %sign3A_1214 : i32
      %rem3A_1216 = arith.remsi %add3A_986, %jit3A_1199 : i32
      %ne3A_1217 = arith.constant 0 : i32
      %ne3A_1218 = arith.cmpi ne, %rem3A_1216, %ne3A_1217 : i32
      %and3A_1219 = arith.andi %ne3A_1215, %ne3A_1218 : i1
      %sub3A_1220 = arith.constant 1 : i32
      %sub3A_1221 = arith.subi %div3A_1200, %sub3A_1220 : i32
      %select_n3A_1222 = arith.select %and3A_1219, %sub3A_1221, %div3A_1200 : i32
      %jit3A_1223 = arith.constant 2 : i32
      %eq3A_1224 = arith.constant 0 : i32
      %eq3A_1225 = arith.cmpi eq, %jit3A_1223, %eq3A_1224 : i32
      %jit3A_1226 = arith.constant 1 : i32
      %select_n3A_1227 = arith.select %eq3A_1225, %jit3A_1226, %jit3A_1223 : i32
      %rem3A_1228 = arith.remsi %select_n3A_1222, %select_n3A_1227 : i32
      %ne3A_1229 = arith.constant 0 : i32
      %ne3A_1230 = arith.cmpi ne, %rem3A_1228, %ne3A_1229 : i32
      %lt3A_1231 = arith.constant 0 : i32
      %lt3A_1232 = arith.cmpi slt, %rem3A_1228, %lt3A_1231 : i32
      %lt3A_1233 = arith.constant 0 : i32
      %lt3A_1234 = arith.cmpi slt, %select_n3A_1227, %lt3A_1233 : i32
      %ne3A_1235 = arith.xori %lt3A_1232, %lt3A_1234 : i1
      %and3A_1236 = arith.andi %ne3A_1235, %ne3A_1230 : i1
      %add3A_1237 = arith.addi %rem3A_1228, %select_n3A_1227 : i32
      %select_n3A_1238 = arith.select %and3A_1236, %add3A_1237, %rem3A_1228 : i32
      %jit3A_1239 = arith.constant 21 : i32
      %eq3A_1240 = arith.constant 0 : i32
      %eq3A_1241 = arith.cmpi eq, %jit3A_1239, %eq3A_1240 : i32
      %jit3A_1242 = arith.constant 1 : i32
      %select_n3A_1243 = arith.select %eq3A_1241, %jit3A_1242, %jit3A_1239 : i32
      %rem3A_1244 = arith.remsi %add3A_986, %select_n3A_1243 : i32
      %ne3A_1245 = arith.constant 0 : i32
      %ne3A_1246 = arith.cmpi ne, %rem3A_1244, %ne3A_1245 : i32
      %lt3A_1247 = arith.constant 0 : i32
      %lt3A_1248 = arith.cmpi slt, %rem3A_1244, %lt3A_1247 : i32
      %lt3A_1249 = arith.constant 0 : i32
      %lt3A_1250 = arith.cmpi slt, %select_n3A_1243, %lt3A_1249 : i32
      %ne3A_1251 = arith.xori %lt3A_1248, %lt3A_1250 : i1
      %and3A_1252 = arith.andi %ne3A_1251, %ne3A_1246 : i1
      %add3A_1253 = arith.addi %rem3A_1244, %select_n3A_1243 : i32
      %select_n3A_1254 = arith.select %and3A_1252, %add3A_1253, %rem3A_1244 : i32
      %eq3A_1255 = arith.constant 0 : i32
      %eq3A_1256 = arith.cmpi eq, %select_n3A_1254, %eq3A_1255 : i32
      %lt3A_1257 = arith.constant 64 : i32
      %lt3A_1258 = arith.cmpi slt, %add3A_986, %lt3A_1257 : i32
      %and3A_1259 = arith.andi %eq3A_1256, %lt3A_1258 : i1
      %convert_element_type3A_1260 = arith.extui %and3A_1259 : i1 to i32
      %cond3A_1261 = arith.constant 0 : i32
      %cond3A_1262 = arith.cmpi ne, %convert_element_type3A_1260, %cond3A_1261 : i32
      scf.if %cond3A_1262 {
        %jit3A_1340 = arith.constant 21 : i32
        %div3A_1341 = arith.divsi %add3A_986, %jit3A_1340 : i32
        %sign3A_1342 = arith.constant 0 : i32
        %sign3A_1343 = arith.cmpi sgt, %add3A_986, %sign3A_1342 : i32
        %sign3A_1344 = arith.extui %sign3A_1343 : i1 to i32
        %sign3A_1345 = arith.constant 0 : i32
        %sign3A_1346 = arith.cmpi slt, %add3A_986, %sign3A_1345 : i32
        %sign3A_1347 = arith.extui %sign3A_1346 : i1 to i32
        %sign3A_1348 = arith.subi %sign3A_1344, %sign3A_1347 : i32
        %sign3A_1349 = arith.constant 0 : i32
        %sign3A_1350 = arith.cmpi sgt, %jit3A_1340, %sign3A_1349 : i32
        %sign3A_1351 = arith.extui %sign3A_1350 : i1 to i32
        %sign3A_1352 = arith.constant 0 : i32
        %sign3A_1353 = arith.cmpi slt, %jit3A_1340, %sign3A_1352 : i32
        %sign3A_1354 = arith.extui %sign3A_1353 : i1 to i32
        %sign3A_1355 = arith.subi %sign3A_1351, %sign3A_1354 : i32
        %ne3A_1356 = arith.cmpi ne, %sign3A_1348, %sign3A_1355 : i32
        %rem3A_1357 = arith.remsi %add3A_986, %jit3A_1340 : i32
        %ne3A_1358 = arith.constant 0 : i32
        %ne3A_1359 = arith.cmpi ne, %rem3A_1357, %ne3A_1358 : i32
        %and3A_1360 = arith.andi %ne3A_1356, %ne3A_1359 : i1
        %sub3A_1361 = arith.constant 1 : i32
        %sub3A_1362 = arith.subi %div3A_1341, %sub3A_1361 : i32
        %select_n3A_1363 = arith.select %and3A_1360, %sub3A_1362, %div3A_1341 : i32
        %add3A_1364 = arith.constant 1 : i32
        %add3A_1365 = arith.addi %select_n3A_1363, %add3A_1364 : i32
        %add3A_1366 = arith.constant 1 : i32
        %add3A_1367 = arith.addi %select_n3A_1238, %add3A_1366 : i32
        %jit3A_1368 = arith.constant 2 : i32
        %eq3A_1369 = arith.constant 0 : i32
        %eq3A_1370 = arith.cmpi eq, %jit3A_1368, %eq3A_1369 : i32
        %jit3A_1371 = arith.constant 1 : i32
        %select_n3A_1372 = arith.select %eq3A_1370, %jit3A_1371, %jit3A_1368 : i32
        %rem3A_1373 = arith.remsi %add3A_1367, %select_n3A_1372 : i32
        %ne3A_1374 = arith.constant 0 : i32
        %ne3A_1375 = arith.cmpi ne, %rem3A_1373, %ne3A_1374 : i32
        %lt3A_1376 = arith.constant 0 : i32
        %lt3A_1377 = arith.cmpi slt, %rem3A_1373, %lt3A_1376 : i32
        %lt3A_1378 = arith.constant 0 : i32
        %lt3A_1379 = arith.cmpi slt, %select_n3A_1372, %lt3A_1378 : i32
        %ne3A_1380 = arith.xori %lt3A_1377, %lt3A_1379 : i1
        %and3A_1381 = arith.andi %ne3A_1380, %ne3A_1375 : i1
        %add3A_1382 = arith.addi %rem3A_1373, %select_n3A_1372 : i32
        %select_n3A_1383 = arith.select %and3A_1381, %add3A_1382, %rem3A_1373 : i32
        %mul3A_1384 = arith.constant 5 : i32
        %mul3A_1385 = arith.muli %add3A, %mul3A_1384 : i32
        %add3A_1386 = arith.addi %mul3A_1385, %add3A_1365 : i32
        %dma_start3A_1387 = arith.constant 0 : i32
        %dma_start3A_1388 = arith.constant 0 : i32
        %dma_start3A_1389 = tpu.memref_slice %arg7[%select_n3A_1383, %dma_start3A_1387, %dma_start3A_1388] : memref<2x21x96xi32, #tpu.memory_space<vmem>> -> memref<1x21x96xi32, #tpu.memory_space<vmem>>
        %dma_start3A_1390 = tpu.memref_squeeze %dma_start3A_1389 : memref<1x21x96xi32, #tpu.memory_space<vmem>> -> memref<21x96xi32, #tpu.memory_space<vmem>>
        %dma_start3A_1391 = arith.constant 0 : i32
        %dma_start3A_1392 = arith.constant 0 : i32
        %dma_start3A_1393 = tpu.memref_slice %arg3[%add3A_1386, %dma_start3A_1391, %dma_start3A_1392] : memref<160x21x96xi32, #tpu.memory_space<hbm>> -> memref<1x21x96xi32, #tpu.memory_space<hbm>>
        %dma_start3A_1394 = tpu.memref_squeeze %dma_start3A_1393 : memref<1x21x96xi32, #tpu.memory_space<hbm>> -> memref<21x96xi32, #tpu.memory_space<hbm>>
        %dma_start3A_1395 = tpu.memref_slice %arg13[%select_n3A_1383] : memref<2x!tpu.dma_semaphore, #tpu.memory_space<semaphore_mem>> -> memref<1x!tpu.dma_semaphore, #tpu.memory_space<semaphore_mem>>
        %dma_start3A_1396 = tpu.memref_squeeze %dma_start3A_1395 : memref<1x!tpu.dma_semaphore, #tpu.memory_space<semaphore_mem>> -> memref<!tpu.dma_semaphore, #tpu.memory_space<semaphore_mem>>
        %dma_start3A_1397 = arith.constant 0 : i32
        %dma_start3A_1398 = arith.constant 0 : i32
        %dma_start3A_1399 = tpu.memref_slice %arg7[%select_n3A_1383, %dma_start3A_1397, %dma_start3A_1398] : memref<2x21x96xi32, #tpu.memory_space<vmem>> -> memref<1x21x96xi32, #tpu.memory_space<vmem>>
        %dma_start3A_1400 = tpu.memref_squeeze %dma_start3A_1399 : memref<1x21x96xi32, #tpu.memory_space<vmem>> -> memref<21x96xi32, #tpu.memory_space<vmem>>
        %dma_start3A_1401 = arith.constant 0 : i32
        %dma_start3A_1402 = arith.constant 0 : i32
        %dma_start3A_1403 = tpu.memref_slice %arg3[%add3A_1386, %dma_start3A_1401, %dma_start3A_1402] : memref<160x21x96xi32, #tpu.memory_space<hbm>> -> memref<1x21x96xi32, #tpu.memory_space<hbm>>
        %dma_start3A_1404 = tpu.memref_squeeze %dma_start3A_1403 : memref<1x21x96xi32, #tpu.memory_space<hbm>> -> memref<21x96xi32, #tpu.memory_space<hbm>>
        tpu.enqueue_dma source(%dma_start3A_1404 : memref<21x96xi32, #tpu.memory_space<hbm>>) target(%dma_start3A_1400 : memref<21x96xi32, #tpu.memory_space<vmem>>) target_semaphore(%dma_start3A_1396 : memref<!tpu.dma_semaphore, #tpu.memory_space<semaphore_mem>>)
        %mul3A_1405 = arith.constant 5 : i32
        %mul3A_1406 = arith.muli %add3A, %mul3A_1405 : i32
        %add3A_1407 = arith.addi %mul3A_1406, %add3A_1365 : i32
        %dma_start3A_1408 = arith.constant 0 : i32
        %dma_start3A_1409 = arith.constant 0 : i32
        %dma_start3A_1410 = tpu.memref_slice %arg8[%select_n3A_1383, %dma_start3A_1408, %dma_start3A_1409] : memref<2x21x96xi32, #tpu.memory_space<vmem>> -> memref<1x21x96xi32, #tpu.memory_space<vmem>>
        %dma_start3A_1411 = tpu.memref_squeeze %dma_start3A_1410 : memref<1x21x96xi32, #tpu.memory_space<vmem>> -> memref<21x96xi32, #tpu.memory_space<vmem>>
        %dma_start3A_1412 = arith.constant 0 : i32
        %dma_start3A_1413 = arith.constant 0 : i32
        %dma_start3A_1414 = tpu.memref_slice %arg4[%add3A_1407, %dma_start3A_1412, %dma_start3A_1413] : memref<160x21x96xi32, #tpu.memory_space<hbm>> -> memref<1x21x96xi32, #tpu.memory_space<hbm>>
        %dma_start3A_1415 = tpu.memref_squeeze %dma_start3A_1414 : memref<1x21x96xi32, #tpu.memory_space<hbm>> -> memref<21x96xi32, #tpu.memory_space<hbm>>
        %dma_start3A_1416 = tpu.memref_slice %arg13[%select_n3A_1383] : memref<2x!tpu.dma_semaphore, #tpu.memory_space<semaphore_mem>> -> memref<1x!tpu.dma_semaphore, #tpu.memory_space<semaphore_mem>>
        %dma_start3A_1417 = tpu.memref_squeeze %dma_start3A_1416 : memref<1x!tpu.dma_semaphore, #tpu.memory_space<semaphore_mem>> -> memref<!tpu.dma_semaphore, #tpu.memory_space<semaphore_mem>>
        %dma_start3A_1418 = arith.constant 0 : i32
        %dma_start3A_1419 = arith.constant 0 : i32
        %dma_start3A_1420 = tpu.memref_slice %arg8[%select_n3A_1383, %dma_start3A_1418, %dma_start3A_1419] : memref<2x21x96xi32, #tpu.memory_space<vmem>> -> memref<1x21x96xi32, #tpu.memory_space<vmem>>
        %dma_start3A_1421 = tpu.memref_squeeze %dma_start3A_1420 : memref<1x21x96xi32, #tpu.memory_space<vmem>> -> memref<21x96xi32, #tpu.memory_space<vmem>>
        %dma_start3A_1422 = arith.constant 0 : i32
        %dma_start3A_1423 = arith.constant 0 : i32
        %dma_start3A_1424 = tpu.memref_slice %arg4[%add3A_1407, %dma_start3A_1422, %dma_start3A_1423] : memref<160x21x96xi32, #tpu.memory_space<hbm>> -> memref<1x21x96xi32, #tpu.memory_space<hbm>>
        %dma_start3A_1425 = tpu.memref_squeeze %dma_start3A_1424 : memref<1x21x96xi32, #tpu.memory_space<hbm>> -> memref<21x96xi32, #tpu.memory_space<hbm>>
        tpu.enqueue_dma source(%dma_start3A_1425 : memref<21x96xi32, #tpu.memory_space<hbm>>) target(%dma_start3A_1421 : memref<21x96xi32, #tpu.memory_space<vmem>>) target_semaphore(%dma_start3A_1417 : memref<!tpu.dma_semaphore, #tpu.memory_space<semaphore_mem>>)
      } else {
      }
      %eq3A_1263 = arith.constant 19 : i32
      %eq3A_1264 = arith.cmpi eq, %select_n3A_1254, %eq3A_1263 : i32
      %convert_element_type3A_1265 = arith.extui %eq3A_1264 : i1 to i32
      %cond3A_1266 = arith.constant 0 : i32
      %cond3A_1267 = arith.cmpi ne, %convert_element_type3A_1265, %cond3A_1266 : i32
      scf.if %cond3A_1267 {
        %add3A_1340 = arith.constant 1 : i32
        %add3A_1341 = arith.addi %select_n3A_1238, %add3A_1340 : i32
        %jit3A_1342 = arith.constant 2 : i32
        %eq3A_1343 = arith.constant 0 : i32
        %eq3A_1344 = arith.cmpi eq, %jit3A_1342, %eq3A_1343 : i32
        %jit3A_1345 = arith.constant 1 : i32
        %select_n3A_1346 = arith.select %eq3A_1344, %jit3A_1345, %jit3A_1342 : i32
        %rem3A_1347 = arith.remsi %add3A_1341, %select_n3A_1346 : i32
        %ne3A_1348 = arith.constant 0 : i32
        %ne3A_1349 = arith.cmpi ne, %rem3A_1347, %ne3A_1348 : i32
        %lt3A_1350 = arith.constant 0 : i32
        %lt3A_1351 = arith.cmpi slt, %rem3A_1347, %lt3A_1350 : i32
        %lt3A_1352 = arith.constant 0 : i32
        %lt3A_1353 = arith.cmpi slt, %select_n3A_1346, %lt3A_1352 : i32
        %ne3A_1354 = arith.xori %lt3A_1351, %lt3A_1353 : i1
        %and3A_1355 = arith.andi %ne3A_1354, %ne3A_1349 : i1
        %add3A_1356 = arith.addi %rem3A_1347, %select_n3A_1346 : i32
        %select_n3A_1357 = arith.select %and3A_1355, %add3A_1356, %rem3A_1347 : i32
        %mul3A_1358 = arith.constant 5 : i32
        %mul3A_1359 = arith.muli %add3A, %mul3A_1358 : i32
        %dma_wait3A_1360 = arith.constant 0 : i32
        %dma_wait3A_1361 = arith.constant 0 : i32
        %dma_wait3A_1362 = tpu.memref_slice %arg7[%select_n3A_1357, %dma_wait3A_1360, %dma_wait3A_1361] : memref<2x21x96xi32, #tpu.memory_space<vmem>> -> memref<1x21x96xi32, #tpu.memory_space<vmem>>
        %dma_wait3A_1363 = tpu.memref_squeeze %dma_wait3A_1362 : memref<1x21x96xi32, #tpu.memory_space<vmem>> -> memref<21x96xi32, #tpu.memory_space<vmem>>
        %dma_wait3A_1364 = arith.constant 0 : i32
        %dma_wait3A_1365 = arith.constant 0 : i32
        %dma_wait3A_1366 = tpu.memref_slice %arg3[%mul3A_1359, %dma_wait3A_1364, %dma_wait3A_1365] : memref<160x21x96xi32, #tpu.memory_space<hbm>> -> memref<1x21x96xi32, #tpu.memory_space<hbm>>
        %dma_wait3A_1367 = tpu.memref_squeeze %dma_wait3A_1366 : memref<1x21x96xi32, #tpu.memory_space<hbm>> -> memref<21x96xi32, #tpu.memory_space<hbm>>
        %dma_wait3A_1368 = tpu.memref_slice %arg13[%select_n3A_1357] : memref<2x!tpu.dma_semaphore, #tpu.memory_space<semaphore_mem>> -> memref<1x!tpu.dma_semaphore, #tpu.memory_space<semaphore_mem>>
        %dma_wait3A_1369 = tpu.memref_squeeze %dma_wait3A_1368 : memref<1x!tpu.dma_semaphore, #tpu.memory_space<semaphore_mem>> -> memref<!tpu.dma_semaphore, #tpu.memory_space<semaphore_mem>>
        %dma_wait3A_1370 = arith.constant 0 : i32
        %dma_wait3A_1371 = arith.constant 0 : i32
        %dma_wait3A_1372 = tpu.memref_slice %arg7[%select_n3A_1357, %dma_wait3A_1370, %dma_wait3A_1371] : memref<2x21x96xi32, #tpu.memory_space<vmem>> -> memref<1x21x96xi32, #tpu.memory_space<vmem>>
        %dma_wait3A_1373 = tpu.memref_squeeze %dma_wait3A_1372 : memref<1x21x96xi32, #tpu.memory_space<vmem>> -> memref<21x96xi32, #tpu.memory_space<vmem>>
        %dma_wait3A_1374 = arith.constant 0 : i32
        %dma_wait3A_1375 = arith.constant 0 : i32
        %dma_wait3A_1376 = tpu.memref_slice %arg3[%mul3A_1359, %dma_wait3A_1374, %dma_wait3A_1375] : memref<160x21x96xi32, #tpu.memory_space<hbm>> -> memref<1x21x96xi32, #tpu.memory_space<hbm>>
        %dma_wait3A_1377 = tpu.memref_squeeze %dma_wait3A_1376 : memref<1x21x96xi32, #tpu.memory_space<hbm>> -> memref<21x96xi32, #tpu.memory_space<hbm>>
        tpu.wait_dma2 semaphore(%dma_wait3A_1369 : memref<!tpu.dma_semaphore, #tpu.memory_space<semaphore_mem>>) src(%dma_wait3A_1377 : memref<21x96xi32, #tpu.memory_space<hbm>>) dst(%dma_wait3A_1373 : memref<21x96xi32, #tpu.memory_space<vmem>>)
        %mul3A_1378 = arith.constant 5 : i32
        %mul3A_1379 = arith.muli %add3A, %mul3A_1378 : i32
        %dma_wait3A_1380 = arith.constant 0 : i32
        %dma_wait3A_1381 = arith.constant 0 : i32
        %dma_wait3A_1382 = tpu.memref_slice %arg8[%select_n3A_1357, %dma_wait3A_1380, %dma_wait3A_1381] : memref<2x21x96xi32, #tpu.memory_space<vmem>> -> memref<1x21x96xi32, #tpu.memory_space<vmem>>
        %dma_wait3A_1383 = tpu.memref_squeeze %dma_wait3A_1382 : memref<1x21x96xi32, #tpu.memory_space<vmem>> -> memref<21x96xi32, #tpu.memory_space<vmem>>
        %dma_wait3A_1384 = arith.constant 0 : i32
        %dma_wait3A_1385 = arith.constant 0 : i32
        %dma_wait3A_1386 = tpu.memref_slice %arg4[%mul3A_1379, %dma_wait3A_1384, %dma_wait3A_1385] : memref<160x21x96xi32, #tpu.memory_space<hbm>> -> memref<1x21x96xi32, #tpu.memory_space<hbm>>
        %dma_wait3A_1387 = tpu.memref_squeeze %dma_wait3A_1386 : memref<1x21x96xi32, #tpu.memory_space<hbm>> -> memref<21x96xi32, #tpu.memory_space<hbm>>
        %dma_wait3A_1388 = tpu.memref_slice %arg13[%select_n3A_1357] : memref<2x!tpu.dma_semaphore, #tpu.memory_space<semaphore_mem>> -> memref<1x!tpu.dma_semaphore, #tpu.memory_space<semaphore_mem>>
        %dma_wait3A_1389 = tpu.memref_squeeze %dma_wait3A_1388 : memref<1x!tpu.dma_semaphore, #tpu.memory_space<semaphore_mem>> -> memref<!tpu.dma_semaphore, #tpu.memory_space<semaphore_mem>>
        %dma_wait3A_1390 = arith.constant 0 : i32
        %dma_wait3A_1391 = arith.constant 0 : i32
        %dma_wait3A_1392 = tpu.memref_slice %arg8[%select_n3A_1357, %dma_wait3A_1390, %dma_wait3A_1391] : memref<2x21x96xi32, #tpu.memory_space<vmem>> -> memref<1x21x96xi32, #tpu.memory_space<vmem>>
        %dma_wait3A_1393 = tpu.memref_squeeze %dma_wait3A_1392 : memref<1x21x96xi32, #tpu.memory_space<vmem>> -> memref<21x96xi32, #tpu.memory_space<vmem>>
        %dma_wait3A_1394 = arith.constant 0 : i32
        %dma_wait3A_1395 = arith.constant 0 : i32
        %dma_wait3A_1396 = tpu.memref_slice %arg4[%mul3A_1379, %dma_wait3A_1394, %dma_wait3A_1395] : memref<160x21x96xi32, #tpu.memory_space<hbm>> -> memref<1x21x96xi32, #tpu.memory_space<hbm>>
        %dma_wait3A_1397 = tpu.memref_squeeze %dma_wait3A_1396 : memref<1x21x96xi32, #tpu.memory_space<hbm>> -> memref<21x96xi32, #tpu.memory_space<hbm>>
        tpu.wait_dma2 semaphore(%dma_wait3A_1389 : memref<!tpu.dma_semaphore, #tpu.memory_space<semaphore_mem>>) src(%dma_wait3A_1397 : memref<21x96xi32, #tpu.memory_space<hbm>>) dst(%dma_wait3A_1393 : memref<21x96xi32, #tpu.memory_space<vmem>>)
      } else {
      }
      %add3A_1268 = arith.constant 2 : i32
      %add3A_1269 = arith.addi %add3A_986, %add3A_1268 : i32
      %jit3A_1270 = arith.constant 21 : i32
      %div3A_1271 = arith.divsi %add3A_1269, %jit3A_1270 : i32
      %sign3A_1272 = arith.constant 0 : i32
      %sign3A_1273 = arith.cmpi sgt, %add3A_1269, %sign3A_1272 : i32
      %sign3A_1274 = arith.extui %sign3A_1273 : i1 to i32
      %sign3A_1275 = arith.constant 0 : i32
      %sign3A_1276 = arith.cmpi slt, %add3A_1269, %sign3A_1275 : i32
      %sign3A_1277 = arith.extui %sign3A_1276 : i1 to i32
      %sign3A_1278 = arith.subi %sign3A_1274, %sign3A_1277 : i32
      %sign3A_1279 = arith.constant 0 : i32
      %sign3A_1280 = arith.cmpi sgt, %jit3A_1270, %sign3A_1279 : i32
      %sign3A_1281 = arith.extui %sign3A_1280 : i1 to i32
      %sign3A_1282 = arith.constant 0 : i32
      %sign3A_1283 = arith.cmpi slt, %jit3A_1270, %sign3A_1282 : i32
      %sign3A_1284 = arith.extui %sign3A_1283 : i1 to i32
      %sign3A_1285 = arith.subi %sign3A_1281, %sign3A_1284 : i32
      %ne3A_1286 = arith.cmpi ne, %sign3A_1278, %sign3A_1285 : i32
      %rem3A_1287 = arith.remsi %add3A_1269, %jit3A_1270 : i32
      %ne3A_1288 = arith.constant 0 : i32
      %ne3A_1289 = arith.cmpi ne, %rem3A_1287, %ne3A_1288 : i32
      %and3A_1290 = arith.andi %ne3A_1286, %ne3A_1289 : i1
      %sub3A_1291 = arith.constant 1 : i32
      %sub3A_1292 = arith.subi %div3A_1271, %sub3A_1291 : i32
      %select_n3A_1293 = arith.select %and3A_1290, %sub3A_1292, %div3A_1271 : i32
      %jit3A_1294 = arith.constant 2 : i32
      %eq3A_1295 = arith.constant 0 : i32
      %eq3A_1296 = arith.cmpi eq, %jit3A_1294, %eq3A_1295 : i32
      %jit3A_1297 = arith.constant 1 : i32
      %select_n3A_1298 = arith.select %eq3A_1296, %jit3A_1297, %jit3A_1294 : i32
      %rem3A_1299 = arith.remsi %select_n3A_1293, %select_n3A_1298 : i32
      %ne3A_1300 = arith.constant 0 : i32
      %ne3A_1301 = arith.cmpi ne, %rem3A_1299, %ne3A_1300 : i32
      %lt3A_1302 = arith.constant 0 : i32
      %lt3A_1303 = arith.cmpi slt, %rem3A_1299, %lt3A_1302 : i32
      %lt3A_1304 = arith.constant 0 : i32
      %lt3A_1305 = arith.cmpi slt, %select_n3A_1298, %lt3A_1304 : i32
      %ne3A_1306 = arith.xori %lt3A_1303, %lt3A_1305 : i1
      %and3A_1307 = arith.andi %ne3A_1306, %ne3A_1301 : i1
      %add3A_1308 = arith.addi %rem3A_1299, %select_n3A_1298 : i32
      %select_n3A_1309 = arith.select %and3A_1307, %add3A_1308, %rem3A_1299 : i32
      %jit3A_1310 = arith.constant 21 : i32
      %eq3A_1311 = arith.constant 0 : i32
      %eq3A_1312 = arith.cmpi eq, %jit3A_1310, %eq3A_1311 : i32
      %jit3A_1313 = arith.constant 1 : i32
      %select_n3A_1314 = arith.select %eq3A_1312, %jit3A_1313, %jit3A_1310 : i32
      %rem3A_1315 = arith.remsi %add3A_1269, %select_n3A_1314 : i32
      %ne3A_1316 = arith.constant 0 : i32
      %ne3A_1317 = arith.cmpi ne, %rem3A_1315, %ne3A_1316 : i32
      %lt3A_1318 = arith.constant 0 : i32
      %lt3A_1319 = arith.cmpi slt, %rem3A_1315, %lt3A_1318 : i32
      %lt3A_1320 = arith.constant 0 : i32
      %lt3A_1321 = arith.cmpi slt, %select_n3A_1314, %lt3A_1320 : i32
      %ne3A_1322 = arith.xori %lt3A_1319, %lt3A_1321 : i1
      %and3A_1323 = arith.andi %ne3A_1322, %ne3A_1317 : i1
      %add3A_1324 = arith.addi %rem3A_1315, %select_n3A_1314 : i32
      %select_n3A_1325 = arith.select %and3A_1323, %add3A_1324, %rem3A_1315 : i32
      %dma_start3A_1326 = arith.constant 2 : i32
      %dma_start3A_1327 = arith.constant 2 : i32
      %dma_start3A_1328 = arith.constant 0 : i32
      %dma_start3A_1329 = arith.constant 0 : i32
      %dma_start3A_1330 = tpu.memref_slice %arg9[%dma_start3A_1326, %dma_start3A_1328, %dma_start3A_1329] : memref<3x96x128xf32, #tpu.memory_space<vmem>> -> memref<1x96x128xf32, #tpu.memory_space<vmem>>
      %dma_start3A_1331 = tpu.memref_squeeze %dma_start3A_1330 : memref<1x96x128xf32, #tpu.memory_space<vmem>> -> memref<96x128xf32, #tpu.memory_space<vmem>>
      %dma_start3A_1332 = arith.constant 0 : i32
      %dma_start3A_1333 = tpu.memref_slice %arg7[%select_n3A_1309, %select_n3A_1325, %dma_start3A_1332] : memref<2x21x96xi32, #tpu.memory_space<vmem>> -> memref<1x1x96xi32, #tpu.memory_space<vmem>>
      %dma_start3A_1334 = tpu.memref_squeeze %dma_start3A_1333 : memref<1x1x96xi32, #tpu.memory_space<vmem>> -> memref<96xi32, #tpu.memory_space<vmem>>
      %dma_start3A_1335 = arith.constant 0 : i32
      %dma_start3A_1336 = arith.constant 0 : i32
      %dma_start3A_1337 = tpu.memref_slice %arg2[%dma_start3A_1335, %dma_start3A_1336] : memref<10000x128xf32, #tpu.memory_space<hbm>> -> memref<10000x128xf32, #tpu.memory_space<hbm>>
      %dma_start3A_1338 = tpu.memref_slice %arg11[%dma_start3A_1327] : memref<3x!tpu.dma_semaphore, #tpu.memory_space<semaphore_mem>> -> memref<1x!tpu.dma_semaphore, #tpu.memory_space<semaphore_mem>>
      %dma_start3A_1339 = tpu.memref_squeeze %dma_start3A_1338 : memref<1x!tpu.dma_semaphore, #tpu.memory_space<semaphore_mem>> -> memref<!tpu.dma_semaphore, #tpu.memory_space<semaphore_mem>>
      tpu.enqueue_indirect_dma source(%dma_start3A_1337 : memref<10000x128xf32, #tpu.memory_space<hbm>>) target(%dma_start3A_1331 : memref<96x128xf32, #tpu.memory_space<vmem>>) offsets(%dma_start3A_1334 : memref<96xi32, #tpu.memory_space<vmem>>) semaphore(%dma_start3A_1339 : memref<!tpu.dma_semaphore, #tpu.memory_space<semaphore_mem>>)
    }
    %scan3A_153 = arith.constant 34 : i32
    %dma_wait3A_154 = arith.constant 0 : i32
    %dma_wait3A_155 = arith.constant 19 : i32
    %dma_wait3A_156 = arith.constant 1 : i32
    %dma_wait3A_157 = arith.constant 1 : i32
    %dma_wait3A_158 = arith.constant 0 : i32
    %dma_wait3A_159 = arith.constant 0 : i32
    %dma_wait3A_160 = tpu.memref_slice %arg9[%dma_wait3A_156, %dma_wait3A_158, %dma_wait3A_159] : memref<3x96x128xf32, #tpu.memory_space<vmem>> -> memref<1x96x128xf32, #tpu.memory_space<vmem>>
    %dma_wait3A_161 = tpu.memref_squeeze %dma_wait3A_160 : memref<1x96x128xf32, #tpu.memory_space<vmem>> -> memref<96x128xf32, #tpu.memory_space<vmem>>
    %dma_wait3A_162 = arith.constant 0 : i32
    %dma_wait3A_163 = tpu.memref_slice %arg7[%dma_wait3A_154, %dma_wait3A_155, %dma_wait3A_162] : memref<2x21x96xi32, #tpu.memory_space<vmem>> -> memref<1x1x96xi32, #tpu.memory_space<vmem>>
    %dma_wait3A_164 = tpu.memref_squeeze %dma_wait3A_163 : memref<1x1x96xi32, #tpu.memory_space<vmem>> -> memref<96xi32, #tpu.memory_space<vmem>>
    %dma_wait3A_165 = arith.constant 0 : i32
    %dma_wait3A_166 = arith.constant 0 : i32
    %dma_wait3A_167 = tpu.memref_slice %arg2[%dma_wait3A_165, %dma_wait3A_166] : memref<10000x128xf32, #tpu.memory_space<hbm>> -> memref<10000x128xf32, #tpu.memory_space<hbm>>
    %dma_wait3A_168 = tpu.memref_slice %arg11[%dma_wait3A_157] : memref<3x!tpu.dma_semaphore, #tpu.memory_space<semaphore_mem>> -> memref<1x!tpu.dma_semaphore, #tpu.memory_space<semaphore_mem>>
    %dma_wait3A_169 = tpu.memref_squeeze %dma_wait3A_168 : memref<1x!tpu.dma_semaphore, #tpu.memory_space<semaphore_mem>> -> memref<!tpu.dma_semaphore, #tpu.memory_space<semaphore_mem>>
    tpu.wait_indirect_dma semaphore(%dma_wait3A_169 : memref<!tpu.dma_semaphore, #tpu.memory_space<semaphore_mem>>) src(%dma_wait3A_167 : memref<10000x128xf32, #tpu.memory_space<hbm>>) dst(%dma_wait3A_161 : memref<96x128xf32, #tpu.memory_space<vmem>>)
    %dma_start3A_170 = arith.constant 1 : i32
    %dma_start3A_171 = arith.constant 0 : i32
    %dma_start3A_172 = arith.constant 19 : i32
    %dma_start3A_173 = arith.constant 1 : i32
    %dma_start3A_174 = arith.constant 0 : i32
    %dma_start3A_175 = arith.constant 0 : i32
    %dma_start3A_176 = tpu.memref_slice %arg9[%dma_start3A_170, %dma_start3A_174, %dma_start3A_175] : memref<3x96x128xf32, #tpu.memory_space<vmem>> -> memref<1x96x128xf32, #tpu.memory_space<vmem>>
    %dma_start3A_177 = tpu.memref_squeeze %dma_start3A_176 : memref<1x96x128xf32, #tpu.memory_space<vmem>> -> memref<96x128xf32, #tpu.memory_space<vmem>>
    %dma_start3A_178 = arith.constant 0 : i32
    %dma_start3A_179 = tpu.memref_slice %arg8[%dma_start3A_171, %dma_start3A_172, %dma_start3A_178] : memref<2x21x96xi32, #tpu.memory_space<vmem>> -> memref<1x1x96xi32, #tpu.memory_space<vmem>>
    %dma_start3A_180 = tpu.memref_squeeze %dma_start3A_179 : memref<1x1x96xi32, #tpu.memory_space<vmem>> -> memref<96xi32, #tpu.memory_space<vmem>>
    %dma_start3A_181 = arith.constant 0 : i32
    %dma_start3A_182 = arith.constant 0 : i32
    %dma_start3A_183 = tpu.memref_slice %arg10[%dma_start3A_181, %dma_start3A_182] : memref<10112x128xf32, #tpu.memory_space<vmem_shared>> -> memref<10112x128xf32, #tpu.memory_space<vmem_shared>>
    %dma_start3A_184 = tpu.memref_slice %arg12[%dma_start3A_173] : memref<3x!tpu.dma_semaphore, #tpu.memory_space<semaphore_mem>> -> memref<1x!tpu.dma_semaphore, #tpu.memory_space<semaphore_mem>>
    %dma_start3A_185 = tpu.memref_squeeze %dma_start3A_184 : memref<1x!tpu.dma_semaphore, #tpu.memory_space<semaphore_mem>> -> memref<!tpu.dma_semaphore, #tpu.memory_space<semaphore_mem>>
    tpu.enqueue_indirect_dma source(%dma_start3A_177 : memref<96x128xf32, #tpu.memory_space<vmem>>) target(%dma_start3A_183 : memref<10112x128xf32, #tpu.memory_space<vmem_shared>>) offsets(%dma_start3A_180 : memref<96xi32, #tpu.memory_space<vmem>>) semaphore(%dma_start3A_185 : memref<!tpu.dma_semaphore, #tpu.memory_space<semaphore_mem>>) {add = true}
    %dma_wait3A_186 = arith.constant 0 : i32
    %dma_wait3A_187 = arith.constant 0 : i32
    %dma_wait3A_188 = arith.constant 18 : i32
    %dma_wait3A_189 = arith.constant 0 : i32
    %dma_wait3A_190 = arith.constant 0 : i32
    %dma_wait3A_191 = arith.constant 0 : i32
    %dma_wait3A_192 = tpu.memref_slice %arg9[%dma_wait3A_186, %dma_wait3A_190, %dma_wait3A_191] : memref<3x96x128xf32, #tpu.memory_space<vmem>> -> memref<1x96x128xf32, #tpu.memory_space<vmem>>
    %dma_wait3A_193 = tpu.memref_squeeze %dma_wait3A_192 : memref<1x96x128xf32, #tpu.memory_space<vmem>> -> memref<96x128xf32, #tpu.memory_space<vmem>>
    %dma_wait3A_194 = arith.constant 0 : i32
    %dma_wait3A_195 = tpu.memref_slice %arg8[%dma_wait3A_187, %dma_wait3A_188, %dma_wait3A_194] : memref<2x21x96xi32, #tpu.memory_space<vmem>> -> memref<1x1x96xi32, #tpu.memory_space<vmem>>
    %dma_wait3A_196 = tpu.memref_squeeze %dma_wait3A_195 : memref<1x1x96xi32, #tpu.memory_space<vmem>> -> memref<96xi32, #tpu.memory_space<vmem>>
    %dma_wait3A_197 = arith.constant 0 : i32
    %dma_wait3A_198 = arith.constant 0 : i32
    %dma_wait3A_199 = tpu.memref_slice %arg10[%dma_wait3A_197, %dma_wait3A_198] : memref<10112x128xf32, #tpu.memory_space<vmem_shared>> -> memref<10112x128xf32, #tpu.memory_space<vmem_shared>>
    %dma_wait3A_200 = tpu.memref_slice %arg12[%dma_wait3A_189] : memref<3x!tpu.dma_semaphore, #tpu.memory_space<semaphore_mem>> -> memref<1x!tpu.dma_semaphore, #tpu.memory_space<semaphore_mem>>
    %dma_wait3A_201 = tpu.memref_squeeze %dma_wait3A_200 : memref<1x!tpu.dma_semaphore, #tpu.memory_space<semaphore_mem>> -> memref<!tpu.dma_semaphore, #tpu.memory_space<semaphore_mem>>
    tpu.wait_indirect_dma semaphore(%dma_wait3A_201 : memref<!tpu.dma_semaphore, #tpu.memory_space<semaphore_mem>>) src(%dma_wait3A_193 : memref<96x128xf32, #tpu.memory_space<vmem>>) dst(%dma_wait3A_199 : memref<10112x128xf32, #tpu.memory_space<vmem_shared>>)
    %dma_wait3A_202 = arith.constant 0 : i32
    %dma_wait3A_203 = arith.constant 20 : i32
    %dma_wait3A_204 = arith.constant 2 : i32
    %dma_wait3A_205 = arith.constant 2 : i32
    %dma_wait3A_206 = arith.constant 0 : i32
    %dma_wait3A_207 = arith.constant 0 : i32
    %dma_wait3A_208 = tpu.memref_slice %arg9[%dma_wait3A_204, %dma_wait3A_206, %dma_wait3A_207] : memref<3x96x128xf32, #tpu.memory_space<vmem>> -> memref<1x96x128xf32, #tpu.memory_space<vmem>>
    %dma_wait3A_209 = tpu.memref_squeeze %dma_wait3A_208 : memref<1x96x128xf32, #tpu.memory_space<vmem>> -> memref<96x128xf32, #tpu.memory_space<vmem>>
    %dma_wait3A_210 = arith.constant 0 : i32
    %dma_wait3A_211 = tpu.memref_slice %arg7[%dma_wait3A_202, %dma_wait3A_203, %dma_wait3A_210] : memref<2x21x96xi32, #tpu.memory_space<vmem>> -> memref<1x1x96xi32, #tpu.memory_space<vmem>>
    %dma_wait3A_212 = tpu.memref_squeeze %dma_wait3A_211 : memref<1x1x96xi32, #tpu.memory_space<vmem>> -> memref<96xi32, #tpu.memory_space<vmem>>
    %dma_wait3A_213 = arith.constant 0 : i32
    %dma_wait3A_214 = arith.constant 0 : i32
    %dma_wait3A_215 = tpu.memref_slice %arg2[%dma_wait3A_213, %dma_wait3A_214] : memref<10000x128xf32, #tpu.memory_space<hbm>> -> memref<10000x128xf32, #tpu.memory_space<hbm>>
    %dma_wait3A_216 = tpu.memref_slice %arg11[%dma_wait3A_205] : memref<3x!tpu.dma_semaphore, #tpu.memory_space<semaphore_mem>> -> memref<1x!tpu.dma_semaphore, #tpu.memory_space<semaphore_mem>>
    %dma_wait3A_217 = tpu.memref_squeeze %dma_wait3A_216 : memref<1x!tpu.dma_semaphore, #tpu.memory_space<semaphore_mem>> -> memref<!tpu.dma_semaphore, #tpu.memory_space<semaphore_mem>>
    tpu.wait_indirect_dma semaphore(%dma_wait3A_217 : memref<!tpu.dma_semaphore, #tpu.memory_space<semaphore_mem>>) src(%dma_wait3A_215 : memref<10000x128xf32, #tpu.memory_space<hbm>>) dst(%dma_wait3A_209 : memref<96x128xf32, #tpu.memory_space<vmem>>)
    %dma_start3A_218 = arith.constant 2 : i32
    %dma_start3A_219 = arith.constant 0 : i32
    %dma_start3A_220 = arith.constant 20 : i32
    %dma_start3A_221 = arith.constant 2 : i32
    %dma_start3A_222 = arith.constant 0 : i32
    %dma_start3A_223 = arith.constant 0 : i32
    %dma_start3A_224 = tpu.memref_slice %arg9[%dma_start3A_218, %dma_start3A_222, %dma_start3A_223] : memref<3x96x128xf32, #tpu.memory_space<vmem>> -> memref<1x96x128xf32, #tpu.memory_space<vmem>>
    %dma_start3A_225 = tpu.memref_squeeze %dma_start3A_224 : memref<1x96x128xf32, #tpu.memory_space<vmem>> -> memref<96x128xf32, #tpu.memory_space<vmem>>
    %dma_start3A_226 = arith.constant 0 : i32
    %dma_start3A_227 = tpu.memref_slice %arg8[%dma_start3A_219, %dma_start3A_220, %dma_start3A_226] : memref<2x21x96xi32, #tpu.memory_space<vmem>> -> memref<1x1x96xi32, #tpu.memory_space<vmem>>
    %dma_start3A_228 = tpu.memref_squeeze %dma_start3A_227 : memref<1x1x96xi32, #tpu.memory_space<vmem>> -> memref<96xi32, #tpu.memory_space<vmem>>
    %dma_start3A_229 = arith.constant 0 : i32
    %dma_start3A_230 = arith.constant 0 : i32
    %dma_start3A_231 = tpu.memref_slice %arg10[%dma_start3A_229, %dma_start3A_230] : memref<10112x128xf32, #tpu.memory_space<vmem_shared>> -> memref<10112x128xf32, #tpu.memory_space<vmem_shared>>
    %dma_start3A_232 = tpu.memref_slice %arg12[%dma_start3A_221] : memref<3x!tpu.dma_semaphore, #tpu.memory_space<semaphore_mem>> -> memref<1x!tpu.dma_semaphore, #tpu.memory_space<semaphore_mem>>
    %dma_start3A_233 = tpu.memref_squeeze %dma_start3A_232 : memref<1x!tpu.dma_semaphore, #tpu.memory_space<semaphore_mem>> -> memref<!tpu.dma_semaphore, #tpu.memory_space<semaphore_mem>>
    tpu.enqueue_indirect_dma source(%dma_start3A_225 : memref<96x128xf32, #tpu.memory_space<vmem>>) target(%dma_start3A_231 : memref<10112x128xf32, #tpu.memory_space<vmem_shared>>) offsets(%dma_start3A_228 : memref<96xi32, #tpu.memory_space<vmem>>) semaphore(%dma_start3A_233 : memref<!tpu.dma_semaphore, #tpu.memory_space<semaphore_mem>>) {add = true}
    %dma_wait3A_234 = arith.constant 1 : i32
    %dma_wait3A_235 = arith.constant 0 : i32
    %dma_wait3A_236 = arith.constant 19 : i32
    %dma_wait3A_237 = arith.constant 1 : i32
    %dma_wait3A_238 = arith.constant 0 : i32
    %dma_wait3A_239 = arith.constant 0 : i32
    %dma_wait3A_240 = tpu.memref_slice %arg9[%dma_wait3A_234, %dma_wait3A_238, %dma_wait3A_239] : memref<3x96x128xf32, #tpu.memory_space<vmem>> -> memref<1x96x128xf32, #tpu.memory_space<vmem>>
    %dma_wait3A_241 = tpu.memref_squeeze %dma_wait3A_240 : memref<1x96x128xf32, #tpu.memory_space<vmem>> -> memref<96x128xf32, #tpu.memory_space<vmem>>
    %dma_wait3A_242 = arith.constant 0 : i32
    %dma_wait3A_243 = tpu.memref_slice %arg8[%dma_wait3A_235, %dma_wait3A_236, %dma_wait3A_242] : memref<2x21x96xi32, #tpu.memory_space<vmem>> -> memref<1x1x96xi32, #tpu.memory_space<vmem>>
    %dma_wait3A_244 = tpu.memref_squeeze %dma_wait3A_243 : memref<1x1x96xi32, #tpu.memory_space<vmem>> -> memref<96xi32, #tpu.memory_space<vmem>>
    %dma_wait3A_245 = arith.constant 0 : i32
    %dma_wait3A_246 = arith.constant 0 : i32
    %dma_wait3A_247 = tpu.memref_slice %arg10[%dma_wait3A_245, %dma_wait3A_246] : memref<10112x128xf32, #tpu.memory_space<vmem_shared>> -> memref<10112x128xf32, #tpu.memory_space<vmem_shared>>
    %dma_wait3A_248 = tpu.memref_slice %arg12[%dma_wait3A_237] : memref<3x!tpu.dma_semaphore, #tpu.memory_space<semaphore_mem>> -> memref<1x!tpu.dma_semaphore, #tpu.memory_space<semaphore_mem>>
    %dma_wait3A_249 = tpu.memref_squeeze %dma_wait3A_248 : memref<1x!tpu.dma_semaphore, #tpu.memory_space<semaphore_mem>> -> memref<!tpu.dma_semaphore, #tpu.memory_space<semaphore_mem>>
    tpu.wait_indirect_dma semaphore(%dma_wait3A_249 : memref<!tpu.dma_semaphore, #tpu.memory_space<semaphore_mem>>) src(%dma_wait3A_241 : memref<96x128xf32, #tpu.memory_space<vmem>>) dst(%dma_wait3A_247 : memref<10112x128xf32, #tpu.memory_space<vmem_shared>>)
    %dma_wait3A_250 = arith.constant 2 : i32
    %dma_wait3A_251 = arith.constant 0 : i32
    %dma_wait3A_252 = arith.constant 20 : i32
    %dma_wait3A_253 = arith.constant 2 : i32
    %dma_wait3A_254 = arith.constant 0 : i32
    %dma_wait3A_255 = arith.constant 0 : i32
    %dma_wait3A_256 = tpu.memref_slice %arg9[%dma_wait3A_250, %dma_wait3A_254, %dma_wait3A_255] : memref<3x96x128xf32, #tpu.memory_space<vmem>> -> memref<1x96x128xf32, #tpu.memory_space<vmem>>
    %dma_wait3A_257 = tpu.memref_squeeze %dma_wait3A_256 : memref<1x96x128xf32, #tpu.memory_space<vmem>> -> memref<96x128xf32, #tpu.memory_space<vmem>>
    %dma_wait3A_258 = arith.constant 0 : i32
    %dma_wait3A_259 = tpu.memref_slice %arg8[%dma_wait3A_251, %dma_wait3A_252, %dma_wait3A_258] : memref<2x21x96xi32, #tpu.memory_space<vmem>> -> memref<1x1x96xi32, #tpu.memory_space<vmem>>
    %dma_wait3A_260 = tpu.memref_squeeze %dma_wait3A_259 : memref<1x1x96xi32, #tpu.memory_space<vmem>> -> memref<96xi32, #tpu.memory_space<vmem>>
    %dma_wait3A_261 = arith.constant 0 : i32
    %dma_wait3A_262 = arith.constant 0 : i32
    %dma_wait3A_263 = tpu.memref_slice %arg10[%dma_wait3A_261, %dma_wait3A_262] : memref<10112x128xf32, #tpu.memory_space<vmem_shared>> -> memref<10112x128xf32, #tpu.memory_space<vmem_shared>>
    %dma_wait3A_264 = tpu.memref_slice %arg12[%dma_wait3A_253] : memref<3x!tpu.dma_semaphore, #tpu.memory_space<semaphore_mem>> -> memref<1x!tpu.dma_semaphore, #tpu.memory_space<semaphore_mem>>
    %dma_wait3A_265 = tpu.memref_squeeze %dma_wait3A_264 : memref<1x!tpu.dma_semaphore, #tpu.memory_space<semaphore_mem>> -> memref<!tpu.dma_semaphore, #tpu.memory_space<semaphore_mem>>
    tpu.wait_indirect_dma semaphore(%dma_wait3A_265 : memref<!tpu.dma_semaphore, #tpu.memory_space<semaphore_mem>>) src(%dma_wait3A_257 : memref<96x128xf32, #tpu.memory_space<vmem>>) dst(%dma_wait3A_263 : memref<10112x128xf32, #tpu.memory_space<vmem_shared>>)
    %barrier3A_266 = arith.constant 0 : index
    tpu.barrier barrier_id(%barrier3A_266)
    %mul3A_267 = arith.constant 632 : i32
    %mul3A_268 = arith.muli %arg1, %mul3A_267 : i32
    %mul3A_269 = arith.constant 632 : i32
    %mul3A_270 = arith.muli %arg1, %mul3A_269 : i32
    "tpu.region"() ({
      %run_scoped3A_271 = tpu.sem_alloc : memref<!tpu.dma_semaphore, #tpu.memory_space<semaphore_mem>>
      %dma_start3A_272 = arith.constant 0 : i32
      %dma_start3A_273 = tpu.memref_slice %arg6[%arg0, %mul3A_270, %dma_start3A_272] : memref<2x10112x128xf32, #tpu.memory_space<hbm>> -> memref<1x632x128xf32, #tpu.memory_space<hbm>>
      %dma_start3A_274 = tpu.memref_squeeze %dma_start3A_273 : memref<1x632x128xf32, #tpu.memory_space<hbm>> -> memref<632x128xf32, #tpu.memory_space<hbm>>
      %dma_start3A_275 = arith.constant 0 : i32
      %dma_start3A_276 = tpu.memref_slice %arg10[%mul3A_268, %dma_start3A_275] : memref<10112x128xf32, #tpu.memory_space<vmem_shared>> -> memref<632x128xf32, #tpu.memory_space<vmem_shared>>
      tpu.enqueue_dma source(%dma_start3A_276 : memref<632x128xf32, #tpu.memory_space<vmem_shared>>) target(%dma_start3A_274 : memref<632x128xf32, #tpu.memory_space<hbm>>) target_semaphore(%run_scoped3A_271 : memref<!tpu.dma_semaphore, #tpu.memory_space<semaphore_mem>>)
      %dma_wait3A_277 = arith.constant 0 : i32
      %dma_wait3A_278 = tpu.memref_slice %arg6[%arg0, %mul3A_270, %dma_wait3A_277] : memref<2x10112x128xf32, #tpu.memory_space<hbm>> -> memref<1x632x128xf32, #tpu.memory_space<hbm>>
      %dma_wait3A_279 = tpu.memref_squeeze %dma_wait3A_278 : memref<1x632x128xf32, #tpu.memory_space<hbm>> -> memref<632x128xf32, #tpu.memory_space<hbm>>
      %dma_wait3A_280 = arith.constant 0 : i32
      %dma_wait3A_281 = tpu.memref_slice %arg10[%mul3A_268, %dma_wait3A_280] : memref<10112x128xf32, #tpu.memory_space<vmem_shared>> -> memref<632x128xf32, #tpu.memory_space<vmem_shared>>
      tpu.wait_dma2 semaphore(%run_scoped3A_271 : memref<!tpu.dma_semaphore, #tpu.memory_space<semaphore_mem>>) src(%dma_wait3A_281 : memref<632x128xf32, #tpu.memory_space<vmem_shared>>) dst(%dma_wait3A_279 : memref<632x128xf32, #tpu.memory_space<hbm>>)
      tpu.yield
    }) : () -> ()
    return
  }
}

module attributes {stable_mosaic.version = 14 : i64} {
  func.func @_mid_body(%arg0: i32, %arg1: memref<1x2000x128xf32, #tpu.memory_space<vmem>>, %arg2: memref<1x2000x128xf32, #tpu.memory_space<vmem>>, %arg3: memref<1x128xf32, #tpu.memory_space<vmem>>, %arg4: memref<128x128xf32, #tpu.memory_space<vmem>>, %arg5: memref<128x128xf32, #tpu.memory_space<vmem>>, %arg6: memref<2000x128xf32, #tpu.memory_space<vmem>>) attributes {dimension_semantics = [#tpu.dimension_semantics<arbitrary>], iteration_bounds = array<i64: 5>, scalar_prefetch = 0 : i64, scratch_operands = 0 : i64, tpu.core_type = #tpu.core_type<tc>, window_params = [{transform_indices = @transform_0, window_bounds = array<i64: 1, 2000, 128>}, {transform_indices = @transform_1, window_bounds = array<i64: 1, 2000, 128>}, {pipeline_mode = #tpu.pipeline_mode<synchronous>, transform_indices = @transform_2, window_bounds = array<i64: 1, 128>}, {pipeline_mode = #tpu.pipeline_mode<synchronous>, transform_indices = @transform_3, window_bounds = array<i64: 128, 128>}, {pipeline_mode = #tpu.pipeline_mode<synchronous>, transform_indices = @transform_4, window_bounds = array<i64: 128, 128>}, {transform_indices = @transform_5, window_bounds = array<i64: 2000, 128>}]} {
    %get3A = arith.constant 0 : index
    %get3A_0 = arith.constant 0 : index
    %get3A_1 = arith.constant 0 : index
    %get3A_2 = vector.load %arg1[%get3A, %get3A_0, %get3A_1] : memref<1x2000x128xf32, #tpu.memory_space<vmem>>, vector<1x2000x128xf32>
    %get3A_3 = vector.shape_cast %get3A_2 : vector<1x2000x128xf32> to vector<2000x128xf32>
    %get3A_4 = arith.constant 0 : index
    %get3A_5 = arith.constant 0 : index
    %get3A_6 = arith.constant 0 : index
    %get3A_7 = vector.load %arg2[%get3A_4, %get3A_5, %get3A_6] : memref<1x2000x128xf32, #tpu.memory_space<vmem>>, vector<1x2000x128xf32>
    %get3A_8 = vector.shape_cast %get3A_7 : vector<1x2000x128xf32> to vector<2000x128xf32>
    %add3A = arith.addf %get3A_3, %get3A_8 : vector<2000x128xf32>
    %get3A_9 = arith.constant 0 : index
    %get3A_10 = arith.constant 0 : index
    %get3A_11 = vector.load %arg4[%get3A_9, %get3A_10] : memref<128x128xf32, #tpu.memory_space<vmem>>, vector<128x128xf32>
    %dot_general3A = arith.constant dense<0.000000e+00> : vector<2000x128xf32>
    %dot_general3A_12 = tpu.matmul %add3A, %get3A_11, %dot_general3A {dimension_numbers = #tpu.dot_dimension_numbers<[1], [0], [0], [1], [0, 0, 1, 1], [], []>, transpose_lhs_hint = false} : vector<2000x128xf32>, vector<128x128xf32>, vector<2000x128xf32> -> vector<2000x128xf32>
    %get3A_13 = arith.constant 0 : index
    %get3A_14 = arith.constant 0 : index
    %get3A_15 = vector.load %arg3[%get3A_13, %get3A_14] : memref<1x128xf32, #tpu.memory_space<vmem>>, vector<1x128xf32>
    %add3A_16 = vector.broadcast %get3A_15 : vector<1x128xf32> to vector<2000x128xf32>
    %add3A_17 = arith.addf %dot_general3A_12, %add3A_16 : vector<2000x128xf32>
    %max3A = arith.constant 0.000000e+00 : f32
    %max3A_18 = vector.broadcast %max3A : f32 to vector<2000x128xf32>
    %max3A_19 = arith.maximumf %add3A_17, %max3A_18 : vector<2000x128xf32>
    %get3A_20 = arith.constant 0 : index
    %get3A_21 = arith.constant 0 : index
    %get3A_22 = vector.load %arg5[%get3A_20, %get3A_21] : memref<128x128xf32, #tpu.memory_space<vmem>>, vector<128x128xf32>
    %dot_general3A_23 = arith.constant dense<0.000000e+00> : vector<2000x128xf32>
    %dot_general3A_24 = tpu.matmul %max3A_19, %get3A_22, %dot_general3A_23 {dimension_numbers = #tpu.dot_dimension_numbers<[1], [0], [0], [1], [0, 0, 1, 1], [], []>, transpose_lhs_hint = false} : vector<2000x128xf32>, vector<128x128xf32>, vector<2000x128xf32> -> vector<2000x128xf32>
    %swap3A = arith.constant 0 : index
    %swap3A_25 = arith.constant 0 : index
    %swap3A_26 = vector.load %arg6[%swap3A, %swap3A_25] : memref<2000x128xf32, #tpu.memory_space<vmem>>, vector<2000x128xf32>
    tpu.vector_store %arg6[%swap3A, %swap3A_25], %dot_general3A_24 {strides = array<i32>} : memref<2000x128xf32, #tpu.memory_space<vmem>>, vector<2000x128xf32>,
    return
  }
  func.func @transform_0(%arg0: i32) -> (i32, i32, i32) {
    %c0_i32 = arith.constant 0 : i32
    %c0_i32_0 = arith.constant 0 : i32
    %c0_i32_1 = arith.constant 0 : i32
    return %c0_i32, %arg0, %c0_i32_0 : i32, i32, i32
  }
  func.func @transform_1(%arg0: i32) -> (i32, i32, i32) {
    %c1_i32 = arith.constant 1 : i32
    %c0_i32 = arith.constant 0 : i32
    %c0_i32_0 = arith.constant 0 : i32
    return %c1_i32, %arg0, %c0_i32 : i32, i32, i32
  }
  func.func @transform_2(%arg0: i32) -> (i32, i32) {
    %c0_i32 = arith.constant 0 : i32
    %c0_i32_0 = arith.constant 0 : i32
    %c0_i32_1 = arith.constant 0 : i32
    return %c0_i32, %c0_i32_0 : i32, i32
  }
  func.func @transform_3(%arg0: i32) -> (i32, i32) {
    %c0_i32 = arith.constant 0 : i32
    %c0_i32_0 = arith.constant 0 : i32
    %c0_i32_1 = arith.constant 0 : i32
    return %c0_i32, %c0_i32_0 : i32, i32
  }
  func.func @transform_4(%arg0: i32) -> (i32, i32) {
    %c0_i32 = arith.constant 0 : i32
    %c0_i32_0 = arith.constant 0 : i32
    %c0_i32_1 = arith.constant 0 : i32
    return %c0_i32, %c0_i32_0 : i32, i32
  }
  func.func @transform_5(%arg0: i32) -> (i32, i32) {
    %c0_i32 = arith.constant 0 : i32
    %c0_i32_0 = arith.constant 0 : i32
    return %arg0, %c0_i32 : i32, i32
  }
}

module attributes {stable_mosaic.version = 14 : i64} {
  func.func @_post_body(%arg0: i32, %arg1: memref<1x2000x128xf32, #tpu.memory_space<vmem>>, %arg2: memref<1x2000x128xf32, #tpu.memory_space<vmem>>, %arg3: memref<1x1x2000xi32, #tpu.memory_space<vmem>>, %arg4: memref<1x128xf32, #tpu.memory_space<vmem>>, %arg5: memref<128x128xf32, #tpu.memory_space<vmem>>, %arg6: memref<1x128xf32, #tpu.memory_space<vmem>>, %arg7: memref<128x16xf32, #tpu.memory_space<vmem>>, %arg8: memref<1x16xf32, #tpu.memory_space<vmem>>, %arg9: memref<64x16xf32, #tpu.memory_space<vmem>>, %arg10: memref<64x128xf32, #tpu.memory_space<vmem>>) attributes {dimension_semantics = [#tpu.dimension_semantics<arbitrary>], iteration_bounds = array<i64: 5>, scalar_prefetch = 0 : i64, scratch_operands = 1 : i64, tpu.core_type = #tpu.core_type<tc>, window_params = [{transform_indices = @transform_0, window_bounds = array<i64: 1, 2000, 128>}, {transform_indices = @transform_1, window_bounds = array<i64: 1, 2000, 128>}, {transform_indices = @transform_2, window_bounds = array<i64: 1, 1, 2000>}, {pipeline_mode = #tpu.pipeline_mode<synchronous>, transform_indices = @transform_3, window_bounds = array<i64: 1, 128>}, {pipeline_mode = #tpu.pipeline_mode<synchronous>, transform_indices = @transform_4, window_bounds = array<i64: 128, 128>}, {pipeline_mode = #tpu.pipeline_mode<synchronous>, transform_indices = @transform_5, window_bounds = array<i64: 1, 128>}, {pipeline_mode = #tpu.pipeline_mode<synchronous>, transform_indices = @transform_6, window_bounds = array<i64: 128, 16>}, {pipeline_mode = #tpu.pipeline_mode<synchronous>, transform_indices = @transform_7, window_bounds = array<i64: 1, 16>}, {pipeline_mode = #tpu.pipeline_mode<synchronous>, transform_indices = @transform_8, window_bounds = array<i64: 64, 16>}]} {
    %get3A = arith.constant 0 : index
    %get3A_0 = arith.constant 0 : index
    %get3A_1 = arith.constant 0 : index
    %get3A_2 = vector.load %arg1[%get3A, %get3A_0, %get3A_1] : memref<1x2000x128xf32, #tpu.memory_space<vmem>>, vector<1x2000x128xf32>
    %get3A_3 = vector.shape_cast %get3A_2 : vector<1x2000x128xf32> to vector<2000x128xf32>
    %get3A_4 = arith.constant 0 : index
    %get3A_5 = arith.constant 0 : index
    %get3A_6 = arith.constant 0 : index
    %get3A_7 = vector.load %arg2[%get3A_4, %get3A_5, %get3A_6] : memref<1x2000x128xf32, #tpu.memory_space<vmem>>, vector<1x2000x128xf32>
    %get3A_8 = vector.shape_cast %get3A_7 : vector<1x2000x128xf32> to vector<2000x128xf32>
    %add3A = arith.addf %get3A_3, %get3A_8 : vector<2000x128xf32>
    %get3A_9 = arith.constant 0 : index
    %get3A_10 = arith.constant 0 : index
    %get3A_11 = vector.load %arg4[%get3A_9, %get3A_10] : memref<1x128xf32, #tpu.memory_space<vmem>>, vector<1x128xf32>
    %add3A_12 = vector.broadcast %get3A_11 : vector<1x128xf32> to vector<2000x128xf32>
    %add3A_13 = arith.addf %add3A, %add3A_12 : vector<2000x128xf32>
    %get3A_14 = arith.constant 0 : index
    %get3A_15 = arith.constant 0 : index
    %get3A_16 = arith.constant 0 : index
    %get3A_17 = vector.load %arg3[%get3A_14, %get3A_15, %get3A_16] : memref<1x1x2000xi32, #tpu.memory_space<vmem>>, vector<1x1x2000xi32>
    %get3A_18 = vector.shape_cast %get3A_17 : vector<1x1x2000xi32> to vector<1x2000xi32>
    %iota3A = tpu.iota {dimensions = array<i32: 0>} : vector<64x2000xi32>
    %eq3A = vector.broadcast %get3A_18 : vector<1x2000xi32> to vector<64x2000xi32>
    %eq3A_19 = arith.cmpi eq, %iota3A, %eq3A : vector<64x2000xi32>
    %convert_element_type3A = arith.extui %eq3A_19 : vector<64x2000xi1> to vector<64x2000xi32>
    %convert_element_type3A_20 = arith.sitofp %convert_element_type3A : vector<64x2000xi32> to vector<64x2000xf32>
    %dot_general3A = arith.constant dense<0.000000e+00> : vector<64x128xf32>
    %dot_general3A_21 = tpu.matmul %convert_element_type3A_20, %add3A_13, %dot_general3A {dimension_numbers = #tpu.dot_dimension_numbers<[1], [0], [0], [1], [0, 0, 1, 1], [], []>, transpose_lhs_hint = false} : vector<64x2000xf32>, vector<2000x128xf32>, vector<64x128xf32> -> vector<64x128xf32>
    %eq3A_22 = arith.constant 0 : i32
    %eq3A_23 = arith.cmpi eq, %arg0, %eq3A_22 : i32
    %convert_element_type3A_24 = arith.extui %eq3A_23 : i1 to i32
    %cond3A = arith.constant 0 : i32
    %cond3A_25 = arith.cmpi ne, %convert_element_type3A_24, %cond3A : i32
    scf.if %cond3A_25 {
      %broadcast_in_dim3A = arith.constant 0.000000e+00 : f32
      %broadcast_in_dim3A_37 = vector.broadcast %broadcast_in_dim3A : f32 to vector<64x128xf32>
      %swap3A_38 = arith.constant 0 : index
      %swap3A_39 = arith.constant 0 : index
      %swap3A_40 = vector.load %arg10[%swap3A_38, %swap3A_39] : memref<64x128xf32, #tpu.memory_space<vmem>>, vector<64x128xf32>
      tpu.vector_store %arg10[%swap3A_38, %swap3A_39], %broadcast_in_dim3A_37 {strides = array<i32>} : memref<64x128xf32, #tpu.memory_space<vmem>>, vector<64x128xf32>,
    } else {
    }
    %get3A_26 = arith.constant 0 : index
    %get3A_27 = arith.constant 0 : index
    %get3A_28 = vector.load %arg10[%get3A_26, %get3A_27] : memref<64x128xf32, #tpu.memory_space<vmem>>, vector<64x128xf32>
    %add3A_29 = arith.addf %get3A_28, %dot_general3A_21 : vector<64x128xf32>
    %swap3A = arith.constant 0 : index
    %swap3A_30 = arith.constant 0 : index
    %swap3A_31 = vector.load %arg10[%swap3A, %swap3A_30] : memref<64x128xf32, #tpu.memory_space<vmem>>, vector<64x128xf32>
    tpu.vector_store %arg10[%swap3A, %swap3A_30], %add3A_29 {strides = array<i32>} : memref<64x128xf32, #tpu.memory_space<vmem>>, vector<64x128xf32>,
    %eq3A_32 = arith.constant 4 : i32
    %eq3A_33 = arith.cmpi eq, %arg0, %eq3A_32 : i32
    %convert_element_type3A_34 = arith.extui %eq3A_33 : i1 to i32
    %cond3A_35 = arith.constant 0 : i32
    %cond3A_36 = arith.cmpi ne, %convert_element_type3A_34, %cond3A_35 : i32
    scf.if %cond3A_36 {
      %get3A_37 = arith.constant 0 : index
      %get3A_38 = arith.constant 0 : index
      %get3A_39 = vector.load %arg10[%get3A_37, %get3A_38] : memref<64x128xf32, #tpu.memory_space<vmem>>, vector<64x128xf32>
      %get3A_40 = arith.constant 0 : index
      %get3A_41 = arith.constant 0 : index
      %get3A_42 = vector.load %arg5[%get3A_40, %get3A_41] : memref<128x128xf32, #tpu.memory_space<vmem>>, vector<128x128xf32>
      %dot_general3A_43 = arith.constant dense<0.000000e+00> : vector<64x128xf32>
      %dot_general3A_44 = tpu.matmul %get3A_39, %get3A_42, %dot_general3A_43 {dimension_numbers = #tpu.dot_dimension_numbers<[1], [0], [0], [1], [0, 0, 1, 1], [], []>, transpose_lhs_hint = false} : vector<64x128xf32>, vector<128x128xf32>, vector<64x128xf32> -> vector<64x128xf32>
      %get3A_45 = arith.constant 0 : index
      %get3A_46 = arith.constant 0 : index
      %get3A_47 = vector.load %arg6[%get3A_45, %get3A_46] : memref<1x128xf32, #tpu.memory_space<vmem>>, vector<1x128xf32>
      %add3A_48 = vector.broadcast %get3A_47 : vector<1x128xf32> to vector<64x128xf32>
      %add3A_49 = arith.addf %dot_general3A_44, %add3A_48 : vector<64x128xf32>
      %max3A = arith.constant 0.000000e+00 : f32
      %max3A_50 = vector.broadcast %max3A : f32 to vector<64x128xf32>
      %max3A_51 = arith.maximumf %add3A_49, %max3A_50 : vector<64x128xf32>
      %get3A_52 = arith.constant 0 : index
      %get3A_53 = arith.constant 0 : index
      %get3A_54 = vector.load %arg7[%get3A_52, %get3A_53] : memref<128x16xf32, #tpu.memory_space<vmem>>, vector<128x16xf32>
      %dot_general3A_55 = arith.constant dense<0.000000e+00> : vector<64x16xf32>
      %dot_general3A_56 = tpu.matmul %max3A_51, %get3A_54, %dot_general3A_55 {dimension_numbers = #tpu.dot_dimension_numbers<[1], [0], [0], [1], [0, 0, 1, 1], [], []>, transpose_lhs_hint = false} : vector<64x128xf32>, vector<128x16xf32>, vector<64x16xf32> -> vector<64x16xf32>
      %get3A_57 = arith.constant 0 : index
      %get3A_58 = arith.constant 0 : index
      %get3A_59 = vector.load %arg8[%get3A_57, %get3A_58] : memref<1x16xf32, #tpu.memory_space<vmem>>, vector<1x16xf32>
      %add3A_60 = vector.broadcast %get3A_59 : vector<1x16xf32> to vector<64x16xf32>
      %add3A_61 = arith.addf %dot_general3A_56, %add3A_60 : vector<64x16xf32>
      %reduce_max3A = arith.constant dense<0xFF800000> : vector<64xf32>
      %reduce_max3A_62 = vector.multi_reduction <maximumf>, %add3A_61, %reduce_max3A [1] : vector<64x16xf32> to vector<64xf32>
      %broadcast_in_dim3A = vector.shape_cast %reduce_max3A_62 : vector<64xf32> to vector<64x1xf32>
      %sub3A = vector.broadcast %broadcast_in_dim3A : vector<64x1xf32> to vector<64x16xf32>
      %sub3A_63 = arith.subf %add3A_61, %sub3A : vector<64x16xf32>
      %exp3A = math.exp %sub3A_63 : vector<64x16xf32>
      %reduce_sum3A = arith.constant dense<0.000000e+00> : vector<64xf32>
      %reduce_sum3A_64 = vector.multi_reduction <add>, %exp3A, %reduce_sum3A [1] : vector<64x16xf32> to vector<64xf32>
      %broadcast_in_dim3A_65 = vector.shape_cast %reduce_sum3A_64 : vector<64xf32> to vector<64x1xf32>
      %log3A = math.log %broadcast_in_dim3A_65 : vector<64x1xf32>
      %add3A_66 = arith.addf %log3A, %broadcast_in_dim3A : vector<64x1xf32>
      %sub3A_67 = vector.broadcast %add3A_66 : vector<64x1xf32> to vector<64x16xf32>
      %sub3A_68 = arith.subf %add3A_61, %sub3A_67 : vector<64x16xf32>
      %swap3A_69 = arith.constant 0 : index
      %swap3A_70 = arith.constant 0 : index
      %swap3A_71 = vector.load %arg9[%swap3A_69, %swap3A_70] : memref<64x16xf32, #tpu.memory_space<vmem>>, vector<64x16xf32>
      tpu.vector_store %arg9[%swap3A_69, %swap3A_70], %sub3A_68 {strides = array<i32>} : memref<64x16xf32, #tpu.memory_space<vmem>>, vector<64x16xf32>,
    } else {
    }
    return
  }
  func.func @transform_0(%arg0: i32) -> (i32, i32, i32) {
    %c0_i32 = arith.constant 0 : i32
    %c0_i32_0 = arith.constant 0 : i32
    %c0_i32_1 = arith.constant 0 : i32
    return %c0_i32, %arg0, %c0_i32_0 : i32, i32, i32
  }
  func.func @transform_1(%arg0: i32) -> (i32, i32, i32) {
    %c1_i32 = arith.constant 1 : i32
    %c0_i32 = arith.constant 0 : i32
    %c0_i32_0 = arith.constant 0 : i32
    return %c1_i32, %arg0, %c0_i32 : i32, i32, i32
  }
  func.func @transform_2(%arg0: i32) -> (i32, i32, i32) {
    %c0_i32 = arith.constant 0 : i32
    %c0_i32_0 = arith.constant 0 : i32
    %c0_i32_1 = arith.constant 0 : i32
    return %arg0, %c0_i32, %c0_i32_0 : i32, i32, i32
  }
  func.func @transform_3(%arg0: i32) -> (i32, i32) {
    %c0_i32 = arith.constant 0 : i32
    %c0_i32_0 = arith.constant 0 : i32
    %c0_i32_1 = arith.constant 0 : i32
    return %c0_i32, %c0_i32_0 : i32, i32
  }
  func.func @transform_4(%arg0: i32) -> (i32, i32) {
    %c0_i32 = arith.constant 0 : i32
    %c0_i32_0 = arith.constant 0 : i32
    %c0_i32_1 = arith.constant 0 : i32
    return %c0_i32, %c0_i32_0 : i32, i32
  }
  func.func @transform_5(%arg0: i32) -> (i32, i32) {
    %c0_i32 = arith.constant 0 : i32
    %c0_i32_0 = arith.constant 0 : i32
    %c0_i32_1 = arith.constant 0 : i32
    return %c0_i32, %c0_i32_0 : i32, i32
  }
  func.func @transform_6(%arg0: i32) -> (i32, i32) {
    %c0_i32 = arith.constant 0 : i32
    %c0_i32_0 = arith.constant 0 : i32
    %c0_i32_1 = arith.constant 0 : i32
    return %c0_i32, %c0_i32_0 : i32, i32
  }
  func.func @transform_7(%arg0: i32) -> (i32, i32) {
    %c0_i32 = arith.constant 0 : i32
    %c0_i32_0 = arith.constant 0 : i32
    %c0_i32_1 = arith.constant 0 : i32
    return %c0_i32, %c0_i32_0 : i32, i32
  }
  func.func @transform_8(%arg0: i32) -> (i32, i32) {
    %c0_i32 = arith.constant 0 : i32
    %c0_i32_0 = arith.constant 0 : i32
    %c0_i32_1 = arith.constant 0 : i32
    return %c0_i32, %c0_i32_0 : i32, i32
  }
}

</mosaic_0001>

<sc_bundles>
// kernel: kernel.6.cloned.1.call-start
scs
__scs_entry_jumppad:
0x0: {  	(pc) =	sbr.rel $0x88, $3  }
0x1: {  	(tag) =	ssettag $0x0;
	lr =	simm.s32 $0x1  }
0x2: {  	[smem:$0x3F96] =	sst lr;
	_ =	strace $0xD0000000  }
0x3: {  	_ = 	snop  }
0x4: {  	_ = 	snop  }
0x5: {  	_ = 	snop  }
0x6: {  	_ = 	snop  }
0x7: {  	_ = 	snop  }
__scs_overlays_trampoline_lowered:
0x8: {  	[smem:$0x3FA5] =	sst s0  }
0x9: {  	[smem:$0x3FA6] =	sst s1  }
0xa: {  	[smem:$0x3FA7] =	sst s2  }
0xb: {  	[smem:$0x3FA8] =	sst s3  }
0xc: {  	[smem:$0x3FA9] =	sst s4  }
0xd: {  	[smem:$0x3FAA] =	sst s5  }
0xe: {  	[smem:$0x3FAB] =	sst s6  }
0xf: {  	[smem:$0x3FAC] =	sst s7  }
0x10: {  	[smem:$0x3FAD] =	sst s8  }
0x11: {  	[smem:$0x3FAE] =	sst s9;
	s0 =	simm.s32 @!p0 $0x0  }
0x12: {  	s1 =	sld [smem:$0x3F94];
	s0 =	simm.s32 @p0 $0x1  }
0x13: {  	[smem:$0x3FAF] =	sst s0;
	s0 =	simm.s32 @!p1 $0x0  }
0x14: {  	s2 =	sld [smem:$0x3F93];
	s0 =	simm.s32 @p1 $0x1  }
0x15: {  	[smem:$0x3FB0] =	sst s0;
	s0 =	simm.s32 @!p2 $0x0  }
0x16: {  	s3 =	sld [smem:$0x3FDB];
	s0 =	simm.s32 @p2 $0x1  }
0x17: {  	s4 =	simm.s32 $0x1BF5;
	[smem:$0x3FB2] =	sst s0  }
0x18: {  	s0 =	sld [smem:$0x3F95];
	_ =	swait.ge [sflag:s4], $0x0  }
0x19: {  	s7 =	sld [smem:$0x3F96]  }
0x1a: {  	s8 =	sadd.s32 $0xFFFFE003, lr  }
0x1b: {  	s9 =	sadd.s32 $0xFFFFFEF7, lr;
	s5 =	simm.s32 $0xFFFFFFFF;
	p2 =	slt.u32 s8, $0xFFFFF086  }
0x1c: {  	p1 =	slt.u32 s9, $0xF7A;
	s5 =	simm.s32 @!p2 $0x0  }
0x1d: {  	s5 =	simm.s32 @p1 $0x1;
	p0 =	seq.s32 s7, s2  }
0x1e: {  	s7 =	smul.u32 @!p0 $0xF7A, s2;
	p2 =	seq.s32 @!p0 s5, $0x0  }
0x1f: {  	s9 =	smul.u32 $0xF7A, s1;
	s8 =	simm.s32 @!p0 $0x1BF5;
	p2 =	por !p2, p0  }
0x20: {  	[sflag:s8] =	ssyncset.s32 @!p0 $0xFFFFF086;
	s6 =	sadd.s32 @!p0 s3, s7;
	s7 =	simm.s32 @!p0 $0x108  }
0x21: {  	s3 =	sadd.s32 s3, s9;
	s6 =	sadd.s32 @!p0 $0x88, s6;
	s7 =	simm.s32 @p2 $0x1082  }
0x22: {  	[simem:s7], [sflag:s8] =	dma.local @!p0 [hbm:s6], $0xF7A  }
0x23: {  	s9 =	sor.u32 $0xD0000000, s2;
	s6 =	simm.s32 $0x108;
	_ =	swait.ge @!p0 [sflag:s8], $0x0  }
0x24: {  	s3 =	sadd.s32 $0x88, s3;
	s6 =	simm.s32 @!p1 $0x1082;
	[sflag:s4] =	ssyncset.s32 $0xFFFFF086  }
0x25: {  	[simem:s6], [sflag:s4] =	dma.local [hbm:s3], $0xF7A  }
0x26: {  	[smem:$0x3F96] =	sst s1;
	(tag) =	ssettag s2;
	_ =	strace s9  }
0x27: {  	s1 =	sld [smem:$0x3FA6]  }
0x28: {  	s2 =	sld [smem:$0x3FA7]  }
0x29: {  	s4 =	sld [smem:$0x3FA9]  }
0x2a: {  	p0 =	seq.s32 s5, $0x0;
	s5 =	sld [smem:$0x3FAA]  }
0x2b: {  	s6 =	sld [smem:$0x3FAB]  }
0x2c: {  	s7 =	sld [smem:$0x3FAC]  }
0x2d: {  	s3 =	simm.s32 $0x108;
	s8 =	sld [smem:$0x3FAD]  }
0x2e: {  	s3 =	simm.s32 @!p0 $0x1082;
	s9 =	sld [smem:$0x3FAE]  }
0x2f: {  	lr =	sadd.s32 s0, s3;
	s0 =	sld [smem:$0x3FA5]  }
0x30: {  	s3 =	sld [smem:$0x3FA8]  }
0x31: {  	[smem:$0x3FB1] =	sst s10  }
0x32: {  	s10 =	sld [smem:$0x3FAF];
	_ =	sdelay $0x3  }
0x33: {  	p0 =	seq.s32 s10, $0x1;
	s10 =	sld [smem:$0x3FB1];
	_ =	sdelay $0x3  }
0x34: {  	[smem:$0x3FB1] =	sst s10  }
0x35: {  	s10 =	sld [smem:$0x3FB0];
	_ =	sdelay $0x3  }
0x36: {  	p1 =	seq.s32 s10, $0x1;
	s10 =	sld [smem:$0x3FB1];
	_ =	sdelay $0x3  }
0x37: {  	[smem:$0x3FB1] =	sst s10  }
0x38: {  	s10 =	sld [smem:$0x3FB2]  }
0x39: {  	_ = 	snop;
	(pc) =	sbr.ind lr, $3  }
0x3a: {  	_ = 	snop  }
0x3b: {  	_ = 	snop  }
0x3c: {  	p2 =	seq.s32 s10, $0x1;
	s10 =	sld [smem:$0x3FB1]  }
0x3d: {  	_ =	shalt  }
0x3e: {  	_ =	shalt  }
0x3f: {  	_ =	shalt  }
0x40: {  	_ =	shalt  }
0x41: {  	_ =	shalt  }
0x42: {  	_ =	shalt  }
0x43: {  	_ =	shalt  }
0x44: {  	_ =	shalt  }
0x45: {  	_ =	shalt  }
0x46: {  	_ =	shalt  }
0x47: {  	_ =	shalt  }
0x48: {  	_ =	shalt  }
0x49: {  	_ =	shalt  }
0x4a: {  	_ =	shalt  }
0x4b: {  	_ =	shalt  }
0x4c: {  	_ =	shalt  }
0x4d: {  	_ =	shalt  }
0x4e: {  	_ =	shalt  }
0x4f: {  	_ =	shalt  }
0x50: {  	_ =	shalt  }
0x51: {  	_ =	shalt  }
0x52: {  	_ =	shalt  }
0x53: {  	_ =	shalt  }
0x54: {  	_ =	shalt  }
0x55: {  	_ =	shalt  }
0x56: {  	_ =	shalt  }
0x57: {  	_ =	shalt  }
0x58: {  	_ =	shalt  }
0x59: {  	_ =	shalt  }
0x5a: {  	_ =	shalt  }
0x5b: {  	_ =	shalt  }
0x5c: {  	_ =	shalt  }
0x5d: {  	_ =	shalt  }
0x5e: {  	_ =	shalt  }
0x5f: {  	_ =	shalt  }
0x60: {  	_ =	shalt  }
0x61: {  	_ =	shalt  }
0x62: {  	_ =	shalt  }
0x63: {  	_ =	shalt  }
0x64: {  	_ =	shalt  }
0x65: {  	_ =	shalt  }
0x66: {  	_ =	shalt  }
0x67: {  	_ =	shalt  }
0x68: {  	_ =	shalt  }
0x69: {  	_ =	shalt  }
0x6a: {  	_ =	shalt  }
0x6b: {  	_ =	shalt  }
0x6c: {  	_ =	shalt  }
0x6d: {  	_ =	shalt  }
0x6e: {  	_ =	shalt  }
0x6f: {  	_ =	shalt  }
0x70: {  	_ =	shalt  }
0x71: {  	_ =	shalt  }
0x72: {  	_ =	shalt  }
0x73: {  	_ =	shalt  }
0x74: {  	_ =	shalt  }
0x75: {  	_ =	shalt  }
0x76: {  	_ =	shalt  }
0x77: {  	_ =	shalt  }
0x78: {  	_ =	shalt  }
0x79: {  	_ =	shalt  }
0x7a: {  	_ =	shalt  }
0x7b: {  	_ =	shalt  }
0x7c: {  	_ =	shalt  }
0x7d: {  	_ =	shalt  }
0x7e: {  	_ =	shalt  }
0x7f: {  	_ =	shalt  }
0x80: {  	_ =	shalt  }
0x81: {  	_ =	shalt  }
0x82: {  	_ =	shalt  }
0x83: {  	_ =	shalt  }
0x84: {  	_ =	shalt  }
0x85: {  	_ =	shalt  }
0x86: {  	_ =	shalt  }
0x87: {  	_ =	shalt  }
.Lfunc_end0:
.L_simem_size_0:
called_computation_lowered:
.L_overlay_start_0:
0x88: {  	s2 =	sld [smem:$0x3FD9]  }
0x89: {  	s3 =	sld [smem:$0x3FFE];
	_ =	sdelay $0x1  }
0x8a: {  	s1 =	srdreg.scid  }
0x8b: {  	s0 =	sand.u32 $0x1, s1  }
0x8c: {  	s17 =	sshll.u32 s0, $0xA;
	s2 =	sadd.s32 s3, s2  }
0x8d: {  	s2 =	sadd.s32 s2, s17  }
0x8e: {  	[smem:$0x3FBD] =	sst s2  }
0x8f: {  	_ = 	snop  }
0x90: {  	s2 =	sld [smem:$0x3FC9];
	(tm) =	ssettm $0x1  }
0x91: {  	s18 =	sld [smem:$0x3FFB];
	_ =	sdelay $0x3  }
0x92: {  	_ =	strace s18  }
0x93: {  	s3 =	sld [smem:$0x3FFC];
	_ =	sdelay $0x3  }
0x94: {  	_ =	strace s3  }
0x95: {  	s3 =	sld [smem:$0x3FFD];
	_ =	sdelay $0x3  }
0x96: {  	_ =	strace s3  }
0x97: {  	_ =	strace $0x8FFFFFFF  }
0x98: {  	s19 =	sld [smem:$0x3FDB];
	_ =	sdelay $0x1  }
0x99: {  	s4 =	simm.s32 $_scs_section_size  }
0x9a: {  	s5 =	simm.s32 $_size__tile_overlayer_lowered;
	s6 =	simm.s32 $_tile_overlayer_lowered  }
0x9b: {  	s22 =	simm.s32 $0x1BFF;
	s21 =	sshll.u32 s6, $0x1;
	s3 =	sadd.s32 s4, s19  }
0x9c: {  	s7 =	simm.s32 $0x0;
	s20 =	sshll.u32 s5, $0x1;
	s5 =	sadd.s32 s21, s3  }
0x9d: {  	[timem:s7], [sflag:s22] =	dma.local [hbm:s5], s20  }
0x9e: {  	_ =	swait.ge [sflag:s22], s20  }
0x9f: {  	s4 =	ssub.s32 $0x0, s20;
	[sflag:s22] =	ssyncset.done $0x0  }
0xa0: {  	[sflag:s22] =	ssyncadd.s32 s4;
	_ =	sdelay $0x1  }
0xa1: {  	s23 =	simm.s32 $0x1B8B  }
0xa2: {  	_ =	swait.ge [sflag:s23], $0x1  }
0xa3: {  	[sflag:s23] =	ssyncset.done $0x0  }
0xa4: {  	s25 =	simm.s32 $0x1B8E;
	s24 =	sld [smem:$0x3FFE];
	[sflag:s23] =	ssyncadd.s32 $0xFFFFFFFF  }
0xa5: {  	s26 =	simm.s32 $execute0_lowered;
	[smem:$0x3FD2] =	sst s25  }
0xa6: {  	s5 =	sshll.u32 s26, $0x1;
	_ =	strace $0x80000046;
	[dreg:$0x1] =	wrdreg $0xFFFFFFFF  }
0xa7: {  	s28 =	simm.s32 $_size_execute0_lowered;
	s3 =	sadd.s32 s3, s5;
	[dreg:$0x0] =	wrdreg $0x0  }
0xa8: {  	s5 =	sshll.u32 s28, $0x1;
	[dreg:$0x2] =	wrdreg s3  }
0xa9: {  	[dreg:$0x3] =	wrdreg s5  }
0xaa: {  	[dreg:$0x4] =	wrdreg $0xC0  }
0xab: {  	_ =	task [dreg:s7], $0x5FFFF  }
0xac: {  	[dreg:$0x1] =	wrdreg $0xFFFFFFFF  }
0xad: {  	[dreg:$0x0] =	wrdreg $0x60  }
0xae: {  	[dreg:$0x2] =	wrdreg s2  }
0xaf: {  	[dreg:$0x3] =	wrdreg s24  }
0xb0: {  	[dreg:$0x4] =	wrdreg $0xC0000  }
0xb1: {  	[dreg:$0x5] =	wrdreg $0x9  }
0xb2: {  	_ =	task.clear_ibuf [dreg:s7], $0x6FFFF;
	_ =	strace $0x90000046  }
0xb3: {  	s29 =	simm.s32 $0x9;
	_ =	strace $0x80000048  }
0xb4: {  	_ =	swait.ge [sflag:s29], $0x1  }
0xb5: {  	[sflag:s29] =	ssyncadd.s32 $0xFFFFFFFF  }
0xb6: {  	_ =	strace $0x90000048  }
0xb7: {  	_ =	sfence  }
0xb8: {  	s30 =	sld [smem:$0x0];
	_ =	sdelay $0x2  }
0xb9: {  	s31 =	sshll.u32 s1, $0xD;
	s1 =	sshrl.u32 s1, $0x2  }
0xba: {  	s3 =	sand.u32 $0x4000, s31;
	s1 =	sadd.s32 s1, s30  }
0xbb: {  	s0 =	sor.u32 s3, s0;
	s1 =	sshll.u32 s1, $0x11  }
0xbc: {  	s0 =	sor.u32 s1, s0  }
0xbd: {  	s0 =	sadd.s32 $0x8F2B, s0  }
0xbe: {  	[sflag:s0] =	ssyncadd.remote.s32 $0x1  }
0xbf: {  	_ =	sfence.sel $0xFFFF  }
0xc0: {  	[dreg:$0x0] =	wrdreg $0xFFFFFFFF;
	(pc) =	sbr.abs _section_cstart, $3  }
0xc1: {  	[dreg:$0x1] =	wrdreg $0xFFFFFFFF  }
0xc2: {  	_ =	task.clear_ibuf [dreg:s7], $0x2FFFF;
	_ =	strace $0x9FFFFFFF  }
0xc3: {  	(tm) =	ssettm $0x7FFFFFFF  }
tec
execute0_lowered:
.L_overlay_start_1:
0x0: {  	(tag) =	ssettag $0x1  }
0x1: {  	s0 =	rddreg [dreg:$0x0]  }
0x2: {  	s1 =	rddreg [dreg:$0x1]  }
0x3: {  	s2 =	srdreg.scid;
	s3 =	rddreg [dreg:$0x2]  }
0x4: {  	s14 =	stileid.u32;
	s4 =	simm.s32 $0x0;
	s29 =	simm.s32 $0x60  }
0x5: {  	s30 =	simm.s32 $0x3000;
	s31 =	simm.s32 $0x9000;
	s7 =	smul.u32 $0x13C00, s14  }
0x6: {  	s28 =	simm.s32 $0x2;
	s2 =	sand.u32 $0x1, s2;
	s9 =	smul.u32 $0x4F000, s14  }
0x7: {  	[smem:$0x7FF] =	sst s4;
	s5 =	sadd.s32 $0x10800, s1;
	s12 =	smul.u32 $0x2780, s14  }
0x8: {  	s23 =	sadd.s32 $0x25080, s0;
	s13 =	sadd.s32 $0x138800, s3;
	s6 =	smul.u32 $0x13C000, s2  }
0x9: {  	_ =	strace $0x80000047;
	s19 =	ssub.s32 $0x2, s2;
	s11 =	sshll.u32 s2, $0x4  }
0xa: {  	[dreg:$0x5] =	wrdreg s23;
	p0 =	sne.s32 s2, $0x0;
	s2 =	simm.s32 $0x4  }
0xb: {  	s10 =	sshrl.u32 s19, $0x1;
	s20 =	sor.u32 s14, s11;
	s9 =	sshrl.u32 s9, $0x2  }
0xc: {  	s21 =	sadd.s32 s0, s12;
	s11 =	sadd.s32 $0x128400, s3;
	p2 =	seq.s32 @!p0 s14, $0xF  }
0xd: {  	s8 =	sadd.s32 s7, s6;
	s6 =	sadd.s32 $0x1800, s1;
	s7 =	sadd.s32 $0x1F800, s1  }
0xe: {  	s16 =	sadd.s32 s9, s3;
	[dreg:$0x4] =	wrdreg s21;
	s22 =	smul.u32 $0x3C00, s20  }
0xf: {  	s24 =	smul.u32 $0x780, s20;
	p1 =	por !p2, p0;
	s8 =	sshrl.u32 s8, $0x3  }
0x10: {  	p2 =	por p2, p0;
	s23 =	smov.u32 s16;
	s1 =	sadd.s32 s8, s1  }
0x11: {  	s8 =	ssub.s32 s19, s10;
	s10 =	smul.u32 $0x5, s20;
	s15 =	sadd.s32 s5, s24  }
0x12: {  	s9 =	sshrl.u32 s22, $0x3;
	s12 =	sadd.s32 s6, s24;
	[dreg:$0x6] =	wrdreg s15  }
0x13: {  	s24 =	simm.s32 $0xA;
	[dreg:$0x7] =	wrdreg s12;
	s1 =	sadd.s32 $0x22000, s1  }
0x14: {  	s9 =	sadd.s32 $0x180, s9;
	s26 =	smax.u32 s8, $0x1;
	[dreg:$0xa] =	wrdreg s1  }
0x15: {  	s25 =	sadd.s32 s5, s9;
	s1 =	sshll.u32 @p0 s14, $0x6;
	[dreg:$0xb] =	wrdreg s26  }
0x16: {  	s12 =	simm.s32 $0x0;
	[dreg:$0x8] =	wrdreg s25;
	s1 =	sor.u32 @p0 $0x1C09, s1  }
0x17: {  	s9 =	sadd.s32 s6, s9;
	[dreg:$0xc] =	wrdreg s1;
	s1 =	sshrl.u32 @p0 s16, $0x3  }
0x18: {  	s15 =	sadd.s32 $0x1, s10;
	[dreg:$0xd] =	wrdreg s1;
	s1 =	sshrl.u32 @!p1 s11, $0x3  }
.Ltmp0:
0x19: {  	[dreg:$0xe] =	wrdreg s1;
	s1 =	sshrl.u32 @!p1 s13, $0x3;
	(pc) =	sbr.rel .LBB2_1-.Ltmp0, $4  }
0x1a: {  	s26 =	simm.s32 $0x1;
	[dreg:$0xf] =	wrdreg s1;
	s1 =	sshll.u32 @!p2 s14, $0x6  }
0x1b: {  	s10 =	simm.s32 $0x5;
	[dreg:$0x9] =	wrdreg s9;
	s1 =	sor.u32 @!p2 $0x1C09, s1  }
0x1c: {  	s9 =	simm.s32 $0x3;
	[dreg:$0x10] =	wrdreg s1;
	s1 =	sshrl.u32 @!p2 s16, $0x3  }
0x1d: {  	s11 =	simm.s32 $0x6;
	[dreg:$0x11] =	wrdreg s1;
	s1 =	simm.s32 $0x6000  }
.LBB2_12:
0x1e: {  	_ =	swait.ge [sflag:s28], $0x3000  }
0x1f: {  	[sflag:s28] =	ssyncset.done $0x0  }
0x20: {  	s8 =	simm.s32 $0x2180;
	[sflag:s28] =	ssyncadd.s32 $0xFFFFD000  }
0x21: {  	[spmem:s3] =	stream.indirect.scatter.add.f32 [tilespmem:s1], [sflag:$0x5], $0x80, s8, s29, $0xb8;
	[tilespmem:$0x1FC00] =	vst v63  }
0x22: {  	_ =	swait.ge [sflag:s2], $0x3000  }
0x23: {  	[sflag:s2] =	ssyncset.done $0x0  }
0x24: {  	[sflag:s2] =	ssyncadd.s32 $0xFFFFD000  }
0x25: {  	_ =	swait.ge [sflag:s9], $0x3000  }
0x26: {  	[sflag:s9] =	ssyncset.done $0x0  }
0x27: {  	s21 =	simm.s32 $0x2200;
	[sflag:s9] =	ssyncadd.s32 $0xFFFFD000  }
0x28: {  	[spmem:s3] =	stream.indirect.scatter.add.f32 [tilespmem:s31], [sflag:$0x6], $0x80, s21, s29, $0xb8;
	[tilespmem:$0x1FC00] =	vst v63  }
0x29: {  	_ =	swait.ge [sflag:s10], $0x3000  }
0x2a: {  	[sflag:s10] =	ssyncset.done $0x0  }
0x2b: {  	[sflag:s10] =	ssyncadd.s32 $0xFFFFD000  }
0x2c: {  	_ =	swait.ge [sflag:s11], $0x3000  }
0x2d: {  	[sflag:s11] =	ssyncset.done $0x0  }
0x2e: {  	s22 =	stileid.u32;
	[sflag:s11] =	ssyncadd.s32 $0xFFFFD000  }
0x2f: {  	s8 =	sshll.u32 s22, $0x6;
	[bflag:$0x0] =	sbarrier.arrive $0xFFFF  }
0x30: {  	s13 =	sshrl.u32 s23, $0x3;
	s8 =	sor.u32 $0x1C0A, s8;
	s14 =	rddreg [dreg:$0xa]  }
0x31: {  	[hbm:s14], [sflag:s8] =	dma.local [spmem:s13], $0x2780  }
0x32: {  	_ =	swait.ge [sflag:s24], $0x2780  }
0x33: {  	s12 =	sadd.s32 $0x1, s12;
	s25 =	rddreg [dreg:$0xb]  }
0x34: {  	p3 =	sne.s32 s12, s25  }
.Ltmp1:
0x35: {  	_ = 	snop;
	(pc) =	sbr.rel @!p3 .LBB2_13-.Ltmp1, $3  }
0x36: {  	_ =	sdelay $0x1  }
0x37: {  	[sflag:s24] =	ssyncset.done $0x0  }
0x38: {  	[sflag:s24] =	ssyncadd.s32 $0xFFFFD880  }
.LBB2_1:
0x39: {  	s8 =	rddreg [dreg:$0xc]  }
0x3a: {  	s13 =	rddreg [dreg:$0xd]  }
0x3b: {  	[spmem:s13], [sflag:s8] =	dma.local @p0 [hbm:s7], $0x2780  }
0x3c: {  	s13 =	rddreg [dreg:$0x5]  }
0x3d: {  	s8 =	simm.s32 @!p1 $0x1FC9;
	s14 =	rddreg [dreg:$0xe]  }
0x3e: {  	[spmem:s14], [sflag:s8] =	dma.local @!p1 [hbm:s13], $0x2080  }
0x3f: {  	s13 =	rddreg [dreg:$0xf]  }
0x40: {  	[spmem:s13], [sflag:s8] =	dma.local @!p1 [hbm:s7], $0x700  }
0x41: {  	s8 =	rddreg [dreg:$0x4]  }
0x42: {  	s13 =	rddreg [dreg:$0x10]  }
0x43: {  	s14 =	rddreg [dreg:$0x11]  }
0x44: {  	[spmem:s14], [sflag:s13] =	dma.local @!p2 [hbm:s8], $0x2780  }
0x45: {  	s8 =	rddreg [dreg:$0x6]  }
0x46: {  	[tilespmem:s4], [sflag:$0xA] =	stream.linear.gather [hbm4b:s8+s4], $0xA80, $0x38;
	[tilespmem:$0x1FC00] =	vst v63  }
0x47: {  	_ =	swait.ge [sflag:s24], $0xA80  }
0x48: {  	[sflag:s24] =	ssyncset.done $0x0  }
0x49: {  	s17 =	simm.s32 $0x1800;
	s16 =	rddreg [dreg:$0x7];
	[sflag:s24] =	ssyncadd.s32 $0xFFFFF580  }
0x4a: {  	[tilespmem:s17], [sflag:$0xA] =	stream.linear.gather [hbm4b:s16+s4], $0xA80, $0x38;
	[tilespmem:$0x1FC00] =	vst v63  }
0x4b: {  	_ =	swait.ge [sflag:s24], $0xA80  }
0x4c: {  	[sflag:s24] =	ssyncset.done $0x0  }
0x4d: {  	s19 =	simm.s32 $0xC00;
	s18 =	rddreg [dreg:$0x8];
	[sflag:s24] =	ssyncadd.s32 $0xFFFFF580  }
0x4e: {  	[tilespmem:s19], [sflag:$0x8] =	stream.linear.gather [hbm4b:s18+s4], $0xA80, $0x38;
	[tilespmem:$0x1FC00] =	vst v63  }
0x4f: {  	s21 =	simm.s32 $0x2400;
	s20 =	rddreg [dreg:$0x9]  }
0x50: {  	[tilespmem:s21], [sflag:$0x8] =	stream.linear.gather [hbm4b:s20+s4], $0xA80, $0x38;
	[tilespmem:$0x1FC00] =	vst v63  }
0x51: {  	_ = 	snop  }
0x52: {  	[tilespmem:s30], [sflag:$0x1] =	stream.indirect.gather [hbm4b:s0+s29], $0x80, s4, s29, $0xb8;
	[tilespmem:$0x1FC00] =	vst v63  }
0x53: {  	s22 =	simm.s32 $0x80;
	s8 =	simm.s32 @p0 $0x9  }
0x54: {  	[tilespmem:s1], [sflag:$0x2] =	stream.indirect.gather [hbm4b:s0+s29], $0x80, s22, s29, $0xb8;
	[tilespmem:$0x1FC00] =	vst v63  }
0x55: {  	_ =	swait.ge @p0 [sflag:s8], $0x2780  }
0x56: {  	[sflag:s8] =	ssyncset.done @p0 $0x0  }
0x57: {  	[sflag:s8] =	ssyncadd.s32 @p0 $0xFFFFD880;
	s8 =	simm.s32 @!p1 $0x9  }
0x58: {  	_ =	swait.ge @!p1 [sflag:s8], $0x2080  }
0x59: {  	[sflag:s8] =	ssyncset.done @!p1 $0x0  }
0x5a: {  	[sflag:s8] =	ssyncadd.s32 @!p1 $0xFFFFDF80  }
0x5b: {  	_ =	swait.ge @!p1 [sflag:s8], $0x700  }
0x5c: {  	[sflag:s8] =	ssyncset.done @!p1 $0x0  }
0x5d: {  	[sflag:s8] =	ssyncadd.s32 @!p1 $0xFFFFF900;
	s8 =	simm.s32 @!p2 $0x9  }
0x5e: {  	_ =	swait.ge @!p2 [sflag:s8], $0x2780  }
0x5f: {  	[sflag:s8] =	ssyncset.done @!p2 $0x0  }
0x60: {  	[sflag:s8] =	ssyncadd.s32 @!p2 $0xFFFFD880  }
0x61: {  	[bflag:$0x0] =	sbarrier.arrive $0xFFFF  }
0x62: {  	_ =	swait.ge [sflag:s26], $0x3000  }
.Ltmp2:
0x63: {  	[sflag:s26] =	ssyncset.done $0x0;
	(pc) =	sbr.rel .LBB2_2-.Ltmp2, $4  }
0x64: {  	[sflag:s26] =	ssyncadd.s32 $0xFFFFD000  }
0x65: {  	[spmem:s3] =	stream.indirect.scatter.add.f32 [tilespmem:s30], [sflag:$0x4], $0x80, s17, s29, $0xb8;
	[tilespmem:$0x1FC00] =	vst v63  }
0x66: {  	s25 =	simm.s32 $0x100;
	s13 =	simm.s32 $0x0  }
0x67: {  	[tilespmem:s31], [sflag:$0x3] =	stream.indirect.gather [hbm4b:s0+s29], $0x80, s25, s29, $0xb8;
	[tilespmem:$0x1FC00] =	vst v63  }
.LBB2_10:
0x68: {  	p3 =	sne.s32 s17, $0x13  }
0x69: {  	s8 =	sxor.u32 @!p3 $0xFFFFFFFF, s16  }
0x6a: {  	s8 =	sand.u32 @!p3 $0x1, s8  }
0x6b: {  	s8 =	sadd.s32 @!p3 $0x7, s8  }
0x6c: {  	_ =	swait.ge @!p3 [sflag:s8], $0xA80  }
0x6d: {  	[sflag:s8] =	ssyncset.done @!p3 $0x0  }
0x6e: {  	[sflag:s8] =	ssyncadd.s32 @!p3 $0xFFFFF580  }
0x6f: {  	_ =	swait.ge @!p3 [sflag:s8], $0xA80  }
0x70: {  	[sflag:s8] =	ssyncset.done @!p3 $0x0  }
0x71: {  	[sflag:s8] =	ssyncadd.s32 @!p3 $0xFFFFF580  }
.LBB2_11:
0x72: {  	s8 =	sadd.s32 $0x5, s14  }
0x73: {  	s14 =	sand.u32 $0xFF, s8  }
0x74: {  	s14 =	smul.u32 $0x87, s14;
	_ =	sdelay $0x1  }
0x75: {  	s14 =	sshrl.u32 s14, $0x8  }
0x76: {  	s16 =	ssub.s32 s8, s14  }
0x77: {  	s16 =	sand.u32 $0xFE, s16  }
0x78: {  	s16 =	sshrl.u32 s16, $0x1  }
0x79: {  	s14 =	sadd.s32 s14, s16  }
0x7a: {  	s14 =	sand.u32 $0xF0, s14  }
0x7b: {  	s14 =	sshrl.u32 s14, $0x4  }
0x7c: {  	s25 =	smul.u32 $0x15, s14;
	s14 =	sand.u32 $0x1, s14  }
0x7d: {  	s13 =	sadd.s32 $0x1, s13;
	p3 =	seq.s32 s14, $0x1;
	s14 =	simm.s32 $0xC00  }
0x7e: {  	s14 =	simm.s32 @!p3 $0x0;
	p3 =	sne.s32 s13, $0x22  }
.Ltmp3:
0x7f: {  	s8 =	ssub.s32 s8, s25;
	(pc) =	sbr.rel @!p3 .LBB2_12-.Ltmp3, $4  }
0x80: {  	s8 =	sand.u32 $0xFF, s8  }
0x81: {  	s8 =	sshll.u32 s8, $0x7  }
0x82: {  	s8 =	sadd.s32 s8, s14  }
0x83: {  	[tilespmem:s31], [sflag:$0x3] =	stream.indirect.gather [hbm4b:s0+s29], $0x80, s8, s29, $0xb8;
	[tilespmem:$0x1FC00] =	vst v63  }
.LBB2_2:
0x84: {  	s14 =	smul.u32 $0x3, s13;
	_ =	sdelay $0x1  }
0x85: {  	s16 =	sadd.s32 $0x1, s14  }
0x86: {  	s8 =	sand.u32 $0xFF, s16  }
0x87: {  	s8 =	smul.u32 $0x87, s8;
	_ =	sdelay $0x1  }
0x88: {  	s8 =	sshrl.u32 s8, $0x8  }
0x89: {  	s17 =	ssub.s32 s16, s8  }
0x8a: {  	s17 =	sand.u32 $0xFE, s17  }
0x8b: {  	s17 =	sshrl.u32 s17, $0x1  }
0x8c: {  	s8 =	sadd.s32 s8, s17  }
0x8d: {  	s8 =	sand.u32 $0xF0, s8  }
0x8e: {  	s8 =	sshrl.u32 s8, $0x4  }
0x8f: {  	s25 =	smul.u32 $0x15, s8;
	s18 =	sand.u32 $0x1, s8  }
0x90: {  	p3 =	seq.s32 s18, $0x1;
	s18 =	simm.s32 $0xC00  }
0x91: {  	s17 =	ssub.s32 s16, s25;
	s18 =	simm.s32 @!p3 $0x0;
	p3 =	sgt.u32 s13, $0x14  }
0x92: {  	s16 =	sand.u32 $0xFF, s17;
	s17 =	sand.u32 @!p3 $0xFF, s17  }
0x93: {  	_ =	swait.ge [sflag:s28], $0x3000;
	s19 =	sshll.u32 s16, $0x7;
	p4 =	sne.s32 @!p3 s17, $0x0  }
0x94: {  	[sflag:s28] =	ssyncset.done $0x0;
	s18 =	sadd.s32 s19, s18;
	p4 =	por p3, p4  }
.Ltmp4:
0x95: {  	[sflag:s28] =	ssyncadd.s32 $0xFFFFD000;
	s18 =	sadd.s32 $0x1800, s18;
	(pc) =	sbr.rel @p4 .LBB2_4-.Ltmp4, $4  }
0x96: {  	[spmem:s3] =	stream.indirect.scatter.add.f32 [tilespmem:s1], [sflag:$0x5], $0x80, s18, s29, $0xb8;
	[tilespmem:$0x1FC00] =	vst v63  }
0x97: {  	_ =	swait.ge [sflag:s2], $0x3000  }
0x98: {  	[sflag:s2] =	ssyncset.done $0x0  }
0x99: {  	[sflag:s2] =	ssyncadd.s32 $0xFFFFD000  }
0x9a: {  	s16 =	sxor.u32 $0xFFFFFFFF, s8;
	s25 =	sadd.s32 s8, s15  }
0x9b: {  	s16 =	sand.u32 $0x1, s16;
	s8 =	smul.u32 $0x180, s25  }
0x9c: {  	s17 =	smul.u32 $0xC00, s16  }
.Ltmp5:
0x9d: {  	_ = 	snop;
	(pc) =	sbr.rel .LBB2_5-.Ltmp5, $4  }
0x9e: {  	s16 =	sadd.s32 $0x7, s16;
	s18 =	sadd.s32 s5, s8  }
0x9f: {  	[tilespmem:s17], [sflag:s16] =	stream.linear.gather [hbm4b:s18+s4], $0xA80, $0x38;
	[tilespmem:$0x1FC00] =	vst v63  }
0xa0: {  	s8 =	sadd.s32 s6, s8;
	s17 =	sadd.s32 $0x1800, s17  }
0xa1: {  	[tilespmem:s17], [sflag:s16] =	stream.linear.gather [hbm4b:s8+s4], $0xA80, $0x38;
	[tilespmem:$0x1FC00] =	vst v63  }
.LBB2_4:
0xa2: {  	p4 =	sne.s32 s16, $0x13  }
0xa3: {  	s8 =	sxor.u32 @!p4 $0xFFFFFFFF, s8  }
0xa4: {  	s8 =	sand.u32 @!p4 $0x1, s8  }
0xa5: {  	s8 =	sadd.s32 @!p4 $0x7, s8  }
0xa6: {  	_ =	swait.ge @!p4 [sflag:s8], $0xA80  }
0xa7: {  	[sflag:s8] =	ssyncset.done @!p4 $0x0  }
0xa8: {  	[sflag:s8] =	ssyncadd.s32 @!p4 $0xFFFFF580  }
0xa9: {  	_ =	swait.ge @!p4 [sflag:s8], $0xA80  }
0xaa: {  	[sflag:s8] =	ssyncset.done @!p4 $0x0  }
0xab: {  	[sflag:s8] =	ssyncadd.s32 @!p4 $0xFFFFF580  }
.LBB2_5:
0xac: {  	s8 =	sadd.s32 $0x3, s14  }
0xad: {  	s16 =	sand.u32 $0xFF, s8  }
0xae: {  	s16 =	smul.u32 $0x87, s16;
	_ =	sdelay $0x1  }
0xaf: {  	s16 =	sshrl.u32 s16, $0x8  }
0xb0: {  	s20 =	sadd.s32 $0x2, s14;
	s17 =	ssub.s32 s8, s16  }
0xb1: {  	s18 =	sand.u32 $0xFF, s20;
	s17 =	sand.u32 $0xFE, s17  }
0xb2: {  	s21 =	smul.u32 $0x87, s18;
	s17 =	sshrl.u32 s17, $0x1  }
0xb3: {  	s16 =	sadd.s32 s16, s17  }
0xb4: {  	s19 =	sshrl.u32 s21, $0x8;
	s16 =	sand.u32 $0xF0, s16  }
0xb5: {  	s25 =	ssub.s32 s20, s19;
	s16 =	sshrl.u32 s16, $0x4  }
0xb6: {  	s25 =	sand.u32 $0xFE, s25;
	s22 =	smul.u32 $0x15, s16  }
0xb7: {  	s21 =	sshrl.u32 s25, $0x1;
	s25 =	simm.s32 $0xC00  }
0xb8: {  	s18 =	ssub.s32 s8, s22;
	s22 =	sand.u32 $0x1, s16;
	s8 =	sadd.s32 s19, s21  }
0xb9: {  	s17 =	sand.u32 $0xFF, s18;
	p4 =	seq.s32 s22, $0x1;
	s8 =	sand.u32 $0xF0, s8  }
0xba: {  	s25 =	simm.s32 @!p4 $0x0;
	s21 =	sshll.u32 s17, $0x7;
	s19 =	sshrl.u32 s8, $0x4  }
0xbb: {  	s8 =	sadd.s32 s21, s25;
	s25 =	smul.u32 $0x15, s19;
	s22 =	sand.u32 $0x1, s19  }
0xbc: {  	[tilespmem:s30], [sflag:$0x1] =	stream.indirect.gather [hbm4b:s0+s29], $0x80, s8, s29, $0xb8;
	[tilespmem:$0x1FC00] =	vst v63  }
0xbd: {  	p4 =	seq.s32 s22, $0x1;
	s21 =	ssub.s32 s20, s25;
	s25 =	simm.s32 $0xC00  }
0xbe: {  	_ =	swait.ge [sflag:s9], $0x3000;
	s20 =	sand.u32 $0xFF, s21;
	s21 =	sand.u32 @!p3 $0xFF, s21  }
0xbf: {  	s25 =	simm.s32 @!p4 $0x0;
	s22 =	sshll.u32 s20, $0x7;
	p4 =	sne.s32 @!p3 s21, $0x0  }
0xc0: {  	[sflag:s9] =	ssyncset.done $0x0;
	s22 =	sadd.s32 s22, s25;
	p4 =	por p3, p4  }
.Ltmp6:
0xc1: {  	[sflag:s9] =	ssyncadd.s32 $0xFFFFD000;
	s22 =	sadd.s32 $0x1800, s22;
	(pc) =	sbr.rel @p4 .LBB2_7-.Ltmp6, $4  }
0xc2: {  	[spmem:s3] =	stream.indirect.scatter.add.f32 [tilespmem:s31], [sflag:$0x6], $0x80, s22, s29, $0xb8;
	[tilespmem:$0x1FC00] =	vst v63  }
0xc3: {  	_ =	swait.ge [sflag:s10], $0x3000  }
0xc4: {  	[sflag:s10] =	ssyncset.done $0x0  }
0xc5: {  	[sflag:s10] =	ssyncadd.s32 $0xFFFFD000  }
0xc6: {  	s20 =	sxor.u32 $0xFFFFFFFF, s19;
	s25 =	sadd.s32 s19, s15  }
0xc7: {  	s20 =	sand.u32 $0x1, s20;
	s19 =	smul.u32 $0x180, s25  }
0xc8: {  	s21 =	smul.u32 $0xC00, s20  }
.Ltmp7:
0xc9: {  	_ = 	snop;
	(pc) =	sbr.rel .LBB2_8-.Ltmp7, $4  }
0xca: {  	s20 =	sadd.s32 $0x7, s20;
	s22 =	sadd.s32 s5, s19  }
0xcb: {  	[tilespmem:s21], [sflag:s20] =	stream.linear.gather [hbm4b:s22+s4], $0xA80, $0x38;
	[tilespmem:$0x1FC00] =	vst v63  }
0xcc: {  	s19 =	sadd.s32 s6, s19;
	s21 =	sadd.s32 $0x1800, s21  }
0xcd: {  	[tilespmem:s21], [sflag:s20] =	stream.linear.gather [hbm4b:s19+s4], $0xA80, $0x38;
	[tilespmem:$0x1FC00] =	vst v63  }
.LBB2_7:
0xce: {  	p4 =	sne.s32 s20, $0x13  }
0xcf: {  	s19 =	sxor.u32 @!p4 $0xFFFFFFFF, s19  }
0xd0: {  	s19 =	sand.u32 @!p4 $0x1, s19  }
0xd1: {  	s19 =	sadd.s32 @!p4 $0x7, s19  }
0xd2: {  	_ =	swait.ge @!p4 [sflag:s19], $0xA80  }
0xd3: {  	[sflag:s19] =	ssyncset.done @!p4 $0x0  }
0xd4: {  	[sflag:s19] =	ssyncadd.s32 @!p4 $0xFFFFF580  }
0xd5: {  	_ =	swait.ge @!p4 [sflag:s19], $0xA80  }
0xd6: {  	[sflag:s19] =	ssyncset.done @!p4 $0x0  }
0xd7: {  	[sflag:s19] =	ssyncadd.s32 @!p4 $0xFFFFF580  }
.LBB2_8:
0xd8: {  	s19 =	sadd.s32 $0x4, s14  }
0xd9: {  	s20 =	sand.u32 $0xFF, s19  }
0xda: {  	s20 =	smul.u32 $0x87, s20;
	_ =	sdelay $0x1  }
0xdb: {  	s20 =	sshrl.u32 s20, $0x8  }
0xdc: {  	s21 =	ssub.s32 s19, s20  }
0xdd: {  	s21 =	sand.u32 $0xFE, s21  }
0xde: {  	s21 =	sshrl.u32 s21, $0x1  }
0xdf: {  	s20 =	sadd.s32 s20, s21  }
0xe0: {  	s20 =	sand.u32 $0xF0, s20  }
0xe1: {  	s20 =	sshrl.u32 s20, $0x4  }
0xe2: {  	s25 =	smul.u32 $0x15, s20;
	_ =	sdelay $0x1  }
0xe3: {  	s20 =	sand.u32 $0x1, s20;
	s19 =	ssub.s32 s19, s25  }
0xe4: {  	p4 =	seq.s32 s20, $0x1;
	s20 =	simm.s32 $0xC00;
	s19 =	sand.u32 $0xFF, s19  }
0xe5: {  	s20 =	simm.s32 @!p4 $0x0;
	s19 =	sshll.u32 s19, $0x7  }
0xe6: {  	s19 =	sadd.s32 s19, s20  }
0xe7: {  	[tilespmem:s1], [sflag:$0x2] =	stream.indirect.gather [hbm4b:s0+s29], $0x80, s19, s29, $0xb8;
	[tilespmem:$0x1FC00] =	vst v63  }
0xe8: {  	_ =	swait.ge [sflag:s26], $0x3000  }
0xe9: {  	[sflag:s26] =	ssyncset.done $0x0  }
0xea: {  	s8 =	sadd.s32 $0x1800, s8;
	[sflag:s26] =	ssyncadd.s32 $0xFFFFD000  }
0xeb: {  	[spmem:s3] =	stream.indirect.scatter.add.f32 [tilespmem:s30], [sflag:$0x4], $0x80, s8, s29, $0xb8;
	[tilespmem:$0x1FC00] =	vst v63  }
0xec: {  	s8 =	sand.u32 @!p3 $0xFF, s18  }
0xed: {  	p4 =	sne.s32 @!p3 s8, $0x0  }
0xee: {  	p3 =	por p3, p4  }
.Ltmp8:
0xef: {  	_ = 	snop;
	(pc) =	sbr.rel @p3 .LBB2_10-.Ltmp8, $4  }
0xf0: {  	_ = 	snop  }
0xf1: {  	_ =	swait.ge [sflag:s11], $0x3000  }
0xf2: {  	[sflag:s11] =	ssyncset.done $0x0  }
0xf3: {  	[sflag:s11] =	ssyncadd.s32 $0xFFFFD000  }
0xf4: {  	s8 =	sxor.u32 $0xFFFFFFFF, s16;
	s25 =	sadd.s32 s16, s15  }
0xf5: {  	s8 =	sand.u32 $0x1, s8;
	s16 =	smul.u32 $0x180, s25  }
0xf6: {  	s17 =	smul.u32 $0xC00, s8  }
.Ltmp9:
0xf7: {  	_ = 	snop;
	(pc) =	sbr.rel .LBB2_11-.Ltmp9, $4  }
0xf8: {  	s8 =	sadd.s32 $0x7, s8;
	s18 =	sadd.s32 s5, s16  }
0xf9: {  	[tilespmem:s17], [sflag:s8] =	stream.linear.gather [hbm4b:s18+s4], $0xA80, $0x38;
	[tilespmem:$0x1FC00] =	vst v63  }
0xfa: {  	s16 =	sadd.s32 s6, s16;
	s17 =	sadd.s32 $0x1800, s17  }
0xfb: {  	[tilespmem:s17], [sflag:s8] =	stream.linear.gather [hbm4b:s16+s4], $0xA80, $0x38;
	[tilespmem:$0x1FC00] =	vst v63  }
.LBB2_13:
0xfc: {  	_ =	sfence.sel $0x180000  }
0xfd: {  	[bflag:$0x0] =	sbarrier.arrive $0xFFFF  }
0xfe: {  	_ =	strace $0x90000047  }
0xff: {  	s0 =	stileid.u32;
	[bflag:$0x2] =	sbarrier.arrive $0xFFFF  }
0x100: {  	p0 =	sne.s32 s0, $0x0;
	s0 =	rddreg [dreg:$0x3]  }
0x101: {  	s0 =	sadd.s32 @!p0 $0x100000, s0  }
0x102: {  	[sflag:s0] =	ssyncadd.tile.s32 @!p0 $0x1;
	_ =	shalt  }
.Lfunc_end2:
_tile_overlayer_lowered:
.L_overlay_start_2:
0x103: {  	(tag) =	ssettag $0x2  }
0x104: {  	s0 =	rddreg [dreg:$0x0];
	s2 =	stileid.u32  }
0x105: {  	s1 =	rddreg [dreg:$0x1];
	p0 =	sne.s32 s2, $0x0  }
0x106: {  	s3 =	rddreg [dreg:$0x2];
	[bflag:$0x3] =	sbarrier.arrive $0xFFFF;
	s2 =	simm.s32 @!p0 $0x1C0A  }
0x107: {  	[timem:s3], [sflag:s2] =	dma.local @!p0 [hbm:s0], s1  }
0x108: {  	s0 =	simm.s32 @!p0 $0xA  }
0x109: {  	_ =	swait.ge @!p0 [sflag:s0], s1  }
0x10a: {  	s1 =	ssub.s32 @!p0 $0x0, s1;
	[sflag:s0] =	ssyncset.done @!p0 $0x0  }
0x10b: {  	[sflag:s0] =	ssyncadd.s32 @!p0 s1  }
0x10c: {  	[bflag:$0x3] =	sbarrier.arrive $0xFFFF  }
0x10d: {  	_ =	shalt  }

// kernel: kernel.9.cloned.1.call-start
scs
__scs_entry_jumppad:
0x0: {  	(pc) =	sbr.rel $0x88, $3  }
0x1: {  	(tag) =	ssettag $0x0;
	lr =	simm.s32 $0x1  }
0x2: {  	[smem:$0x3F96] =	sst lr;
	_ =	strace $0xD0000000  }
0x3: {  	_ = 	snop  }
0x4: {  	_ = 	snop  }
0x5: {  	_ = 	snop  }
0x6: {  	_ = 	snop  }
0x7: {  	_ = 	snop  }
__scs_overlays_trampoline_lowered:
0x8: {  	[smem:$0x3FA5] =	sst s0  }
0x9: {  	[smem:$0x3FA6] =	sst s1  }
0xa: {  	[smem:$0x3FA7] =	sst s2  }
0xb: {  	[smem:$0x3FA8] =	sst s3  }
0xc: {  	[smem:$0x3FA9] =	sst s4  }
0xd: {  	[smem:$0x3FAA] =	sst s5  }
0xe: {  	[smem:$0x3FAB] =	sst s6  }
0xf: {  	[smem:$0x3FAC] =	sst s7  }
0x10: {  	[smem:$0x3FAD] =	sst s8  }
0x11: {  	[smem:$0x3FAE] =	sst s9;
	s0 =	simm.s32 @!p0 $0x0  }
0x12: {  	s1 =	sld [smem:$0x3F94];
	s0 =	simm.s32 @p0 $0x1  }
0x13: {  	[smem:$0x3FAF] =	sst s0;
	s0 =	simm.s32 @!p1 $0x0  }
0x14: {  	s2 =	sld [smem:$0x3F93];
	s0 =	simm.s32 @p1 $0x1  }
0x15: {  	[smem:$0x3FB0] =	sst s0;
	s0 =	simm.s32 @!p2 $0x0  }
0x16: {  	s3 =	sld [smem:$0x3FDB];
	s0 =	simm.s32 @p2 $0x1  }
0x17: {  	s4 =	simm.s32 $0x1BF5;
	[smem:$0x3FB2] =	sst s0  }
0x18: {  	s0 =	sld [smem:$0x3F95];
	_ =	swait.ge [sflag:s4], $0x0  }
0x19: {  	s7 =	sld [smem:$0x3F96]  }
0x1a: {  	s8 =	sadd.s32 $0xFFFFE003, lr  }
0x1b: {  	s9 =	sadd.s32 $0xFFFFFEF7, lr;
	s5 =	simm.s32 $0xFFFFFFFF;
	p2 =	slt.u32 s8, $0xFFFFF086  }
0x1c: {  	p1 =	slt.u32 s9, $0xF7A;
	s5 =	simm.s32 @!p2 $0x0  }
0x1d: {  	s5 =	simm.s32 @p1 $0x1;
	p0 =	seq.s32 s7, s2  }
0x1e: {  	s7 =	smul.u32 @!p0 $0xF7A, s2;
	p2 =	seq.s32 @!p0 s5, $0x0  }
0x1f: {  	s9 =	smul.u32 $0xF7A, s1;
	s8 =	simm.s32 @!p0 $0x1BF5;
	p2 =	por !p2, p0  }
0x20: {  	[sflag:s8] =	ssyncset.s32 @!p0 $0xFFFFF086;
	s6 =	sadd.s32 @!p0 s3, s7;
	s7 =	simm.s32 @!p0 $0x108  }
0x21: {  	s3 =	sadd.s32 s3, s9;
	s6 =	sadd.s32 @!p0 $0x88, s6;
	s7 =	simm.s32 @p2 $0x1082  }
0x22: {  	[simem:s7], [sflag:s8] =	dma.local @!p0 [hbm:s6], $0xF7A  }
0x23: {  	s9 =	sor.u32 $0xD0000000, s2;
	s6 =	simm.s32 $0x108;
	_ =	swait.ge @!p0 [sflag:s8], $0x0  }
0x24: {  	s3 =	sadd.s32 $0x88, s3;
	s6 =	simm.s32 @!p1 $0x1082;
	[sflag:s4] =	ssyncset.s32 $0xFFFFF086  }
0x25: {  	[simem:s6], [sflag:s4] =	dma.local [hbm:s3], $0xF7A  }
0x26: {  	[smem:$0x3F96] =	sst s1;
	(tag) =	ssettag s2;
	_ =	strace s9  }
0x27: {  	s1 =	sld [smem:$0x3FA6]  }
0x28: {  	s2 =	sld [smem:$0x3FA7]  }
0x29: {  	s4 =	sld [smem:$0x3FA9]  }
0x2a: {  	p0 =	seq.s32 s5, $0x0;
	s5 =	sld [smem:$0x3FAA]  }
0x2b: {  	s6 =	sld [smem:$0x3FAB]  }
0x2c: {  	s7 =	sld [smem:$0x3FAC]  }
0x2d: {  	s3 =	simm.s32 $0x108;
	s8 =	sld [smem:$0x3FAD]  }
0x2e: {  	s3 =	simm.s32 @!p0 $0x1082;
	s9 =	sld [smem:$0x3FAE]  }
0x2f: {  	lr =	sadd.s32 s0, s3;
	s0 =	sld [smem:$0x3FA5]  }
0x30: {  	s3 =	sld [smem:$0x3FA8]  }
0x31: {  	[smem:$0x3FB1] =	sst s10  }
0x32: {  	s10 =	sld [smem:$0x3FAF];
	_ =	sdelay $0x3  }
0x33: {  	p0 =	seq.s32 s10, $0x1;
	s10 =	sld [smem:$0x3FB1];
	_ =	sdelay $0x3  }
0x34: {  	[smem:$0x3FB1] =	sst s10  }
0x35: {  	s10 =	sld [smem:$0x3FB0];
	_ =	sdelay $0x3  }
0x36: {  	p1 =	seq.s32 s10, $0x1;
	s10 =	sld [smem:$0x3FB1];
	_ =	sdelay $0x3  }
0x37: {  	[smem:$0x3FB1] =	sst s10  }
0x38: {  	s10 =	sld [smem:$0x3FB2]  }
0x39: {  	_ = 	snop;
	(pc) =	sbr.ind lr, $3  }
0x3a: {  	_ = 	snop  }
0x3b: {  	_ = 	snop  }
0x3c: {  	p2 =	seq.s32 s10, $0x1;
	s10 =	sld [smem:$0x3FB1]  }
0x3d: {  	_ =	shalt  }
0x3e: {  	_ =	shalt  }
0x3f: {  	_ =	shalt  }
0x40: {  	_ =	shalt  }
0x41: {  	_ =	shalt  }
0x42: {  	_ =	shalt  }
0x43: {  	_ =	shalt  }
0x44: {  	_ =	shalt  }
0x45: {  	_ =	shalt  }
0x46: {  	_ =	shalt  }
0x47: {  	_ =	shalt  }
0x48: {  	_ =	shalt  }
0x49: {  	_ =	shalt  }
0x4a: {  	_ =	shalt  }
0x4b: {  	_ =	shalt  }
0x4c: {  	_ =	shalt  }
0x4d: {  	_ =	shalt  }
0x4e: {  	_ =	shalt  }
0x4f: {  	_ =	shalt  }
0x50: {  	_ =	shalt  }
0x51: {  	_ =	shalt  }
0x52: {  	_ =	shalt  }
0x53: {  	_ =	shalt  }
0x54: {  	_ =	shalt  }
0x55: {  	_ =	shalt  }
0x56: {  	_ =	shalt  }
0x57: {  	_ =	shalt  }
0x58: {  	_ =	shalt  }
0x59: {  	_ =	shalt  }
0x5a: {  	_ =	shalt  }
0x5b: {  	_ =	shalt  }
0x5c: {  	_ =	shalt  }
0x5d: {  	_ =	shalt  }
0x5e: {  	_ =	shalt  }
0x5f: {  	_ =	shalt  }
0x60: {  	_ =	shalt  }
0x61: {  	_ =	shalt  }
0x62: {  	_ =	shalt  }
0x63: {  	_ =	shalt  }
0x64: {  	_ =	shalt  }
0x65: {  	_ =	shalt  }
0x66: {  	_ =	shalt  }
0x67: {  	_ =	shalt  }
0x68: {  	_ =	shalt  }
0x69: {  	_ =	shalt  }
0x6a: {  	_ =	shalt  }
0x6b: {  	_ =	shalt  }
0x6c: {  	_ =	shalt  }
0x6d: {  	_ =	shalt  }
0x6e: {  	_ =	shalt  }
0x6f: {  	_ =	shalt  }
0x70: {  	_ =	shalt  }
0x71: {  	_ =	shalt  }
0x72: {  	_ =	shalt  }
0x73: {  	_ =	shalt  }
0x74: {  	_ =	shalt  }
0x75: {  	_ =	shalt  }
0x76: {  	_ =	shalt  }
0x77: {  	_ =	shalt  }
0x78: {  	_ =	shalt  }
0x79: {  	_ =	shalt  }
0x7a: {  	_ =	shalt  }
0x7b: {  	_ =	shalt  }
0x7c: {  	_ =	shalt  }
0x7d: {  	_ =	shalt  }
0x7e: {  	_ =	shalt  }
0x7f: {  	_ =	shalt  }
0x80: {  	_ =	shalt  }
0x81: {  	_ =	shalt  }
0x82: {  	_ =	shalt  }
0x83: {  	_ =	shalt  }
0x84: {  	_ =	shalt  }
0x85: {  	_ =	shalt  }
0x86: {  	_ =	shalt  }
0x87: {  	_ =	shalt  }
.Lfunc_end0:
.L_simem_size_0:
called_computation.1_lowered:
.L_overlay_start_0:
0x88: {  	s2 =	sld [smem:$0x3FD9]  }
0x89: {  	s3 =	sld [smem:$0x3FFE];
	_ =	sdelay $0x1  }
0x8a: {  	s1 =	srdreg.scid  }
0x8b: {  	s0 =	sand.u32 $0x1, s1  }
0x8c: {  	s16 =	sshll.u32 s0, $0xA;
	s2 =	sadd.s32 s3, s2  }
0x8d: {  	s2 =	sadd.s32 s2, s16  }
0x8e: {  	[smem:$0x3FBD] =	sst s2  }
0x8f: {  	_ = 	snop  }
0x90: {  	(tm) =	ssettm $0x1  }
0x91: {  	s17 =	sld [smem:$0x3FFB];
	_ =	sdelay $0x3  }
0x92: {  	_ =	strace s17  }
0x93: {  	s2 =	sld [smem:$0x3FFC];
	_ =	sdelay $0x3  }
0x94: {  	_ =	strace s2  }
0x95: {  	s2 =	sld [smem:$0x3FFD];
	_ =	sdelay $0x3  }
0x96: {  	_ =	strace s2  }
0x97: {  	_ =	strace $0x8FFFFFFF  }
0x98: {  	s18 =	sld [smem:$0x3FDB];
	_ =	sdelay $0x1  }
0x99: {  	s19 =	simm.s32 $_scs_section_size  }
0x9a: {  	s4 =	simm.s32 $_size__tile_overlayer_lowered;
	s5 =	simm.s32 $_tile_overlayer_lowered  }
0x9b: {  	s22 =	simm.s32 $0x1BFF;
	s21 =	sshll.u32 s5, $0x1;
	s2 =	sadd.s32 s19, s18  }
0x9c: {  	s6 =	simm.s32 $0x0;
	s20 =	sshll.u32 s4, $0x1;
	s4 =	sadd.s32 s21, s2  }
0x9d: {  	[timem:s6], [sflag:s22] =	dma.local [hbm:s4], s20  }
0x9e: {  	_ =	swait.ge [sflag:s22], s20  }
0x9f: {  	s3 =	ssub.s32 $0x0, s20;
	[sflag:s22] =	ssyncset.done $0x0  }
0xa0: {  	[sflag:s22] =	ssyncadd.s32 s3;
	_ =	sdelay $0x1  }
0xa1: {  	s23 =	simm.s32 $0x1B8B  }
0xa2: {  	_ =	swait.ge [sflag:s23], $0x1  }
0xa3: {  	[sflag:s23] =	ssyncset.done $0x0  }
0xa4: {  	s25 =	simm.s32 $0x1B8E;
	s24 =	sld [smem:$0x3FFE];
	[sflag:s23] =	ssyncadd.s32 $0xFFFFFFFF  }
0xa5: {  	s26 =	simm.s32 $execute0_lowered;
	[smem:$0x3FD2] =	sst s25  }
0xa6: {  	s4 =	sshll.u32 s26, $0x1;
	_ =	strace $0x80000049;
	[dreg:$0x1] =	wrdreg $0xFFFFFFFF  }
0xa7: {  	s28 =	simm.s32 $_size_execute0_lowered;
	s2 =	sadd.s32 s2, s4;
	[dreg:$0x0] =	wrdreg $0x0  }
0xa8: {  	s4 =	sshll.u32 s28, $0x1;
	[dreg:$0x2] =	wrdreg s2  }
0xa9: {  	[dreg:$0x3] =	wrdreg s4  }
0xaa: {  	[dreg:$0x4] =	wrdreg $0xC0  }
0xab: {  	_ =	task [dreg:s6], $0x5FFFF  }
0xac: {  	[dreg:$0x1] =	wrdreg $0xFFFFFFFF  }
0xad: {  	[dreg:$0x0] =	wrdreg $0x60  }
0xae: {  	[dreg:$0x2] =	wrdreg s24  }
0xaf: {  	[dreg:$0x3] =	wrdreg $0xC0000  }
0xb0: {  	[dreg:$0x4] =	wrdreg $0x9  }
0xb1: {  	_ =	task.clear_ibuf [dreg:s6], $0x5FFFF;
	_ =	strace $0x90000049  }
0xb2: {  	s29 =	simm.s32 $0x9;
	_ =	strace $0x8000004B  }
0xb3: {  	_ =	swait.ge [sflag:s29], $0x1  }
0xb4: {  	[sflag:s29] =	ssyncadd.s32 $0xFFFFFFFF  }
0xb5: {  	_ =	strace $0x9000004B  }
0xb6: {  	_ =	sfence  }
0xb7: {  	s30 =	sld [smem:$0x0];
	_ =	sdelay $0x2  }
0xb8: {  	s31 =	sshll.u32 s1, $0xD;
	s1 =	sshrl.u32 s1, $0x2  }
0xb9: {  	s3 =	sand.u32 $0x4000, s31;
	s1 =	sadd.s32 s1, s30  }
0xba: {  	s0 =	sor.u32 s3, s0;
	s1 =	sshll.u32 s1, $0x11  }
0xbb: {  	s0 =	sor.u32 s1, s0  }
0xbc: {  	s0 =	sadd.s32 $0x8F2B, s0  }
0xbd: {  	[sflag:s0] =	ssyncadd.remote.s32 $0x1  }
0xbe: {  	_ =	sfence.sel $0xFFFF  }
0xbf: {  	[dreg:$0x0] =	wrdreg $0xFFFFFFFF;
	(pc) =	sbr.abs _section_cstart, $3  }
0xc0: {  	[dreg:$0x1] =	wrdreg $0xFFFFFFFF  }
0xc1: {  	_ =	task.clear_ibuf [dreg:s6], $0x2FFFF;
	_ =	strace $0x9FFFFFFF  }
0xc2: {  	(tm) =	ssettm $0x7FFFFFFF  }
0xc3: {  	_ =	shalt  }
tec
execute0_lowered:
.L_overlay_start_1:
0x0: {  	(tag) =	ssettag $0x1  }
0x1: {  	s0 =	rddreg [dreg:$0x0]  }
0x2: {  	s1 =	rddreg [dreg:$0x1];
	s2 =	srdreg.scid;
	s3 =	simm.s32 $0x0  }
0x3: {  	s14 =	stileid.u32;
	s29 =	simm.s32 $0x60;
	s30 =	simm.s32 $0x3000  }
0x4: {  	s31 =	simm.s32 $0x9000;
	s28 =	simm.s32 $0x2;
	s7 =	smul.u32 $0x13C00, s14  }
0x5: {  	s2 =	sand.u32 $0x1, s2;
	[smem:$0x7FF] =	sst s3;
	s10 =	smul.u32 $0x4F000, s14  }
0x6: {  	s4 =	sadd.s32 $0x22000, s0;
	s5 =	sadd.s32 $0x10800, s0;
	s13 =	smul.u32 $0x2780, s14  }
0x7: {  	s6 =	smul.u32 $0x13C000, s2;
	_ =	strace $0x8000004A;
	s9 =	ssub.s32 $0x2, s2  }
0x8: {  	s12 =	sshll.u32 s2, $0x4;
	p0 =	sne.s32 s2, $0x0;
	s2 =	simm.s32 $0x4  }
0x9: {  	s11 =	sshrl.u32 s9, $0x1;
	s20 =	sor.u32 s14, s12;
	s10 =	sshrl.u32 s10, $0x2  }
0xa: {  	s21 =	sadd.s32 s4, s13;
	s12 =	sadd.s32 $0x128400, s1;
	s13 =	sadd.s32 $0x138800, s1  }
0xb: {  	p2 =	seq.s32 @!p0 s14, $0xF;
	s8 =	sadd.s32 s7, s6;
	s6 =	sadd.s32 $0x1800, s0  }
0xc: {  	s7 =	sadd.s32 $0x1F800, s0;
	s9 =	ssub.s32 s9, s11;
	s22 =	smul.u32 $0x3C00, s20  }
0xd: {  	s16 =	sadd.s32 s10, s1;
	[dreg:$0x3] =	wrdreg s21;
	s23 =	smul.u32 $0x780, s20  }
0xe: {  	s11 =	smul.u32 $0x5, s20;
	p1 =	por !p2, p0;
	p2 =	por p2, p0  }
0xf: {  	s8 =	sshrl.u32 s8, $0x3;
	s26 =	smax.u32 s9, $0x1;
	s9 =	simm.s32 $0x3  }
0x10: {  	s8 =	sadd.s32 s8, s0;
	s0 =	sadd.s32 $0x47080, s0;
	[dreg:$0xa] =	wrdreg s26  }
0x11: {  	s10 =	sshrl.u32 s22, $0x3;
	s15 =	sadd.s32 s5, s23;
	[dreg:$0x4] =	wrdreg s0  }
0x12: {  	[dreg:$0x5] =	wrdreg s15;
	s0 =	sadd.s32 s6, s23;
	s24 =	sadd.s32 $0x180, s10  }
0x13: {  	s26 =	simm.s32 $0x1;
	[dreg:$0x6] =	wrdreg s0;
	s0 =	sadd.s32 s6, s24  }
0x14: {  	s25 =	sadd.s32 $0x49200, s8;
	[dreg:$0x8] =	wrdreg s0;
	s0 =	sshll.u32 @p0 s14, $0x6  }
0x15: {  	s15 =	sadd.s32 $0x1, s11;
	[dreg:$0x9] =	wrdreg s25;
	s0 =	sor.u32 @p0 $0x1C09, s0  }
0x16: {  	s23 =	smov.u32 s16;
	[dreg:$0xb] =	wrdreg s0;
	s0 =	sshrl.u32 @p0 s16, $0x3  }
0x17: {  	s11 =	simm.s32 $0x6;
	[dreg:$0xc] =	wrdreg s0;
	s0 =	sshrl.u32 @!p1 s12, $0x3  }
.Ltmp0:
0x18: {  	[dreg:$0xd] =	wrdreg s0;
	s0 =	sshrl.u32 @!p1 s13, $0x3;
	(pc) =	sbr.rel .LBB2_1-.Ltmp0, $4  }
0x19: {  	s10 =	sadd.s32 s5, s24;
	[dreg:$0xe] =	wrdreg s0;
	s0 =	sshll.u32 @!p2 s14, $0x6  }
0x1a: {  	s24 =	simm.s32 $0xA;
	[dreg:$0x7] =	wrdreg s10;
	s0 =	sor.u32 @!p2 $0x1C09, s0  }
0x1b: {  	s10 =	simm.s32 $0x5;
	[dreg:$0xf] =	wrdreg s0;
	s0 =	sshrl.u32 @!p2 s16, $0x3  }
0x1c: {  	s12 =	simm.s32 $0x0;
	[dreg:$0x10] =	wrdreg s0;
	s0 =	simm.s32 $0x6000  }
.LBB2_12:
0x1d: {  	_ =	swait.ge [sflag:s28], $0x3000  }
0x1e: {  	[sflag:s28] =	ssyncset.done $0x0  }
0x1f: {  	s8 =	simm.s32 $0x2180;
	[sflag:s28] =	ssyncadd.s32 $0xFFFFD000  }
0x20: {  	[spmem:s1] =	stream.indirect.scatter.add.f32 [tilespmem:s0], [sflag:$0x5], $0x80, s8, s29, $0xb8;
	[tilespmem:$0x1FC00] =	vst v63  }
0x21: {  	_ =	swait.ge [sflag:s2], $0x3000  }
0x22: {  	[sflag:s2] =	ssyncset.done $0x0  }
0x23: {  	[sflag:s2] =	ssyncadd.s32 $0xFFFFD000  }
0x24: {  	_ =	swait.ge [sflag:s9], $0x3000  }
0x25: {  	[sflag:s9] =	ssyncset.done $0x0  }
0x26: {  	s21 =	simm.s32 $0x2200;
	[sflag:s9] =	ssyncadd.s32 $0xFFFFD000  }
0x27: {  	[spmem:s1] =	stream.indirect.scatter.add.f32 [tilespmem:s31], [sflag:$0x6], $0x80, s21, s29, $0xb8;
	[tilespmem:$0x1FC00] =	vst v63  }
0x28: {  	_ =	swait.ge [sflag:s10], $0x3000  }
0x29: {  	[sflag:s10] =	ssyncset.done $0x0  }
0x2a: {  	[sflag:s10] =	ssyncadd.s32 $0xFFFFD000  }
0x2b: {  	_ =	swait.ge [sflag:s11], $0x3000  }
0x2c: {  	[sflag:s11] =	ssyncset.done $0x0  }
0x2d: {  	s22 =	stileid.u32;
	[sflag:s11] =	ssyncadd.s32 $0xFFFFD000  }
0x2e: {  	s8 =	sshll.u32 s22, $0x6;
	[bflag:$0x0] =	sbarrier.arrive $0xFFFF  }
0x2f: {  	s13 =	sshrl.u32 s23, $0x3;
	s8 =	sor.u32 $0x1C0A, s8;
	s14 =	rddreg [dreg:$0x9]  }
0x30: {  	[hbm:s14], [sflag:s8] =	dma.local [spmem:s13], $0x2780  }
0x31: {  	_ =	swait.ge [sflag:s24], $0x2780  }
0x32: {  	s12 =	sadd.s32 $0x1, s12;
	s25 =	rddreg [dreg:$0xa]  }
0x33: {  	p3 =	sne.s32 s12, s25  }
.Ltmp1:
0x34: {  	_ = 	snop;
	(pc) =	sbr.rel @!p3 .LBB2_13-.Ltmp1, $3  }
0x35: {  	_ =	sdelay $0x1  }
0x36: {  	[sflag:s24] =	ssyncset.done $0x0  }
0x37: {  	[sflag:s24] =	ssyncadd.s32 $0xFFFFD880  }
.LBB2_1:
0x38: {  	s8 =	rddreg [dreg:$0xb]  }
0x39: {  	s13 =	rddreg [dreg:$0xc]  }
0x3a: {  	[spmem:s13], [sflag:s8] =	dma.local @p0 [hbm:s7], $0x2780  }
0x3b: {  	s13 =	rddreg [dreg:$0x4]  }
0x3c: {  	s8 =	simm.s32 @!p1 $0x1FC9;
	s14 =	rddreg [dreg:$0xd]  }
0x3d: {  	[spmem:s14], [sflag:s8] =	dma.local @!p1 [hbm:s13], $0x2080  }
0x3e: {  	s13 =	rddreg [dreg:$0xe]  }
0x3f: {  	[spmem:s13], [sflag:s8] =	dma.local @!p1 [hbm:s7], $0x700  }
0x40: {  	s8 =	rddreg [dreg:$0x3]  }
0x41: {  	s13 =	rddreg [dreg:$0xf]  }
0x42: {  	s14 =	rddreg [dreg:$0x10]  }
0x43: {  	[spmem:s14], [sflag:s13] =	dma.local @!p2 [hbm:s8], $0x2780  }
0x44: {  	s8 =	rddreg [dreg:$0x5]  }
0x45: {  	[tilespmem:s3], [sflag:$0xA] =	stream.linear.gather [hbm4b:s8+s3], $0xA80, $0x38;
	[tilespmem:$0x1FC00] =	vst v63  }
0x46: {  	_ =	swait.ge [sflag:s24], $0xA80  }
0x47: {  	[sflag:s24] =	ssyncset.done $0x0  }
0x48: {  	s17 =	simm.s32 $0x1800;
	s16 =	rddreg [dreg:$0x6];
	[sflag:s24] =	ssyncadd.s32 $0xFFFFF580  }
0x49: {  	[tilespmem:s17], [sflag:$0xA] =	stream.linear.gather [hbm4b:s16+s3], $0xA80, $0x38;
	[tilespmem:$0x1FC00] =	vst v63  }
0x4a: {  	_ =	swait.ge [sflag:s24], $0xA80  }
0x4b: {  	[sflag:s24] =	ssyncset.done $0x0  }
0x4c: {  	s19 =	simm.s32 $0xC00;
	s18 =	rddreg [dreg:$0x7];
	[sflag:s24] =	ssyncadd.s32 $0xFFFFF580  }
0x4d: {  	[tilespmem:s19], [sflag:$0x8] =	stream.linear.gather [hbm4b:s18+s3], $0xA80, $0x38;
	[tilespmem:$0x1FC00] =	vst v63  }
0x4e: {  	s21 =	simm.s32 $0x2400;
	s20 =	rddreg [dreg:$0x8]  }
0x4f: {  	[tilespmem:s21], [sflag:$0x8] =	stream.linear.gather [hbm4b:s20+s3], $0xA80, $0x38;
	[tilespmem:$0x1FC00] =	vst v63  }
0x50: {  	_ = 	snop  }
0x51: {  	[tilespmem:s30], [sflag:$0x1] =	stream.indirect.gather [hbm4b:s4+s29], $0x80, s3, s29, $0xb8;
	[tilespmem:$0x1FC00] =	vst v63  }
0x52: {  	s22 =	simm.s32 $0x80;
	s8 =	simm.s32 @p0 $0x9  }
0x53: {  	[tilespmem:s0], [sflag:$0x2] =	stream.indirect.gather [hbm4b:s4+s29], $0x80, s22, s29, $0xb8;
	[tilespmem:$0x1FC00] =	vst v63  }
0x54: {  	_ =	swait.ge @p0 [sflag:s8], $0x2780  }
0x55: {  	[sflag:s8] =	ssyncset.done @p0 $0x0  }
0x56: {  	[sflag:s8] =	ssyncadd.s32 @p0 $0xFFFFD880;
	s8 =	simm.s32 @!p1 $0x9  }
0x57: {  	_ =	swait.ge @!p1 [sflag:s8], $0x2080  }
0x58: {  	[sflag:s8] =	ssyncset.done @!p1 $0x0  }
0x59: {  	[sflag:s8] =	ssyncadd.s32 @!p1 $0xFFFFDF80  }
0x5a: {  	_ =	swait.ge @!p1 [sflag:s8], $0x700  }
0x5b: {  	[sflag:s8] =	ssyncset.done @!p1 $0x0  }
0x5c: {  	[sflag:s8] =	ssyncadd.s32 @!p1 $0xFFFFF900;
	s8 =	simm.s32 @!p2 $0x9  }
0x5d: {  	_ =	swait.ge @!p2 [sflag:s8], $0x2780  }
0x5e: {  	[sflag:s8] =	ssyncset.done @!p2 $0x0  }
0x5f: {  	[sflag:s8] =	ssyncadd.s32 @!p2 $0xFFFFD880  }
0x60: {  	[bflag:$0x0] =	sbarrier.arrive $0xFFFF  }
0x61: {  	_ =	swait.ge [sflag:s26], $0x3000  }
.Ltmp2:
0x62: {  	[sflag:s26] =	ssyncset.done $0x0;
	(pc) =	sbr.rel .LBB2_2-.Ltmp2, $4  }
0x63: {  	[sflag:s26] =	ssyncadd.s32 $0xFFFFD000  }
0x64: {  	[spmem:s1] =	stream.indirect.scatter.add.f32 [tilespmem:s30], [sflag:$0x4], $0x80, s17, s29, $0xb8;
	[tilespmem:$0x1FC00] =	vst v63  }
0x65: {  	s25 =	simm.s32 $0x100;
	s13 =	simm.s32 $0x0  }
0x66: {  	[tilespmem:s31], [sflag:$0x3] =	stream.indirect.gather [hbm4b:s4+s29], $0x80, s25, s29, $0xb8;
	[tilespmem:$0x1FC00] =	vst v63  }
.LBB2_10:
0x67: {  	p3 =	sne.s32 s17, $0x13  }
0x68: {  	s8 =	sxor.u32 @!p3 $0xFFFFFFFF, s16  }
0x69: {  	s8 =	sand.u32 @!p3 $0x1, s8  }
0x6a: {  	s8 =	sadd.s32 @!p3 $0x7, s8  }
0x6b: {  	_ =	swait.ge @!p3 [sflag:s8], $0xA80  }
0x6c: {  	[sflag:s8] =	ssyncset.done @!p3 $0x0  }
0x6d: {  	[sflag:s8] =	ssyncadd.s32 @!p3 $0xFFFFF580  }
0x6e: {  	_ =	swait.ge @!p3 [sflag:s8], $0xA80  }
0x6f: {  	[sflag:s8] =	ssyncset.done @!p3 $0x0  }
0x70: {  	[sflag:s8] =	ssyncadd.s32 @!p3 $0xFFFFF580  }
.LBB2_11:
0x71: {  	s8 =	sadd.s32 $0x5, s14  }
0x72: {  	s14 =	sand.u32 $0xFF, s8  }
0x73: {  	s14 =	smul.u32 $0x87, s14;
	_ =	sdelay $0x1  }
0x74: {  	s14 =	sshrl.u32 s14, $0x8  }
0x75: {  	s16 =	ssub.s32 s8, s14  }
0x76: {  	s16 =	sand.u32 $0xFE, s16  }
0x77: {  	s16 =	sshrl.u32 s16, $0x1  }
0x78: {  	s14 =	sadd.s32 s14, s16  }
0x79: {  	s14 =	sand.u32 $0xF0, s14  }
0x7a: {  	s14 =	sshrl.u32 s14, $0x4  }
0x7b: {  	s25 =	smul.u32 $0x15, s14;
	s14 =	sand.u32 $0x1, s14  }
0x7c: {  	s13 =	sadd.s32 $0x1, s13;
	p3 =	seq.s32 s14, $0x1;
	s14 =	simm.s32 $0xC00  }
0x7d: {  	s14 =	simm.s32 @!p3 $0x0;
	p3 =	sne.s32 s13, $0x22  }
.Ltmp3:
0x7e: {  	s8 =	ssub.s32 s8, s25;
	(pc) =	sbr.rel @!p3 .LBB2_12-.Ltmp3, $4  }
0x7f: {  	s8 =	sand.u32 $0xFF, s8  }
0x80: {  	s8 =	sshll.u32 s8, $0x7  }
0x81: {  	s8 =	sadd.s32 s8, s14  }
0x82: {  	[tilespmem:s31], [sflag:$0x3] =	stream.indirect.gather [hbm4b:s4+s29], $0x80, s8, s29, $0xb8;
	[tilespmem:$0x1FC00] =	vst v63  }
.LBB2_2:
0x83: {  	s14 =	smul.u32 $0x3, s13;
	_ =	sdelay $0x1  }
0x84: {  	s16 =	sadd.s32 $0x1, s14  }
0x85: {  	s8 =	sand.u32 $0xFF, s16  }
0x86: {  	s8 =	smul.u32 $0x87, s8;
	_ =	sdelay $0x1  }
0x87: {  	s8 =	sshrl.u32 s8, $0x8  }
0x88: {  	s17 =	ssub.s32 s16, s8  }
0x89: {  	s17 =	sand.u32 $0xFE, s17  }
0x8a: {  	s17 =	sshrl.u32 s17, $0x1  }
0x8b: {  	s8 =	sadd.s32 s8, s17  }
0x8c: {  	s8 =	sand.u32 $0xF0, s8  }
0x8d: {  	s8 =	sshrl.u32 s8, $0x4  }
0x8e: {  	s25 =	smul.u32 $0x15, s8;
	s18 =	sand.u32 $0x1, s8  }
0x8f: {  	p3 =	seq.s32 s18, $0x1;
	s18 =	simm.s32 $0xC00  }
0x90: {  	s17 =	ssub.s32 s16, s25;
	s18 =	simm.s32 @!p3 $0x0;
	p3 =	sgt.u32 s13, $0x14  }
0x91: {  	s16 =	sand.u32 $0xFF, s17;
	s17 =	sand.u32 @!p3 $0xFF, s17  }
0x92: {  	_ =	swait.ge [sflag:s28], $0x3000;
	s19 =	sshll.u32 s16, $0x7;
	p4 =	sne.s32 @!p3 s17, $0x0  }
0x93: {  	[sflag:s28] =	ssyncset.done $0x0;
	s18 =	sadd.s32 s19, s18;
	p4 =	por p3, p4  }
.Ltmp4:
0x94: {  	[sflag:s28] =	ssyncadd.s32 $0xFFFFD000;
	s18 =	sadd.s32 $0x1800, s18;
	(pc) =	sbr.rel @p4 .LBB2_4-.Ltmp4, $4  }
0x95: {  	[spmem:s1] =	stream.indirect.scatter.add.f32 [tilespmem:s0], [sflag:$0x5], $0x80, s18, s29, $0xb8;
	[tilespmem:$0x1FC00] =	vst v63  }
0x96: {  	_ =	swait.ge [sflag:s2], $0x3000  }
0x97: {  	[sflag:s2] =	ssyncset.done $0x0  }
0x98: {  	[sflag:s2] =	ssyncadd.s32 $0xFFFFD000  }
0x99: {  	s16 =	sxor.u32 $0xFFFFFFFF, s8;
	s25 =	sadd.s32 s8, s15  }
0x9a: {  	s16 =	sand.u32 $0x1, s16;
	s8 =	smul.u32 $0x180, s25  }
0x9b: {  	s17 =	smul.u32 $0xC00, s16  }
.Ltmp5:
0x9c: {  	_ = 	snop;
	(pc) =	sbr.rel .LBB2_5-.Ltmp5, $4  }
0x9d: {  	s16 =	sadd.s32 $0x7, s16;
	s18 =	sadd.s32 s5, s8  }
0x9e: {  	[tilespmem:s17], [sflag:s16] =	stream.linear.gather [hbm4b:s18+s3], $0xA80, $0x38;
	[tilespmem:$0x1FC00] =	vst v63  }
0x9f: {  	s8 =	sadd.s32 s6, s8;
	s17 =	sadd.s32 $0x1800, s17  }
0xa0: {  	[tilespmem:s17], [sflag:s16] =	stream.linear.gather [hbm4b:s8+s3], $0xA80, $0x38;
	[tilespmem:$0x1FC00] =	vst v63  }
.LBB2_4:
0xa1: {  	p4 =	sne.s32 s16, $0x13  }
0xa2: {  	s8 =	sxor.u32 @!p4 $0xFFFFFFFF, s8  }
0xa3: {  	s8 =	sand.u32 @!p4 $0x1, s8  }
0xa4: {  	s8 =	sadd.s32 @!p4 $0x7, s8  }
0xa5: {  	_ =	swait.ge @!p4 [sflag:s8], $0xA80  }
0xa6: {  	[sflag:s8] =	ssyncset.done @!p4 $0x0  }
0xa7: {  	[sflag:s8] =	ssyncadd.s32 @!p4 $0xFFFFF580  }
0xa8: {  	_ =	swait.ge @!p4 [sflag:s8], $0xA80  }
0xa9: {  	[sflag:s8] =	ssyncset.done @!p4 $0x0  }
0xaa: {  	[sflag:s8] =	ssyncadd.s32 @!p4 $0xFFFFF580  }
.LBB2_5:
0xab: {  	s8 =	sadd.s32 $0x3, s14  }
0xac: {  	s16 =	sand.u32 $0xFF, s8  }
0xad: {  	s16 =	smul.u32 $0x87, s16;
	_ =	sdelay $0x1  }
0xae: {  	s16 =	sshrl.u32 s16, $0x8  }
0xaf: {  	s20 =	sadd.s32 $0x2, s14;
	s17 =	ssub.s32 s8, s16  }
0xb0: {  	s18 =	sand.u32 $0xFF, s20;
	s17 =	sand.u32 $0xFE, s17  }
0xb1: {  	s21 =	smul.u32 $0x87, s18;
	s17 =	sshrl.u32 s17, $0x1  }
0xb2: {  	s16 =	sadd.s32 s16, s17  }
0xb3: {  	s19 =	sshrl.u32 s21, $0x8;
	s16 =	sand.u32 $0xF0, s16  }
0xb4: {  	s25 =	ssub.s32 s20, s19;
	s16 =	sshrl.u32 s16, $0x4  }
0xb5: {  	s25 =	sand.u32 $0xFE, s25;
	s22 =	smul.u32 $0x15, s16  }
0xb6: {  	s21 =	sshrl.u32 s25, $0x1;
	s25 =	simm.s32 $0xC00  }
0xb7: {  	s18 =	ssub.s32 s8, s22;
	s22 =	sand.u32 $0x1, s16;
	s8 =	sadd.s32 s19, s21  }
0xb8: {  	s17 =	sand.u32 $0xFF, s18;
	p4 =	seq.s32 s22, $0x1;
	s8 =	sand.u32 $0xF0, s8  }
0xb9: {  	s25 =	simm.s32 @!p4 $0x0;
	s21 =	sshll.u32 s17, $0x7;
	s19 =	sshrl.u32 s8, $0x4  }
0xba: {  	s8 =	sadd.s32 s21, s25;
	s25 =	smul.u32 $0x15, s19;
	s22 =	sand.u32 $0x1, s19  }
0xbb: {  	[tilespmem:s30], [sflag:$0x1] =	stream.indirect.gather [hbm4b:s4+s29], $0x80, s8, s29, $0xb8;
	[tilespmem:$0x1FC00] =	vst v63  }
0xbc: {  	p4 =	seq.s32 s22, $0x1;
	s21 =	ssub.s32 s20, s25;
	s25 =	simm.s32 $0xC00  }
0xbd: {  	_ =	swait.ge [sflag:s9], $0x3000;
	s20 =	sand.u32 $0xFF, s21;
	s21 =	sand.u32 @!p3 $0xFF, s21  }
0xbe: {  	s25 =	simm.s32 @!p4 $0x0;
	s22 =	sshll.u32 s20, $0x7;
	p4 =	sne.s32 @!p3 s21, $0x0  }
0xbf: {  	[sflag:s9] =	ssyncset.done $0x0;
	s22 =	sadd.s32 s22, s25;
	p4 =	por p3, p4  }
.Ltmp6:
0xc0: {  	[sflag:s9] =	ssyncadd.s32 $0xFFFFD000;
	s22 =	sadd.s32 $0x1800, s22;
	(pc) =	sbr.rel @p4 .LBB2_7-.Ltmp6, $4  }
0xc1: {  	[spmem:s1] =	stream.indirect.scatter.add.f32 [tilespmem:s31], [sflag:$0x6], $0x80, s22, s29, $0xb8;
	[tilespmem:$0x1FC00] =	vst v63  }
0xc2: {  	_ =	swait.ge [sflag:s10], $0x3000  }
0xc3: {  	[sflag:s10] =	ssyncset.done $0x0  }
0xc4: {  	[sflag:s10] =	ssyncadd.s32 $0xFFFFD000  }
0xc5: {  	s20 =	sxor.u32 $0xFFFFFFFF, s19;
	s25 =	sadd.s32 s19, s15  }
0xc6: {  	s20 =	sand.u32 $0x1, s20;
	s19 =	smul.u32 $0x180, s25  }
0xc7: {  	s21 =	smul.u32 $0xC00, s20  }
.Ltmp7:
0xc8: {  	_ = 	snop;
	(pc) =	sbr.rel .LBB2_8-.Ltmp7, $4  }
0xc9: {  	s20 =	sadd.s32 $0x7, s20;
	s22 =	sadd.s32 s5, s19  }
0xca: {  	[tilespmem:s21], [sflag:s20] =	stream.linear.gather [hbm4b:s22+s3], $0xA80, $0x38;
	[tilespmem:$0x1FC00] =	vst v63  }
0xcb: {  	s19 =	sadd.s32 s6, s19;
	s21 =	sadd.s32 $0x1800, s21  }
0xcc: {  	[tilespmem:s21], [sflag:s20] =	stream.linear.gather [hbm4b:s19+s3], $0xA80, $0x38;
	[tilespmem:$0x1FC00] =	vst v63  }
.LBB2_7:
0xcd: {  	p4 =	sne.s32 s20, $0x13  }
0xce: {  	s19 =	sxor.u32 @!p4 $0xFFFFFFFF, s19  }
0xcf: {  	s19 =	sand.u32 @!p4 $0x1, s19  }
0xd0: {  	s19 =	sadd.s32 @!p4 $0x7, s19  }
0xd1: {  	_ =	swait.ge @!p4 [sflag:s19], $0xA80  }
0xd2: {  	[sflag:s19] =	ssyncset.done @!p4 $0x0  }
0xd3: {  	[sflag:s19] =	ssyncadd.s32 @!p4 $0xFFFFF580  }
0xd4: {  	_ =	swait.ge @!p4 [sflag:s19], $0xA80  }
0xd5: {  	[sflag:s19] =	ssyncset.done @!p4 $0x0  }
0xd6: {  	[sflag:s19] =	ssyncadd.s32 @!p4 $0xFFFFF580  }
.LBB2_8:
0xd7: {  	s19 =	sadd.s32 $0x4, s14  }
0xd8: {  	s20 =	sand.u32 $0xFF, s19  }
0xd9: {  	s20 =	smul.u32 $0x87, s20;
	_ =	sdelay $0x1  }
0xda: {  	s20 =	sshrl.u32 s20, $0x8  }
0xdb: {  	s21 =	ssub.s32 s19, s20  }
0xdc: {  	s21 =	sand.u32 $0xFE, s21  }
0xdd: {  	s21 =	sshrl.u32 s21, $0x1  }
0xde: {  	s20 =	sadd.s32 s20, s21  }
0xdf: {  	s20 =	sand.u32 $0xF0, s20  }
0xe0: {  	s20 =	sshrl.u32 s20, $0x4  }
0xe1: {  	s25 =	smul.u32 $0x15, s20;
	_ =	sdelay $0x1  }
0xe2: {  	s20 =	sand.u32 $0x1, s20;
	s19 =	ssub.s32 s19, s25  }
0xe3: {  	p4 =	seq.s32 s20, $0x1;
	s20 =	simm.s32 $0xC00;
	s19 =	sand.u32 $0xFF, s19  }
0xe4: {  	s20 =	simm.s32 @!p4 $0x0;
	s19 =	sshll.u32 s19, $0x7  }
0xe5: {  	s19 =	sadd.s32 s19, s20  }
0xe6: {  	[tilespmem:s0], [sflag:$0x2] =	stream.indirect.gather [hbm4b:s4+s29], $0x80, s19, s29, $0xb8;
	[tilespmem:$0x1FC00] =	vst v63  }
0xe7: {  	_ =	swait.ge [sflag:s26], $0x3000  }
0xe8: {  	[sflag:s26] =	ssyncset.done $0x0  }
0xe9: {  	s8 =	sadd.s32 $0x1800, s8;
	[sflag:s26] =	ssyncadd.s32 $0xFFFFD000  }
0xea: {  	[spmem:s1] =	stream.indirect.scatter.add.f32 [tilespmem:s30], [sflag:$0x4], $0x80, s8, s29, $0xb8;
	[tilespmem:$0x1FC00] =	vst v63  }
0xeb: {  	s8 =	sand.u32 @!p3 $0xFF, s18  }
0xec: {  	p4 =	sne.s32 @!p3 s8, $0x0  }
0xed: {  	p3 =	por p3, p4  }
.Ltmp8:
0xee: {  	_ = 	snop;
	(pc) =	sbr.rel @p3 .LBB2_10-.Ltmp8, $4  }
0xef: {  	_ = 	snop  }
0xf0: {  	_ =	swait.ge [sflag:s11], $0x3000  }
0xf1: {  	[sflag:s11] =	ssyncset.done $0x0  }
0xf2: {  	[sflag:s11] =	ssyncadd.s32 $0xFFFFD000  }
0xf3: {  	s8 =	sxor.u32 $0xFFFFFFFF, s16;
	s25 =	sadd.s32 s16, s15  }
0xf4: {  	s8 =	sand.u32 $0x1, s8;
	s16 =	smul.u32 $0x180, s25  }
0xf5: {  	s17 =	smul.u32 $0xC00, s8  }
.Ltmp9:
0xf6: {  	_ = 	snop;
	(pc) =	sbr.rel .LBB2_11-.Ltmp9, $4  }
0xf7: {  	s8 =	sadd.s32 $0x7, s8;
	s18 =	sadd.s32 s5, s16  }
0xf8: {  	[tilespmem:s17], [sflag:s8] =	stream.linear.gather [hbm4b:s18+s3], $0xA80, $0x38;
	[tilespmem:$0x1FC00] =	vst v63  }
0xf9: {  	s16 =	sadd.s32 s6, s16;
	s17 =	sadd.s32 $0x1800, s17  }
0xfa: {  	[tilespmem:s17], [sflag:s8] =	stream.linear.gather [hbm4b:s16+s3], $0xA80, $0x38;
	[tilespmem:$0x1FC00] =	vst v63  }
.LBB2_13:
0xfb: {  	_ =	sfence.sel $0x180000  }
0xfc: {  	[bflag:$0x0] =	sbarrier.arrive $0xFFFF  }
0xfd: {  	_ =	strace $0x9000004A  }
0xfe: {  	s0 =	stileid.u32;
	[bflag:$0x2] =	sbarrier.arrive $0xFFFF  }
0xff: {  	p0 =	sne.s32 s0, $0x0;
	s0 =	rddreg [dreg:$0x2]  }
0x100: {  	s0 =	sadd.s32 @!p0 $0x100000, s0  }
0x101: {  	[sflag:s0] =	ssyncadd.tile.s32 @!p0 $0x1;
	_ =	shalt  }
.Lfunc_end2:
_tile_overlayer_lowered:
.L_overlay_start_2:
0x102: {  	(tag) =	ssettag $0x2  }
0x103: {  	s0 =	rddreg [dreg:$0x0];
	s2 =	stileid.u32  }
0x104: {  	s1 =	rddreg [dreg:$0x1];
	p0 =	sne.s32 s2, $0x0  }
0x105: {  	s3 =	rddreg [dreg:$0x2];
	[bflag:$0x3] =	sbarrier.arrive $0xFFFF;
	s2 =	simm.s32 @!p0 $0x1C0A  }
0x106: {  	[timem:s3], [sflag:s2] =	dma.local @!p0 [hbm:s0], s1  }
0x107: {  	s0 =	simm.s32 @!p0 $0xA  }
0x108: {  	_ =	swait.ge @!p0 [sflag:s0], s1  }
0x109: {  	s1 =	ssub.s32 @!p0 $0x0, s1;
	[sflag:s0] =	ssyncset.done @!p0 $0x0  }
0x10a: {  	[sflag:s0] =	ssyncadd.s32 @!p0 s1  }
0x10b: {  	[bflag:$0x3] =	sbarrier.arrive $0xFFFF  }
0x10c: {  	_ =	shalt  }

</sc_bundles>
